<compile_context>
chip_gen: v7x
topology: tpu7x:2x2x1
jax: 0.10.2.dev20260603
libtpu: 0.0.44.dev20260713+nightly
codegen_flags: <defaults>
</compile_context>

<pallas_src>
import functools
import math

import numpy as np
import jax
import jax.numpy as jnp
from jax.experimental import pallas as pl
from jax.experimental.pallas import tpu as pltpu
from jax.experimental.pallas import tpu_sc as plsc

SINKHORN_ITERS = 8
EPS = 1e-6
N = 4096
K = 256
LANES = 16
NCH = N // LANES
NBUCK = 2048
NBCH = NBUCK // LANES
CAP = 320
CAPB = CAP // LANES

_HALF_BITS = int(np.float32(math.log(0.5)).view(np.uint32))
_KEY_HALF_U = (~_HALF_BITS) & 0xFFFFFFFF
KEY_HALF = (_KEY_HALF_U ^ 0x80000000) - (1 << 32) if (_KEY_HALF_U ^ 0x80000000) >= (1 << 31) else (_KEY_HALF_U ^ 0x80000000)
KEY_PAD = -(2 ** 31)


def _lse_tokens(t):
    m = jnp.max(t, axis=1, keepdims=True)
    return m + jnp.log(jnp.sum(jnp.exp(t - m), axis=1, keepdims=True))


def _lse_experts(t):
    m = jnp.max(t, axis=0, keepdims=True)
    return m + jnp.log(jnp.sum(jnp.exp(t - m), axis=0, keepdims=True))


def _gates_kernel(x_ref, w_ref, tt_ref, acc_ref, *, nk):
    kk = pl.program_id(1)

    part = jax.lax.dot_general(
        x_ref[0], w_ref[0],
        dimension_numbers=(((1,), (0,)), ((), ())),
        preferred_element_type=jnp.float32,
    )

    @pl.when(kk == 0)
    def _init():
        acc_ref[...] = part

    @pl.when(kk > 0)
    def _acc():
        acc_ref[...] = acc_ref[...] + part

    @pl.when(kk == nk - 1)
    def _finish():
        t = acc_ref[...].T
        t = jnp.log(jnp.clip(t, EPS, None))
        for _ in range(SINKHORN_ITERS):
            t = t - _lse_tokens(t)
            t = t - _lse_experts(t)
        tt_ref[0] = t


def _scan_thresh(hist_v, target, iota):
    def body(cu, carry):
        total, bb = carry
        for u in range(2):
            c = cu * 2 + u
            base = (NBCH - 1 - c) * LANES
            h = hist_v[pl.ds(base, LANES)]
            rh = jnp.flip(h)
            cs = jnp.cumsum(rh)
            idxvec = base + 15 - iota
            crossed = (total < target) & ((total + cs) >= target)
            combo = idxvec * 512 + (total + cs - rh)
            bc = jnp.max(jnp.where(crossed, combo, -1))
            total, bb = total + jnp.sum(h), jnp.maximum(bb, bc)
        return total, bb
    _, bb = jax.lax.fori_loop(
        0, NBCH // 2, body, (jnp.int32(0), jnp.int32(-1)))
    return bb >> 9, bb & 511


def _topk_sc_kernel(tt_hbm, idx_hbm, gate_hbm,
                    vals_v, keys_v, hist_v, ck_v, cv_v, gate_v,
                    *, ncol):
    cid = jax.lax.axis_index("c")
    sid = jax.lax.axis_index("s")
    wid = sid * 2 + cid
    iota = jax.lax.iota(jnp.int32, LANES)
    ones = jnp.ones((LANES,), jnp.int32)
    zeros_i = jnp.zeros((LANES,), jnp.int32)
    pad_k = jnp.full((LANES,), KEY_PAD, jnp.int32)
    cpw = ncol // 32

    def zero_hist(c, _):
        for u in range(4):
            hist_v[pl.ds((c * 4 + u) * LANES, LANES)] = zeros_i
        return 0

    def key_at(c):
        v = vals_v[pl.ds(c * LANES, LANES)]
        bi = jax.lax.bitcast_convert_type(v, jnp.int32)
        return bi ^ ((bi >> 31) & jnp.int32(0x7FFFFFFF))

    for cc in range(cpw):
        col = wid * cpw + cc
        pltpu.sync_copy(tt_hbm.at[col], vals_v)

        jax.lax.fori_loop(0, NBCH // 4, zero_hist, 0)

        def p1(c, _):
            ku = key_at(c)
            keys_v[pl.ds(c * LANES, LANES)] = ku
            b = jax.lax.shift_right_logical(ku ^ jnp.int32(-(2 ** 31)), 21)
            plsc.addupdate_scatter(hist_v, [b], ones)
            return 0
        jax.lax.fori_loop(0, NCH, p1, 0)

        b1, c_hi = _scan_thresh(hist_v, jnp.int32(K), iota)

        jax.lax.fori_loop(0, NBCH // 4, zero_hist, 0)

        def p2(c, _):
            ku = keys_v[pl.ds(c * LANES, LANES)]
            msk = jax.lax.shift_right_logical(
                ku ^ jnp.int32(-(2 ** 31)), 21) == b1
            sub = jax.lax.shift_right_logical(ku, 10) & jnp.int32(0x7FF)
            plsc.addupdate_scatter(hist_v, [sub], ones, mask=msk)
            return 0
        jax.lax.fori_loop(0, NCH, p2, 0)

        b2, _ = _scan_thresh(hist_v, jnp.int32(K) - c_hi, iota)
        thresh = ((b1 << 21) | (b2 << 10)) ^ jnp.int32(-(2 ** 31))

        def zc(c, _):
            for u in range(4):
                ck_v[pl.ds((c * 4 + u) * LANES, LANES)] = pad_k
                cv_v[pl.ds((c * 4 + u) * LANES, LANES)] = zeros_i
            return 0
        jax.lax.fori_loop(0, CAPB // 4, zc, 0)

        def pc(cu, off):
            for u in range(2):
                c = cu * 2 + u
                ku = keys_v[pl.ds(c * LANES, LANES)]
                msk = ku >= thresh
                iv = c * LANES + iota
                plsc.store_compressed(ck_v.at[pl.ds(off, LANES)], ku, mask=msk)
                plsc.store_compressed(cv_v.at[pl.ds(off, LANES)], iv, mask=msk)
                cnt = jnp.max(plsc.all_reduce_population_count(msk))
                off = jnp.minimum(off + cnt, CAP - LANES)
            return off
        off = jax.lax.fori_loop(0, NCH // 2, pc, jnp.int32(0))
        nb = jnp.minimum((off + LANES - 1) // LANES, CAPB)

        def sinit(i, _):
            kk = ck_v[pl.ds(i * LANES, LANES)]
            vv = cv_v[pl.ds(i * LANES, LANES)]
            kk, vv = plsc.sort_key_val(kk, vv, descending=True)
            ck_v[pl.ds(i * LANES, LANES)] = kk
            cv_v[pl.ds(i * LANES, LANES)] = vv
            return 0
        jax.lax.fori_loop(0, nb, sinit, 0)

        def rnd(r, _):
            par = r % 2

            def pair(p, _):
                i = par + 2 * p
                lo = i * LANES
                hi = lo + LANES
                ak = ck_v[pl.ds(lo, LANES)]
                av = cv_v[pl.ds(lo, LANES)]
                bk = jnp.flip(ck_v[pl.ds(hi, LANES)])
                bv = jnp.flip(cv_v[pl.ds(hi, LANES)])
                m = ak >= bk
                hk = jnp.where(m, ak, bk)
                hv = jnp.where(m, av, bv)
                lk = jnp.where(m, bk, ak)
                lv = jnp.where(m, bv, av)
                hk, hv = plsc.sort_key_val(hk, hv, descending=True)
                lk, lv = plsc.sort_key_val(lk, lv, descending=True)
                ck_v[pl.ds(lo, LANES)] = hk
                cv_v[pl.ds(lo, LANES)] = hv
                ck_v[pl.ds(hi, LANES)] = lk
                cv_v[pl.ds(hi, LANES)] = lv
                return 0
            jax.lax.fori_loop(0, (nb - par) // 2, pair, 0)
            return 0
        jax.lax.fori_loop(0, nb, rnd, 0)

        evens = iota * 2

        def repair(r, _):
            start = r % 2

            def rp(cu, _):
                for u in range(2):
                    i0 = start + (cu * 2 + u) * 32 + evens
                    i1 = i0 + 1
                    mvalid = i1 < CAP
                    k0 = plsc.load_gather(ck_v, [i0], mask=mvalid)
                    k1 = plsc.load_gather(ck_v, [i1], mask=mvalid)
                    v0 = plsc.load_gather(cv_v, [i0], mask=mvalid)
                    v1 = plsc.load_gather(cv_v, [i1], mask=mvalid)
                    cond = mvalid & (k0 == k1) & (v0 > v1)
                    plsc.store_scatter(cv_v, [i0], v1, mask=cond)
                    plsc.store_scatter(cv_v, [i1], v0, mask=cond)
                return 0
            jax.lax.fori_loop(0, CAP // 64, rp, 0)
            return 0
        jax.lax.fori_loop(0, 6, repair, 0)

        def pe(c, _):
            for u in range(4):
                kk = ck_v[pl.ds((c * 4 + u) * LANES, LANES)]
                g = jnp.where(kk > jnp.int32(KEY_HALF),
                              jnp.float32(1.0), jnp.float32(0.0))
                gate_v[pl.ds((c * 4 + u) * LANES, LANES)] = g
            return 0
        jax.lax.fori_loop(0, K // LANES // 4, pe, 0)

        pltpu.sync_copy(cv_v.at[pl.ds(0, K)], idx_hbm.at[col])
        pltpu.sync_copy(gate_v, gate_hbm.at[col])


@jax.jit
def kernel(x, to_gate_weight):
    b, n, d = x.shape
    e = to_gate_weight.shape[-1]
    k = n // e
    nk = 8
    dk = d // nk
    w = to_gate_weight[0]

    tt = pl.pallas_call(
        functools.partial(_gates_kernel, nk=nk),
        grid=(b, nk),
        in_specs=[
            pl.BlockSpec((1, n, dk), lambda bb, kk: (bb, 0, kk)),
            pl.BlockSpec((1, dk, e), lambda bb, kk: (0, kk, 0)),
        ],
        out_specs=pl.BlockSpec((1, e, n), lambda bb, kk: (bb, 0, 0)),
        out_shape=jax.ShapeDtypeStruct((b, e, n), jnp.float32),
        scratch_shapes=[pltpu.VMEM((n, e), jnp.float32)],
        compiler_params=pltpu.CompilerParams(
            dimension_semantics=("arbitrary", "arbitrary"),
        ),
    )(x, w[None])

    mesh = plsc.VectorSubcoreMesh(core_axis_name="c", subcore_axis_name="s")
    ncol = b * e
    topk = pl.kernel(
        functools.partial(_topk_sc_kernel, ncol=ncol),
        mesh=mesh,
        out_type=[
            jax.ShapeDtypeStruct((ncol, k), jnp.int32),
            jax.ShapeDtypeStruct((ncol, k), jnp.float32),
        ],
        scratch_types=[
            pltpu.VMEM((n,), jnp.float32),
            pltpu.VMEM((n,), jnp.int32),
            pltpu.VMEM((NBUCK,), jnp.int32),
            pltpu.VMEM((CAP,), jnp.int32),
            pltpu.VMEM((CAP,), jnp.int32),
            pltpu.VMEM((k,), jnp.float32),
        ],
        compiler_params=pltpu.CompilerParams(needs_layout_passes=False),
    )
    idx_f, gate_f = topk(tt.reshape(ncol, n))
    idx_out = jnp.swapaxes(idx_f.reshape(b, e, k), 1, 2)
    gate_out = jnp.swapaxes(gate_f.reshape(b, e, k), 1, 2)
    return idx_out, gate_out

# --- scband reference (transcript-rebuilt; emitter-appended) ---
"""Pipeline reference for scband-sinkhorn-router-49916109914335 (READ-ONLY COPY).

The authoritative reference and input builder live on the scoring server;
editing this copy changes nothing except your own understanding.
"""

import jax, jax.numpy as jnp
import numpy as np

DIM = 2048
NUM_EXPERTS = 16
HEADS = 1
SINKHORN_ITERS = 8
TEMPERATURE = 1.0
EPS = 1e-6


def _sinkhorn(t):
    # log with clamp, matching torch log(t.clamp(min=eps))
    t = jnp.log(jnp.clip(t, EPS, None))
    t = t / TEMPERATURE
    # gumbel_noise=False, so no noise added
    for _ in range(SINKHORN_ITERS):
        t = t - jax.scipy.special.logsumexp(t, axis=-2, keepdims=True)
        t = t - jax.scipy.special.logsumexp(t, axis=-1, keepdims=True)
    return jnp.exp(t)


def setup_inputs(seed: int = 0) -> dict:
    key = jax.random.key(seed)
    k1, k2 = jax.random.split(key)
    x = jax.random.normal(k1, (4, 4096, DIM), dtype=jnp.float32)
    # learned router weight: nn.Parameter(torch.randn(heads, dim, num_experts))
    to_gate_weight = jax.random.normal(k2, (HEADS, DIM, NUM_EXPERTS), dtype=jnp.float32)
    return {"x": x, "to_gate_weight": to_gate_weight}


def reference(x, to_gate_weight):
    # single-headed input: b n d -> b 1 n d
    b, n, d = x.shape
    # seq_len (4096) is a multiple of num_experts (16): seq_pad = 0, no mask
    xh = x[:, None, :, :]
    # gates: einsum('b h n d, h d e -> b h n e')
    gate_logits = jnp.einsum('bhnd,hde->bhne', xh, to_gate_weight)
    # competitive (not causal) -> sinkhorn is differentiable context
    competitive_gates = _sinkhorn(gate_logits)
    tokens_per_expert = n // NUM_EXPERTS
    # torch topk(tokens_per_expert, dim=-2): top tokens per expert
    gt = jnp.swapaxes(competitive_gates, -1, -2)  # b h e n
    vals, idx = jax.lax.top_k(gt, tokens_per_expert)  # b h e m
    gate_values = jnp.swapaxes(vals, -1, -2)  # b h m e
    routed_indices = jnp.swapaxes(idx, -1, -2).astype(jnp.int32)  # b h m e
    hard_gate_values = (gate_values > 0.5).astype(gate_values.dtype)
    # training + competitive straight-through: hard + gv - stop_grad(gv)
    # (numerically equal to hard_gate_values in the forward pass)
    gate_values = hard_gate_values + gate_values - jax.lax.stop_gradient(gate_values)
    # no experts provided -> return routed indices and gate values
    # single headed: b 1 ... -> b ...
    routed_indices = routed_indices[:, 0]
    gate_values = gate_values[:, 0]
    return routed_indices, gate_values

if __name__ == "__main__":
    import jax
    _d = setup_inputs()
    print(jax.jit(kernel)(*tuple(_d.values())))

</pallas_src>

<mosaic_0001>
#map = affine_map<(d0, d1) -> (0, 0)>
module attributes {stable_mosaic.version = 14 : i64} {
  func.func @_topk_sc_kernel(%arg0: i32, %arg1: i32, %arg2: memref<64x4096xf32, #tpu.memory_space<hbm>>, %arg3: memref<64x256xi32, #tpu.memory_space<hbm>>, %arg4: memref<64x256xf32, #tpu.memory_space<hbm>>, %arg5: memref<4096xf32, #tpu.memory_space<vmem>>, %arg6: memref<4096xi32, #tpu.memory_space<vmem>>, %arg7: memref<2048xi32, #tpu.memory_space<vmem>>, %arg8: memref<320xi32, #tpu.memory_space<vmem>>, %arg9: memref<320xi32, #tpu.memory_space<vmem>>, %arg10: memref<256xf32, #tpu.memory_space<vmem>>) attributes {dimension_semantics = [#tpu.dimension_semantics<core_parallel>, #tpu.dimension_semantics<subcore_parallel>], iteration_bounds = array<i64: 2, 16>, scalar_prefetch = 0 : i64, scratch_operands = 6 : i64, tpu.core_type = #tpu.core_type<sc_vector_subcore>, window_params = [{transform_indices = #map}, {transform_indices = #map}, {transform_indices = #map}]} {
    %mul3A = arith.constant 2 : i32
    %mul3A_0 = arith.muli %arg1, %mul3A : i32
    %add3A = arith.addi %mul3A_0, %arg0 : i32
    %iota3A = tpu.iota {dimensions = array<i32: 0>} : vector<16xi32>
    %broadcast_in_dim3A = arith.constant 1 : i32
    %broadcast_in_dim3A_1 = vector.broadcast %broadcast_in_dim3A : i32 to vector<16xi32>
    %broadcast_in_dim3A_2 = arith.constant 0 : i32
    %broadcast_in_dim3A_3 = vector.broadcast %broadcast_in_dim3A_2 : i32 to vector<16xi32>
    %broadcast_in_dim3A_4 = arith.constant -2147483648 : i32
    %broadcast_in_dim3A_5 = vector.broadcast %broadcast_in_dim3A_4 : i32 to vector<16xi32>
    %mul3A_6 = arith.constant 2 : i32
    %mul3A_7 = arith.muli %add3A, %mul3A_6 : i32
    %add3A_8 = arith.constant 0 : i32
    %add3A_9 = arith.addi %mul3A_7, %add3A_8 : i32
    "tpu.region"() ({
      %run_scoped3A = tpu.sem_alloc : memref<!tpu.dma_semaphore, #tpu.memory_space<semaphore_mem>>
      %dma_start3A = arith.constant 0 : i32
      %dma_start3A_293 = tpu.memref_slice %arg2[%add3A_9, %dma_start3A] : memref<64x4096xf32, #tpu.memory_space<hbm>> -> memref<1x4096xf32, #tpu.memory_space<hbm>>
      %dma_start3A_294 = tpu.memref_squeeze %dma_start3A_293 : memref<1x4096xf32, #tpu.memory_space<hbm>> -> memref<4096xf32, #tpu.memory_space<hbm>>
      %dma_start3A_295 = arith.constant 0 : i32
      %dma_start3A_296 = tpu.memref_slice %arg2[%add3A_9, %dma_start3A_295] : memref<64x4096xf32, #tpu.memory_space<hbm>> -> memref<1x4096xf32, #tpu.memory_space<hbm>>
      %dma_start3A_297 = tpu.memref_squeeze %dma_start3A_296 : memref<1x4096xf32, #tpu.memory_space<hbm>> -> memref<4096xf32, #tpu.memory_space<hbm>>
      tpu.enqueue_dma source(%dma_start3A_297 : memref<4096xf32, #tpu.memory_space<hbm>>) target(%arg5 : memref<4096xf32, #tpu.memory_space<vmem>>) target_semaphore(%run_scoped3A : memref<!tpu.dma_semaphore, #tpu.memory_space<semaphore_mem>>)
      %dma_wait3A = arith.constant 0 : i32
      %dma_wait3A_298 = tpu.memref_slice %arg2[%add3A_9, %dma_wait3A] : memref<64x4096xf32, #tpu.memory_space<hbm>> -> memref<1x4096xf32, #tpu.memory_space<hbm>>
      %dma_wait3A_299 = tpu.memref_squeeze %dma_wait3A_298 : memref<1x4096xf32, #tpu.memory_space<hbm>> -> memref<4096xf32, #tpu.memory_space<hbm>>
      %dma_wait3A_300 = arith.constant 0 : i32
      %dma_wait3A_301 = tpu.memref_slice %arg2[%add3A_9, %dma_wait3A_300] : memref<64x4096xf32, #tpu.memory_space<hbm>> -> memref<1x4096xf32, #tpu.memory_space<hbm>>
      %dma_wait3A_302 = tpu.memref_squeeze %dma_wait3A_301 : memref<1x4096xf32, #tpu.memory_space<hbm>> -> memref<4096xf32, #tpu.memory_space<hbm>>
      tpu.wait_dma2 semaphore(%run_scoped3A : memref<!tpu.dma_semaphore, #tpu.memory_space<semaphore_mem>>) src(%dma_wait3A_302 : memref<4096xf32, #tpu.memory_space<hbm>>) dst(%arg5 : memref<4096xf32, #tpu.memory_space<vmem>>)
      tpu.yield
    }) : () -> ()
    %scan3A = arith.constant 0 : i32
    %scan3A_10 = arith.constant 0 : i32
    %scan3A_11 = arith.constant 32 : i32
    %scan3A_12 = arith.addi %scan3A_10, %scan3A_11 : i32
    %scan3A_13 = arith.constant 1 : i32
    %scan3A_14 = scf.for %scan3A_293 = %scan3A_10 to %scan3A_12 step %scan3A_13 iter_args(%scan3A_294 = %scan3A) -> (i32)  : i32 {
      %mul3A_295 = arith.constant 4 : i32
      %mul3A_296 = arith.muli %scan3A_293, %mul3A_295 : i32
      %add3A_297 = arith.constant 0 : i32
      %add3A_298 = arith.addi %mul3A_296, %add3A_297 : i32
      %mul3A_299 = arith.constant 16 : i32
      %mul3A_300 = arith.muli %add3A_298, %mul3A_299 : i32
      %swap3A = arith.index_cast %mul3A_300 : i32 to index
      %swap3A_301 = tpu.vector_load %arg7[%swap3A] {strides = array<i32>} : memref<2048xi32, #tpu.memory_space<vmem>>, vector<16xi32>,
      tpu.vector_store %arg7[%swap3A], %broadcast_in_dim3A_3 {strides = array<i32>} : memref<2048xi32, #tpu.memory_space<vmem>>, vector<16xi32>,
      %mul3A_302 = arith.constant 4 : i32
      %mul3A_303 = arith.muli %scan3A_293, %mul3A_302 : i32
      %add3A_304 = arith.constant 1 : i32
      %add3A_305 = arith.addi %mul3A_303, %add3A_304 : i32
      %mul3A_306 = arith.constant 16 : i32
      %mul3A_307 = arith.muli %add3A_305, %mul3A_306 : i32
      %swap3A_308 = arith.index_cast %mul3A_307 : i32 to index
      %swap3A_309 = tpu.vector_load %arg7[%swap3A_308] {strides = array<i32>} : memref<2048xi32, #tpu.memory_space<vmem>>, vector<16xi32>,
      tpu.vector_store %arg7[%swap3A_308], %broadcast_in_dim3A_3 {strides = array<i32>} : memref<2048xi32, #tpu.memory_space<vmem>>, vector<16xi32>,
      %mul3A_310 = arith.constant 4 : i32
      %mul3A_311 = arith.muli %scan3A_293, %mul3A_310 : i32
      %add3A_312 = arith.constant 2 : i32
      %add3A_313 = arith.addi %mul3A_311, %add3A_312 : i32
      %mul3A_314 = arith.constant 16 : i32
      %mul3A_315 = arith.muli %add3A_313, %mul3A_314 : i32
      %swap3A_316 = arith.index_cast %mul3A_315 : i32 to index
      %swap3A_317 = tpu.vector_load %arg7[%swap3A_316] {strides = array<i32>} : memref<2048xi32, #tpu.memory_space<vmem>>, vector<16xi32>,
      tpu.vector_store %arg7[%swap3A_316], %broadcast_in_dim3A_3 {strides = array<i32>} : memref<2048xi32, #tpu.memory_space<vmem>>, vector<16xi32>,
      %mul3A_318 = arith.constant 4 : i32
      %mul3A_319 = arith.muli %scan3A_293, %mul3A_318 : i32
      %add3A_320 = arith.constant 3 : i32
      %add3A_321 = arith.addi %mul3A_319, %add3A_320 : i32
      %mul3A_322 = arith.constant 16 : i32
      %mul3A_323 = arith.muli %add3A_321, %mul3A_322 : i32
      %swap3A_324 = arith.index_cast %mul3A_323 : i32 to index
      %swap3A_325 = tpu.vector_load %arg7[%swap3A_324] {strides = array<i32>} : memref<2048xi32, #tpu.memory_space<vmem>>, vector<16xi32>,
      tpu.vector_store %arg7[%swap3A_324], %broadcast_in_dim3A_3 {strides = array<i32>} : memref<2048xi32, #tpu.memory_space<vmem>>, vector<16xi32>,
      %scan3A_326 = arith.constant 0 : i32
      scf.yield %scan3A_326 : i32
    }
    %scan3A_15 = arith.constant 32 : i32
    %scan3A_16 = arith.constant 0 : i32
    %scan3A_17 = arith.constant 0 : i32
    %scan3A_18 = arith.constant 256 : i32
    %scan3A_19 = arith.addi %scan3A_17, %scan3A_18 : i32
    %scan3A_20 = arith.constant 1 : i32
    %scan3A_21 = scf.for %scan3A_293 = %scan3A_17 to %scan3A_19 step %scan3A_20 iter_args(%scan3A_294 = %scan3A_16) -> (i32)  : i32 {
      %mul3A_295 = arith.constant 16 : i32
      %mul3A_296 = arith.muli %scan3A_293, %mul3A_295 : i32
      %get3A = arith.index_cast %mul3A_296 : i32 to index
      %get3A_297 = tpu.vector_load %arg5[%get3A] {strides = array<i32>} : memref<4096xf32, #tpu.memory_space<vmem>>, vector<16xf32>,
      %bitcast_convert_type3A = tpu.bitcast %get3A_297 : vector<16xf32> -> vector<16xi32>
      %shift_right_arithmetic3A_298 = arith.constant 31 : i32
      %shift_right_arithmetic3A_299 = vector.broadcast %shift_right_arithmetic3A_298 : i32 to vector<16xi32>
      %shift_right_arithmetic3A_300 = arith.shrsi %bitcast_convert_type3A, %shift_right_arithmetic3A_299 : vector<16xi32>
      %and3A_301 = arith.constant 2147483647 : i32
      %and3A_302 = vector.broadcast %and3A_301 : i32 to vector<16xi32>
      %and3A_303 = arith.andi %shift_right_arithmetic3A_300, %and3A_302 : vector<16xi32>
      %xor3A_304 = arith.xori %bitcast_convert_type3A, %and3A_303 : vector<16xi32>
      %mul3A_305 = arith.constant 16 : i32
      %mul3A_306 = arith.muli %scan3A_293, %mul3A_305 : i32
      %swap3A = arith.index_cast %mul3A_306 : i32 to index
      %swap3A_307 = tpu.vector_load %arg6[%swap3A] {strides = array<i32>} : memref<4096xi32, #tpu.memory_space<vmem>>, vector<16xi32>,
      tpu.vector_store %arg6[%swap3A], %xor3A_304 {strides = array<i32>} : memref<4096xi32, #tpu.memory_space<vmem>>, vector<16xi32>,
      %xor3A_308 = arith.constant -2147483648 : i32
      %xor3A_309 = vector.broadcast %xor3A_308 : i32 to vector<16xi32>
      %xor3A_310 = arith.xori %xor3A_304, %xor3A_309 : vector<16xi32>
      %shift_right_logical3A = arith.constant 21 : i32
      %shift_right_logical3A_311 = vector.broadcast %shift_right_logical3A : i32 to vector<16xi32>
      %shift_right_logical3A_312 = arith.shrui %xor3A_310, %shift_right_logical3A_311 : vector<16xi32>
      tpu.vector_store_idx %arg7[%shift_right_logical3A_312], %broadcast_in_dim3A_1 {add = true} : memref<2048xi32, #tpu.memory_space<vmem>>[vector<16xi32>], vector<16xi32>,
      %scan3A_313 = arith.constant 0 : i32
      scf.yield %scan3A_313 : i32
    }
    %scan3A_22 = arith.constant 256 : i32
    %scan3A_23 = arith.constant 256 : i32
    %scan3A_24 = arith.constant 0 : i32
    %scan3A_25 = arith.constant -1 : i32
    %scan3A_26 = arith.constant 0 : i32
    %scan3A_27 = arith.constant 64 : i32
    %scan3A_28 = arith.addi %scan3A_26, %scan3A_27 : i32
    %scan3A_29 = arith.constant 1 : i32
    %scan3A_30:2 = scf.for %scan3A_293 = %scan3A_26 to %scan3A_28 step %scan3A_29 iter_args(%scan3A_294 = %scan3A_24, %scan3A_295 = %scan3A_25) -> (i32, i32)  : i32 {
      %mul3A_296 = arith.constant 2 : i32
      %mul3A_297 = arith.muli %scan3A_293, %mul3A_296 : i32
      %add3A_298 = arith.constant 0 : i32
      %add3A_299 = arith.addi %mul3A_297, %add3A_298 : i32
      %sub3A_300 = arith.constant 127 : i32
      %sub3A_301 = arith.subi %sub3A_300, %add3A_299 : i32
      %mul3A_302 = arith.constant 16 : i32
      %mul3A_303 = arith.muli %sub3A_301, %mul3A_302 : i32
      %get3A = arith.index_cast %mul3A_303 : i32 to index
      %get3A_304 = tpu.vector_load %arg7[%get3A] {strides = array<i32>} : memref<2048xi32, #tpu.memory_space<vmem>>, vector<16xi32>,
      %rev3A = arith.constant 15 : i32
      %rev3A_305 = vector.broadcast %rev3A : i32 to vector<16xi32>
      %rev3A_306 = tpu.iota {dimensions = array<i32: 0>} : vector<16xi32>
      %rev3A_307 = arith.subi %rev3A_305, %rev3A_306 : vector<16xi32>
      %rev3A_308 = tpu.dynamic_gather %get3A_304[%rev3A_307] in [0] : vector<16xi32>, vector<16xi32> -> vector<16xi32>
      %cumsum3A = arith.constant true
      %cumsum3A_309 = vector.broadcast %cumsum3A : i1 to vector<16xi1>
      %cumsum3A_310 = tpu.scan <sum>, %rev3A_308 masked %cumsum3A_309 : vector<16xi32>, vector<16xi1> -> vector<16xi32>
      %add3A_311 = arith.constant 15 : i32
      %add3A_312 = arith.addi %mul3A_303, %add3A_311 : i32
      %sub3A_313 = vector.broadcast %add3A_312 : i32 to vector<16xi32>
      %sub3A_314 = arith.subi %sub3A_313, %iota3A : vector<16xi32>
      %lt3A = arith.cmpi slt, %scan3A_294, %scan3A_23 : i32
      %add3A_315 = vector.broadcast %scan3A_294 : i32 to vector<16xi32>
      %add3A_316 = arith.addi %add3A_315, %cumsum3A_310 : vector<16xi32>
      %ge3A = vector.broadcast %scan3A_23 : i32 to vector<16xi32>
      %ge3A_317 = arith.cmpi sge, %add3A_316, %ge3A : vector<16xi32>
      %and3A_318 = vector.broadcast %lt3A : i1 to vector<16xi1>
      %and3A_319 = arith.andi %and3A_318, %ge3A_317 : vector<16xi1>
      %mul3A_320 = arith.constant 512 : i32
      %mul3A_321 = vector.broadcast %mul3A_320 : i32 to vector<16xi32>
      %mul3A_322 = arith.muli %sub3A_314, %mul3A_321 : vector<16xi32>
      %add3A_323 = vector.broadcast %scan3A_294 : i32 to vector<16xi32>
      %add3A_324 = arith.addi %add3A_323, %cumsum3A_310 : vector<16xi32>
      %sub3A_325 = arith.subi %add3A_324, %rev3A_308 : vector<16xi32>
      %add3A_326 = arith.addi %mul3A_322, %sub3A_325 : vector<16xi32>
      %jit3A_327 = arith.constant -1 : i32
      %broadcast_in_dim3A_328 = vector.broadcast %jit3A_327 : i32 to vector<16xi32>
      %select_n3A_329 = arith.select %and3A_319, %add3A_326, %broadcast_in_dim3A_328 : vector<16xi1>, vector<16xi32>
      %reduce_max3A = arith.constant true
      %reduce_max3A_330 = vector.broadcast %reduce_max3A : i1 to vector<16xi1>
      %reduce_max3A_331 = arith.constant -2147483648 : i32
      %reduce_max3A_332 = vector.broadcast %reduce_max3A_331 : i32 to vector<16xi32>
      %reduce_max3A_333 = arith.xori %select_n3A_329, %reduce_max3A_332 : vector<16xi32>
      %reduce_max3A_334 = tpu.scan <max>, %reduce_max3A_333 masked %reduce_max3A_330 : vector<16xi32>, vector<16xi1> -> vector<16xi32>
      %reduce_max3A_335 = arith.xori %reduce_max3A_334, %reduce_max3A_332 : vector<16xi32>
      %reduce_max3A_336 = vector.extract %reduce_max3A_335[15] : i32 from vector<16xi32>
      %reduce_sum3A = arith.constant true
      %reduce_sum3A_337 = vector.broadcast %reduce_sum3A : i1 to vector<16xi1>
      %reduce_sum3A_338 = tpu.scan <sum>, %get3A_304 masked %reduce_sum3A_337 : vector<16xi32>, vector<16xi1> -> vector<16xi32>
      %reduce_sum3A_339 = vector.extract %reduce_sum3A_338[15] : i32 from vector<16xi32>
      %add3A_340 = arith.addi %scan3A_294, %reduce_sum3A_339 : i32
      %max3A = arith.maxsi %scan3A_295, %reduce_max3A_336 : i32
      %mul3A_341 = arith.constant 2 : i32
      %mul3A_342 = arith.muli %scan3A_293, %mul3A_341 : i32
      %add3A_343 = arith.constant 1 : i32
      %add3A_344 = arith.addi %mul3A_342, %add3A_343 : i32
      %sub3A_345 = arith.constant 127 : i32
      %sub3A_346 = arith.subi %sub3A_345, %add3A_344 : i32
      %mul3A_347 = arith.constant 16 : i32
      %mul3A_348 = arith.muli %sub3A_346, %mul3A_347 : i32
      %get3A_349 = arith.index_cast %mul3A_348 : i32 to index
      %get3A_350 = tpu.vector_load %arg7[%get3A_349] {strides = array<i32>} : memref<2048xi32, #tpu.memory_space<vmem>>, vector<16xi32>,
      %rev3A_351 = arith.constant 15 : i32
      %rev3A_352 = vector.broadcast %rev3A_351 : i32 to vector<16xi32>
      %rev3A_353 = tpu.iota {dimensions = array<i32: 0>} : vector<16xi32>
      %rev3A_354 = arith.subi %rev3A_352, %rev3A_353 : vector<16xi32>
      %rev3A_355 = tpu.dynamic_gather %get3A_350[%rev3A_354] in [0] : vector<16xi32>, vector<16xi32> -> vector<16xi32>
      %cumsum3A_356 = arith.constant true
      %cumsum3A_357 = vector.broadcast %cumsum3A_356 : i1 to vector<16xi1>
      %cumsum3A_358 = tpu.scan <sum>, %rev3A_355 masked %cumsum3A_357 : vector<16xi32>, vector<16xi1> -> vector<16xi32>
      %add3A_359 = arith.constant 15 : i32
      %add3A_360 = arith.addi %mul3A_348, %add3A_359 : i32
      %sub3A_361 = vector.broadcast %add3A_360 : i32 to vector<16xi32>
      %sub3A_362 = arith.subi %sub3A_361, %iota3A : vector<16xi32>
      %lt3A_363 = arith.cmpi slt, %add3A_340, %scan3A_23 : i32
      %add3A_364 = vector.broadcast %add3A_340 : i32 to vector<16xi32>
      %add3A_365 = arith.addi %add3A_364, %cumsum3A_358 : vector<16xi32>
      %ge3A_366 = vector.broadcast %scan3A_23 : i32 to vector<16xi32>
      %ge3A_367 = arith.cmpi sge, %add3A_365, %ge3A_366 : vector<16xi32>
      %and3A_368 = vector.broadcast %lt3A_363 : i1 to vector<16xi1>
      %and3A_369 = arith.andi %and3A_368, %ge3A_367 : vector<16xi1>
      %mul3A_370 = arith.constant 512 : i32
      %mul3A_371 = vector.broadcast %mul3A_370 : i32 to vector<16xi32>
      %mul3A_372 = arith.muli %sub3A_362, %mul3A_371 : vector<16xi32>
      %add3A_373 = vector.broadcast %add3A_340 : i32 to vector<16xi32>
      %add3A_374 = arith.addi %add3A_373, %cumsum3A_358 : vector<16xi32>
      %sub3A_375 = arith.subi %add3A_374, %rev3A_355 : vector<16xi32>
      %add3A_376 = arith.addi %mul3A_372, %sub3A_375 : vector<16xi32>
      %jit3A_377 = arith.constant -1 : i32
      %broadcast_in_dim3A_378 = vector.broadcast %jit3A_377 : i32 to vector<16xi32>
      %select_n3A_379 = arith.select %and3A_369, %add3A_376, %broadcast_in_dim3A_378 : vector<16xi1>, vector<16xi32>
      %reduce_max3A_380 = arith.constant true
      %reduce_max3A_381 = vector.broadcast %reduce_max3A_380 : i1 to vector<16xi1>
      %reduce_max3A_382 = arith.constant -2147483648 : i32
      %reduce_max3A_383 = vector.broadcast %reduce_max3A_382 : i32 to vector<16xi32>
      %reduce_max3A_384 = arith.xori %select_n3A_379, %reduce_max3A_383 : vector<16xi32>
      %reduce_max3A_385 = tpu.scan <max>, %reduce_max3A_384 masked %reduce_max3A_381 : vector<16xi32>, vector<16xi1> -> vector<16xi32>
      %reduce_max3A_386 = arith.xori %reduce_max3A_385, %reduce_max3A_383 : vector<16xi32>
      %reduce_max3A_387 = vector.extract %reduce_max3A_386[15] : i32 from vector<16xi32>
      %reduce_sum3A_388 = arith.constant true
      %reduce_sum3A_389 = vector.broadcast %reduce_sum3A_388 : i1 to vector<16xi1>
      %reduce_sum3A_390 = tpu.scan <sum>, %get3A_350 masked %reduce_sum3A_389 : vector<16xi32>, vector<16xi1> -> vector<16xi32>
      %reduce_sum3A_391 = vector.extract %reduce_sum3A_390[15] : i32 from vector<16xi32>
      %add3A_392 = arith.addi %add3A_340, %reduce_sum3A_391 : i32
      %max3A_393 = arith.maxsi %max3A, %reduce_max3A_387 : i32
      scf.yield %add3A_392, %max3A_393 : i32, i32
    }
    %scan3A_31 = arith.constant 64 : i32
    %shift_right_arithmetic3A = arith.constant 9 : i32
    %shift_right_arithmetic3A_32 = arith.shrsi %scan3A_30#1, %shift_right_arithmetic3A : i32
    %and3A = arith.constant 511 : i32
    %and3A_33 = arith.andi %scan3A_30#1, %and3A : i32
    %scan3A_34 = arith.constant 0 : i32
    %scan3A_35 = arith.constant 0 : i32
    %scan3A_36 = arith.constant 32 : i32
    %scan3A_37 = arith.addi %scan3A_35, %scan3A_36 : i32
    %scan3A_38 = arith.constant 1 : i32
    %scan3A_39 = scf.for %scan3A_293 = %scan3A_35 to %scan3A_37 step %scan3A_38 iter_args(%scan3A_294 = %scan3A_34) -> (i32)  : i32 {
      %mul3A_295 = arith.constant 4 : i32
      %mul3A_296 = arith.muli %scan3A_293, %mul3A_295 : i32
      %add3A_297 = arith.constant 0 : i32
      %add3A_298 = arith.addi %mul3A_296, %add3A_297 : i32
      %mul3A_299 = arith.constant 16 : i32
      %mul3A_300 = arith.muli %add3A_298, %mul3A_299 : i32
      %swap3A = arith.index_cast %mul3A_300 : i32 to index
      %swap3A_301 = tpu.vector_load %arg7[%swap3A] {strides = array<i32>} : memref<2048xi32, #tpu.memory_space<vmem>>, vector<16xi32>,
      tpu.vector_store %arg7[%swap3A], %broadcast_in_dim3A_3 {strides = array<i32>} : memref<2048xi32, #tpu.memory_space<vmem>>, vector<16xi32>,
      %mul3A_302 = arith.constant 4 : i32
      %mul3A_303 = arith.muli %scan3A_293, %mul3A_302 : i32
      %add3A_304 = arith.constant 1 : i32
      %add3A_305 = arith.addi %mul3A_303, %add3A_304 : i32
      %mul3A_306 = arith.constant 16 : i32
      %mul3A_307 = arith.muli %add3A_305, %mul3A_306 : i32
      %swap3A_308 = arith.index_cast %mul3A_307 : i32 to index
      %swap3A_309 = tpu.vector_load %arg7[%swap3A_308] {strides = array<i32>} : memref<2048xi32, #tpu.memory_space<vmem>>, vector<16xi32>,
      tpu.vector_store %arg7[%swap3A_308], %broadcast_in_dim3A_3 {strides = array<i32>} : memref<2048xi32, #tpu.memory_space<vmem>>, vector<16xi32>,
      %mul3A_310 = arith.constant 4 : i32
      %mul3A_311 = arith.muli %scan3A_293, %mul3A_310 : i32
      %add3A_312 = arith.constant 2 : i32
      %add3A_313 = arith.addi %mul3A_311, %add3A_312 : i32
      %mul3A_314 = arith.constant 16 : i32
      %mul3A_315 = arith.muli %add3A_313, %mul3A_314 : i32
      %swap3A_316 = arith.index_cast %mul3A_315 : i32 to index
      %swap3A_317 = tpu.vector_load %arg7[%swap3A_316] {strides = array<i32>} : memref<2048xi32, #tpu.memory_space<vmem>>, vector<16xi32>,
      tpu.vector_store %arg7[%swap3A_316], %broadcast_in_dim3A_3 {strides = array<i32>} : memref<2048xi32, #tpu.memory_space<vmem>>, vector<16xi32>,
      %mul3A_318 = arith.constant 4 : i32
      %mul3A_319 = arith.muli %scan3A_293, %mul3A_318 : i32
      %add3A_320 = arith.constant 3 : i32
      %add3A_321 = arith.addi %mul3A_319, %add3A_320 : i32
      %mul3A_322 = arith.constant 16 : i32
      %mul3A_323 = arith.muli %add3A_321, %mul3A_322 : i32
      %swap3A_324 = arith.index_cast %mul3A_323 : i32 to index
      %swap3A_325 = tpu.vector_load %arg7[%swap3A_324] {strides = array<i32>} : memref<2048xi32, #tpu.memory_space<vmem>>, vector<16xi32>,
      tpu.vector_store %arg7[%swap3A_324], %broadcast_in_dim3A_3 {strides = array<i32>} : memref<2048xi32, #tpu.memory_space<vmem>>, vector<16xi32>,
      %scan3A_326 = arith.constant 0 : i32
      scf.yield %scan3A_326 : i32
    }
    %scan3A_40 = arith.constant 32 : i32
    %scan3A_41 = arith.constant 0 : i32
    %scan3A_42 = arith.constant 0 : i32
    %scan3A_43 = arith.constant 256 : i32
    %scan3A_44 = arith.addi %scan3A_42, %scan3A_43 : i32
    %scan3A_45 = arith.constant 1 : i32
    %scan3A_46 = scf.for %scan3A_293 = %scan3A_42 to %scan3A_44 step %scan3A_45 iter_args(%scan3A_294 = %scan3A_41) -> (i32)  : i32 {
      %mul3A_295 = arith.constant 16 : i32
      %mul3A_296 = arith.muli %scan3A_293, %mul3A_295 : i32
      %get3A = arith.index_cast %mul3A_296 : i32 to index
      %get3A_297 = tpu.vector_load %arg6[%get3A] {strides = array<i32>} : memref<4096xi32, #tpu.memory_space<vmem>>, vector<16xi32>,
      %xor3A_298 = arith.constant -2147483648 : i32
      %xor3A_299 = vector.broadcast %xor3A_298 : i32 to vector<16xi32>
      %xor3A_300 = arith.xori %get3A_297, %xor3A_299 : vector<16xi32>
      %shift_right_logical3A = arith.constant 21 : i32
      %shift_right_logical3A_301 = vector.broadcast %shift_right_logical3A : i32 to vector<16xi32>
      %shift_right_logical3A_302 = arith.shrui %xor3A_300, %shift_right_logical3A_301 : vector<16xi32>
      %eq3A = vector.broadcast %shift_right_arithmetic3A_32 : i32 to vector<16xi32>
      %eq3A_303 = arith.cmpi eq, %shift_right_logical3A_302, %eq3A : vector<16xi32>
      %shift_right_logical3A_304 = arith.constant 10 : i32
      %shift_right_logical3A_305 = vector.broadcast %shift_right_logical3A_304 : i32 to vector<16xi32>
      %shift_right_logical3A_306 = arith.shrui %get3A_297, %shift_right_logical3A_305 : vector<16xi32>
      %and3A_307 = arith.constant 2047 : i32
      %and3A_308 = vector.broadcast %and3A_307 : i32 to vector<16xi32>
      %and3A_309 = arith.andi %shift_right_logical3A_306, %and3A_308 : vector<16xi32>
      tpu.vector_store_idx %arg7[%and3A_309], %broadcast_in_dim3A_1 masked %eq3A_303 {add = true} : memref<2048xi32, #tpu.memory_space<vmem>>[vector<16xi32>], vector<16xi32>, vector<16xi1>
      %scan3A_310 = arith.constant 0 : i32
      scf.yield %scan3A_310 : i32
    }
    %scan3A_47 = arith.constant 256 : i32
    %sub3A = arith.constant 256 : i32
    %sub3A_48 = arith.subi %sub3A, %and3A_33 : i32
    %scan3A_49 = arith.constant 0 : i32
    %scan3A_50 = arith.constant -1 : i32
    %scan3A_51 = arith.constant 0 : i32
    %scan3A_52 = arith.constant 64 : i32
    %scan3A_53 = arith.addi %scan3A_51, %scan3A_52 : i32
    %scan3A_54 = arith.constant 1 : i32
    %scan3A_55:2 = scf.for %scan3A_293 = %scan3A_51 to %scan3A_53 step %scan3A_54 iter_args(%scan3A_294 = %scan3A_49, %scan3A_295 = %scan3A_50) -> (i32, i32)  : i32 {
      %mul3A_296 = arith.constant 2 : i32
      %mul3A_297 = arith.muli %scan3A_293, %mul3A_296 : i32
      %add3A_298 = arith.constant 0 : i32
      %add3A_299 = arith.addi %mul3A_297, %add3A_298 : i32
      %sub3A_300 = arith.constant 127 : i32
      %sub3A_301 = arith.subi %sub3A_300, %add3A_299 : i32
      %mul3A_302 = arith.constant 16 : i32
      %mul3A_303 = arith.muli %sub3A_301, %mul3A_302 : i32
      %get3A = arith.index_cast %mul3A_303 : i32 to index
      %get3A_304 = tpu.vector_load %arg7[%get3A] {strides = array<i32>} : memref<2048xi32, #tpu.memory_space<vmem>>, vector<16xi32>,
      %rev3A = arith.constant 15 : i32
      %rev3A_305 = vector.broadcast %rev3A : i32 to vector<16xi32>
      %rev3A_306 = tpu.iota {dimensions = array<i32: 0>} : vector<16xi32>
      %rev3A_307 = arith.subi %rev3A_305, %rev3A_306 : vector<16xi32>
      %rev3A_308 = tpu.dynamic_gather %get3A_304[%rev3A_307] in [0] : vector<16xi32>, vector<16xi32> -> vector<16xi32>
      %cumsum3A = arith.constant true
      %cumsum3A_309 = vector.broadcast %cumsum3A : i1 to vector<16xi1>
      %cumsum3A_310 = tpu.scan <sum>, %rev3A_308 masked %cumsum3A_309 : vector<16xi32>, vector<16xi1> -> vector<16xi32>
      %add3A_311 = arith.constant 15 : i32
      %add3A_312 = arith.addi %mul3A_303, %add3A_311 : i32
      %sub3A_313 = vector.broadcast %add3A_312 : i32 to vector<16xi32>
      %sub3A_314 = arith.subi %sub3A_313, %iota3A : vector<16xi32>
      %lt3A = arith.cmpi slt, %scan3A_294, %sub3A_48 : i32
      %add3A_315 = vector.broadcast %scan3A_294 : i32 to vector<16xi32>
      %add3A_316 = arith.addi %add3A_315, %cumsum3A_310 : vector<16xi32>
      %ge3A = vector.broadcast %sub3A_48 : i32 to vector<16xi32>
      %ge3A_317 = arith.cmpi sge, %add3A_316, %ge3A : vector<16xi32>
      %and3A_318 = vector.broadcast %lt3A : i1 to vector<16xi1>
      %and3A_319 = arith.andi %and3A_318, %ge3A_317 : vector<16xi1>
      %mul3A_320 = arith.constant 512 : i32
      %mul3A_321 = vector.broadcast %mul3A_320 : i32 to vector<16xi32>
      %mul3A_322 = arith.muli %sub3A_314, %mul3A_321 : vector<16xi32>
      %add3A_323 = vector.broadcast %scan3A_294 : i32 to vector<16xi32>
      %add3A_324 = arith.addi %add3A_323, %cumsum3A_310 : vector<16xi32>
      %sub3A_325 = arith.subi %add3A_324, %rev3A_308 : vector<16xi32>
      %add3A_326 = arith.addi %mul3A_322, %sub3A_325 : vector<16xi32>
      %jit3A_327 = arith.constant -1 : i32
      %broadcast_in_dim3A_328 = vector.broadcast %jit3A_327 : i32 to vector<16xi32>
      %select_n3A_329 = arith.select %and3A_319, %add3A_326, %broadcast_in_dim3A_328 : vector<16xi1>, vector<16xi32>
      %reduce_max3A = arith.constant true
      %reduce_max3A_330 = vector.broadcast %reduce_max3A : i1 to vector<16xi1>
      %reduce_max3A_331 = arith.constant -2147483648 : i32
      %reduce_max3A_332 = vector.broadcast %reduce_max3A_331 : i32 to vector<16xi32>
      %reduce_max3A_333 = arith.xori %select_n3A_329, %reduce_max3A_332 : vector<16xi32>
      %reduce_max3A_334 = tpu.scan <max>, %reduce_max3A_333 masked %reduce_max3A_330 : vector<16xi32>, vector<16xi1> -> vector<16xi32>
      %reduce_max3A_335 = arith.xori %reduce_max3A_334, %reduce_max3A_332 : vector<16xi32>
      %reduce_max3A_336 = vector.extract %reduce_max3A_335[15] : i32 from vector<16xi32>
      %reduce_sum3A = arith.constant true
      %reduce_sum3A_337 = vector.broadcast %reduce_sum3A : i1 to vector<16xi1>
      %reduce_sum3A_338 = tpu.scan <sum>, %get3A_304 masked %reduce_sum3A_337 : vector<16xi32>, vector<16xi1> -> vector<16xi32>
      %reduce_sum3A_339 = vector.extract %reduce_sum3A_338[15] : i32 from vector<16xi32>
      %add3A_340 = arith.addi %scan3A_294, %reduce_sum3A_339 : i32
      %max3A = arith.maxsi %scan3A_295, %reduce_max3A_336 : i32
      %mul3A_341 = arith.constant 2 : i32
      %mul3A_342 = arith.muli %scan3A_293, %mul3A_341 : i32
      %add3A_343 = arith.constant 1 : i32
      %add3A_344 = arith.addi %mul3A_342, %add3A_343 : i32
      %sub3A_345 = arith.constant 127 : i32
      %sub3A_346 = arith.subi %sub3A_345, %add3A_344 : i32
      %mul3A_347 = arith.constant 16 : i32
      %mul3A_348 = arith.muli %sub3A_346, %mul3A_347 : i32
      %get3A_349 = arith.index_cast %mul3A_348 : i32 to index
      %get3A_350 = tpu.vector_load %arg7[%get3A_349] {strides = array<i32>} : memref<2048xi32, #tpu.memory_space<vmem>>, vector<16xi32>,
      %rev3A_351 = arith.constant 15 : i32
      %rev3A_352 = vector.broadcast %rev3A_351 : i32 to vector<16xi32>
      %rev3A_353 = tpu.iota {dimensions = array<i32: 0>} : vector<16xi32>
      %rev3A_354 = arith.subi %rev3A_352, %rev3A_353 : vector<16xi32>
      %rev3A_355 = tpu.dynamic_gather %get3A_350[%rev3A_354] in [0] : vector<16xi32>, vector<16xi32> -> vector<16xi32>
      %cumsum3A_356 = arith.constant true
      %cumsum3A_357 = vector.broadcast %cumsum3A_356 : i1 to vector<16xi1>
      %cumsum3A_358 = tpu.scan <sum>, %rev3A_355 masked %cumsum3A_357 : vector<16xi32>, vector<16xi1> -> vector<16xi32>
      %add3A_359 = arith.constant 15 : i32
      %add3A_360 = arith.addi %mul3A_348, %add3A_359 : i32
      %sub3A_361 = vector.broadcast %add3A_360 : i32 to vector<16xi32>
      %sub3A_362 = arith.subi %sub3A_361, %iota3A : vector<16xi32>
      %lt3A_363 = arith.cmpi slt, %add3A_340, %sub3A_48 : i32
      %add3A_364 = vector.broadcast %add3A_340 : i32 to vector<16xi32>
      %add3A_365 = arith.addi %add3A_364, %cumsum3A_358 : vector<16xi32>
      %ge3A_366 = vector.broadcast %sub3A_48 : i32 to vector<16xi32>
      %ge3A_367 = arith.cmpi sge, %add3A_365, %ge3A_366 : vector<16xi32>
      %and3A_368 = vector.broadcast %lt3A_363 : i1 to vector<16xi1>
      %and3A_369 = arith.andi %and3A_368, %ge3A_367 : vector<16xi1>
      %mul3A_370 = arith.constant 512 : i32
      %mul3A_371 = vector.broadcast %mul3A_370 : i32 to vector<16xi32>
      %mul3A_372 = arith.muli %sub3A_362, %mul3A_371 : vector<16xi32>
      %add3A_373 = vector.broadcast %add3A_340 : i32 to vector<16xi32>
      %add3A_374 = arith.addi %add3A_373, %cumsum3A_358 : vector<16xi32>
      %sub3A_375 = arith.subi %add3A_374, %rev3A_355 : vector<16xi32>
      %add3A_376 = arith.addi %mul3A_372, %sub3A_375 : vector<16xi32>
      %jit3A_377 = arith.constant -1 : i32
      %broadcast_in_dim3A_378 = vector.broadcast %jit3A_377 : i32 to vector<16xi32>
      %select_n3A_379 = arith.select %and3A_369, %add3A_376, %broadcast_in_dim3A_378 : vector<16xi1>, vector<16xi32>
      %reduce_max3A_380 = arith.constant true
      %reduce_max3A_381 = vector.broadcast %reduce_max3A_380 : i1 to vector<16xi1>
      %reduce_max3A_382 = arith.constant -2147483648 : i32
      %reduce_max3A_383 = vector.broadcast %reduce_max3A_382 : i32 to vector<16xi32>
      %reduce_max3A_384 = arith.xori %select_n3A_379, %reduce_max3A_383 : vector<16xi32>
      %reduce_max3A_385 = tpu.scan <max>, %reduce_max3A_384 masked %reduce_max3A_381 : vector<16xi32>, vector<16xi1> -> vector<16xi32>
      %reduce_max3A_386 = arith.xori %reduce_max3A_385, %reduce_max3A_383 : vector<16xi32>
      %reduce_max3A_387 = vector.extract %reduce_max3A_386[15] : i32 from vector<16xi32>
      %reduce_sum3A_388 = arith.constant true
      %reduce_sum3A_389 = vector.broadcast %reduce_sum3A_388 : i1 to vector<16xi1>
      %reduce_sum3A_390 = tpu.scan <sum>, %get3A_350 masked %reduce_sum3A_389 : vector<16xi32>, vector<16xi1> -> vector<16xi32>
      %reduce_sum3A_391 = vector.extract %reduce_sum3A_390[15] : i32 from vector<16xi32>
      %add3A_392 = arith.addi %add3A_340, %reduce_sum3A_391 : i32
      %max3A_393 = arith.maxsi %max3A, %reduce_max3A_387 : i32
      scf.yield %add3A_392, %max3A_393 : i32, i32
    }
    %scan3A_56 = arith.constant 64 : i32
    %shift_right_arithmetic3A_57 = arith.constant 9 : i32
    %shift_right_arithmetic3A_58 = arith.shrsi %scan3A_55#1, %shift_right_arithmetic3A_57 : i32
    %and3A_59 = arith.constant 511 : i32
    %and3A_60 = arith.andi %scan3A_55#1, %and3A_59 : i32
    %shift_left3A = arith.constant 21 : i32
    %shift_left3A_61 = arith.shli %shift_right_arithmetic3A_32, %shift_left3A : i32
    %shift_left3A_62 = arith.constant 10 : i32
    %shift_left3A_63 = arith.shli %shift_right_arithmetic3A_58, %shift_left3A_62 : i32
    %or3A = arith.ori %shift_left3A_61, %shift_left3A_63 : i32
    %xor3A = arith.constant -2147483648 : i32
    %xor3A_64 = arith.xori %or3A, %xor3A : i32
    %scan3A_65 = arith.constant 0 : i32
    %scan3A_66 = arith.constant 0 : i32
    %scan3A_67 = arith.constant 5 : i32
    %scan3A_68 = arith.addi %scan3A_66, %scan3A_67 : i32
    %scan3A_69 = arith.constant 1 : i32
    %scan3A_70 = scf.for %scan3A_293 = %scan3A_66 to %scan3A_68 step %scan3A_69 iter_args(%scan3A_294 = %scan3A_65) -> (i32)  : i32 {
      %mul3A_295 = arith.constant 4 : i32
      %mul3A_296 = arith.muli %scan3A_293, %mul3A_295 : i32
      %add3A_297 = arith.constant 0 : i32
      %add3A_298 = arith.addi %mul3A_296, %add3A_297 : i32
      %mul3A_299 = arith.constant 16 : i32
      %mul3A_300 = arith.muli %add3A_298, %mul3A_299 : i32
      %swap3A = arith.index_cast %mul3A_300 : i32 to index
      %swap3A_301 = tpu.vector_load %arg8[%swap3A] {strides = array<i32>} : memref<320xi32, #tpu.memory_space<vmem>>, vector<16xi32>,
      tpu.vector_store %arg8[%swap3A], %broadcast_in_dim3A_5 {strides = array<i32>} : memref<320xi32, #tpu.memory_space<vmem>>, vector<16xi32>,
      %mul3A_302 = arith.constant 4 : i32
      %mul3A_303 = arith.muli %scan3A_293, %mul3A_302 : i32
      %add3A_304 = arith.constant 0 : i32
      %add3A_305 = arith.addi %mul3A_303, %add3A_304 : i32
      %mul3A_306 = arith.constant 16 : i32
      %mul3A_307 = arith.muli %add3A_305, %mul3A_306 : i32
      %swap3A_308 = arith.index_cast %mul3A_307 : i32 to index
      %swap3A_309 = tpu.vector_load %arg9[%swap3A_308] {strides = array<i32>} : memref<320xi32, #tpu.memory_space<vmem>>, vector<16xi32>,
      tpu.vector_store %arg9[%swap3A_308], %broadcast_in_dim3A_3 {strides = array<i32>} : memref<320xi32, #tpu.memory_space<vmem>>, vector<16xi32>,
      %mul3A_310 = arith.constant 4 : i32
      %mul3A_311 = arith.muli %scan3A_293, %mul3A_310 : i32
      %add3A_312 = arith.constant 1 : i32
      %add3A_313 = arith.addi %mul3A_311, %add3A_312 : i32
      %mul3A_314 = arith.constant 16 : i32
      %mul3A_315 = arith.muli %add3A_313, %mul3A_314 : i32
      %swap3A_316 = arith.index_cast %mul3A_315 : i32 to index
      %swap3A_317 = tpu.vector_load %arg8[%swap3A_316] {strides = array<i32>} : memref<320xi32, #tpu.memory_space<vmem>>, vector<16xi32>,
      tpu.vector_store %arg8[%swap3A_316], %broadcast_in_dim3A_5 {strides = array<i32>} : memref<320xi32, #tpu.memory_space<vmem>>, vector<16xi32>,
      %mul3A_318 = arith.constant 4 : i32
      %mul3A_319 = arith.muli %scan3A_293, %mul3A_318 : i32
      %add3A_320 = arith.constant 1 : i32
      %add3A_321 = arith.addi %mul3A_319, %add3A_320 : i32
      %mul3A_322 = arith.constant 16 : i32
      %mul3A_323 = arith.muli %add3A_321, %mul3A_322 : i32
      %swap3A_324 = arith.index_cast %mul3A_323 : i32 to index
      %swap3A_325 = tpu.vector_load %arg9[%swap3A_324] {strides = array<i32>} : memref<320xi32, #tpu.memory_space<vmem>>, vector<16xi32>,
      tpu.vector_store %arg9[%swap3A_324], %broadcast_in_dim3A_3 {strides = array<i32>} : memref<320xi32, #tpu.memory_space<vmem>>, vector<16xi32>,
      %mul3A_326 = arith.constant 4 : i32
      %mul3A_327 = arith.muli %scan3A_293, %mul3A_326 : i32
      %add3A_328 = arith.constant 2 : i32
      %add3A_329 = arith.addi %mul3A_327, %add3A_328 : i32
      %mul3A_330 = arith.constant 16 : i32
      %mul3A_331 = arith.muli %add3A_329, %mul3A_330 : i32
      %swap3A_332 = arith.index_cast %mul3A_331 : i32 to index
      %swap3A_333 = tpu.vector_load %arg8[%swap3A_332] {strides = array<i32>} : memref<320xi32, #tpu.memory_space<vmem>>, vector<16xi32>,
      tpu.vector_store %arg8[%swap3A_332], %broadcast_in_dim3A_5 {strides = array<i32>} : memref<320xi32, #tpu.memory_space<vmem>>, vector<16xi32>,
      %mul3A_334 = arith.constant 4 : i32
      %mul3A_335 = arith.muli %scan3A_293, %mul3A_334 : i32
      %add3A_336 = arith.constant 2 : i32
      %add3A_337 = arith.addi %mul3A_335, %add3A_336 : i32
      %mul3A_338 = arith.constant 16 : i32
      %mul3A_339 = arith.muli %add3A_337, %mul3A_338 : i32
      %swap3A_340 = arith.index_cast %mul3A_339 : i32 to index
      %swap3A_341 = tpu.vector_load %arg9[%swap3A_340] {strides = array<i32>} : memref<320xi32, #tpu.memory_space<vmem>>, vector<16xi32>,
      tpu.vector_store %arg9[%swap3A_340], %broadcast_in_dim3A_3 {strides = array<i32>} : memref<320xi32, #tpu.memory_space<vmem>>, vector<16xi32>,
      %mul3A_342 = arith.constant 4 : i32
      %mul3A_343 = arith.muli %scan3A_293, %mul3A_342 : i32
      %add3A_344 = arith.constant 3 : i32
      %add3A_345 = arith.addi %mul3A_343, %add3A_344 : i32
      %mul3A_346 = arith.constant 16 : i32
      %mul3A_347 = arith.muli %add3A_345, %mul3A_346 : i32
      %swap3A_348 = arith.index_cast %mul3A_347 : i32 to index
      %swap3A_349 = tpu.vector_load %arg8[%swap3A_348] {strides = array<i32>} : memref<320xi32, #tpu.memory_space<vmem>>, vector<16xi32>,
      tpu.vector_store %arg8[%swap3A_348], %broadcast_in_dim3A_5 {strides = array<i32>} : memref<320xi32, #tpu.memory_space<vmem>>, vector<16xi32>,
      %mul3A_350 = arith.constant 4 : i32
      %mul3A_351 = arith.muli %scan3A_293, %mul3A_350 : i32
      %add3A_352 = arith.constant 3 : i32
      %add3A_353 = arith.addi %mul3A_351, %add3A_352 : i32
      %mul3A_354 = arith.constant 16 : i32
      %mul3A_355 = arith.muli %add3A_353, %mul3A_354 : i32
      %swap3A_356 = arith.index_cast %mul3A_355 : i32 to index
      %swap3A_357 = tpu.vector_load %arg9[%swap3A_356] {strides = array<i32>} : memref<320xi32, #tpu.memory_space<vmem>>, vector<16xi32>,
      tpu.vector_store %arg9[%swap3A_356], %broadcast_in_dim3A_3 {strides = array<i32>} : memref<320xi32, #tpu.memory_space<vmem>>, vector<16xi32>,
      %scan3A_358 = arith.constant 0 : i32
      scf.yield %scan3A_358 : i32
    }
    %scan3A_71 = arith.constant 5 : i32
    %scan3A_72 = arith.constant 0 : i32
    %scan3A_73 = arith.constant 0 : i32
    %scan3A_74 = arith.constant 128 : i32
    %scan3A_75 = arith.addi %scan3A_73, %scan3A_74 : i32
    %scan3A_76 = arith.constant 1 : i32
    %scan3A_77 = scf.for %scan3A_293 = %scan3A_73 to %scan3A_75 step %scan3A_76 iter_args(%scan3A_294 = %scan3A_72) -> (i32)  : i32 {
      %mul3A_295 = arith.constant 2 : i32
      %mul3A_296 = arith.muli %scan3A_293, %mul3A_295 : i32
      %add3A_297 = arith.constant 0 : i32
      %add3A_298 = arith.addi %mul3A_296, %add3A_297 : i32
      %mul3A_299 = arith.constant 16 : i32
      %mul3A_300 = arith.muli %add3A_298, %mul3A_299 : i32
      %get3A = arith.index_cast %mul3A_300 : i32 to index
      %get3A_301 = tpu.vector_load %arg6[%get3A] {strides = array<i32>} : memref<4096xi32, #tpu.memory_space<vmem>>, vector<16xi32>,
      %ge3A = vector.broadcast %xor3A_64 : i32 to vector<16xi32>
      %ge3A_302 = arith.cmpi sge, %get3A_301, %ge3A : vector<16xi32>
      %mul3A_303 = arith.constant 16 : i32
      %mul3A_304 = arith.muli %add3A_298, %mul3A_303 : i32
      %add3A_305 = vector.broadcast %mul3A_304 : i32 to vector<16xi32>
      %add3A_306 = arith.addi %add3A_305, %iota3A : vector<16xi32>
      %swap3A = arith.index_cast %scan3A_294 : i32 to index
      %swap3A_307 = tpu.vector_load %arg8[%swap3A] masked %ge3A_302 {strides = array<i32>} : memref<320xi32, #tpu.memory_space<vmem>>, vector<16xi32>, vector<16xi1>
      tpu.vector_store %arg8[%swap3A], %get3A_301 masked %ge3A_302 {strides = array<i32>} : memref<320xi32, #tpu.memory_space<vmem>>, vector<16xi32>, vector<16xi1>
      %swap3A_308 = arith.index_cast %scan3A_294 : i32 to index
      %swap3A_309 = tpu.vector_load %arg9[%swap3A_308] masked %ge3A_302 {strides = array<i32>} : memref<320xi32, #tpu.memory_space<vmem>>, vector<16xi32>, vector<16xi1>
      tpu.vector_store %arg9[%swap3A_308], %add3A_306 masked %ge3A_302 {strides = array<i32>} : memref<320xi32, #tpu.memory_space<vmem>>, vector<16xi32>, vector<16xi1>
      %all_reduce_population_count3A = tpu.all_reduce %ge3A_302 {dim = 0 : i64, kind = #tpu.reduction_kind<sum>} : vector<16xi1> -> vector<16xi32>
      %reduce_max3A = arith.constant true
      %reduce_max3A_310 = vector.broadcast %reduce_max3A : i1 to vector<16xi1>
      %reduce_max3A_311 = arith.constant -2147483648 : i32
      %reduce_max3A_312 = vector.broadcast %reduce_max3A_311 : i32 to vector<16xi32>
      %reduce_max3A_313 = arith.xori %all_reduce_population_count3A, %reduce_max3A_312 : vector<16xi32>
      %reduce_max3A_314 = tpu.scan <max>, %reduce_max3A_313 masked %reduce_max3A_310 : vector<16xi32>, vector<16xi1> -> vector<16xi32>
      %reduce_max3A_315 = arith.xori %reduce_max3A_314, %reduce_max3A_312 : vector<16xi32>
      %reduce_max3A_316 = vector.extract %reduce_max3A_315[15] : i32 from vector<16xi32>
      %add3A_317 = arith.addi %scan3A_294, %reduce_max3A_316 : i32
      %min3A_318 = arith.constant 304 : i32
      %min3A_319 = arith.minsi %add3A_317, %min3A_318 : i32
      %mul3A_320 = arith.constant 2 : i32
      %mul3A_321 = arith.muli %scan3A_293, %mul3A_320 : i32
      %add3A_322 = arith.constant 1 : i32
      %add3A_323 = arith.addi %mul3A_321, %add3A_322 : i32
      %mul3A_324 = arith.constant 16 : i32
      %mul3A_325 = arith.muli %add3A_323, %mul3A_324 : i32
      %get3A_326 = arith.index_cast %mul3A_325 : i32 to index
      %get3A_327 = tpu.vector_load %arg6[%get3A_326] {strides = array<i32>} : memref<4096xi32, #tpu.memory_space<vmem>>, vector<16xi32>,
      %ge3A_328 = vector.broadcast %xor3A_64 : i32 to vector<16xi32>
      %ge3A_329 = arith.cmpi sge, %get3A_327, %ge3A_328 : vector<16xi32>
      %mul3A_330 = arith.constant 16 : i32
      %mul3A_331 = arith.muli %add3A_323, %mul3A_330 : i32
      %add3A_332 = vector.broadcast %mul3A_331 : i32 to vector<16xi32>
      %add3A_333 = arith.addi %add3A_332, %iota3A : vector<16xi32>
      %swap3A_334 = arith.index_cast %min3A_319 : i32 to index
      %swap3A_335 = tpu.vector_load %arg8[%swap3A_334] masked %ge3A_329 {strides = array<i32>} : memref<320xi32, #tpu.memory_space<vmem>>, vector<16xi32>, vector<16xi1>
      tpu.vector_store %arg8[%swap3A_334], %get3A_327 masked %ge3A_329 {strides = array<i32>} : memref<320xi32, #tpu.memory_space<vmem>>, vector<16xi32>, vector<16xi1>
      %swap3A_336 = arith.index_cast %min3A_319 : i32 to index
      %swap3A_337 = tpu.vector_load %arg9[%swap3A_336] masked %ge3A_329 {strides = array<i32>} : memref<320xi32, #tpu.memory_space<vmem>>, vector<16xi32>, vector<16xi1>
      tpu.vector_store %arg9[%swap3A_336], %add3A_333 masked %ge3A_329 {strides = array<i32>} : memref<320xi32, #tpu.memory_space<vmem>>, vector<16xi32>, vector<16xi1>
      %all_reduce_population_count3A_338 = tpu.all_reduce %ge3A_329 {dim = 0 : i64, kind = #tpu.reduction_kind<sum>} : vector<16xi1> -> vector<16xi32>
      %reduce_max3A_339 = arith.constant true
      %reduce_max3A_340 = vector.broadcast %reduce_max3A_339 : i1 to vector<16xi1>
      %reduce_max3A_341 = arith.constant -2147483648 : i32
      %reduce_max3A_342 = vector.broadcast %reduce_max3A_341 : i32 to vector<16xi32>
      %reduce_max3A_343 = arith.xori %all_reduce_population_count3A_338, %reduce_max3A_342 : vector<16xi32>
      %reduce_max3A_344 = tpu.scan <max>, %reduce_max3A_343 masked %reduce_max3A_340 : vector<16xi32>, vector<16xi1> -> vector<16xi32>
      %reduce_max3A_345 = arith.xori %reduce_max3A_344, %reduce_max3A_342 : vector<16xi32>
      %reduce_max3A_346 = vector.extract %reduce_max3A_345[15] : i32 from vector<16xi32>
      %add3A_347 = arith.addi %min3A_319, %reduce_max3A_346 : i32
      %min3A_348 = arith.constant 304 : i32
      %min3A_349 = arith.minsi %add3A_347, %min3A_348 : i32
      scf.yield %min3A_349 : i32
    }
    %scan3A_78 = arith.constant 128 : i32
    %add3A_79 = arith.constant 16 : i32
    %add3A_80 = arith.addi %scan3A_77, %add3A_79 : i32
    %sub3A_81 = arith.constant 1 : i32
    %sub3A_82 = arith.subi %add3A_80, %sub3A_81 : i32
    %jit3A = arith.constant 16 : i32
    %div3A = arith.divsi %sub3A_82, %jit3A : i32
    %sign3A = arith.constant 0 : i32
    %sign3A_83 = arith.cmpi sgt, %sub3A_82, %sign3A : i32
    %sign3A_84 = arith.extui %sign3A_83 : i1 to i32
    %sign3A_85 = arith.constant 0 : i32
    %sign3A_86 = arith.cmpi slt, %sub3A_82, %sign3A_85 : i32
    %sign3A_87 = arith.extui %sign3A_86 : i1 to i32
    %sign3A_88 = arith.subi %sign3A_84, %sign3A_87 : i32
    %sign3A_89 = arith.constant 0 : i32
    %sign3A_90 = arith.cmpi sgt, %jit3A, %sign3A_89 : i32
    %sign3A_91 = arith.extui %sign3A_90 : i1 to i32
    %sign3A_92 = arith.constant 0 : i32
    %sign3A_93 = arith.cmpi slt, %jit3A, %sign3A_92 : i32
    %sign3A_94 = arith.extui %sign3A_93 : i1 to i32
    %sign3A_95 = arith.subi %sign3A_91, %sign3A_94 : i32
    %ne3A = arith.cmpi ne, %sign3A_88, %sign3A_95 : i32
    %rem3A = arith.remsi %sub3A_82, %jit3A : i32
    %ne3A_96 = arith.constant 0 : i32
    %ne3A_97 = arith.cmpi ne, %rem3A, %ne3A_96 : i32
    %and3A_98 = arith.andi %ne3A, %ne3A_97 : i1
    %sub3A_99 = arith.constant 1 : i32
    %sub3A_100 = arith.subi %div3A, %sub3A_99 : i32
    %select_n3A = arith.select %and3A_98, %sub3A_100, %div3A : i32
    %min3A = arith.constant 20 : i32
    %min3A_101 = arith.minsi %select_n3A, %min3A : i32
    %while3A = arith.constant 0 : i32
    %while3A_102 = arith.constant 0 : i32
    %while3A_103 = arith.subi %min3A_101, %while3A : i32
    %while3A_104 = arith.addi %while3A, %while3A_103 : i32
    %while3A_105 = arith.constant 1 : i32
    %while3A_106 = arith.divsi %while3A_103, %while3A_105 : i32
    %while3A_107 = arith.muli %while3A_106, %while3A_105 : i32
    %while3A_108 = arith.addi %while3A, %while3A_107 : i32
    %while3A_109 = arith.constant 1 : i32
    %while3A_110 = scf.for %while3A_293 = %while3A to %while3A_108 step %while3A_109 iter_args(%while3A_294 = %while3A_102) -> (i32)  : i32 {
      %mul3A_295 = arith.constant 16 : i32
      %mul3A_296 = arith.muli %while3A_293, %mul3A_295 : i32
      %get3A = arith.index_cast %mul3A_296 : i32 to index
      %get3A_297 = tpu.vector_load %arg8[%get3A] {strides = array<i32>} : memref<320xi32, #tpu.memory_space<vmem>>, vector<16xi32>,
      %mul3A_298 = arith.constant 16 : i32
      %mul3A_299 = arith.muli %while3A_293, %mul3A_298 : i32
      %get3A_300 = arith.index_cast %mul3A_299 : i32 to index
      %get3A_301 = tpu.vector_load %arg9[%get3A_300] {strides = array<i32>} : memref<320xi32, #tpu.memory_space<vmem>>, vector<16xi32>,
      %masked_sort3A = arith.constant dense<true> : vector<16xi1>
      %masked_sort3A_302 = arith.constant -2147483648 : i32
      %masked_sort3A_303 = vector.broadcast %masked_sort3A_302 : i32 to vector<16xi32>
      %masked_sort3A_304 = arith.xori %get3A_297, %masked_sort3A_303 : vector<16xi32>
      %masked_sort3A_305, %masked_sort3A_306, %masked_sort3A_307 = tpu.sort %masked_sort3A_304, %get3A_301 masked %masked_sort3A {descending = true} : (vector<16xi32>, vector<16xi32>, vector<16xi1>) -> (vector<16xi1>, vector<16xi32>, vector<16xi32>)
      %masked_sort3A_308 = arith.xori %masked_sort3A_306, %masked_sort3A_303 : vector<16xi32>
      %mul3A_309 = arith.constant 16 : i32
      %mul3A_310 = arith.muli %while3A_293, %mul3A_309 : i32
      %swap3A = arith.index_cast %mul3A_310 : i32 to index
      %swap3A_311 = tpu.vector_load %arg8[%swap3A] {strides = array<i32>} : memref<320xi32, #tpu.memory_space<vmem>>, vector<16xi32>,
      tpu.vector_store %arg8[%swap3A], %masked_sort3A_308 {strides = array<i32>} : memref<320xi32, #tpu.memory_space<vmem>>, vector<16xi32>,
      %mul3A_312 = arith.constant 16 : i32
      %mul3A_313 = arith.muli %while3A_293, %mul3A_312 : i32
      %swap3A_314 = arith.index_cast %mul3A_313 : i32 to index
      %swap3A_315 = tpu.vector_load %arg9[%swap3A_314] {strides = array<i32>} : memref<320xi32, #tpu.memory_space<vmem>>, vector<16xi32>,
      tpu.vector_store %arg9[%swap3A_314], %masked_sort3A_307 {strides = array<i32>} : memref<320xi32, #tpu.memory_space<vmem>>, vector<16xi32>,
      %while3A_316 = arith.constant 0 : i32
      scf.yield %while3A_316 : i32
    }
    %while3A_111 = arith.constant 1 : i32
    %while3A_112 = scf.for %while3A_293 = %while3A_108 to %while3A_104 step %while3A_111 iter_args(%while3A_294 = %while3A_110) -> (i32)  : i32 {
      %mul3A_295 = arith.constant 16 : i32
      %mul3A_296 = arith.muli %while3A_293, %mul3A_295 : i32
      %get3A = arith.index_cast %mul3A_296 : i32 to index
      %get3A_297 = tpu.vector_load %arg8[%get3A] {strides = array<i32>} : memref<320xi32, #tpu.memory_space<vmem>>, vector<16xi32>,
      %mul3A_298 = arith.constant 16 : i32
      %mul3A_299 = arith.muli %while3A_293, %mul3A_298 : i32
      %get3A_300 = arith.index_cast %mul3A_299 : i32 to index
      %get3A_301 = tpu.vector_load %arg9[%get3A_300] {strides = array<i32>} : memref<320xi32, #tpu.memory_space<vmem>>, vector<16xi32>,
      %masked_sort3A = arith.constant dense<true> : vector<16xi1>
      %masked_sort3A_302 = arith.constant -2147483648 : i32
      %masked_sort3A_303 = vector.broadcast %masked_sort3A_302 : i32 to vector<16xi32>
      %masked_sort3A_304 = arith.xori %get3A_297, %masked_sort3A_303 : vector<16xi32>
      %masked_sort3A_305, %masked_sort3A_306, %masked_sort3A_307 = tpu.sort %masked_sort3A_304, %get3A_301 masked %masked_sort3A {descending = true} : (vector<16xi32>, vector<16xi32>, vector<16xi1>) -> (vector<16xi1>, vector<16xi32>, vector<16xi32>)
      %masked_sort3A_308 = arith.xori %masked_sort3A_306, %masked_sort3A_303 : vector<16xi32>
      %mul3A_309 = arith.constant 16 : i32
      %mul3A_310 = arith.muli %while3A_293, %mul3A_309 : i32
      %swap3A = arith.index_cast %mul3A_310 : i32 to index
      %swap3A_311 = tpu.vector_load %arg8[%swap3A] {strides = array<i32>} : memref<320xi32, #tpu.memory_space<vmem>>, vector<16xi32>,
      tpu.vector_store %arg8[%swap3A], %masked_sort3A_308 {strides = array<i32>} : memref<320xi32, #tpu.memory_space<vmem>>, vector<16xi32>,
      %mul3A_312 = arith.constant 16 : i32
      %mul3A_313 = arith.muli %while3A_293, %mul3A_312 : i32
      %swap3A_314 = arith.index_cast %mul3A_313 : i32 to index
      %swap3A_315 = tpu.vector_load %arg9[%swap3A_314] {strides = array<i32>} : memref<320xi32, #tpu.memory_space<vmem>>, vector<16xi32>,
      tpu.vector_store %arg9[%swap3A_314], %masked_sort3A_307 {strides = array<i32>} : memref<320xi32, #tpu.memory_space<vmem>>, vector<16xi32>,
      %while3A_316 = arith.constant 0 : i32
      scf.yield %while3A_316 : i32
    }
    %while3A_113 = arith.constant 0 : i32
    %while3A_114 = arith.constant 0 : i32
    %while3A_115 = arith.subi %min3A_101, %while3A_113 : i32
    %while3A_116 = arith.addi %while3A_113, %while3A_115 : i32
    %while3A_117 = arith.constant 1 : i32
    %while3A_118 = arith.divsi %while3A_115, %while3A_117 : i32
    %while3A_119 = arith.muli %while3A_118, %while3A_117 : i32
    %while3A_120 = arith.addi %while3A_113, %while3A_119 : i32
    %while3A_121 = arith.constant 1 : i32
    %while3A_122 = scf.for %while3A_293 = %while3A_113 to %while3A_120 step %while3A_121 iter_args(%while3A_294 = %while3A_114) -> (i32)  : i32 {
      %jit3A_295 = arith.constant 2 : i32
      %eq3A = arith.constant 0 : i32
      %eq3A_296 = arith.cmpi eq, %jit3A_295, %eq3A : i32
      %jit3A_297 = arith.constant 1 : i32
      %select_n3A_298 = arith.select %eq3A_296, %jit3A_297, %jit3A_295 : i32
      %rem3A_299 = arith.remsi %while3A_293, %select_n3A_298 : i32
      %ne3A_300 = arith.constant 0 : i32
      %ne3A_301 = arith.cmpi ne, %rem3A_299, %ne3A_300 : i32
      %lt3A = arith.constant 0 : i32
      %lt3A_302 = arith.cmpi slt, %rem3A_299, %lt3A : i32
      %lt3A_303 = arith.constant 0 : i32
      %lt3A_304 = arith.cmpi slt, %select_n3A_298, %lt3A_303 : i32
      %ne3A_305 = arith.xori %lt3A_302, %lt3A_304 : i1
      %and3A_306 = arith.andi %ne3A_305, %ne3A_301 : i1
      %add3A_307 = arith.addi %rem3A_299, %select_n3A_298 : i32
      %select_n3A_308 = arith.select %and3A_306, %add3A_307, %rem3A_299 : i32
      %sub3A_309 = arith.subi %min3A_101, %select_n3A_308 : i32
      %jit3A_310 = arith.constant 2 : i32
      %div3A_311 = arith.divsi %sub3A_309, %jit3A_310 : i32
      %sign3A_312 = arith.constant 0 : i32
      %sign3A_313 = arith.cmpi sgt, %sub3A_309, %sign3A_312 : i32
      %sign3A_314 = arith.extui %sign3A_313 : i1 to i32
      %sign3A_315 = arith.constant 0 : i32
      %sign3A_316 = arith.cmpi slt, %sub3A_309, %sign3A_315 : i32
      %sign3A_317 = arith.extui %sign3A_316 : i1 to i32
      %sign3A_318 = arith.subi %sign3A_314, %sign3A_317 : i32
      %sign3A_319 = arith.constant 0 : i32
      %sign3A_320 = arith.cmpi sgt, %jit3A_310, %sign3A_319 : i32
      %sign3A_321 = arith.extui %sign3A_320 : i1 to i32
      %sign3A_322 = arith.constant 0 : i32
      %sign3A_323 = arith.cmpi slt, %jit3A_310, %sign3A_322 : i32
      %sign3A_324 = arith.extui %sign3A_323 : i1 to i32
      %sign3A_325 = arith.subi %sign3A_321, %sign3A_324 : i32
      %ne3A_326 = arith.cmpi ne, %sign3A_318, %sign3A_325 : i32
      %rem3A_327 = arith.remsi %sub3A_309, %jit3A_310 : i32
      %ne3A_328 = arith.constant 0 : i32
      %ne3A_329 = arith.cmpi ne, %rem3A_327, %ne3A_328 : i32
      %and3A_330 = arith.andi %ne3A_326, %ne3A_329 : i1
      %sub3A_331 = arith.constant 1 : i32
      %sub3A_332 = arith.subi %div3A_311, %sub3A_331 : i32
      %select_n3A_333 = arith.select %and3A_330, %sub3A_332, %div3A_311 : i32
      %while3A_334 = arith.constant 0 : i32
      %while3A_335 = arith.constant 0 : i32
      %while3A_336 = arith.subi %select_n3A_333, %while3A_334 : i32
      %while3A_337 = arith.addi %while3A_334, %while3A_336 : i32
      %while3A_338 = arith.constant 1 : i32
      %while3A_339 = arith.divsi %while3A_336, %while3A_338 : i32
      %while3A_340 = arith.muli %while3A_339, %while3A_338 : i32
      %while3A_341 = arith.addi %while3A_334, %while3A_340 : i32
      %while3A_342 = arith.constant 1 : i32
      %while3A_343 = scf.for %while3A_347 = %while3A_334 to %while3A_341 step %while3A_342 iter_args(%while3A_348 = %while3A_335) -> (i32)  : i32 {
        %mul3A_349 = arith.constant 2 : i32
        %mul3A_350 = arith.muli %mul3A_349, %while3A_347 : i32
        %add3A_351 = arith.addi %select_n3A_308, %mul3A_350 : i32
        %mul3A_352 = arith.constant 16 : i32
        %mul3A_353 = arith.muli %add3A_351, %mul3A_352 : i32
        %add3A_354 = arith.constant 16 : i32
        %add3A_355 = arith.addi %mul3A_353, %add3A_354 : i32
        %get3A = arith.index_cast %mul3A_353 : i32 to index
        %get3A_356 = tpu.vector_load %arg8[%get3A] {strides = array<i32>} : memref<320xi32, #tpu.memory_space<vmem>>, vector<16xi32>,
        %get3A_357 = arith.index_cast %mul3A_353 : i32 to index
        %get3A_358 = tpu.vector_load %arg9[%get3A_357] {strides = array<i32>} : memref<320xi32, #tpu.memory_space<vmem>>, vector<16xi32>,
        %get3A_359 = arith.index_cast %add3A_355 : i32 to index
        %get3A_360 = tpu.vector_load %arg8[%get3A_359] {strides = array<i32>} : memref<320xi32, #tpu.memory_space<vmem>>, vector<16xi32>,
        %rev3A = arith.constant 15 : i32
        %rev3A_361 = vector.broadcast %rev3A : i32 to vector<16xi32>
        %rev3A_362 = tpu.iota {dimensions = array<i32: 0>} : vector<16xi32>
        %rev3A_363 = arith.subi %rev3A_361, %rev3A_362 : vector<16xi32>
        %rev3A_364 = tpu.dynamic_gather %get3A_360[%rev3A_363] in [0] : vector<16xi32>, vector<16xi32> -> vector<16xi32>
        %get3A_365 = arith.index_cast %add3A_355 : i32 to index
        %get3A_366 = tpu.vector_load %arg9[%get3A_365] {strides = array<i32>} : memref<320xi32, #tpu.memory_space<vmem>>, vector<16xi32>,
        %rev3A_367 = arith.constant 15 : i32
        %rev3A_368 = vector.broadcast %rev3A_367 : i32 to vector<16xi32>
        %rev3A_369 = tpu.iota {dimensions = array<i32: 0>} : vector<16xi32>
        %rev3A_370 = arith.subi %rev3A_368, %rev3A_369 : vector<16xi32>
        %rev3A_371 = tpu.dynamic_gather %get3A_366[%rev3A_370] in [0] : vector<16xi32>, vector<16xi32> -> vector<16xi32>
        %ge3A = arith.cmpi sge, %get3A_356, %rev3A_364 : vector<16xi32>
        %select_n3A_372 = arith.select %ge3A, %get3A_356, %rev3A_364 : vector<16xi1>, vector<16xi32>
        %select_n3A_373 = arith.select %ge3A, %get3A_358, %rev3A_371 : vector<16xi1>, vector<16xi32>
        %select_n3A_374 = arith.select %ge3A, %rev3A_364, %get3A_356 : vector<16xi1>, vector<16xi32>
        %select_n3A_375 = arith.select %ge3A, %rev3A_371, %get3A_358 : vector<16xi1>, vector<16xi32>
        %masked_sort3A = arith.constant dense<true> : vector<16xi1>
        %masked_sort3A_376 = arith.constant -2147483648 : i32
        %masked_sort3A_377 = vector.broadcast %masked_sort3A_376 : i32 to vector<16xi32>
        %masked_sort3A_378 = arith.xori %select_n3A_372, %masked_sort3A_377 : vector<16xi32>
        %masked_sort3A_379, %masked_sort3A_380, %masked_sort3A_381 = tpu.sort %masked_sort3A_378, %select_n3A_373 masked %masked_sort3A {descending = true} : (vector<16xi32>, vector<16xi32>, vector<16xi1>) -> (vector<16xi1>, vector<16xi32>, vector<16xi32>)
        %masked_sort3A_382 = arith.xori %masked_sort3A_380, %masked_sort3A_377 : vector<16xi32>
        %masked_sort3A_383 = arith.constant dense<true> : vector<16xi1>
        %masked_sort3A_384 = arith.constant -2147483648 : i32
        %masked_sort3A_385 = vector.broadcast %masked_sort3A_384 : i32 to vector<16xi32>
        %masked_sort3A_386 = arith.xori %select_n3A_374, %masked_sort3A_385 : vector<16xi32>
        %masked_sort3A_387, %masked_sort3A_388, %masked_sort3A_389 = tpu.sort %masked_sort3A_386, %select_n3A_375 masked %masked_sort3A_383 {descending = true} : (vector<16xi32>, vector<16xi32>, vector<16xi1>) -> (vector<16xi1>, vector<16xi32>, vector<16xi32>)
        %masked_sort3A_390 = arith.xori %masked_sort3A_388, %masked_sort3A_385 : vector<16xi32>
        %swap3A = arith.index_cast %mul3A_353 : i32 to index
        %swap3A_391 = tpu.vector_load %arg8[%swap3A] {strides = array<i32>} : memref<320xi32, #tpu.memory_space<vmem>>, vector<16xi32>,
        tpu.vector_store %arg8[%swap3A], %masked_sort3A_382 {strides = array<i32>} : memref<320xi32, #tpu.memory_space<vmem>>, vector<16xi32>,
        %swap3A_392 = arith.index_cast %mul3A_353 : i32 to index
        %swap3A_393 = tpu.vector_load %arg9[%swap3A_392] {strides = array<i32>} : memref<320xi32, #tpu.memory_space<vmem>>, vector<16xi32>,
        tpu.vector_store %arg9[%swap3A_392], %masked_sort3A_381 {strides = array<i32>} : memref<320xi32, #tpu.memory_space<vmem>>, vector<16xi32>,
        %swap3A_394 = arith.index_cast %add3A_355 : i32 to index
        %swap3A_395 = tpu.vector_load %arg8[%swap3A_394] {strides = array<i32>} : memref<320xi32, #tpu.memory_space<vmem>>, vector<16xi32>,
        tpu.vector_store %arg8[%swap3A_394], %masked_sort3A_390 {strides = array<i32>} : memref<320xi32, #tpu.memory_space<vmem>>, vector<16xi32>,
        %swap3A_396 = arith.index_cast %add3A_355 : i32 to index
        %swap3A_397 = tpu.vector_load %arg9[%swap3A_396] {strides = array<i32>} : memref<320xi32, #tpu.memory_space<vmem>>, vector<16xi32>,
        tpu.vector_store %arg9[%swap3A_396], %masked_sort3A_389 {strides = array<i32>} : memref<320xi32, #tpu.memory_space<vmem>>, vector<16xi32>,
        %while3A_398 = arith.constant 0 : i32
        scf.yield %while3A_398 : i32
      }
      %while3A_344 = arith.constant 1 : i32
      %while3A_345 = scf.for %while3A_347 = %while3A_341 to %while3A_337 step %while3A_344 iter_args(%while3A_348 = %while3A_343) -> (i32)  : i32 {
        %mul3A_349 = arith.constant 2 : i32
        %mul3A_350 = arith.muli %mul3A_349, %while3A_347 : i32
        %add3A_351 = arith.addi %select_n3A_308, %mul3A_350 : i32
        %mul3A_352 = arith.constant 16 : i32
        %mul3A_353 = arith.muli %add3A_351, %mul3A_352 : i32
        %add3A_354 = arith.constant 16 : i32
        %add3A_355 = arith.addi %mul3A_353, %add3A_354 : i32
        %get3A = arith.index_cast %mul3A_353 : i32 to index
        %get3A_356 = tpu.vector_load %arg8[%get3A] {strides = array<i32>} : memref<320xi32, #tpu.memory_space<vmem>>, vector<16xi32>,
        %get3A_357 = arith.index_cast %mul3A_353 : i32 to index
        %get3A_358 = tpu.vector_load %arg9[%get3A_357] {strides = array<i32>} : memref<320xi32, #tpu.memory_space<vmem>>, vector<16xi32>,
        %get3A_359 = arith.index_cast %add3A_355 : i32 to index
        %get3A_360 = tpu.vector_load %arg8[%get3A_359] {strides = array<i32>} : memref<320xi32, #tpu.memory_space<vmem>>, vector<16xi32>,
        %rev3A = arith.constant 15 : i32
        %rev3A_361 = vector.broadcast %rev3A : i32 to vector<16xi32>
        %rev3A_362 = tpu.iota {dimensions = array<i32: 0>} : vector<16xi32>
        %rev3A_363 = arith.subi %rev3A_361, %rev3A_362 : vector<16xi32>
        %rev3A_364 = tpu.dynamic_gather %get3A_360[%rev3A_363] in [0] : vector<16xi32>, vector<16xi32> -> vector<16xi32>
        %get3A_365 = arith.index_cast %add3A_355 : i32 to index
        %get3A_366 = tpu.vector_load %arg9[%get3A_365] {strides = array<i32>} : memref<320xi32, #tpu.memory_space<vmem>>, vector<16xi32>,
        %rev3A_367 = arith.constant 15 : i32
        %rev3A_368 = vector.broadcast %rev3A_367 : i32 to vector<16xi32>
        %rev3A_369 = tpu.iota {dimensions = array<i32: 0>} : vector<16xi32>
        %rev3A_370 = arith.subi %rev3A_368, %rev3A_369 : vector<16xi32>
        %rev3A_371 = tpu.dynamic_gather %get3A_366[%rev3A_370] in [0] : vector<16xi32>, vector<16xi32> -> vector<16xi32>
        %ge3A = arith.cmpi sge, %get3A_356, %rev3A_364 : vector<16xi32>
        %select_n3A_372 = arith.select %ge3A, %get3A_356, %rev3A_364 : vector<16xi1>, vector<16xi32>
        %select_n3A_373 = arith.select %ge3A, %get3A_358, %rev3A_371 : vector<16xi1>, vector<16xi32>
        %select_n3A_374 = arith.select %ge3A, %rev3A_364, %get3A_356 : vector<16xi1>, vector<16xi32>
        %select_n3A_375 = arith.select %ge3A, %rev3A_371, %get3A_358 : vector<16xi1>, vector<16xi32>
        %masked_sort3A = arith.constant dense<true> : vector<16xi1>
        %masked_sort3A_376 = arith.constant -2147483648 : i32
        %masked_sort3A_377 = vector.broadcast %masked_sort3A_376 : i32 to vector<16xi32>
        %masked_sort3A_378 = arith.xori %select_n3A_372, %masked_sort3A_377 : vector<16xi32>
        %masked_sort3A_379, %masked_sort3A_380, %masked_sort3A_381 = tpu.sort %masked_sort3A_378, %select_n3A_373 masked %masked_sort3A {descending = true} : (vector<16xi32>, vector<16xi32>, vector<16xi1>) -> (vector<16xi1>, vector<16xi32>, vector<16xi32>)
        %masked_sort3A_382 = arith.xori %masked_sort3A_380, %masked_sort3A_377 : vector<16xi32>
        %masked_sort3A_383 = arith.constant dense<true> : vector<16xi1>
        %masked_sort3A_384 = arith.constant -2147483648 : i32
        %masked_sort3A_385 = vector.broadcast %masked_sort3A_384 : i32 to vector<16xi32>
        %masked_sort3A_386 = arith.xori %select_n3A_374, %masked_sort3A_385 : vector<16xi32>
        %masked_sort3A_387, %masked_sort3A_388, %masked_sort3A_389 = tpu.sort %masked_sort3A_386, %select_n3A_375 masked %masked_sort3A_383 {descending = true} : (vector<16xi32>, vector<16xi32>, vector<16xi1>) -> (vector<16xi1>, vector<16xi32>, vector<16xi32>)
        %masked_sort3A_390 = arith.xori %masked_sort3A_388, %masked_sort3A_385 : vector<16xi32>
        %swap3A = arith.index_cast %mul3A_353 : i32 to index
        %swap3A_391 = tpu.vector_load %arg8[%swap3A] {strides = array<i32>} : memref<320xi32, #tpu.memory_space<vmem>>, vector<16xi32>,
        tpu.vector_store %arg8[%swap3A], %masked_sort3A_382 {strides = array<i32>} : memref<320xi32, #tpu.memory_space<vmem>>, vector<16xi32>,
        %swap3A_392 = arith.index_cast %mul3A_353 : i32 to index
        %swap3A_393 = tpu.vector_load %arg9[%swap3A_392] {strides = array<i32>} : memref<320xi32, #tpu.memory_space<vmem>>, vector<16xi32>,
        tpu.vector_store %arg9[%swap3A_392], %masked_sort3A_381 {strides = array<i32>} : memref<320xi32, #tpu.memory_space<vmem>>, vector<16xi32>,
        %swap3A_394 = arith.index_cast %add3A_355 : i32 to index
        %swap3A_395 = tpu.vector_load %arg8[%swap3A_394] {strides = array<i32>} : memref<320xi32, #tpu.memory_space<vmem>>, vector<16xi32>,
        tpu.vector_store %arg8[%swap3A_394], %masked_sort3A_390 {strides = array<i32>} : memref<320xi32, #tpu.memory_space<vmem>>, vector<16xi32>,
        %swap3A_396 = arith.index_cast %add3A_355 : i32 to index
        %swap3A_397 = tpu.vector_load %arg9[%swap3A_396] {strides = array<i32>} : memref<320xi32, #tpu.memory_space<vmem>>, vector<16xi32>,
        tpu.vector_store %arg9[%swap3A_396], %masked_sort3A_389 {strides = array<i32>} : memref<320xi32, #tpu.memory_space<vmem>>, vector<16xi32>,
        %while3A_398 = arith.constant 0 : i32
        scf.yield %while3A_398 : i32
      }
      %while3A_346 = arith.constant 0 : i32
      scf.yield %while3A_346 : i32
    }
    %while3A_123 = arith.constant 1 : i32
    %while3A_124 = scf.for %while3A_293 = %while3A_120 to %while3A_116 step %while3A_123 iter_args(%while3A_294 = %while3A_122) -> (i32)  : i32 {
      %jit3A_295 = arith.constant 2 : i32
      %eq3A = arith.constant 0 : i32
      %eq3A_296 = arith.cmpi eq, %jit3A_295, %eq3A : i32
      %jit3A_297 = arith.constant 1 : i32
      %select_n3A_298 = arith.select %eq3A_296, %jit3A_297, %jit3A_295 : i32
      %rem3A_299 = arith.remsi %while3A_293, %select_n3A_298 : i32
      %ne3A_300 = arith.constant 0 : i32
      %ne3A_301 = arith.cmpi ne, %rem3A_299, %ne3A_300 : i32
      %lt3A = arith.constant 0 : i32
      %lt3A_302 = arith.cmpi slt, %rem3A_299, %lt3A : i32
      %lt3A_303 = arith.constant 0 : i32
      %lt3A_304 = arith.cmpi slt, %select_n3A_298, %lt3A_303 : i32
      %ne3A_305 = arith.xori %lt3A_302, %lt3A_304 : i1
      %and3A_306 = arith.andi %ne3A_305, %ne3A_301 : i1
      %add3A_307 = arith.addi %rem3A_299, %select_n3A_298 : i32
      %select_n3A_308 = arith.select %and3A_306, %add3A_307, %rem3A_299 : i32
      %sub3A_309 = arith.subi %min3A_101, %select_n3A_308 : i32
      %jit3A_310 = arith.constant 2 : i32
      %div3A_311 = arith.divsi %sub3A_309, %jit3A_310 : i32
      %sign3A_312 = arith.constant 0 : i32
      %sign3A_313 = arith.cmpi sgt, %sub3A_309, %sign3A_312 : i32
      %sign3A_314 = arith.extui %sign3A_313 : i1 to i32
      %sign3A_315 = arith.constant 0 : i32
      %sign3A_316 = arith.cmpi slt, %sub3A_309, %sign3A_315 : i32
      %sign3A_317 = arith.extui %sign3A_316 : i1 to i32
      %sign3A_318 = arith.subi %sign3A_314, %sign3A_317 : i32
      %sign3A_319 = arith.constant 0 : i32
      %sign3A_320 = arith.cmpi sgt, %jit3A_310, %sign3A_319 : i32
      %sign3A_321 = arith.extui %sign3A_320 : i1 to i32
      %sign3A_322 = arith.constant 0 : i32
      %sign3A_323 = arith.cmpi slt, %jit3A_310, %sign3A_322 : i32
      %sign3A_324 = arith.extui %sign3A_323 : i1 to i32
      %sign3A_325 = arith.subi %sign3A_321, %sign3A_324 : i32
      %ne3A_326 = arith.cmpi ne, %sign3A_318, %sign3A_325 : i32
      %rem3A_327 = arith.remsi %sub3A_309, %jit3A_310 : i32
      %ne3A_328 = arith.constant 0 : i32
      %ne3A_329 = arith.cmpi ne, %rem3A_327, %ne3A_328 : i32
      %and3A_330 = arith.andi %ne3A_326, %ne3A_329 : i1
      %sub3A_331 = arith.constant 1 : i32
      %sub3A_332 = arith.subi %div3A_311, %sub3A_331 : i32
      %select_n3A_333 = arith.select %and3A_330, %sub3A_332, %div3A_311 : i32
      %while3A_334 = arith.constant 0 : i32
      %while3A_335 = arith.constant 0 : i32
      %while3A_336 = arith.subi %select_n3A_333, %while3A_334 : i32
      %while3A_337 = arith.addi %while3A_334, %while3A_336 : i32
      %while3A_338 = arith.constant 1 : i32
      %while3A_339 = arith.divsi %while3A_336, %while3A_338 : i32
      %while3A_340 = arith.muli %while3A_339, %while3A_338 : i32
      %while3A_341 = arith.addi %while3A_334, %while3A_340 : i32
      %while3A_342 = arith.constant 1 : i32
      %while3A_343 = scf.for %while3A_347 = %while3A_334 to %while3A_341 step %while3A_342 iter_args(%while3A_348 = %while3A_335) -> (i32)  : i32 {
        %mul3A_349 = arith.constant 2 : i32
        %mul3A_350 = arith.muli %mul3A_349, %while3A_347 : i32
        %add3A_351 = arith.addi %select_n3A_308, %mul3A_350 : i32
        %mul3A_352 = arith.constant 16 : i32
        %mul3A_353 = arith.muli %add3A_351, %mul3A_352 : i32
        %add3A_354 = arith.constant 16 : i32
        %add3A_355 = arith.addi %mul3A_353, %add3A_354 : i32
        %get3A = arith.index_cast %mul3A_353 : i32 to index
        %get3A_356 = tpu.vector_load %arg8[%get3A] {strides = array<i32>} : memref<320xi32, #tpu.memory_space<vmem>>, vector<16xi32>,
        %get3A_357 = arith.index_cast %mul3A_353 : i32 to index
        %get3A_358 = tpu.vector_load %arg9[%get3A_357] {strides = array<i32>} : memref<320xi32, #tpu.memory_space<vmem>>, vector<16xi32>,
        %get3A_359 = arith.index_cast %add3A_355 : i32 to index
        %get3A_360 = tpu.vector_load %arg8[%get3A_359] {strides = array<i32>} : memref<320xi32, #tpu.memory_space<vmem>>, vector<16xi32>,
        %rev3A = arith.constant 15 : i32
        %rev3A_361 = vector.broadcast %rev3A : i32 to vector<16xi32>
        %rev3A_362 = tpu.iota {dimensions = array<i32: 0>} : vector<16xi32>
        %rev3A_363 = arith.subi %rev3A_361, %rev3A_362 : vector<16xi32>
        %rev3A_364 = tpu.dynamic_gather %get3A_360[%rev3A_363] in [0] : vector<16xi32>, vector<16xi32> -> vector<16xi32>
        %get3A_365 = arith.index_cast %add3A_355 : i32 to index
        %get3A_366 = tpu.vector_load %arg9[%get3A_365] {strides = array<i32>} : memref<320xi32, #tpu.memory_space<vmem>>, vector<16xi32>,
        %rev3A_367 = arith.constant 15 : i32
        %rev3A_368 = vector.broadcast %rev3A_367 : i32 to vector<16xi32>
        %rev3A_369 = tpu.iota {dimensions = array<i32: 0>} : vector<16xi32>
        %rev3A_370 = arith.subi %rev3A_368, %rev3A_369 : vector<16xi32>
        %rev3A_371 = tpu.dynamic_gather %get3A_366[%rev3A_370] in [0] : vector<16xi32>, vector<16xi32> -> vector<16xi32>
        %ge3A = arith.cmpi sge, %get3A_356, %rev3A_364 : vector<16xi32>
        %select_n3A_372 = arith.select %ge3A, %get3A_356, %rev3A_364 : vector<16xi1>, vector<16xi32>
        %select_n3A_373 = arith.select %ge3A, %get3A_358, %rev3A_371 : vector<16xi1>, vector<16xi32>
        %select_n3A_374 = arith.select %ge3A, %rev3A_364, %get3A_356 : vector<16xi1>, vector<16xi32>
        %select_n3A_375 = arith.select %ge3A, %rev3A_371, %get3A_358 : vector<16xi1>, vector<16xi32>
        %masked_sort3A = arith.constant dense<true> : vector<16xi1>
        %masked_sort3A_376 = arith.constant -2147483648 : i32
        %masked_sort3A_377 = vector.broadcast %masked_sort3A_376 : i32 to vector<16xi32>
        %masked_sort3A_378 = arith.xori %select_n3A_372, %masked_sort3A_377 : vector<16xi32>
        %masked_sort3A_379, %masked_sort3A_380, %masked_sort3A_381 = tpu.sort %masked_sort3A_378, %select_n3A_373 masked %masked_sort3A {descending = true} : (vector<16xi32>, vector<16xi32>, vector<16xi1>) -> (vector<16xi1>, vector<16xi32>, vector<16xi32>)
        %masked_sort3A_382 = arith.xori %masked_sort3A_380, %masked_sort3A_377 : vector<16xi32>
        %masked_sort3A_383 = arith.constant dense<true> : vector<16xi1>
        %masked_sort3A_384 = arith.constant -2147483648 : i32
        %masked_sort3A_385 = vector.broadcast %masked_sort3A_384 : i32 to vector<16xi32>
        %masked_sort3A_386 = arith.xori %select_n3A_374, %masked_sort3A_385 : vector<16xi32>
        %masked_sort3A_387, %masked_sort3A_388, %masked_sort3A_389 = tpu.sort %masked_sort3A_386, %select_n3A_375 masked %masked_sort3A_383 {descending = true} : (vector<16xi32>, vector<16xi32>, vector<16xi1>) -> (vector<16xi1>, vector<16xi32>, vector<16xi32>)
        %masked_sort3A_390 = arith.xori %masked_sort3A_388, %masked_sort3A_385 : vector<16xi32>
        %swap3A = arith.index_cast %mul3A_353 : i32 to index
        %swap3A_391 = tpu.vector_load %arg8[%swap3A] {strides = array<i32>} : memref<320xi32, #tpu.memory_space<vmem>>, vector<16xi32>,
        tpu.vector_store %arg8[%swap3A], %masked_sort3A_382 {strides = array<i32>} : memref<320xi32, #tpu.memory_space<vmem>>, vector<16xi32>,
        %swap3A_392 = arith.index_cast %mul3A_353 : i32 to index
        %swap3A_393 = tpu.vector_load %arg9[%swap3A_392] {strides = array<i32>} : memref<320xi32, #tpu.memory_space<vmem>>, vector<16xi32>,
        tpu.vector_store %arg9[%swap3A_392], %masked_sort3A_381 {strides = array<i32>} : memref<320xi32, #tpu.memory_space<vmem>>, vector<16xi32>,
        %swap3A_394 = arith.index_cast %add3A_355 : i32 to index
        %swap3A_395 = tpu.vector_load %arg8[%swap3A_394] {strides = array<i32>} : memref<320xi32, #tpu.memory_space<vmem>>, vector<16xi32>,
        tpu.vector_store %arg8[%swap3A_394], %masked_sort3A_390 {strides = array<i32>} : memref<320xi32, #tpu.memory_space<vmem>>, vector<16xi32>,
        %swap3A_396 = arith.index_cast %add3A_355 : i32 to index
        %swap3A_397 = tpu.vector_load %arg9[%swap3A_396] {strides = array<i32>} : memref<320xi32, #tpu.memory_space<vmem>>, vector<16xi32>,
        tpu.vector_store %arg9[%swap3A_396], %masked_sort3A_389 {strides = array<i32>} : memref<320xi32, #tpu.memory_space<vmem>>, vector<16xi32>,
        %while3A_398 = arith.constant 0 : i32
        scf.yield %while3A_398 : i32
      }
      %while3A_344 = arith.constant 1 : i32
      %while3A_345 = scf.for %while3A_347 = %while3A_341 to %while3A_337 step %while3A_344 iter_args(%while3A_348 = %while3A_343) -> (i32)  : i32 {
        %mul3A_349 = arith.constant 2 : i32
        %mul3A_350 = arith.muli %mul3A_349, %while3A_347 : i32
        %add3A_351 = arith.addi %select_n3A_308, %mul3A_350 : i32
        %mul3A_352 = arith.constant 16 : i32
        %mul3A_353 = arith.muli %add3A_351, %mul3A_352 : i32
        %add3A_354 = arith.constant 16 : i32
        %add3A_355 = arith.addi %mul3A_353, %add3A_354 : i32
        %get3A = arith.index_cast %mul3A_353 : i32 to index
        %get3A_356 = tpu.vector_load %arg8[%get3A] {strides = array<i32>} : memref<320xi32, #tpu.memory_space<vmem>>, vector<16xi32>,
        %get3A_357 = arith.index_cast %mul3A_353 : i32 to index
        %get3A_358 = tpu.vector_load %arg9[%get3A_357] {strides = array<i32>} : memref<320xi32, #tpu.memory_space<vmem>>, vector<16xi32>,
        %get3A_359 = arith.index_cast %add3A_355 : i32 to index
        %get3A_360 = tpu.vector_load %arg8[%get3A_359] {strides = array<i32>} : memref<320xi32, #tpu.memory_space<vmem>>, vector<16xi32>,
        %rev3A = arith.constant 15 : i32
        %rev3A_361 = vector.broadcast %rev3A : i32 to vector<16xi32>
        %rev3A_362 = tpu.iota {dimensions = array<i32: 0>} : vector<16xi32>
        %rev3A_363 = arith.subi %rev3A_361, %rev3A_362 : vector<16xi32>
        %rev3A_364 = tpu.dynamic_gather %get3A_360[%rev3A_363] in [0] : vector<16xi32>, vector<16xi32> -> vector<16xi32>
        %get3A_365 = arith.index_cast %add3A_355 : i32 to index
        %get3A_366 = tpu.vector_load %arg9[%get3A_365] {strides = array<i32>} : memref<320xi32, #tpu.memory_space<vmem>>, vector<16xi32>,
        %rev3A_367 = arith.constant 15 : i32
        %rev3A_368 = vector.broadcast %rev3A_367 : i32 to vector<16xi32>
        %rev3A_369 = tpu.iota {dimensions = array<i32: 0>} : vector<16xi32>
        %rev3A_370 = arith.subi %rev3A_368, %rev3A_369 : vector<16xi32>
        %rev3A_371 = tpu.dynamic_gather %get3A_366[%rev3A_370] in [0] : vector<16xi32>, vector<16xi32> -> vector<16xi32>
        %ge3A = arith.cmpi sge, %get3A_356, %rev3A_364 : vector<16xi32>
        %select_n3A_372 = arith.select %ge3A, %get3A_356, %rev3A_364 : vector<16xi1>, vector<16xi32>
        %select_n3A_373 = arith.select %ge3A, %get3A_358, %rev3A_371 : vector<16xi1>, vector<16xi32>
        %select_n3A_374 = arith.select %ge3A, %rev3A_364, %get3A_356 : vector<16xi1>, vector<16xi32>
        %select_n3A_375 = arith.select %ge3A, %rev3A_371, %get3A_358 : vector<16xi1>, vector<16xi32>
        %masked_sort3A = arith.constant dense<true> : vector<16xi1>
        %masked_sort3A_376 = arith.constant -2147483648 : i32
        %masked_sort3A_377 = vector.broadcast %masked_sort3A_376 : i32 to vector<16xi32>
        %masked_sort3A_378 = arith.xori %select_n3A_372, %masked_sort3A_377 : vector<16xi32>
        %masked_sort3A_379, %masked_sort3A_380, %masked_sort3A_381 = tpu.sort %masked_sort3A_378, %select_n3A_373 masked %masked_sort3A {descending = true} : (vector<16xi32>, vector<16xi32>, vector<16xi1>) -> (vector<16xi1>, vector<16xi32>, vector<16xi32>)
        %masked_sort3A_382 = arith.xori %masked_sort3A_380, %masked_sort3A_377 : vector<16xi32>
        %masked_sort3A_383 = arith.constant dense<true> : vector<16xi1>
        %masked_sort3A_384 = arith.constant -2147483648 : i32
        %masked_sort3A_385 = vector.broadcast %masked_sort3A_384 : i32 to vector<16xi32>
        %masked_sort3A_386 = arith.xori %select_n3A_374, %masked_sort3A_385 : vector<16xi32>
        %masked_sort3A_387, %masked_sort3A_388, %masked_sort3A_389 = tpu.sort %masked_sort3A_386, %select_n3A_375 masked %masked_sort3A_383 {descending = true} : (vector<16xi32>, vector<16xi32>, vector<16xi1>) -> (vector<16xi1>, vector<16xi32>, vector<16xi32>)
        %masked_sort3A_390 = arith.xori %masked_sort3A_388, %masked_sort3A_385 : vector<16xi32>
        %swap3A = arith.index_cast %mul3A_353 : i32 to index
        %swap3A_391 = tpu.vector_load %arg8[%swap3A] {strides = array<i32>} : memref<320xi32, #tpu.memory_space<vmem>>, vector<16xi32>,
        tpu.vector_store %arg8[%swap3A], %masked_sort3A_382 {strides = array<i32>} : memref<320xi32, #tpu.memory_space<vmem>>, vector<16xi32>,
        %swap3A_392 = arith.index_cast %mul3A_353 : i32 to index
        %swap3A_393 = tpu.vector_load %arg9[%swap3A_392] {strides = array<i32>} : memref<320xi32, #tpu.memory_space<vmem>>, vector<16xi32>,
        tpu.vector_store %arg9[%swap3A_392], %masked_sort3A_381 {strides = array<i32>} : memref<320xi32, #tpu.memory_space<vmem>>, vector<16xi32>,
        %swap3A_394 = arith.index_cast %add3A_355 : i32 to index
        %swap3A_395 = tpu.vector_load %arg8[%swap3A_394] {strides = array<i32>} : memref<320xi32, #tpu.memory_space<vmem>>, vector<16xi32>,
        tpu.vector_store %arg8[%swap3A_394], %masked_sort3A_390 {strides = array<i32>} : memref<320xi32, #tpu.memory_space<vmem>>, vector<16xi32>,
        %swap3A_396 = arith.index_cast %add3A_355 : i32 to index
        %swap3A_397 = tpu.vector_load %arg9[%swap3A_396] {strides = array<i32>} : memref<320xi32, #tpu.memory_space<vmem>>, vector<16xi32>,
        tpu.vector_store %arg9[%swap3A_396], %masked_sort3A_389 {strides = array<i32>} : memref<320xi32, #tpu.memory_space<vmem>>, vector<16xi32>,
        %while3A_398 = arith.constant 0 : i32
        scf.yield %while3A_398 : i32
      }
      %while3A_346 = arith.constant 0 : i32
      scf.yield %while3A_346 : i32
    }
    %mul3A_125 = arith.constant 2 : i32
    %mul3A_126 = vector.broadcast %mul3A_125 : i32 to vector<16xi32>
    %mul3A_127 = arith.muli %iota3A, %mul3A_126 : vector<16xi32>
    %scan3A_128 = arith.constant 0 : i32
    %scan3A_129 = arith.constant 0 : i32
    %scan3A_130 = arith.constant 6 : i32
    %scan3A_131 = arith.addi %scan3A_129, %scan3A_130 : i32
    %scan3A_132 = arith.constant 1 : i32
    %scan3A_133 = scf.for %scan3A_293 = %scan3A_129 to %scan3A_131 step %scan3A_132 iter_args(%scan3A_294 = %scan3A_128) -> (i32)  : i32 {
      %jit3A_295 = arith.constant 2 : i32
      %eq3A = arith.constant 0 : i32
      %eq3A_296 = arith.cmpi eq, %jit3A_295, %eq3A : i32
      %jit3A_297 = arith.constant 1 : i32
      %select_n3A_298 = arith.select %eq3A_296, %jit3A_297, %jit3A_295 : i32
      %rem3A_299 = arith.remsi %scan3A_293, %select_n3A_298 : i32
      %ne3A_300 = arith.constant 0 : i32
      %ne3A_301 = arith.cmpi ne, %rem3A_299, %ne3A_300 : i32
      %lt3A = arith.constant 0 : i32
      %lt3A_302 = arith.cmpi slt, %rem3A_299, %lt3A : i32
      %lt3A_303 = arith.constant 0 : i32
      %lt3A_304 = arith.cmpi slt, %select_n3A_298, %lt3A_303 : i32
      %ne3A_305 = arith.xori %lt3A_302, %lt3A_304 : i1
      %and3A_306 = arith.andi %ne3A_305, %ne3A_301 : i1
      %add3A_307 = arith.addi %rem3A_299, %select_n3A_298 : i32
      %select_n3A_308 = arith.select %and3A_306, %add3A_307, %rem3A_299 : i32
      %scan3A_309 = arith.constant 0 : i32
      %scan3A_310 = arith.constant 0 : i32
      %scan3A_311 = arith.constant 5 : i32
      %scan3A_312 = arith.addi %scan3A_310, %scan3A_311 : i32
      %scan3A_313 = arith.constant 1 : i32
      %scan3A_314 = scf.for %scan3A_317 = %scan3A_310 to %scan3A_312 step %scan3A_313 iter_args(%scan3A_318 = %scan3A_309) -> (i32)  : i32 {
        %mul3A_319 = arith.constant 2 : i32
        %mul3A_320 = arith.muli %scan3A_317, %mul3A_319 : i32
        %add3A_321 = arith.constant 0 : i32
        %add3A_322 = arith.addi %mul3A_320, %add3A_321 : i32
        %mul3A_323 = arith.constant 32 : i32
        %mul3A_324 = arith.muli %add3A_322, %mul3A_323 : i32
        %add3A_325 = arith.addi %select_n3A_308, %mul3A_324 : i32
        %add3A_326 = vector.broadcast %add3A_325 : i32 to vector<16xi32>
        %add3A_327 = arith.addi %add3A_326, %mul3A_127 : vector<16xi32>
        %add3A_328 = arith.constant 1 : i32
        %add3A_329 = vector.broadcast %add3A_328 : i32 to vector<16xi32>
        %add3A_330 = arith.addi %add3A_327, %add3A_329 : vector<16xi32>
        %lt3A_331 = arith.constant 320 : i32
        %lt3A_332 = vector.broadcast %lt3A_331 : i32 to vector<16xi32>
        %lt3A_333 = arith.cmpi slt, %add3A_330, %lt3A_332 : vector<16xi32>
        %gather3A = tpu.vector_load_idx %arg8[%add3A_327] masked %lt3A_333 : memref<320xi32, #tpu.memory_space<vmem>>[vector<16xi32>], vector<16xi32>, vector<16xi1>
        %gather3A_334 = tpu.vector_load_idx %arg8[%add3A_330] masked %lt3A_333 : memref<320xi32, #tpu.memory_space<vmem>>[vector<16xi32>], vector<16xi32>, vector<16xi1>
        %gather3A_335 = tpu.vector_load_idx %arg9[%add3A_327] masked %lt3A_333 : memref<320xi32, #tpu.memory_space<vmem>>[vector<16xi32>], vector<16xi32>, vector<16xi1>
        %gather3A_336 = tpu.vector_load_idx %arg9[%add3A_330] masked %lt3A_333 : memref<320xi32, #tpu.memory_space<vmem>>[vector<16xi32>], vector<16xi32>, vector<16xi1>
        %eq3A_337 = arith.cmpi eq, %gather3A, %gather3A_334 : vector<16xi32>
        %and3A_338 = arith.andi %lt3A_333, %eq3A_337 : vector<16xi1>
        %gt3A = arith.cmpi sgt, %gather3A_335, %gather3A_336 : vector<16xi32>
        %and3A_339 = arith.andi %and3A_338, %gt3A : vector<16xi1>
        tpu.vector_store_idx %arg9[%add3A_327], %gather3A_336 masked %and3A_339 : memref<320xi32, #tpu.memory_space<vmem>>[vector<16xi32>], vector<16xi32>, vector<16xi1>
        tpu.vector_store_idx %arg9[%add3A_330], %gather3A_335 masked %and3A_339 : memref<320xi32, #tpu.memory_space<vmem>>[vector<16xi32>], vector<16xi32>, vector<16xi1>
        %mul3A_340 = arith.constant 2 : i32
        %mul3A_341 = arith.muli %scan3A_317, %mul3A_340 : i32
        %add3A_342 = arith.constant 1 : i32
        %add3A_343 = arith.addi %mul3A_341, %add3A_342 : i32
        %mul3A_344 = arith.constant 32 : i32
        %mul3A_345 = arith.muli %add3A_343, %mul3A_344 : i32
        %add3A_346 = arith.addi %select_n3A_308, %mul3A_345 : i32
        %add3A_347 = vector.broadcast %add3A_346 : i32 to vector<16xi32>
        %add3A_348 = arith.addi %add3A_347, %mul3A_127 : vector<16xi32>
        %add3A_349 = arith.constant 1 : i32
        %add3A_350 = vector.broadcast %add3A_349 : i32 to vector<16xi32>
        %add3A_351 = arith.addi %add3A_348, %add3A_350 : vector<16xi32>
        %lt3A_352 = arith.constant 320 : i32
        %lt3A_353 = vector.broadcast %lt3A_352 : i32 to vector<16xi32>
        %lt3A_354 = arith.cmpi slt, %add3A_351, %lt3A_353 : vector<16xi32>
        %gather3A_355 = tpu.vector_load_idx %arg8[%add3A_348] masked %lt3A_354 : memref<320xi32, #tpu.memory_space<vmem>>[vector<16xi32>], vector<16xi32>, vector<16xi1>
        %gather3A_356 = tpu.vector_load_idx %arg8[%add3A_351] masked %lt3A_354 : memref<320xi32, #tpu.memory_space<vmem>>[vector<16xi32>], vector<16xi32>, vector<16xi1>
        %gather3A_357 = tpu.vector_load_idx %arg9[%add3A_348] masked %lt3A_354 : memref<320xi32, #tpu.memory_space<vmem>>[vector<16xi32>], vector<16xi32>, vector<16xi1>
        %gather3A_358 = tpu.vector_load_idx %arg9[%add3A_351] masked %lt3A_354 : memref<320xi32, #tpu.memory_space<vmem>>[vector<16xi32>], vector<16xi32>, vector<16xi1>
        %eq3A_359 = arith.cmpi eq, %gather3A_355, %gather3A_356 : vector<16xi32>
        %and3A_360 = arith.andi %lt3A_354, %eq3A_359 : vector<16xi1>
        %gt3A_361 = arith.cmpi sgt, %gather3A_357, %gather3A_358 : vector<16xi32>
        %and3A_362 = arith.andi %and3A_360, %gt3A_361 : vector<16xi1>
        tpu.vector_store_idx %arg9[%add3A_348], %gather3A_358 masked %and3A_362 : memref<320xi32, #tpu.memory_space<vmem>>[vector<16xi32>], vector<16xi32>, vector<16xi1>
        tpu.vector_store_idx %arg9[%add3A_351], %gather3A_357 masked %and3A_362 : memref<320xi32, #tpu.memory_space<vmem>>[vector<16xi32>], vector<16xi32>, vector<16xi1>
        %scan3A_363 = arith.constant 0 : i32
        scf.yield %scan3A_363 : i32
      }
      %scan3A_315 = arith.constant 5 : i32
      %scan3A_316 = arith.constant 0 : i32
      scf.yield %scan3A_316 : i32
    }
    %scan3A_134 = arith.constant 6 : i32
    %scan3A_135 = arith.constant 0 : i32
    %scan3A_136 = arith.constant 0 : i32
    %scan3A_137 = arith.constant 4 : i32
    %scan3A_138 = arith.addi %scan3A_136, %scan3A_137 : i32
    %scan3A_139 = arith.constant 1 : i32
    %scan3A_140 = scf.for %scan3A_293 = %scan3A_136 to %scan3A_138 step %scan3A_139 iter_args(%scan3A_294 = %scan3A_135) -> (i32)  : i32 {
      %mul3A_295 = arith.constant 4 : i32
      %mul3A_296 = arith.muli %scan3A_293, %mul3A_295 : i32
      %add3A_297 = arith.constant 0 : i32
      %add3A_298 = arith.addi %mul3A_296, %add3A_297 : i32
      %mul3A_299 = arith.constant 16 : i32
      %mul3A_300 = arith.muli %add3A_298, %mul3A_299 : i32
      %get3A = arith.index_cast %mul3A_300 : i32 to index
      %get3A_301 = tpu.vector_load %arg8[%get3A] {strides = array<i32>} : memref<320xi32, #tpu.memory_space<vmem>>, vector<16xi32>,
      %gt3A = arith.constant -1060205081 : i32
      %gt3A_302 = vector.broadcast %gt3A : i32 to vector<16xi32>
      %gt3A_303 = arith.cmpi sgt, %get3A_301, %gt3A_302 : vector<16xi32>
      %jit3A_304 = arith.constant 1.000000e+00 : f32
      %jit3A_305 = arith.constant 0.000000e+00 : f32
      %broadcast_in_dim3A_306 = vector.broadcast %jit3A_304 : f32 to vector<16xf32>
      %broadcast_in_dim3A_307 = vector.broadcast %jit3A_305 : f32 to vector<16xf32>
      %select_n3A_308 = arith.select %gt3A_303, %broadcast_in_dim3A_306, %broadcast_in_dim3A_307 : vector<16xi1>, vector<16xf32>
      %mul3A_309 = arith.constant 4 : i32
      %mul3A_310 = arith.muli %scan3A_293, %mul3A_309 : i32
      %add3A_311 = arith.constant 0 : i32
      %add3A_312 = arith.addi %mul3A_310, %add3A_311 : i32
      %mul3A_313 = arith.constant 16 : i32
      %mul3A_314 = arith.muli %add3A_312, %mul3A_313 : i32
      %swap3A = arith.index_cast %mul3A_314 : i32 to index
      %swap3A_315 = tpu.vector_load %arg10[%swap3A] {strides = array<i32>} : memref<256xf32, #tpu.memory_space<vmem>>, vector<16xf32>,
      tpu.vector_store %arg10[%swap3A], %select_n3A_308 {strides = array<i32>} : memref<256xf32, #tpu.memory_space<vmem>>, vector<16xf32>,
      %mul3A_316 = arith.constant 4 : i32
      %mul3A_317 = arith.muli %scan3A_293, %mul3A_316 : i32
      %add3A_318 = arith.constant 1 : i32
      %add3A_319 = arith.addi %mul3A_317, %add3A_318 : i32
      %mul3A_320 = arith.constant 16 : i32
      %mul3A_321 = arith.muli %add3A_319, %mul3A_320 : i32
      %get3A_322 = arith.index_cast %mul3A_321 : i32 to index
      %get3A_323 = tpu.vector_load %arg8[%get3A_322] {strides = array<i32>} : memref<320xi32, #tpu.memory_space<vmem>>, vector<16xi32>,
      %gt3A_324 = arith.constant -1060205081 : i32
      %gt3A_325 = vector.broadcast %gt3A_324 : i32 to vector<16xi32>
      %gt3A_326 = arith.cmpi sgt, %get3A_323, %gt3A_325 : vector<16xi32>
      %jit3A_327 = arith.constant 1.000000e+00 : f32
      %jit3A_328 = arith.constant 0.000000e+00 : f32
      %broadcast_in_dim3A_329 = vector.broadcast %jit3A_327 : f32 to vector<16xf32>
      %broadcast_in_dim3A_330 = vector.broadcast %jit3A_328 : f32 to vector<16xf32>
      %select_n3A_331 = arith.select %gt3A_326, %broadcast_in_dim3A_329, %broadcast_in_dim3A_330 : vector<16xi1>, vector<16xf32>
      %mul3A_332 = arith.constant 4 : i32
      %mul3A_333 = arith.muli %scan3A_293, %mul3A_332 : i32
      %add3A_334 = arith.constant 1 : i32
      %add3A_335 = arith.addi %mul3A_333, %add3A_334 : i32
      %mul3A_336 = arith.constant 16 : i32
      %mul3A_337 = arith.muli %add3A_335, %mul3A_336 : i32
      %swap3A_338 = arith.index_cast %mul3A_337 : i32 to index
      %swap3A_339 = tpu.vector_load %arg10[%swap3A_338] {strides = array<i32>} : memref<256xf32, #tpu.memory_space<vmem>>, vector<16xf32>,
      tpu.vector_store %arg10[%swap3A_338], %select_n3A_331 {strides = array<i32>} : memref<256xf32, #tpu.memory_space<vmem>>, vector<16xf32>,
      %mul3A_340 = arith.constant 4 : i32
      %mul3A_341 = arith.muli %scan3A_293, %mul3A_340 : i32
      %add3A_342 = arith.constant 2 : i32
      %add3A_343 = arith.addi %mul3A_341, %add3A_342 : i32
      %mul3A_344 = arith.constant 16 : i32
      %mul3A_345 = arith.muli %add3A_343, %mul3A_344 : i32
      %get3A_346 = arith.index_cast %mul3A_345 : i32 to index
      %get3A_347 = tpu.vector_load %arg8[%get3A_346] {strides = array<i32>} : memref<320xi32, #tpu.memory_space<vmem>>, vector<16xi32>,
      %gt3A_348 = arith.constant -1060205081 : i32
      %gt3A_349 = vector.broadcast %gt3A_348 : i32 to vector<16xi32>
      %gt3A_350 = arith.cmpi sgt, %get3A_347, %gt3A_349 : vector<16xi32>
      %jit3A_351 = arith.constant 1.000000e+00 : f32
      %jit3A_352 = arith.constant 0.000000e+00 : f32
      %broadcast_in_dim3A_353 = vector.broadcast %jit3A_351 : f32 to vector<16xf32>
      %broadcast_in_dim3A_354 = vector.broadcast %jit3A_352 : f32 to vector<16xf32>
      %select_n3A_355 = arith.select %gt3A_350, %broadcast_in_dim3A_353, %broadcast_in_dim3A_354 : vector<16xi1>, vector<16xf32>
      %mul3A_356 = arith.constant 4 : i32
      %mul3A_357 = arith.muli %scan3A_293, %mul3A_356 : i32
      %add3A_358 = arith.constant 2 : i32
      %add3A_359 = arith.addi %mul3A_357, %add3A_358 : i32
      %mul3A_360 = arith.constant 16 : i32
      %mul3A_361 = arith.muli %add3A_359, %mul3A_360 : i32
      %swap3A_362 = arith.index_cast %mul3A_361 : i32 to index
      %swap3A_363 = tpu.vector_load %arg10[%swap3A_362] {strides = array<i32>} : memref<256xf32, #tpu.memory_space<vmem>>, vector<16xf32>,
      tpu.vector_store %arg10[%swap3A_362], %select_n3A_355 {strides = array<i32>} : memref<256xf32, #tpu.memory_space<vmem>>, vector<16xf32>,
      %mul3A_364 = arith.constant 4 : i32
      %mul3A_365 = arith.muli %scan3A_293, %mul3A_364 : i32
      %add3A_366 = arith.constant 3 : i32
      %add3A_367 = arith.addi %mul3A_365, %add3A_366 : i32
      %mul3A_368 = arith.constant 16 : i32
      %mul3A_369 = arith.muli %add3A_367, %mul3A_368 : i32
      %get3A_370 = arith.index_cast %mul3A_369 : i32 to index
      %get3A_371 = tpu.vector_load %arg8[%get3A_370] {strides = array<i32>} : memref<320xi32, #tpu.memory_space<vmem>>, vector<16xi32>,
      %gt3A_372 = arith.constant -1060205081 : i32
      %gt3A_373 = vector.broadcast %gt3A_372 : i32 to vector<16xi32>
      %gt3A_374 = arith.cmpi sgt, %get3A_371, %gt3A_373 : vector<16xi32>
      %jit3A_375 = arith.constant 1.000000e+00 : f32
      %jit3A_376 = arith.constant 0.000000e+00 : f32
      %broadcast_in_dim3A_377 = vector.broadcast %jit3A_375 : f32 to vector<16xf32>
      %broadcast_in_dim3A_378 = vector.broadcast %jit3A_376 : f32 to vector<16xf32>
      %select_n3A_379 = arith.select %gt3A_374, %broadcast_in_dim3A_377, %broadcast_in_dim3A_378 : vector<16xi1>, vector<16xf32>
      %mul3A_380 = arith.constant 4 : i32
      %mul3A_381 = arith.muli %scan3A_293, %mul3A_380 : i32
      %add3A_382 = arith.constant 3 : i32
      %add3A_383 = arith.addi %mul3A_381, %add3A_382 : i32
      %mul3A_384 = arith.constant 16 : i32
      %mul3A_385 = arith.muli %add3A_383, %mul3A_384 : i32
      %swap3A_386 = arith.index_cast %mul3A_385 : i32 to index
      %swap3A_387 = tpu.vector_load %arg10[%swap3A_386] {strides = array<i32>} : memref<256xf32, #tpu.memory_space<vmem>>, vector<16xf32>,
      tpu.vector_store %arg10[%swap3A_386], %select_n3A_379 {strides = array<i32>} : memref<256xf32, #tpu.memory_space<vmem>>, vector<16xf32>,
      %scan3A_388 = arith.constant 0 : i32
      scf.yield %scan3A_388 : i32
    }
    %scan3A_141 = arith.constant 4 : i32
    "tpu.region"() ({
      %run_scoped3A = tpu.sem_alloc : memref<!tpu.dma_semaphore, #tpu.memory_space<semaphore_mem>>
      %dma_start3A = arith.constant 0 : i32
      %dma_start3A_293 = tpu.memref_slice %arg9[%dma_start3A] : memref<320xi32, #tpu.memory_space<vmem>> -> memref<256xi32, #tpu.memory_space<vmem>>
      %dma_start3A_294 = arith.constant 0 : i32
      %dma_start3A_295 = tpu.memref_slice %arg3[%add3A_9, %dma_start3A_294] : memref<64x256xi32, #tpu.memory_space<hbm>> -> memref<1x256xi32, #tpu.memory_space<hbm>>
      %dma_start3A_296 = tpu.memref_squeeze %dma_start3A_295 : memref<1x256xi32, #tpu.memory_space<hbm>> -> memref<256xi32, #tpu.memory_space<hbm>>
      %dma_start3A_297 = arith.constant 0 : i32
      %dma_start3A_298 = tpu.memref_slice %arg3[%add3A_9, %dma_start3A_297] : memref<64x256xi32, #tpu.memory_space<hbm>> -> memref<1x256xi32, #tpu.memory_space<hbm>>
      %dma_start3A_299 = tpu.memref_squeeze %dma_start3A_298 : memref<1x256xi32, #tpu.memory_space<hbm>> -> memref<256xi32, #tpu.memory_space<hbm>>
      %dma_start3A_300 = arith.constant 0 : i32
      %dma_start3A_301 = tpu.memref_slice %arg9[%dma_start3A_300] : memref<320xi32, #tpu.memory_space<vmem>> -> memref<256xi32, #tpu.memory_space<vmem>>
      tpu.enqueue_dma source(%dma_start3A_301 : memref<256xi32, #tpu.memory_space<vmem>>) target(%dma_start3A_299 : memref<256xi32, #tpu.memory_space<hbm>>) target_semaphore(%run_scoped3A : memref<!tpu.dma_semaphore, #tpu.memory_space<semaphore_mem>>)
      %dma_wait3A = arith.constant 0 : i32
      %dma_wait3A_302 = tpu.memref_slice %arg9[%dma_wait3A] : memref<320xi32, #tpu.memory_space<vmem>> -> memref<256xi32, #tpu.memory_space<vmem>>
      %dma_wait3A_303 = arith.constant 0 : i32
      %dma_wait3A_304 = tpu.memref_slice %arg3[%add3A_9, %dma_wait3A_303] : memref<64x256xi32, #tpu.memory_space<hbm>> -> memref<1x256xi32, #tpu.memory_space<hbm>>
      %dma_wait3A_305 = tpu.memref_squeeze %dma_wait3A_304 : memref<1x256xi32, #tpu.memory_space<hbm>> -> memref<256xi32, #tpu.memory_space<hbm>>
      %dma_wait3A_306 = arith.constant 0 : i32
      %dma_wait3A_307 = tpu.memref_slice %arg3[%add3A_9, %dma_wait3A_306] : memref<64x256xi32, #tpu.memory_space<hbm>> -> memref<1x256xi32, #tpu.memory_space<hbm>>
      %dma_wait3A_308 = tpu.memref_squeeze %dma_wait3A_307 : memref<1x256xi32, #tpu.memory_space<hbm>> -> memref<256xi32, #tpu.memory_space<hbm>>
      %dma_wait3A_309 = arith.constant 0 : i32
      %dma_wait3A_310 = tpu.memref_slice %arg9[%dma_wait3A_309] : memref<320xi32, #tpu.memory_space<vmem>> -> memref<256xi32, #tpu.memory_space<vmem>>
      tpu.wait_dma2 semaphore(%run_scoped3A : memref<!tpu.dma_semaphore, #tpu.memory_space<semaphore_mem>>) src(%dma_wait3A_310 : memref<256xi32, #tpu.memory_space<vmem>>) dst(%dma_wait3A_308 : memref<256xi32, #tpu.memory_space<hbm>>)
      tpu.yield
    }) : () -> ()
    "tpu.region"() ({
      %run_scoped3A = tpu.sem_alloc : memref<!tpu.dma_semaphore, #tpu.memory_space<semaphore_mem>>
      %dma_start3A = arith.constant 0 : i32
      %dma_start3A_293 = tpu.memref_slice %arg4[%add3A_9, %dma_start3A] : memref<64x256xf32, #tpu.memory_space<hbm>> -> memref<1x256xf32, #tpu.memory_space<hbm>>
      %dma_start3A_294 = tpu.memref_squeeze %dma_start3A_293 : memref<1x256xf32, #tpu.memory_space<hbm>> -> memref<256xf32, #tpu.memory_space<hbm>>
      %dma_start3A_295 = arith.constant 0 : i32
      %dma_start3A_296 = tpu.memref_slice %arg4[%add3A_9, %dma_start3A_295] : memref<64x256xf32, #tpu.memory_space<hbm>> -> memref<1x256xf32, #tpu.memory_space<hbm>>
      %dma_start3A_297 = tpu.memref_squeeze %dma_start3A_296 : memref<1x256xf32, #tpu.memory_space<hbm>> -> memref<256xf32, #tpu.memory_space<hbm>>
      tpu.enqueue_dma source(%arg10 : memref<256xf32, #tpu.memory_space<vmem>>) target(%dma_start3A_297 : memref<256xf32, #tpu.memory_space<hbm>>) target_semaphore(%run_scoped3A : memref<!tpu.dma_semaphore, #tpu.memory_space<semaphore_mem>>)
      %dma_wait3A = arith.constant 0 : i32
      %dma_wait3A_298 = tpu.memref_slice %arg4[%add3A_9, %dma_wait3A] : memref<64x256xf32, #tpu.memory_space<hbm>> -> memref<1x256xf32, #tpu.memory_space<hbm>>
      %dma_wait3A_299 = tpu.memref_squeeze %dma_wait3A_298 : memref<1x256xf32, #tpu.memory_space<hbm>> -> memref<256xf32, #tpu.memory_space<hbm>>
      %dma_wait3A_300 = arith.constant 0 : i32
      %dma_wait3A_301 = tpu.memref_slice %arg4[%add3A_9, %dma_wait3A_300] : memref<64x256xf32, #tpu.memory_space<hbm>> -> memref<1x256xf32, #tpu.memory_space<hbm>>
      %dma_wait3A_302 = tpu.memref_squeeze %dma_wait3A_301 : memref<1x256xf32, #tpu.memory_space<hbm>> -> memref<256xf32, #tpu.memory_space<hbm>>
      tpu.wait_dma2 semaphore(%run_scoped3A : memref<!tpu.dma_semaphore, #tpu.memory_space<semaphore_mem>>) src(%arg10 : memref<256xf32, #tpu.memory_space<vmem>>) dst(%dma_wait3A_302 : memref<256xf32, #tpu.memory_space<hbm>>)
      tpu.yield
    }) : () -> ()
    %mul3A_142 = arith.constant 2 : i32
    %mul3A_143 = arith.muli %add3A, %mul3A_142 : i32
    %add3A_144 = arith.constant 1 : i32
    %add3A_145 = arith.addi %mul3A_143, %add3A_144 : i32
    "tpu.region"() ({
      %run_scoped3A = tpu.sem_alloc : memref<!tpu.dma_semaphore, #tpu.memory_space<semaphore_mem>>
      %dma_start3A = arith.constant 0 : i32
      %dma_start3A_293 = tpu.memref_slice %arg2[%add3A_145, %dma_start3A] : memref<64x4096xf32, #tpu.memory_space<hbm>> -> memref<1x4096xf32, #tpu.memory_space<hbm>>
      %dma_start3A_294 = tpu.memref_squeeze %dma_start3A_293 : memref<1x4096xf32, #tpu.memory_space<hbm>> -> memref<4096xf32, #tpu.memory_space<hbm>>
      %dma_start3A_295 = arith.constant 0 : i32
      %dma_start3A_296 = tpu.memref_slice %arg2[%add3A_145, %dma_start3A_295] : memref<64x4096xf32, #tpu.memory_space<hbm>> -> memref<1x4096xf32, #tpu.memory_space<hbm>>
      %dma_start3A_297 = tpu.memref_squeeze %dma_start3A_296 : memref<1x4096xf32, #tpu.memory_space<hbm>> -> memref<4096xf32, #tpu.memory_space<hbm>>
      tpu.enqueue_dma source(%dma_start3A_297 : memref<4096xf32, #tpu.memory_space<hbm>>) target(%arg5 : memref<4096xf32, #tpu.memory_space<vmem>>) target_semaphore(%run_scoped3A : memref<!tpu.dma_semaphore, #tpu.memory_space<semaphore_mem>>)
      %dma_wait3A = arith.constant 0 : i32
      %dma_wait3A_298 = tpu.memref_slice %arg2[%add3A_145, %dma_wait3A] : memref<64x4096xf32, #tpu.memory_space<hbm>> -> memref<1x4096xf32, #tpu.memory_space<hbm>>
      %dma_wait3A_299 = tpu.memref_squeeze %dma_wait3A_298 : memref<1x4096xf32, #tpu.memory_space<hbm>> -> memref<4096xf32, #tpu.memory_space<hbm>>
      %dma_wait3A_300 = arith.constant 0 : i32
      %dma_wait3A_301 = tpu.memref_slice %arg2[%add3A_145, %dma_wait3A_300] : memref<64x4096xf32, #tpu.memory_space<hbm>> -> memref<1x4096xf32, #tpu.memory_space<hbm>>
      %dma_wait3A_302 = tpu.memref_squeeze %dma_wait3A_301 : memref<1x4096xf32, #tpu.memory_space<hbm>> -> memref<4096xf32, #tpu.memory_space<hbm>>
      tpu.wait_dma2 semaphore(%run_scoped3A : memref<!tpu.dma_semaphore, #tpu.memory_space<semaphore_mem>>) src(%dma_wait3A_302 : memref<4096xf32, #tpu.memory_space<hbm>>) dst(%arg5 : memref<4096xf32, #tpu.memory_space<vmem>>)
      tpu.yield
    }) : () -> ()
    %scan3A_146 = arith.constant 0 : i32
    %scan3A_147 = arith.constant 0 : i32
    %scan3A_148 = arith.constant 32 : i32
    %scan3A_149 = arith.addi %scan3A_147, %scan3A_148 : i32
    %scan3A_150 = arith.constant 1 : i32
    %scan3A_151 = scf.for %scan3A_293 = %scan3A_147 to %scan3A_149 step %scan3A_150 iter_args(%scan3A_294 = %scan3A_146) -> (i32)  : i32 {
      %mul3A_295 = arith.constant 4 : i32
      %mul3A_296 = arith.muli %scan3A_293, %mul3A_295 : i32
      %add3A_297 = arith.constant 0 : i32
      %add3A_298 = arith.addi %mul3A_296, %add3A_297 : i32
      %mul3A_299 = arith.constant 16 : i32
      %mul3A_300 = arith.muli %add3A_298, %mul3A_299 : i32
      %swap3A = arith.index_cast %mul3A_300 : i32 to index
      %swap3A_301 = tpu.vector_load %arg7[%swap3A] {strides = array<i32>} : memref<2048xi32, #tpu.memory_space<vmem>>, vector<16xi32>,
      tpu.vector_store %arg7[%swap3A], %broadcast_in_dim3A_3 {strides = array<i32>} : memref<2048xi32, #tpu.memory_space<vmem>>, vector<16xi32>,
      %mul3A_302 = arith.constant 4 : i32
      %mul3A_303 = arith.muli %scan3A_293, %mul3A_302 : i32
      %add3A_304 = arith.constant 1 : i32
      %add3A_305 = arith.addi %mul3A_303, %add3A_304 : i32
      %mul3A_306 = arith.constant 16 : i32
      %mul3A_307 = arith.muli %add3A_305, %mul3A_306 : i32
      %swap3A_308 = arith.index_cast %mul3A_307 : i32 to index
      %swap3A_309 = tpu.vector_load %arg7[%swap3A_308] {strides = array<i32>} : memref<2048xi32, #tpu.memory_space<vmem>>, vector<16xi32>,
      tpu.vector_store %arg7[%swap3A_308], %broadcast_in_dim3A_3 {strides = array<i32>} : memref<2048xi32, #tpu.memory_space<vmem>>, vector<16xi32>,
      %mul3A_310 = arith.constant 4 : i32
      %mul3A_311 = arith.muli %scan3A_293, %mul3A_310 : i32
      %add3A_312 = arith.constant 2 : i32
      %add3A_313 = arith.addi %mul3A_311, %add3A_312 : i32
      %mul3A_314 = arith.constant 16 : i32
      %mul3A_315 = arith.muli %add3A_313, %mul3A_314 : i32
      %swap3A_316 = arith.index_cast %mul3A_315 : i32 to index
      %swap3A_317 = tpu.vector_load %arg7[%swap3A_316] {strides = array<i32>} : memref<2048xi32, #tpu.memory_space<vmem>>, vector<16xi32>,
      tpu.vector_store %arg7[%swap3A_316], %broadcast_in_dim3A_3 {strides = array<i32>} : memref<2048xi32, #tpu.memory_space<vmem>>, vector<16xi32>,
      %mul3A_318 = arith.constant 4 : i32
      %mul3A_319 = arith.muli %scan3A_293, %mul3A_318 : i32
      %add3A_320 = arith.constant 3 : i32
      %add3A_321 = arith.addi %mul3A_319, %add3A_320 : i32
      %mul3A_322 = arith.constant 16 : i32
      %mul3A_323 = arith.muli %add3A_321, %mul3A_322 : i32
      %swap3A_324 = arith.index_cast %mul3A_323 : i32 to index
      %swap3A_325 = tpu.vector_load %arg7[%swap3A_324] {strides = array<i32>} : memref<2048xi32, #tpu.memory_space<vmem>>, vector<16xi32>,
      tpu.vector_store %arg7[%swap3A_324], %broadcast_in_dim3A_3 {strides = array<i32>} : memref<2048xi32, #tpu.memory_space<vmem>>, vector<16xi32>,
      %scan3A_326 = arith.constant 0 : i32
      scf.yield %scan3A_326 : i32
    }
    %scan3A_152 = arith.constant 32 : i32
    %scan3A_153 = arith.constant 0 : i32
    %scan3A_154 = arith.constant 0 : i32
    %scan3A_155 = arith.constant 256 : i32
    %scan3A_156 = arith.addi %scan3A_154, %scan3A_155 : i32
    %scan3A_157 = arith.constant 1 : i32
    %scan3A_158 = scf.for %scan3A_293 = %scan3A_154 to %scan3A_156 step %scan3A_157 iter_args(%scan3A_294 = %scan3A_153) -> (i32)  : i32 {
      %mul3A_295 = arith.constant 16 : i32
      %mul3A_296 = arith.muli %scan3A_293, %mul3A_295 : i32
      %get3A = arith.index_cast %mul3A_296 : i32 to index
      %get3A_297 = tpu.vector_load %arg5[%get3A] {strides = array<i32>} : memref<4096xf32, #tpu.memory_space<vmem>>, vector<16xf32>,
      %bitcast_convert_type3A = tpu.bitcast %get3A_297 : vector<16xf32> -> vector<16xi32>
      %shift_right_arithmetic3A_298 = arith.constant 31 : i32
      %shift_right_arithmetic3A_299 = vector.broadcast %shift_right_arithmetic3A_298 : i32 to vector<16xi32>
      %shift_right_arithmetic3A_300 = arith.shrsi %bitcast_convert_type3A, %shift_right_arithmetic3A_299 : vector<16xi32>
      %and3A_301 = arith.constant 2147483647 : i32
      %and3A_302 = vector.broadcast %and3A_301 : i32 to vector<16xi32>
      %and3A_303 = arith.andi %shift_right_arithmetic3A_300, %and3A_302 : vector<16xi32>
      %xor3A_304 = arith.xori %bitcast_convert_type3A, %and3A_303 : vector<16xi32>
      %mul3A_305 = arith.constant 16 : i32
      %mul3A_306 = arith.muli %scan3A_293, %mul3A_305 : i32
      %swap3A = arith.index_cast %mul3A_306 : i32 to index
      %swap3A_307 = tpu.vector_load %arg6[%swap3A] {strides = array<i32>} : memref<4096xi32, #tpu.memory_space<vmem>>, vector<16xi32>,
      tpu.vector_store %arg6[%swap3A], %xor3A_304 {strides = array<i32>} : memref<4096xi32, #tpu.memory_space<vmem>>, vector<16xi32>,
      %xor3A_308 = arith.constant -2147483648 : i32
      %xor3A_309 = vector.broadcast %xor3A_308 : i32 to vector<16xi32>
      %xor3A_310 = arith.xori %xor3A_304, %xor3A_309 : vector<16xi32>
      %shift_right_logical3A = arith.constant 21 : i32
      %shift_right_logical3A_311 = vector.broadcast %shift_right_logical3A : i32 to vector<16xi32>
      %shift_right_logical3A_312 = arith.shrui %xor3A_310, %shift_right_logical3A_311 : vector<16xi32>
      tpu.vector_store_idx %arg7[%shift_right_logical3A_312], %broadcast_in_dim3A_1 {add = true} : memref<2048xi32, #tpu.memory_space<vmem>>[vector<16xi32>], vector<16xi32>,
      %scan3A_313 = arith.constant 0 : i32
      scf.yield %scan3A_313 : i32
    }
    %scan3A_159 = arith.constant 256 : i32
    %scan3A_160 = arith.constant 256 : i32
    %scan3A_161 = arith.constant 0 : i32
    %scan3A_162 = arith.constant -1 : i32
    %scan3A_163 = arith.constant 0 : i32
    %scan3A_164 = arith.constant 64 : i32
    %scan3A_165 = arith.addi %scan3A_163, %scan3A_164 : i32
    %scan3A_166 = arith.constant 1 : i32
    %scan3A_167:2 = scf.for %scan3A_293 = %scan3A_163 to %scan3A_165 step %scan3A_166 iter_args(%scan3A_294 = %scan3A_161, %scan3A_295 = %scan3A_162) -> (i32, i32)  : i32 {
      %mul3A_296 = arith.constant 2 : i32
      %mul3A_297 = arith.muli %scan3A_293, %mul3A_296 : i32
      %add3A_298 = arith.constant 0 : i32
      %add3A_299 = arith.addi %mul3A_297, %add3A_298 : i32
      %sub3A_300 = arith.constant 127 : i32
      %sub3A_301 = arith.subi %sub3A_300, %add3A_299 : i32
      %mul3A_302 = arith.constant 16 : i32
      %mul3A_303 = arith.muli %sub3A_301, %mul3A_302 : i32
      %get3A = arith.index_cast %mul3A_303 : i32 to index
      %get3A_304 = tpu.vector_load %arg7[%get3A] {strides = array<i32>} : memref<2048xi32, #tpu.memory_space<vmem>>, vector<16xi32>,
      %rev3A = arith.constant 15 : i32
      %rev3A_305 = vector.broadcast %rev3A : i32 to vector<16xi32>
      %rev3A_306 = tpu.iota {dimensions = array<i32: 0>} : vector<16xi32>
      %rev3A_307 = arith.subi %rev3A_305, %rev3A_306 : vector<16xi32>
      %rev3A_308 = tpu.dynamic_gather %get3A_304[%rev3A_307] in [0] : vector<16xi32>, vector<16xi32> -> vector<16xi32>
      %cumsum3A = arith.constant true
      %cumsum3A_309 = vector.broadcast %cumsum3A : i1 to vector<16xi1>
      %cumsum3A_310 = tpu.scan <sum>, %rev3A_308 masked %cumsum3A_309 : vector<16xi32>, vector<16xi1> -> vector<16xi32>
      %add3A_311 = arith.constant 15 : i32
      %add3A_312 = arith.addi %mul3A_303, %add3A_311 : i32
      %sub3A_313 = vector.broadcast %add3A_312 : i32 to vector<16xi32>
      %sub3A_314 = arith.subi %sub3A_313, %iota3A : vector<16xi32>
      %lt3A = arith.cmpi slt, %scan3A_294, %scan3A_160 : i32
      %add3A_315 = vector.broadcast %scan3A_294 : i32 to vector<16xi32>
      %add3A_316 = arith.addi %add3A_315, %cumsum3A_310 : vector<16xi32>
      %ge3A = vector.broadcast %scan3A_160 : i32 to vector<16xi32>
      %ge3A_317 = arith.cmpi sge, %add3A_316, %ge3A : vector<16xi32>
      %and3A_318 = vector.broadcast %lt3A : i1 to vector<16xi1>
      %and3A_319 = arith.andi %and3A_318, %ge3A_317 : vector<16xi1>
      %mul3A_320 = arith.constant 512 : i32
      %mul3A_321 = vector.broadcast %mul3A_320 : i32 to vector<16xi32>
      %mul3A_322 = arith.muli %sub3A_314, %mul3A_321 : vector<16xi32>
      %add3A_323 = vector.broadcast %scan3A_294 : i32 to vector<16xi32>
      %add3A_324 = arith.addi %add3A_323, %cumsum3A_310 : vector<16xi32>
      %sub3A_325 = arith.subi %add3A_324, %rev3A_308 : vector<16xi32>
      %add3A_326 = arith.addi %mul3A_322, %sub3A_325 : vector<16xi32>
      %jit3A_327 = arith.constant -1 : i32
      %broadcast_in_dim3A_328 = vector.broadcast %jit3A_327 : i32 to vector<16xi32>
      %select_n3A_329 = arith.select %and3A_319, %add3A_326, %broadcast_in_dim3A_328 : vector<16xi1>, vector<16xi32>
      %reduce_max3A = arith.constant true
      %reduce_max3A_330 = vector.broadcast %reduce_max3A : i1 to vector<16xi1>
      %reduce_max3A_331 = arith.constant -2147483648 : i32
      %reduce_max3A_332 = vector.broadcast %reduce_max3A_331 : i32 to vector<16xi32>
      %reduce_max3A_333 = arith.xori %select_n3A_329, %reduce_max3A_332 : vector<16xi32>
      %reduce_max3A_334 = tpu.scan <max>, %reduce_max3A_333 masked %reduce_max3A_330 : vector<16xi32>, vector<16xi1> -> vector<16xi32>
      %reduce_max3A_335 = arith.xori %reduce_max3A_334, %reduce_max3A_332 : vector<16xi32>
      %reduce_max3A_336 = vector.extract %reduce_max3A_335[15] : i32 from vector<16xi32>
      %reduce_sum3A = arith.constant true
      %reduce_sum3A_337 = vector.broadcast %reduce_sum3A : i1 to vector<16xi1>
      %reduce_sum3A_338 = tpu.scan <sum>, %get3A_304 masked %reduce_sum3A_337 : vector<16xi32>, vector<16xi1> -> vector<16xi32>
      %reduce_sum3A_339 = vector.extract %reduce_sum3A_338[15] : i32 from vector<16xi32>
      %add3A_340 = arith.addi %scan3A_294, %reduce_sum3A_339 : i32
      %max3A = arith.maxsi %scan3A_295, %reduce_max3A_336 : i32
      %mul3A_341 = arith.constant 2 : i32
      %mul3A_342 = arith.muli %scan3A_293, %mul3A_341 : i32
      %add3A_343 = arith.constant 1 : i32
      %add3A_344 = arith.addi %mul3A_342, %add3A_343 : i32
      %sub3A_345 = arith.constant 127 : i32
      %sub3A_346 = arith.subi %sub3A_345, %add3A_344 : i32
      %mul3A_347 = arith.constant 16 : i32
      %mul3A_348 = arith.muli %sub3A_346, %mul3A_347 : i32
      %get3A_349 = arith.index_cast %mul3A_348 : i32 to index
      %get3A_350 = tpu.vector_load %arg7[%get3A_349] {strides = array<i32>} : memref<2048xi32, #tpu.memory_space<vmem>>, vector<16xi32>,
      %rev3A_351 = arith.constant 15 : i32
      %rev3A_352 = vector.broadcast %rev3A_351 : i32 to vector<16xi32>
      %rev3A_353 = tpu.iota {dimensions = array<i32: 0>} : vector<16xi32>
      %rev3A_354 = arith.subi %rev3A_352, %rev3A_353 : vector<16xi32>
      %rev3A_355 = tpu.dynamic_gather %get3A_350[%rev3A_354] in [0] : vector<16xi32>, vector<16xi32> -> vector<16xi32>
      %cumsum3A_356 = arith.constant true
      %cumsum3A_357 = vector.broadcast %cumsum3A_356 : i1 to vector<16xi1>
      %cumsum3A_358 = tpu.scan <sum>, %rev3A_355 masked %cumsum3A_357 : vector<16xi32>, vector<16xi1> -> vector<16xi32>
      %add3A_359 = arith.constant 15 : i32
      %add3A_360 = arith.addi %mul3A_348, %add3A_359 : i32
      %sub3A_361 = vector.broadcast %add3A_360 : i32 to vector<16xi32>
      %sub3A_362 = arith.subi %sub3A_361, %iota3A : vector<16xi32>
      %lt3A_363 = arith.cmpi slt, %add3A_340, %scan3A_160 : i32
      %add3A_364 = vector.broadcast %add3A_340 : i32 to vector<16xi32>
      %add3A_365 = arith.addi %add3A_364, %cumsum3A_358 : vector<16xi32>
      %ge3A_366 = vector.broadcast %scan3A_160 : i32 to vector<16xi32>
      %ge3A_367 = arith.cmpi sge, %add3A_365, %ge3A_366 : vector<16xi32>
      %and3A_368 = vector.broadcast %lt3A_363 : i1 to vector<16xi1>
      %and3A_369 = arith.andi %and3A_368, %ge3A_367 : vector<16xi1>
      %mul3A_370 = arith.constant 512 : i32
      %mul3A_371 = vector.broadcast %mul3A_370 : i32 to vector<16xi32>
      %mul3A_372 = arith.muli %sub3A_362, %mul3A_371 : vector<16xi32>
      %add3A_373 = vector.broadcast %add3A_340 : i32 to vector<16xi32>
      %add3A_374 = arith.addi %add3A_373, %cumsum3A_358 : vector<16xi32>
      %sub3A_375 = arith.subi %add3A_374, %rev3A_355 : vector<16xi32>
      %add3A_376 = arith.addi %mul3A_372, %sub3A_375 : vector<16xi32>
      %jit3A_377 = arith.constant -1 : i32
      %broadcast_in_dim3A_378 = vector.broadcast %jit3A_377 : i32 to vector<16xi32>
      %select_n3A_379 = arith.select %and3A_369, %add3A_376, %broadcast_in_dim3A_378 : vector<16xi1>, vector<16xi32>
      %reduce_max3A_380 = arith.constant true
      %reduce_max3A_381 = vector.broadcast %reduce_max3A_380 : i1 to vector<16xi1>
      %reduce_max3A_382 = arith.constant -2147483648 : i32
      %reduce_max3A_383 = vector.broadcast %reduce_max3A_382 : i32 to vector<16xi32>
      %reduce_max3A_384 = arith.xori %select_n3A_379, %reduce_max3A_383 : vector<16xi32>
      %reduce_max3A_385 = tpu.scan <max>, %reduce_max3A_384 masked %reduce_max3A_381 : vector<16xi32>, vector<16xi1> -> vector<16xi32>
      %reduce_max3A_386 = arith.xori %reduce_max3A_385, %reduce_max3A_383 : vector<16xi32>
      %reduce_max3A_387 = vector.extract %reduce_max3A_386[15] : i32 from vector<16xi32>
      %reduce_sum3A_388 = arith.constant true
      %reduce_sum3A_389 = vector.broadcast %reduce_sum3A_388 : i1 to vector<16xi1>
      %reduce_sum3A_390 = tpu.scan <sum>, %get3A_350 masked %reduce_sum3A_389 : vector<16xi32>, vector<16xi1> -> vector<16xi32>
      %reduce_sum3A_391 = vector.extract %reduce_sum3A_390[15] : i32 from vector<16xi32>
      %add3A_392 = arith.addi %add3A_340, %reduce_sum3A_391 : i32
      %max3A_393 = arith.maxsi %max3A, %reduce_max3A_387 : i32
      scf.yield %add3A_392, %max3A_393 : i32, i32
    }
    %scan3A_168 = arith.constant 64 : i32
    %shift_right_arithmetic3A_169 = arith.constant 9 : i32
    %shift_right_arithmetic3A_170 = arith.shrsi %scan3A_167#1, %shift_right_arithmetic3A_169 : i32
    %and3A_171 = arith.constant 511 : i32
    %and3A_172 = arith.andi %scan3A_167#1, %and3A_171 : i32
    %scan3A_173 = arith.constant 0 : i32
    %scan3A_174 = arith.constant 0 : i32
    %scan3A_175 = arith.constant 32 : i32
    %scan3A_176 = arith.addi %scan3A_174, %scan3A_175 : i32
    %scan3A_177 = arith.constant 1 : i32
    %scan3A_178 = scf.for %scan3A_293 = %scan3A_174 to %scan3A_176 step %scan3A_177 iter_args(%scan3A_294 = %scan3A_173) -> (i32)  : i32 {
      %mul3A_295 = arith.constant 4 : i32
      %mul3A_296 = arith.muli %scan3A_293, %mul3A_295 : i32
      %add3A_297 = arith.constant 0 : i32
      %add3A_298 = arith.addi %mul3A_296, %add3A_297 : i32
      %mul3A_299 = arith.constant 16 : i32
      %mul3A_300 = arith.muli %add3A_298, %mul3A_299 : i32
      %swap3A = arith.index_cast %mul3A_300 : i32 to index
      %swap3A_301 = tpu.vector_load %arg7[%swap3A] {strides = array<i32>} : memref<2048xi32, #tpu.memory_space<vmem>>, vector<16xi32>,
      tpu.vector_store %arg7[%swap3A], %broadcast_in_dim3A_3 {strides = array<i32>} : memref<2048xi32, #tpu.memory_space<vmem>>, vector<16xi32>,
      %mul3A_302 = arith.constant 4 : i32
      %mul3A_303 = arith.muli %scan3A_293, %mul3A_302 : i32
      %add3A_304 = arith.constant 1 : i32
      %add3A_305 = arith.addi %mul3A_303, %add3A_304 : i32
      %mul3A_306 = arith.constant 16 : i32
      %mul3A_307 = arith.muli %add3A_305, %mul3A_306 : i32
      %swap3A_308 = arith.index_cast %mul3A_307 : i32 to index
      %swap3A_309 = tpu.vector_load %arg7[%swap3A_308] {strides = array<i32>} : memref<2048xi32, #tpu.memory_space<vmem>>, vector<16xi32>,
      tpu.vector_store %arg7[%swap3A_308], %broadcast_in_dim3A_3 {strides = array<i32>} : memref<2048xi32, #tpu.memory_space<vmem>>, vector<16xi32>,
      %mul3A_310 = arith.constant 4 : i32
      %mul3A_311 = arith.muli %scan3A_293, %mul3A_310 : i32
      %add3A_312 = arith.constant 2 : i32
      %add3A_313 = arith.addi %mul3A_311, %add3A_312 : i32
      %mul3A_314 = arith.constant 16 : i32
      %mul3A_315 = arith.muli %add3A_313, %mul3A_314 : i32
      %swap3A_316 = arith.index_cast %mul3A_315 : i32 to index
      %swap3A_317 = tpu.vector_load %arg7[%swap3A_316] {strides = array<i32>} : memref<2048xi32, #tpu.memory_space<vmem>>, vector<16xi32>,
      tpu.vector_store %arg7[%swap3A_316], %broadcast_in_dim3A_3 {strides = array<i32>} : memref<2048xi32, #tpu.memory_space<vmem>>, vector<16xi32>,
      %mul3A_318 = arith.constant 4 : i32
      %mul3A_319 = arith.muli %scan3A_293, %mul3A_318 : i32
      %add3A_320 = arith.constant 3 : i32
      %add3A_321 = arith.addi %mul3A_319, %add3A_320 : i32
      %mul3A_322 = arith.constant 16 : i32
      %mul3A_323 = arith.muli %add3A_321, %mul3A_322 : i32
      %swap3A_324 = arith.index_cast %mul3A_323 : i32 to index
      %swap3A_325 = tpu.vector_load %arg7[%swap3A_324] {strides = array<i32>} : memref<2048xi32, #tpu.memory_space<vmem>>, vector<16xi32>,
      tpu.vector_store %arg7[%swap3A_324], %broadcast_in_dim3A_3 {strides = array<i32>} : memref<2048xi32, #tpu.memory_space<vmem>>, vector<16xi32>,
      %scan3A_326 = arith.constant 0 : i32
      scf.yield %scan3A_326 : i32
    }
    %scan3A_179 = arith.constant 32 : i32
    %scan3A_180 = arith.constant 0 : i32
    %scan3A_181 = arith.constant 0 : i32
    %scan3A_182 = arith.constant 256 : i32
    %scan3A_183 = arith.addi %scan3A_181, %scan3A_182 : i32
    %scan3A_184 = arith.constant 1 : i32
    %scan3A_185 = scf.for %scan3A_293 = %scan3A_181 to %scan3A_183 step %scan3A_184 iter_args(%scan3A_294 = %scan3A_180) -> (i32)  : i32 {
      %mul3A_295 = arith.constant 16 : i32
      %mul3A_296 = arith.muli %scan3A_293, %mul3A_295 : i32
      %get3A = arith.index_cast %mul3A_296 : i32 to index
      %get3A_297 = tpu.vector_load %arg6[%get3A] {strides = array<i32>} : memref<4096xi32, #tpu.memory_space<vmem>>, vector<16xi32>,
      %xor3A_298 = arith.constant -2147483648 : i32
      %xor3A_299 = vector.broadcast %xor3A_298 : i32 to vector<16xi32>
      %xor3A_300 = arith.xori %get3A_297, %xor3A_299 : vector<16xi32>
      %shift_right_logical3A = arith.constant 21 : i32
      %shift_right_logical3A_301 = vector.broadcast %shift_right_logical3A : i32 to vector<16xi32>
      %shift_right_logical3A_302 = arith.shrui %xor3A_300, %shift_right_logical3A_301 : vector<16xi32>
      %eq3A = vector.broadcast %shift_right_arithmetic3A_170 : i32 to vector<16xi32>
      %eq3A_303 = arith.cmpi eq, %shift_right_logical3A_302, %eq3A : vector<16xi32>
      %shift_right_logical3A_304 = arith.constant 10 : i32
      %shift_right_logical3A_305 = vector.broadcast %shift_right_logical3A_304 : i32 to vector<16xi32>
      %shift_right_logical3A_306 = arith.shrui %get3A_297, %shift_right_logical3A_305 : vector<16xi32>
      %and3A_307 = arith.constant 2047 : i32
      %and3A_308 = vector.broadcast %and3A_307 : i32 to vector<16xi32>
      %and3A_309 = arith.andi %shift_right_logical3A_306, %and3A_308 : vector<16xi32>
      tpu.vector_store_idx %arg7[%and3A_309], %broadcast_in_dim3A_1 masked %eq3A_303 {add = true} : memref<2048xi32, #tpu.memory_space<vmem>>[vector<16xi32>], vector<16xi32>, vector<16xi1>
      %scan3A_310 = arith.constant 0 : i32
      scf.yield %scan3A_310 : i32
    }
    %scan3A_186 = arith.constant 256 : i32
    %sub3A_187 = arith.constant 256 : i32
    %sub3A_188 = arith.subi %sub3A_187, %and3A_172 : i32
    %scan3A_189 = arith.constant 0 : i32
    %scan3A_190 = arith.constant -1 : i32
    %scan3A_191 = arith.constant 0 : i32
    %scan3A_192 = arith.constant 64 : i32
    %scan3A_193 = arith.addi %scan3A_191, %scan3A_192 : i32
    %scan3A_194 = arith.constant 1 : i32
    %scan3A_195:2 = scf.for %scan3A_293 = %scan3A_191 to %scan3A_193 step %scan3A_194 iter_args(%scan3A_294 = %scan3A_189, %scan3A_295 = %scan3A_190) -> (i32, i32)  : i32 {
      %mul3A_296 = arith.constant 2 : i32
      %mul3A_297 = arith.muli %scan3A_293, %mul3A_296 : i32
      %add3A_298 = arith.constant 0 : i32
      %add3A_299 = arith.addi %mul3A_297, %add3A_298 : i32
      %sub3A_300 = arith.constant 127 : i32
      %sub3A_301 = arith.subi %sub3A_300, %add3A_299 : i32
      %mul3A_302 = arith.constant 16 : i32
      %mul3A_303 = arith.muli %sub3A_301, %mul3A_302 : i32
      %get3A = arith.index_cast %mul3A_303 : i32 to index
      %get3A_304 = tpu.vector_load %arg7[%get3A] {strides = array<i32>} : memref<2048xi32, #tpu.memory_space<vmem>>, vector<16xi32>,
      %rev3A = arith.constant 15 : i32
      %rev3A_305 = vector.broadcast %rev3A : i32 to vector<16xi32>
      %rev3A_306 = tpu.iota {dimensions = array<i32: 0>} : vector<16xi32>
      %rev3A_307 = arith.subi %rev3A_305, %rev3A_306 : vector<16xi32>
      %rev3A_308 = tpu.dynamic_gather %get3A_304[%rev3A_307] in [0] : vector<16xi32>, vector<16xi32> -> vector<16xi32>
      %cumsum3A = arith.constant true
      %cumsum3A_309 = vector.broadcast %cumsum3A : i1 to vector<16xi1>
      %cumsum3A_310 = tpu.scan <sum>, %rev3A_308 masked %cumsum3A_309 : vector<16xi32>, vector<16xi1> -> vector<16xi32>
      %add3A_311 = arith.constant 15 : i32
      %add3A_312 = arith.addi %mul3A_303, %add3A_311 : i32
      %sub3A_313 = vector.broadcast %add3A_312 : i32 to vector<16xi32>
      %sub3A_314 = arith.subi %sub3A_313, %iota3A : vector<16xi32>
      %lt3A = arith.cmpi slt, %scan3A_294, %sub3A_188 : i32
      %add3A_315 = vector.broadcast %scan3A_294 : i32 to vector<16xi32>
      %add3A_316 = arith.addi %add3A_315, %cumsum3A_310 : vector<16xi32>
      %ge3A = vector.broadcast %sub3A_188 : i32 to vector<16xi32>
      %ge3A_317 = arith.cmpi sge, %add3A_316, %ge3A : vector<16xi32>
      %and3A_318 = vector.broadcast %lt3A : i1 to vector<16xi1>
      %and3A_319 = arith.andi %and3A_318, %ge3A_317 : vector<16xi1>
      %mul3A_320 = arith.constant 512 : i32
      %mul3A_321 = vector.broadcast %mul3A_320 : i32 to vector<16xi32>
      %mul3A_322 = arith.muli %sub3A_314, %mul3A_321 : vector<16xi32>
      %add3A_323 = vector.broadcast %scan3A_294 : i32 to vector<16xi32>
      %add3A_324 = arith.addi %add3A_323, %cumsum3A_310 : vector<16xi32>
      %sub3A_325 = arith.subi %add3A_324, %rev3A_308 : vector<16xi32>
      %add3A_326 = arith.addi %mul3A_322, %sub3A_325 : vector<16xi32>
      %jit3A_327 = arith.constant -1 : i32
      %broadcast_in_dim3A_328 = vector.broadcast %jit3A_327 : i32 to vector<16xi32>
      %select_n3A_329 = arith.select %and3A_319, %add3A_326, %broadcast_in_dim3A_328 : vector<16xi1>, vector<16xi32>
      %reduce_max3A = arith.constant true
      %reduce_max3A_330 = vector.broadcast %reduce_max3A : i1 to vector<16xi1>
      %reduce_max3A_331 = arith.constant -2147483648 : i32
      %reduce_max3A_332 = vector.broadcast %reduce_max3A_331 : i32 to vector<16xi32>
      %reduce_max3A_333 = arith.xori %select_n3A_329, %reduce_max3A_332 : vector<16xi32>
      %reduce_max3A_334 = tpu.scan <max>, %reduce_max3A_333 masked %reduce_max3A_330 : vector<16xi32>, vector<16xi1> -> vector<16xi32>
      %reduce_max3A_335 = arith.xori %reduce_max3A_334, %reduce_max3A_332 : vector<16xi32>
      %reduce_max3A_336 = vector.extract %reduce_max3A_335[15] : i32 from vector<16xi32>
      %reduce_sum3A = arith.constant true
      %reduce_sum3A_337 = vector.broadcast %reduce_sum3A : i1 to vector<16xi1>
      %reduce_sum3A_338 = tpu.scan <sum>, %get3A_304 masked %reduce_sum3A_337 : vector<16xi32>, vector<16xi1> -> vector<16xi32>
      %reduce_sum3A_339 = vector.extract %reduce_sum3A_338[15] : i32 from vector<16xi32>
      %add3A_340 = arith.addi %scan3A_294, %reduce_sum3A_339 : i32
      %max3A = arith.maxsi %scan3A_295, %reduce_max3A_336 : i32
      %mul3A_341 = arith.constant 2 : i32
      %mul3A_342 = arith.muli %scan3A_293, %mul3A_341 : i32
      %add3A_343 = arith.constant 1 : i32
      %add3A_344 = arith.addi %mul3A_342, %add3A_343 : i32
      %sub3A_345 = arith.constant 127 : i32
      %sub3A_346 = arith.subi %sub3A_345, %add3A_344 : i32
      %mul3A_347 = arith.constant 16 : i32
      %mul3A_348 = arith.muli %sub3A_346, %mul3A_347 : i32
      %get3A_349 = arith.index_cast %mul3A_348 : i32 to index
      %get3A_350 = tpu.vector_load %arg7[%get3A_349] {strides = array<i32>} : memref<2048xi32, #tpu.memory_space<vmem>>, vector<16xi32>,
      %rev3A_351 = arith.constant 15 : i32
      %rev3A_352 = vector.broadcast %rev3A_351 : i32 to vector<16xi32>
      %rev3A_353 = tpu.iota {dimensions = array<i32: 0>} : vector<16xi32>
      %rev3A_354 = arith.subi %rev3A_352, %rev3A_353 : vector<16xi32>
      %rev3A_355 = tpu.dynamic_gather %get3A_350[%rev3A_354] in [0] : vector<16xi32>, vector<16xi32> -> vector<16xi32>
      %cumsum3A_356 = arith.constant true
      %cumsum3A_357 = vector.broadcast %cumsum3A_356 : i1 to vector<16xi1>
      %cumsum3A_358 = tpu.scan <sum>, %rev3A_355 masked %cumsum3A_357 : vector<16xi32>, vector<16xi1> -> vector<16xi32>
      %add3A_359 = arith.constant 15 : i32
      %add3A_360 = arith.addi %mul3A_348, %add3A_359 : i32
      %sub3A_361 = vector.broadcast %add3A_360 : i32 to vector<16xi32>
      %sub3A_362 = arith.subi %sub3A_361, %iota3A : vector<16xi32>
      %lt3A_363 = arith.cmpi slt, %add3A_340, %sub3A_188 : i32
      %add3A_364 = vector.broadcast %add3A_340 : i32 to vector<16xi32>
      %add3A_365 = arith.addi %add3A_364, %cumsum3A_358 : vector<16xi32>
      %ge3A_366 = vector.broadcast %sub3A_188 : i32 to vector<16xi32>
      %ge3A_367 = arith.cmpi sge, %add3A_365, %ge3A_366 : vector<16xi32>
      %and3A_368 = vector.broadcast %lt3A_363 : i1 to vector<16xi1>
      %and3A_369 = arith.andi %and3A_368, %ge3A_367 : vector<16xi1>
      %mul3A_370 = arith.constant 512 : i32
      %mul3A_371 = vector.broadcast %mul3A_370 : i32 to vector<16xi32>
      %mul3A_372 = arith.muli %sub3A_362, %mul3A_371 : vector<16xi32>
      %add3A_373 = vector.broadcast %add3A_340 : i32 to vector<16xi32>
      %add3A_374 = arith.addi %add3A_373, %cumsum3A_358 : vector<16xi32>
      %sub3A_375 = arith.subi %add3A_374, %rev3A_355 : vector<16xi32>
      %add3A_376 = arith.addi %mul3A_372, %sub3A_375 : vector<16xi32>
      %jit3A_377 = arith.constant -1 : i32
      %broadcast_in_dim3A_378 = vector.broadcast %jit3A_377 : i32 to vector<16xi32>
      %select_n3A_379 = arith.select %and3A_369, %add3A_376, %broadcast_in_dim3A_378 : vector<16xi1>, vector<16xi32>
      %reduce_max3A_380 = arith.constant true
      %reduce_max3A_381 = vector.broadcast %reduce_max3A_380 : i1 to vector<16xi1>
      %reduce_max3A_382 = arith.constant -2147483648 : i32
      %reduce_max3A_383 = vector.broadcast %reduce_max3A_382 : i32 to vector<16xi32>
      %reduce_max3A_384 = arith.xori %select_n3A_379, %reduce_max3A_383 : vector<16xi32>
      %reduce_max3A_385 = tpu.scan <max>, %reduce_max3A_384 masked %reduce_max3A_381 : vector<16xi32>, vector<16xi1> -> vector<16xi32>
      %reduce_max3A_386 = arith.xori %reduce_max3A_385, %reduce_max3A_383 : vector<16xi32>
      %reduce_max3A_387 = vector.extract %reduce_max3A_386[15] : i32 from vector<16xi32>
      %reduce_sum3A_388 = arith.constant true
      %reduce_sum3A_389 = vector.broadcast %reduce_sum3A_388 : i1 to vector<16xi1>
      %reduce_sum3A_390 = tpu.scan <sum>, %get3A_350 masked %reduce_sum3A_389 : vector<16xi32>, vector<16xi1> -> vector<16xi32>
      %reduce_sum3A_391 = vector.extract %reduce_sum3A_390[15] : i32 from vector<16xi32>
      %add3A_392 = arith.addi %add3A_340, %reduce_sum3A_391 : i32
      %max3A_393 = arith.maxsi %max3A, %reduce_max3A_387 : i32
      scf.yield %add3A_392, %max3A_393 : i32, i32
    }
    %scan3A_196 = arith.constant 64 : i32
    %shift_right_arithmetic3A_197 = arith.constant 9 : i32
    %shift_right_arithmetic3A_198 = arith.shrsi %scan3A_195#1, %shift_right_arithmetic3A_197 : i32
    %and3A_199 = arith.constant 511 : i32
    %and3A_200 = arith.andi %scan3A_195#1, %and3A_199 : i32
    %shift_left3A_201 = arith.constant 21 : i32
    %shift_left3A_202 = arith.shli %shift_right_arithmetic3A_170, %shift_left3A_201 : i32
    %shift_left3A_203 = arith.constant 10 : i32
    %shift_left3A_204 = arith.shli %shift_right_arithmetic3A_198, %shift_left3A_203 : i32
    %or3A_205 = arith.ori %shift_left3A_202, %shift_left3A_204 : i32
    %xor3A_206 = arith.constant -2147483648 : i32
    %xor3A_207 = arith.xori %or3A_205, %xor3A_206 : i32
    %scan3A_208 = arith.constant 0 : i32
    %scan3A_209 = arith.constant 0 : i32
    %scan3A_210 = arith.constant 5 : i32
    %scan3A_211 = arith.addi %scan3A_209, %scan3A_210 : i32
    %scan3A_212 = arith.constant 1 : i32
    %scan3A_213 = scf.for %scan3A_293 = %scan3A_209 to %scan3A_211 step %scan3A_212 iter_args(%scan3A_294 = %scan3A_208) -> (i32)  : i32 {
      %mul3A_295 = arith.constant 4 : i32
      %mul3A_296 = arith.muli %scan3A_293, %mul3A_295 : i32
      %add3A_297 = arith.constant 0 : i32
      %add3A_298 = arith.addi %mul3A_296, %add3A_297 : i32
      %mul3A_299 = arith.constant 16 : i32
      %mul3A_300 = arith.muli %add3A_298, %mul3A_299 : i32
      %swap3A = arith.index_cast %mul3A_300 : i32 to index
      %swap3A_301 = tpu.vector_load %arg8[%swap3A] {strides = array<i32>} : memref<320xi32, #tpu.memory_space<vmem>>, vector<16xi32>,
      tpu.vector_store %arg8[%swap3A], %broadcast_in_dim3A_5 {strides = array<i32>} : memref<320xi32, #tpu.memory_space<vmem>>, vector<16xi32>,
      %mul3A_302 = arith.constant 4 : i32
      %mul3A_303 = arith.muli %scan3A_293, %mul3A_302 : i32
      %add3A_304 = arith.constant 0 : i32
      %add3A_305 = arith.addi %mul3A_303, %add3A_304 : i32
      %mul3A_306 = arith.constant 16 : i32
      %mul3A_307 = arith.muli %add3A_305, %mul3A_306 : i32
      %swap3A_308 = arith.index_cast %mul3A_307 : i32 to index
      %swap3A_309 = tpu.vector_load %arg9[%swap3A_308] {strides = array<i32>} : memref<320xi32, #tpu.memory_space<vmem>>, vector<16xi32>,
      tpu.vector_store %arg9[%swap3A_308], %broadcast_in_dim3A_3 {strides = array<i32>} : memref<320xi32, #tpu.memory_space<vmem>>, vector<16xi32>,
      %mul3A_310 = arith.constant 4 : i32
      %mul3A_311 = arith.muli %scan3A_293, %mul3A_310 : i32
      %add3A_312 = arith.constant 1 : i32
      %add3A_313 = arith.addi %mul3A_311, %add3A_312 : i32
      %mul3A_314 = arith.constant 16 : i32
      %mul3A_315 = arith.muli %add3A_313, %mul3A_314 : i32
      %swap3A_316 = arith.index_cast %mul3A_315 : i32 to index
      %swap3A_317 = tpu.vector_load %arg8[%swap3A_316] {strides = array<i32>} : memref<320xi32, #tpu.memory_space<vmem>>, vector<16xi32>,
      tpu.vector_store %arg8[%swap3A_316], %broadcast_in_dim3A_5 {strides = array<i32>} : memref<320xi32, #tpu.memory_space<vmem>>, vector<16xi32>,
      %mul3A_318 = arith.constant 4 : i32
      %mul3A_319 = arith.muli %scan3A_293, %mul3A_318 : i32
      %add3A_320 = arith.constant 1 : i32
      %add3A_321 = arith.addi %mul3A_319, %add3A_320 : i32
      %mul3A_322 = arith.constant 16 : i32
      %mul3A_323 = arith.muli %add3A_321, %mul3A_322 : i32
      %swap3A_324 = arith.index_cast %mul3A_323 : i32 to index
      %swap3A_325 = tpu.vector_load %arg9[%swap3A_324] {strides = array<i32>} : memref<320xi32, #tpu.memory_space<vmem>>, vector<16xi32>,
      tpu.vector_store %arg9[%swap3A_324], %broadcast_in_dim3A_3 {strides = array<i32>} : memref<320xi32, #tpu.memory_space<vmem>>, vector<16xi32>,
      %mul3A_326 = arith.constant 4 : i32
      %mul3A_327 = arith.muli %scan3A_293, %mul3A_326 : i32
      %add3A_328 = arith.constant 2 : i32
      %add3A_329 = arith.addi %mul3A_327, %add3A_328 : i32
      %mul3A_330 = arith.constant 16 : i32
      %mul3A_331 = arith.muli %add3A_329, %mul3A_330 : i32
      %swap3A_332 = arith.index_cast %mul3A_331 : i32 to index
      %swap3A_333 = tpu.vector_load %arg8[%swap3A_332] {strides = array<i32>} : memref<320xi32, #tpu.memory_space<vmem>>, vector<16xi32>,
      tpu.vector_store %arg8[%swap3A_332], %broadcast_in_dim3A_5 {strides = array<i32>} : memref<320xi32, #tpu.memory_space<vmem>>, vector<16xi32>,
      %mul3A_334 = arith.constant 4 : i32
      %mul3A_335 = arith.muli %scan3A_293, %mul3A_334 : i32
      %add3A_336 = arith.constant 2 : i32
      %add3A_337 = arith.addi %mul3A_335, %add3A_336 : i32
      %mul3A_338 = arith.constant 16 : i32
      %mul3A_339 = arith.muli %add3A_337, %mul3A_338 : i32
      %swap3A_340 = arith.index_cast %mul3A_339 : i32 to index
      %swap3A_341 = tpu.vector_load %arg9[%swap3A_340] {strides = array<i32>} : memref<320xi32, #tpu.memory_space<vmem>>, vector<16xi32>,
      tpu.vector_store %arg9[%swap3A_340], %broadcast_in_dim3A_3 {strides = array<i32>} : memref<320xi32, #tpu.memory_space<vmem>>, vector<16xi32>,
      %mul3A_342 = arith.constant 4 : i32
      %mul3A_343 = arith.muli %scan3A_293, %mul3A_342 : i32
      %add3A_344 = arith.constant 3 : i32
      %add3A_345 = arith.addi %mul3A_343, %add3A_344 : i32
      %mul3A_346 = arith.constant 16 : i32
      %mul3A_347 = arith.muli %add3A_345, %mul3A_346 : i32
      %swap3A_348 = arith.index_cast %mul3A_347 : i32 to index
      %swap3A_349 = tpu.vector_load %arg8[%swap3A_348] {strides = array<i32>} : memref<320xi32, #tpu.memory_space<vmem>>, vector<16xi32>,
      tpu.vector_store %arg8[%swap3A_348], %broadcast_in_dim3A_5 {strides = array<i32>} : memref<320xi32, #tpu.memory_space<vmem>>, vector<16xi32>,
      %mul3A_350 = arith.constant 4 : i32
      %mul3A_351 = arith.muli %scan3A_293, %mul3A_350 : i32
      %add3A_352 = arith.constant 3 : i32
      %add3A_353 = arith.addi %mul3A_351, %add3A_352 : i32
      %mul3A_354 = arith.constant 16 : i32
      %mul3A_355 = arith.muli %add3A_353, %mul3A_354 : i32
      %swap3A_356 = arith.index_cast %mul3A_355 : i32 to index
      %swap3A_357 = tpu.vector_load %arg9[%swap3A_356] {strides = array<i32>} : memref<320xi32, #tpu.memory_space<vmem>>, vector<16xi32>,
      tpu.vector_store %arg9[%swap3A_356], %broadcast_in_dim3A_3 {strides = array<i32>} : memref<320xi32, #tpu.memory_space<vmem>>, vector<16xi32>,
      %scan3A_358 = arith.constant 0 : i32
      scf.yield %scan3A_358 : i32
    }
    %scan3A_214 = arith.constant 5 : i32
    %scan3A_215 = arith.constant 0 : i32
    %scan3A_216 = arith.constant 0 : i32
    %scan3A_217 = arith.constant 128 : i32
    %scan3A_218 = arith.addi %scan3A_216, %scan3A_217 : i32
    %scan3A_219 = arith.constant 1 : i32
    %scan3A_220 = scf.for %scan3A_293 = %scan3A_216 to %scan3A_218 step %scan3A_219 iter_args(%scan3A_294 = %scan3A_215) -> (i32)  : i32 {
      %mul3A_295 = arith.constant 2 : i32
      %mul3A_296 = arith.muli %scan3A_293, %mul3A_295 : i32
      %add3A_297 = arith.constant 0 : i32
      %add3A_298 = arith.addi %mul3A_296, %add3A_297 : i32
      %mul3A_299 = arith.constant 16 : i32
      %mul3A_300 = arith.muli %add3A_298, %mul3A_299 : i32
      %get3A = arith.index_cast %mul3A_300 : i32 to index
      %get3A_301 = tpu.vector_load %arg6[%get3A] {strides = array<i32>} : memref<4096xi32, #tpu.memory_space<vmem>>, vector<16xi32>,
      %ge3A = vector.broadcast %xor3A_207 : i32 to vector<16xi32>
      %ge3A_302 = arith.cmpi sge, %get3A_301, %ge3A : vector<16xi32>
      %mul3A_303 = arith.constant 16 : i32
      %mul3A_304 = arith.muli %add3A_298, %mul3A_303 : i32
      %add3A_305 = vector.broadcast %mul3A_304 : i32 to vector<16xi32>
      %add3A_306 = arith.addi %add3A_305, %iota3A : vector<16xi32>
      %swap3A = arith.index_cast %scan3A_294 : i32 to index
      %swap3A_307 = tpu.vector_load %arg8[%swap3A] masked %ge3A_302 {strides = array<i32>} : memref<320xi32, #tpu.memory_space<vmem>>, vector<16xi32>, vector<16xi1>
      tpu.vector_store %arg8[%swap3A], %get3A_301 masked %ge3A_302 {strides = array<i32>} : memref<320xi32, #tpu.memory_space<vmem>>, vector<16xi32>, vector<16xi1>
      %swap3A_308 = arith.index_cast %scan3A_294 : i32 to index
      %swap3A_309 = tpu.vector_load %arg9[%swap3A_308] masked %ge3A_302 {strides = array<i32>} : memref<320xi32, #tpu.memory_space<vmem>>, vector<16xi32>, vector<16xi1>
      tpu.vector_store %arg9[%swap3A_308], %add3A_306 masked %ge3A_302 {strides = array<i32>} : memref<320xi32, #tpu.memory_space<vmem>>, vector<16xi32>, vector<16xi1>
      %all_reduce_population_count3A = tpu.all_reduce %ge3A_302 {dim = 0 : i64, kind = #tpu.reduction_kind<sum>} : vector<16xi1> -> vector<16xi32>
      %reduce_max3A = arith.constant true
      %reduce_max3A_310 = vector.broadcast %reduce_max3A : i1 to vector<16xi1>
      %reduce_max3A_311 = arith.constant -2147483648 : i32
      %reduce_max3A_312 = vector.broadcast %reduce_max3A_311 : i32 to vector<16xi32>
      %reduce_max3A_313 = arith.xori %all_reduce_population_count3A, %reduce_max3A_312 : vector<16xi32>
      %reduce_max3A_314 = tpu.scan <max>, %reduce_max3A_313 masked %reduce_max3A_310 : vector<16xi32>, vector<16xi1> -> vector<16xi32>
      %reduce_max3A_315 = arith.xori %reduce_max3A_314, %reduce_max3A_312 : vector<16xi32>
      %reduce_max3A_316 = vector.extract %reduce_max3A_315[15] : i32 from vector<16xi32>
      %add3A_317 = arith.addi %scan3A_294, %reduce_max3A_316 : i32
      %min3A_318 = arith.constant 304 : i32
      %min3A_319 = arith.minsi %add3A_317, %min3A_318 : i32
      %mul3A_320 = arith.constant 2 : i32
      %mul3A_321 = arith.muli %scan3A_293, %mul3A_320 : i32
      %add3A_322 = arith.constant 1 : i32
      %add3A_323 = arith.addi %mul3A_321, %add3A_322 : i32
      %mul3A_324 = arith.constant 16 : i32
      %mul3A_325 = arith.muli %add3A_323, %mul3A_324 : i32
      %get3A_326 = arith.index_cast %mul3A_325 : i32 to index
      %get3A_327 = tpu.vector_load %arg6[%get3A_326] {strides = array<i32>} : memref<4096xi32, #tpu.memory_space<vmem>>, vector<16xi32>,
      %ge3A_328 = vector.broadcast %xor3A_207 : i32 to vector<16xi32>
      %ge3A_329 = arith.cmpi sge, %get3A_327, %ge3A_328 : vector<16xi32>
      %mul3A_330 = arith.constant 16 : i32
      %mul3A_331 = arith.muli %add3A_323, %mul3A_330 : i32
      %add3A_332 = vector.broadcast %mul3A_331 : i32 to vector<16xi32>
      %add3A_333 = arith.addi %add3A_332, %iota3A : vector<16xi32>
      %swap3A_334 = arith.index_cast %min3A_319 : i32 to index
      %swap3A_335 = tpu.vector_load %arg8[%swap3A_334] masked %ge3A_329 {strides = array<i32>} : memref<320xi32, #tpu.memory_space<vmem>>, vector<16xi32>, vector<16xi1>
      tpu.vector_store %arg8[%swap3A_334], %get3A_327 masked %ge3A_329 {strides = array<i32>} : memref<320xi32, #tpu.memory_space<vmem>>, vector<16xi32>, vector<16xi1>
      %swap3A_336 = arith.index_cast %min3A_319 : i32 to index
      %swap3A_337 = tpu.vector_load %arg9[%swap3A_336] masked %ge3A_329 {strides = array<i32>} : memref<320xi32, #tpu.memory_space<vmem>>, vector<16xi32>, vector<16xi1>
      tpu.vector_store %arg9[%swap3A_336], %add3A_333 masked %ge3A_329 {strides = array<i32>} : memref<320xi32, #tpu.memory_space<vmem>>, vector<16xi32>, vector<16xi1>
      %all_reduce_population_count3A_338 = tpu.all_reduce %ge3A_329 {dim = 0 : i64, kind = #tpu.reduction_kind<sum>} : vector<16xi1> -> vector<16xi32>
      %reduce_max3A_339 = arith.constant true
      %reduce_max3A_340 = vector.broadcast %reduce_max3A_339 : i1 to vector<16xi1>
      %reduce_max3A_341 = arith.constant -2147483648 : i32
      %reduce_max3A_342 = vector.broadcast %reduce_max3A_341 : i32 to vector<16xi32>
      %reduce_max3A_343 = arith.xori %all_reduce_population_count3A_338, %reduce_max3A_342 : vector<16xi32>
      %reduce_max3A_344 = tpu.scan <max>, %reduce_max3A_343 masked %reduce_max3A_340 : vector<16xi32>, vector<16xi1> -> vector<16xi32>
      %reduce_max3A_345 = arith.xori %reduce_max3A_344, %reduce_max3A_342 : vector<16xi32>
      %reduce_max3A_346 = vector.extract %reduce_max3A_345[15] : i32 from vector<16xi32>
      %add3A_347 = arith.addi %min3A_319, %reduce_max3A_346 : i32
      %min3A_348 = arith.constant 304 : i32
      %min3A_349 = arith.minsi %add3A_347, %min3A_348 : i32
      scf.yield %min3A_349 : i32
    }
    %scan3A_221 = arith.constant 128 : i32
    %add3A_222 = arith.constant 16 : i32
    %add3A_223 = arith.addi %scan3A_220, %add3A_222 : i32
    %sub3A_224 = arith.constant 1 : i32
    %sub3A_225 = arith.subi %add3A_223, %sub3A_224 : i32
    %jit3A_226 = arith.constant 16 : i32
    %div3A_227 = arith.divsi %sub3A_225, %jit3A_226 : i32
    %sign3A_228 = arith.constant 0 : i32
    %sign3A_229 = arith.cmpi sgt, %sub3A_225, %sign3A_228 : i32
    %sign3A_230 = arith.extui %sign3A_229 : i1 to i32
    %sign3A_231 = arith.constant 0 : i32
    %sign3A_232 = arith.cmpi slt, %sub3A_225, %sign3A_231 : i32
    %sign3A_233 = arith.extui %sign3A_232 : i1 to i32
    %sign3A_234 = arith.subi %sign3A_230, %sign3A_233 : i32
    %sign3A_235 = arith.constant 0 : i32
    %sign3A_236 = arith.cmpi sgt, %jit3A_226, %sign3A_235 : i32
    %sign3A_237 = arith.extui %sign3A_236 : i1 to i32
    %sign3A_238 = arith.constant 0 : i32
    %sign3A_239 = arith.cmpi slt, %jit3A_226, %sign3A_238 : i32
    %sign3A_240 = arith.extui %sign3A_239 : i1 to i32
    %sign3A_241 = arith.subi %sign3A_237, %sign3A_240 : i32
    %ne3A_242 = arith.cmpi ne, %sign3A_234, %sign3A_241 : i32
    %rem3A_243 = arith.remsi %sub3A_225, %jit3A_226 : i32
    %ne3A_244 = arith.constant 0 : i32
    %ne3A_245 = arith.cmpi ne, %rem3A_243, %ne3A_244 : i32
    %and3A_246 = arith.andi %ne3A_242, %ne3A_245 : i1
    %sub3A_247 = arith.constant 1 : i32
    %sub3A_248 = arith.subi %div3A_227, %sub3A_247 : i32
    %select_n3A_249 = arith.select %and3A_246, %sub3A_248, %div3A_227 : i32
    %min3A_250 = arith.constant 20 : i32
    %min3A_251 = arith.minsi %select_n3A_249, %min3A_250 : i32
    %while3A_252 = arith.constant 0 : i32
    %while3A_253 = arith.constant 0 : i32
    %while3A_254 = arith.subi %min3A_251, %while3A_252 : i32
    %while3A_255 = arith.addi %while3A_252, %while3A_254 : i32
    %while3A_256 = arith.constant 1 : i32
    %while3A_257 = arith.divsi %while3A_254, %while3A_256 : i32
    %while3A_258 = arith.muli %while3A_257, %while3A_256 : i32
    %while3A_259 = arith.addi %while3A_252, %while3A_258 : i32
    %while3A_260 = arith.constant 1 : i32
    %while3A_261 = scf.for %while3A_293 = %while3A_252 to %while3A_259 step %while3A_260 iter_args(%while3A_294 = %while3A_253) -> (i32)  : i32 {
      %mul3A_295 = arith.constant 16 : i32
      %mul3A_296 = arith.muli %while3A_293, %mul3A_295 : i32
      %get3A = arith.index_cast %mul3A_296 : i32 to index
      %get3A_297 = tpu.vector_load %arg8[%get3A] {strides = array<i32>} : memref<320xi32, #tpu.memory_space<vmem>>, vector<16xi32>,
      %mul3A_298 = arith.constant 16 : i32
      %mul3A_299 = arith.muli %while3A_293, %mul3A_298 : i32
      %get3A_300 = arith.index_cast %mul3A_299 : i32 to index
      %get3A_301 = tpu.vector_load %arg9[%get3A_300] {strides = array<i32>} : memref<320xi32, #tpu.memory_space<vmem>>, vector<16xi32>,
      %masked_sort3A = arith.constant dense<true> : vector<16xi1>
      %masked_sort3A_302 = arith.constant -2147483648 : i32
      %masked_sort3A_303 = vector.broadcast %masked_sort3A_302 : i32 to vector<16xi32>
      %masked_sort3A_304 = arith.xori %get3A_297, %masked_sort3A_303 : vector<16xi32>
      %masked_sort3A_305, %masked_sort3A_306, %masked_sort3A_307 = tpu.sort %masked_sort3A_304, %get3A_301 masked %masked_sort3A {descending = true} : (vector<16xi32>, vector<16xi32>, vector<16xi1>) -> (vector<16xi1>, vector<16xi32>, vector<16xi32>)
      %masked_sort3A_308 = arith.xori %masked_sort3A_306, %masked_sort3A_303 : vector<16xi32>
      %mul3A_309 = arith.constant 16 : i32
      %mul3A_310 = arith.muli %while3A_293, %mul3A_309 : i32
      %swap3A = arith.index_cast %mul3A_310 : i32 to index
      %swap3A_311 = tpu.vector_load %arg8[%swap3A] {strides = array<i32>} : memref<320xi32, #tpu.memory_space<vmem>>, vector<16xi32>,
      tpu.vector_store %arg8[%swap3A], %masked_sort3A_308 {strides = array<i32>} : memref<320xi32, #tpu.memory_space<vmem>>, vector<16xi32>,
      %mul3A_312 = arith.constant 16 : i32
      %mul3A_313 = arith.muli %while3A_293, %mul3A_312 : i32
      %swap3A_314 = arith.index_cast %mul3A_313 : i32 to index
      %swap3A_315 = tpu.vector_load %arg9[%swap3A_314] {strides = array<i32>} : memref<320xi32, #tpu.memory_space<vmem>>, vector<16xi32>,
      tpu.vector_store %arg9[%swap3A_314], %masked_sort3A_307 {strides = array<i32>} : memref<320xi32, #tpu.memory_space<vmem>>, vector<16xi32>,
      %while3A_316 = arith.constant 0 : i32
      scf.yield %while3A_316 : i32
    }
    %while3A_262 = arith.constant 1 : i32
    %while3A_263 = scf.for %while3A_293 = %while3A_259 to %while3A_255 step %while3A_262 iter_args(%while3A_294 = %while3A_261) -> (i32)  : i32 {
      %mul3A_295 = arith.constant 16 : i32
      %mul3A_296 = arith.muli %while3A_293, %mul3A_295 : i32
      %get3A = arith.index_cast %mul3A_296 : i32 to index
      %get3A_297 = tpu.vector_load %arg8[%get3A] {strides = array<i32>} : memref<320xi32, #tpu.memory_space<vmem>>, vector<16xi32>,
      %mul3A_298 = arith.constant 16 : i32
      %mul3A_299 = arith.muli %while3A_293, %mul3A_298 : i32
      %get3A_300 = arith.index_cast %mul3A_299 : i32 to index
      %get3A_301 = tpu.vector_load %arg9[%get3A_300] {strides = array<i32>} : memref<320xi32, #tpu.memory_space<vmem>>, vector<16xi32>,
      %masked_sort3A = arith.constant dense<true> : vector<16xi1>
      %masked_sort3A_302 = arith.constant -2147483648 : i32
      %masked_sort3A_303 = vector.broadcast %masked_sort3A_302 : i32 to vector<16xi32>
      %masked_sort3A_304 = arith.xori %get3A_297, %masked_sort3A_303 : vector<16xi32>
      %masked_sort3A_305, %masked_sort3A_306, %masked_sort3A_307 = tpu.sort %masked_sort3A_304, %get3A_301 masked %masked_sort3A {descending = true} : (vector<16xi32>, vector<16xi32>, vector<16xi1>) -> (vector<16xi1>, vector<16xi32>, vector<16xi32>)
      %masked_sort3A_308 = arith.xori %masked_sort3A_306, %masked_sort3A_303 : vector<16xi32>
      %mul3A_309 = arith.constant 16 : i32
      %mul3A_310 = arith.muli %while3A_293, %mul3A_309 : i32
      %swap3A = arith.index_cast %mul3A_310 : i32 to index
      %swap3A_311 = tpu.vector_load %arg8[%swap3A] {strides = array<i32>} : memref<320xi32, #tpu.memory_space<vmem>>, vector<16xi32>,
      tpu.vector_store %arg8[%swap3A], %masked_sort3A_308 {strides = array<i32>} : memref<320xi32, #tpu.memory_space<vmem>>, vector<16xi32>,
      %mul3A_312 = arith.constant 16 : i32
      %mul3A_313 = arith.muli %while3A_293, %mul3A_312 : i32
      %swap3A_314 = arith.index_cast %mul3A_313 : i32 to index
      %swap3A_315 = tpu.vector_load %arg9[%swap3A_314] {strides = array<i32>} : memref<320xi32, #tpu.memory_space<vmem>>, vector<16xi32>,
      tpu.vector_store %arg9[%swap3A_314], %masked_sort3A_307 {strides = array<i32>} : memref<320xi32, #tpu.memory_space<vmem>>, vector<16xi32>,
      %while3A_316 = arith.constant 0 : i32
      scf.yield %while3A_316 : i32
    }
    %while3A_264 = arith.constant 0 : i32
    %while3A_265 = arith.constant 0 : i32
    %while3A_266 = arith.subi %min3A_251, %while3A_264 : i32
    %while3A_267 = arith.addi %while3A_264, %while3A_266 : i32
    %while3A_268 = arith.constant 1 : i32
    %while3A_269 = arith.divsi %while3A_266, %while3A_268 : i32
    %while3A_270 = arith.muli %while3A_269, %while3A_268 : i32
    %while3A_271 = arith.addi %while3A_264, %while3A_270 : i32
    %while3A_272 = arith.constant 1 : i32
    %while3A_273 = scf.for %while3A_293 = %while3A_264 to %while3A_271 step %while3A_272 iter_args(%while3A_294 = %while3A_265) -> (i32)  : i32 {
      %jit3A_295 = arith.constant 2 : i32
      %eq3A = arith.constant 0 : i32
      %eq3A_296 = arith.cmpi eq, %jit3A_295, %eq3A : i32
      %jit3A_297 = arith.constant 1 : i32
      %select_n3A_298 = arith.select %eq3A_296, %jit3A_297, %jit3A_295 : i32
      %rem3A_299 = arith.remsi %while3A_293, %select_n3A_298 : i32
      %ne3A_300 = arith.constant 0 : i32
      %ne3A_301 = arith.cmpi ne, %rem3A_299, %ne3A_300 : i32
      %lt3A = arith.constant 0 : i32
      %lt3A_302 = arith.cmpi slt, %rem3A_299, %lt3A : i32
      %lt3A_303 = arith.constant 0 : i32
      %lt3A_304 = arith.cmpi slt, %select_n3A_298, %lt3A_303 : i32
      %ne3A_305 = arith.xori %lt3A_302, %lt3A_304 : i1
      %and3A_306 = arith.andi %ne3A_305, %ne3A_301 : i1
      %add3A_307 = arith.addi %rem3A_299, %select_n3A_298 : i32
      %select_n3A_308 = arith.select %and3A_306, %add3A_307, %rem3A_299 : i32
      %sub3A_309 = arith.subi %min3A_251, %select_n3A_308 : i32
      %jit3A_310 = arith.constant 2 : i32
      %div3A_311 = arith.divsi %sub3A_309, %jit3A_310 : i32
      %sign3A_312 = arith.constant 0 : i32
      %sign3A_313 = arith.cmpi sgt, %sub3A_309, %sign3A_312 : i32
      %sign3A_314 = arith.extui %sign3A_313 : i1 to i32
      %sign3A_315 = arith.constant 0 : i32
      %sign3A_316 = arith.cmpi slt, %sub3A_309, %sign3A_315 : i32
      %sign3A_317 = arith.extui %sign3A_316 : i1 to i32
      %sign3A_318 = arith.subi %sign3A_314, %sign3A_317 : i32
      %sign3A_319 = arith.constant 0 : i32
      %sign3A_320 = arith.cmpi sgt, %jit3A_310, %sign3A_319 : i32
      %sign3A_321 = arith.extui %sign3A_320 : i1 to i32
      %sign3A_322 = arith.constant 0 : i32
      %sign3A_323 = arith.cmpi slt, %jit3A_310, %sign3A_322 : i32
      %sign3A_324 = arith.extui %sign3A_323 : i1 to i32
      %sign3A_325 = arith.subi %sign3A_321, %sign3A_324 : i32
      %ne3A_326 = arith.cmpi ne, %sign3A_318, %sign3A_325 : i32
      %rem3A_327 = arith.remsi %sub3A_309, %jit3A_310 : i32
      %ne3A_328 = arith.constant 0 : i32
      %ne3A_329 = arith.cmpi ne, %rem3A_327, %ne3A_328 : i32
      %and3A_330 = arith.andi %ne3A_326, %ne3A_329 : i1
      %sub3A_331 = arith.constant 1 : i32
      %sub3A_332 = arith.subi %div3A_311, %sub3A_331 : i32
      %select_n3A_333 = arith.select %and3A_330, %sub3A_332, %div3A_311 : i32
      %while3A_334 = arith.constant 0 : i32
      %while3A_335 = arith.constant 0 : i32
      %while3A_336 = arith.subi %select_n3A_333, %while3A_334 : i32
      %while3A_337 = arith.addi %while3A_334, %while3A_336 : i32
      %while3A_338 = arith.constant 1 : i32
      %while3A_339 = arith.divsi %while3A_336, %while3A_338 : i32
      %while3A_340 = arith.muli %while3A_339, %while3A_338 : i32
      %while3A_341 = arith.addi %while3A_334, %while3A_340 : i32
      %while3A_342 = arith.constant 1 : i32
      %while3A_343 = scf.for %while3A_347 = %while3A_334 to %while3A_341 step %while3A_342 iter_args(%while3A_348 = %while3A_335) -> (i32)  : i32 {
        %mul3A_349 = arith.constant 2 : i32
        %mul3A_350 = arith.muli %mul3A_349, %while3A_347 : i32
        %add3A_351 = arith.addi %select_n3A_308, %mul3A_350 : i32
        %mul3A_352 = arith.constant 16 : i32
        %mul3A_353 = arith.muli %add3A_351, %mul3A_352 : i32
        %add3A_354 = arith.constant 16 : i32
        %add3A_355 = arith.addi %mul3A_353, %add3A_354 : i32
        %get3A = arith.index_cast %mul3A_353 : i32 to index
        %get3A_356 = tpu.vector_load %arg8[%get3A] {strides = array<i32>} : memref<320xi32, #tpu.memory_space<vmem>>, vector<16xi32>,
        %get3A_357 = arith.index_cast %mul3A_353 : i32 to index
        %get3A_358 = tpu.vector_load %arg9[%get3A_357] {strides = array<i32>} : memref<320xi32, #tpu.memory_space<vmem>>, vector<16xi32>,
        %get3A_359 = arith.index_cast %add3A_355 : i32 to index
        %get3A_360 = tpu.vector_load %arg8[%get3A_359] {strides = array<i32>} : memref<320xi32, #tpu.memory_space<vmem>>, vector<16xi32>,
        %rev3A = arith.constant 15 : i32
        %rev3A_361 = vector.broadcast %rev3A : i32 to vector<16xi32>
        %rev3A_362 = tpu.iota {dimensions = array<i32: 0>} : vector<16xi32>
        %rev3A_363 = arith.subi %rev3A_361, %rev3A_362 : vector<16xi32>
        %rev3A_364 = tpu.dynamic_gather %get3A_360[%rev3A_363] in [0] : vector<16xi32>, vector<16xi32> -> vector<16xi32>
        %get3A_365 = arith.index_cast %add3A_355 : i32 to index
        %get3A_366 = tpu.vector_load %arg9[%get3A_365] {strides = array<i32>} : memref<320xi32, #tpu.memory_space<vmem>>, vector<16xi32>,
        %rev3A_367 = arith.constant 15 : i32
        %rev3A_368 = vector.broadcast %rev3A_367 : i32 to vector<16xi32>
        %rev3A_369 = tpu.iota {dimensions = array<i32: 0>} : vector<16xi32>
        %rev3A_370 = arith.subi %rev3A_368, %rev3A_369 : vector<16xi32>
        %rev3A_371 = tpu.dynamic_gather %get3A_366[%rev3A_370] in [0] : vector<16xi32>, vector<16xi32> -> vector<16xi32>
        %ge3A = arith.cmpi sge, %get3A_356, %rev3A_364 : vector<16xi32>
        %select_n3A_372 = arith.select %ge3A, %get3A_356, %rev3A_364 : vector<16xi1>, vector<16xi32>
        %select_n3A_373 = arith.select %ge3A, %get3A_358, %rev3A_371 : vector<16xi1>, vector<16xi32>
        %select_n3A_374 = arith.select %ge3A, %rev3A_364, %get3A_356 : vector<16xi1>, vector<16xi32>
        %select_n3A_375 = arith.select %ge3A, %rev3A_371, %get3A_358 : vector<16xi1>, vector<16xi32>
        %masked_sort3A = arith.constant dense<true> : vector<16xi1>
        %masked_sort3A_376 = arith.constant -2147483648 : i32
        %masked_sort3A_377 = vector.broadcast %masked_sort3A_376 : i32 to vector<16xi32>
        %masked_sort3A_378 = arith.xori %select_n3A_372, %masked_sort3A_377 : vector<16xi32>
        %masked_sort3A_379, %masked_sort3A_380, %masked_sort3A_381 = tpu.sort %masked_sort3A_378, %select_n3A_373 masked %masked_sort3A {descending = true} : (vector<16xi32>, vector<16xi32>, vector<16xi1>) -> (vector<16xi1>, vector<16xi32>, vector<16xi32>)
        %masked_sort3A_382 = arith.xori %masked_sort3A_380, %masked_sort3A_377 : vector<16xi32>
        %masked_sort3A_383 = arith.constant dense<true> : vector<16xi1>
        %masked_sort3A_384 = arith.constant -2147483648 : i32
        %masked_sort3A_385 = vector.broadcast %masked_sort3A_384 : i32 to vector<16xi32>
        %masked_sort3A_386 = arith.xori %select_n3A_374, %masked_sort3A_385 : vector<16xi32>
        %masked_sort3A_387, %masked_sort3A_388, %masked_sort3A_389 = tpu.sort %masked_sort3A_386, %select_n3A_375 masked %masked_sort3A_383 {descending = true} : (vector<16xi32>, vector<16xi32>, vector<16xi1>) -> (vector<16xi1>, vector<16xi32>, vector<16xi32>)
        %masked_sort3A_390 = arith.xori %masked_sort3A_388, %masked_sort3A_385 : vector<16xi32>
        %swap3A = arith.index_cast %mul3A_353 : i32 to index
        %swap3A_391 = tpu.vector_load %arg8[%swap3A] {strides = array<i32>} : memref<320xi32, #tpu.memory_space<vmem>>, vector<16xi32>,
        tpu.vector_store %arg8[%swap3A], %masked_sort3A_382 {strides = array<i32>} : memref<320xi32, #tpu.memory_space<vmem>>, vector<16xi32>,
        %swap3A_392 = arith.index_cast %mul3A_353 : i32 to index
        %swap3A_393 = tpu.vector_load %arg9[%swap3A_392] {strides = array<i32>} : memref<320xi32, #tpu.memory_space<vmem>>, vector<16xi32>,
        tpu.vector_store %arg9[%swap3A_392], %masked_sort3A_381 {strides = array<i32>} : memref<320xi32, #tpu.memory_space<vmem>>, vector<16xi32>,
        %swap3A_394 = arith.index_cast %add3A_355 : i32 to index
        %swap3A_395 = tpu.vector_load %arg8[%swap3A_394] {strides = array<i32>} : memref<320xi32, #tpu.memory_space<vmem>>, vector<16xi32>,
        tpu.vector_store %arg8[%swap3A_394], %masked_sort3A_390 {strides = array<i32>} : memref<320xi32, #tpu.memory_space<vmem>>, vector<16xi32>,
        %swap3A_396 = arith.index_cast %add3A_355 : i32 to index
        %swap3A_397 = tpu.vector_load %arg9[%swap3A_396] {strides = array<i32>} : memref<320xi32, #tpu.memory_space<vmem>>, vector<16xi32>,
        tpu.vector_store %arg9[%swap3A_396], %masked_sort3A_389 {strides = array<i32>} : memref<320xi32, #tpu.memory_space<vmem>>, vector<16xi32>,
        %while3A_398 = arith.constant 0 : i32
        scf.yield %while3A_398 : i32
      }
      %while3A_344 = arith.constant 1 : i32
      %while3A_345 = scf.for %while3A_347 = %while3A_341 to %while3A_337 step %while3A_344 iter_args(%while3A_348 = %while3A_343) -> (i32)  : i32 {
        %mul3A_349 = arith.constant 2 : i32
        %mul3A_350 = arith.muli %mul3A_349, %while3A_347 : i32
        %add3A_351 = arith.addi %select_n3A_308, %mul3A_350 : i32
        %mul3A_352 = arith.constant 16 : i32
        %mul3A_353 = arith.muli %add3A_351, %mul3A_352 : i32
        %add3A_354 = arith.constant 16 : i32
        %add3A_355 = arith.addi %mul3A_353, %add3A_354 : i32
        %get3A = arith.index_cast %mul3A_353 : i32 to index
        %get3A_356 = tpu.vector_load %arg8[%get3A] {strides = array<i32>} : memref<320xi32, #tpu.memory_space<vmem>>, vector<16xi32>,
        %get3A_357 = arith.index_cast %mul3A_353 : i32 to index
        %get3A_358 = tpu.vector_load %arg9[%get3A_357] {strides = array<i32>} : memref<320xi32, #tpu.memory_space<vmem>>, vector<16xi32>,
        %get3A_359 = arith.index_cast %add3A_355 : i32 to index
        %get3A_360 = tpu.vector_load %arg8[%get3A_359] {strides = array<i32>} : memref<320xi32, #tpu.memory_space<vmem>>, vector<16xi32>,
        %rev3A = arith.constant 15 : i32
        %rev3A_361 = vector.broadcast %rev3A : i32 to vector<16xi32>
        %rev3A_362 = tpu.iota {dimensions = array<i32: 0>} : vector<16xi32>
        %rev3A_363 = arith.subi %rev3A_361, %rev3A_362 : vector<16xi32>
        %rev3A_364 = tpu.dynamic_gather %get3A_360[%rev3A_363] in [0] : vector<16xi32>, vector<16xi32> -> vector<16xi32>
        %get3A_365 = arith.index_cast %add3A_355 : i32 to index
        %get3A_366 = tpu.vector_load %arg9[%get3A_365] {strides = array<i32>} : memref<320xi32, #tpu.memory_space<vmem>>, vector<16xi32>,
        %rev3A_367 = arith.constant 15 : i32
        %rev3A_368 = vector.broadcast %rev3A_367 : i32 to vector<16xi32>
        %rev3A_369 = tpu.iota {dimensions = array<i32: 0>} : vector<16xi32>
        %rev3A_370 = arith.subi %rev3A_368, %rev3A_369 : vector<16xi32>
        %rev3A_371 = tpu.dynamic_gather %get3A_366[%rev3A_370] in [0] : vector<16xi32>, vector<16xi32> -> vector<16xi32>
        %ge3A = arith.cmpi sge, %get3A_356, %rev3A_364 : vector<16xi32>
        %select_n3A_372 = arith.select %ge3A, %get3A_356, %rev3A_364 : vector<16xi1>, vector<16xi32>
        %select_n3A_373 = arith.select %ge3A, %get3A_358, %rev3A_371 : vector<16xi1>, vector<16xi32>
        %select_n3A_374 = arith.select %ge3A, %rev3A_364, %get3A_356 : vector<16xi1>, vector<16xi32>
        %select_n3A_375 = arith.select %ge3A, %rev3A_371, %get3A_358 : vector<16xi1>, vector<16xi32>
        %masked_sort3A = arith.constant dense<true> : vector<16xi1>
        %masked_sort3A_376 = arith.constant -2147483648 : i32
        %masked_sort3A_377 = vector.broadcast %masked_sort3A_376 : i32 to vector<16xi32>
        %masked_sort3A_378 = arith.xori %select_n3A_372, %masked_sort3A_377 : vector<16xi32>
        %masked_sort3A_379, %masked_sort3A_380, %masked_sort3A_381 = tpu.sort %masked_sort3A_378, %select_n3A_373 masked %masked_sort3A {descending = true} : (vector<16xi32>, vector<16xi32>, vector<16xi1>) -> (vector<16xi1>, vector<16xi32>, vector<16xi32>)
        %masked_sort3A_382 = arith.xori %masked_sort3A_380, %masked_sort3A_377 : vector<16xi32>
        %masked_sort3A_383 = arith.constant dense<true> : vector<16xi1>
        %masked_sort3A_384 = arith.constant -2147483648 : i32
        %masked_sort3A_385 = vector.broadcast %masked_sort3A_384 : i32 to vector<16xi32>
        %masked_sort3A_386 = arith.xori %select_n3A_374, %masked_sort3A_385 : vector<16xi32>
        %masked_sort3A_387, %masked_sort3A_388, %masked_sort3A_389 = tpu.sort %masked_sort3A_386, %select_n3A_375 masked %masked_sort3A_383 {descending = true} : (vector<16xi32>, vector<16xi32>, vector<16xi1>) -> (vector<16xi1>, vector<16xi32>, vector<16xi32>)
        %masked_sort3A_390 = arith.xori %masked_sort3A_388, %masked_sort3A_385 : vector<16xi32>
        %swap3A = arith.index_cast %mul3A_353 : i32 to index
        %swap3A_391 = tpu.vector_load %arg8[%swap3A] {strides = array<i32>} : memref<320xi32, #tpu.memory_space<vmem>>, vector<16xi32>,
        tpu.vector_store %arg8[%swap3A], %masked_sort3A_382 {strides = array<i32>} : memref<320xi32, #tpu.memory_space<vmem>>, vector<16xi32>,
        %swap3A_392 = arith.index_cast %mul3A_353 : i32 to index
        %swap3A_393 = tpu.vector_load %arg9[%swap3A_392] {strides = array<i32>} : memref<320xi32, #tpu.memory_space<vmem>>, vector<16xi32>,
        tpu.vector_store %arg9[%swap3A_392], %masked_sort3A_381 {strides = array<i32>} : memref<320xi32, #tpu.memory_space<vmem>>, vector<16xi32>,
        %swap3A_394 = arith.index_cast %add3A_355 : i32 to index
        %swap3A_395 = tpu.vector_load %arg8[%swap3A_394] {strides = array<i32>} : memref<320xi32, #tpu.memory_space<vmem>>, vector<16xi32>,
        tpu.vector_store %arg8[%swap3A_394], %masked_sort3A_390 {strides = array<i32>} : memref<320xi32, #tpu.memory_space<vmem>>, vector<16xi32>,
        %swap3A_396 = arith.index_cast %add3A_355 : i32 to index
        %swap3A_397 = tpu.vector_load %arg9[%swap3A_396] {strides = array<i32>} : memref<320xi32, #tpu.memory_space<vmem>>, vector<16xi32>,
        tpu.vector_store %arg9[%swap3A_396], %masked_sort3A_389 {strides = array<i32>} : memref<320xi32, #tpu.memory_space<vmem>>, vector<16xi32>,
        %while3A_398 = arith.constant 0 : i32
        scf.yield %while3A_398 : i32
      }
      %while3A_346 = arith.constant 0 : i32
      scf.yield %while3A_346 : i32
    }
    %while3A_274 = arith.constant 1 : i32
    %while3A_275 = scf.for %while3A_293 = %while3A_271 to %while3A_267 step %while3A_274 iter_args(%while3A_294 = %while3A_273) -> (i32)  : i32 {
      %jit3A_295 = arith.constant 2 : i32
      %eq3A = arith.constant 0 : i32
      %eq3A_296 = arith.cmpi eq, %jit3A_295, %eq3A : i32
      %jit3A_297 = arith.constant 1 : i32
      %select_n3A_298 = arith.select %eq3A_296, %jit3A_297, %jit3A_295 : i32
      %rem3A_299 = arith.remsi %while3A_293, %select_n3A_298 : i32
      %ne3A_300 = arith.constant 0 : i32
      %ne3A_301 = arith.cmpi ne, %rem3A_299, %ne3A_300 : i32
      %lt3A = arith.constant 0 : i32
      %lt3A_302 = arith.cmpi slt, %rem3A_299, %lt3A : i32
      %lt3A_303 = arith.constant 0 : i32
      %lt3A_304 = arith.cmpi slt, %select_n3A_298, %lt3A_303 : i32
      %ne3A_305 = arith.xori %lt3A_302, %lt3A_304 : i1
      %and3A_306 = arith.andi %ne3A_305, %ne3A_301 : i1
      %add3A_307 = arith.addi %rem3A_299, %select_n3A_298 : i32
      %select_n3A_308 = arith.select %and3A_306, %add3A_307, %rem3A_299 : i32
      %sub3A_309 = arith.subi %min3A_251, %select_n3A_308 : i32
      %jit3A_310 = arith.constant 2 : i32
      %div3A_311 = arith.divsi %sub3A_309, %jit3A_310 : i32
      %sign3A_312 = arith.constant 0 : i32
      %sign3A_313 = arith.cmpi sgt, %sub3A_309, %sign3A_312 : i32
      %sign3A_314 = arith.extui %sign3A_313 : i1 to i32
      %sign3A_315 = arith.constant 0 : i32
      %sign3A_316 = arith.cmpi slt, %sub3A_309, %sign3A_315 : i32
      %sign3A_317 = arith.extui %sign3A_316 : i1 to i32
      %sign3A_318 = arith.subi %sign3A_314, %sign3A_317 : i32
      %sign3A_319 = arith.constant 0 : i32
      %sign3A_320 = arith.cmpi sgt, %jit3A_310, %sign3A_319 : i32
      %sign3A_321 = arith.extui %sign3A_320 : i1 to i32
      %sign3A_322 = arith.constant 0 : i32
      %sign3A_323 = arith.cmpi slt, %jit3A_310, %sign3A_322 : i32
      %sign3A_324 = arith.extui %sign3A_323 : i1 to i32
      %sign3A_325 = arith.subi %sign3A_321, %sign3A_324 : i32
      %ne3A_326 = arith.cmpi ne, %sign3A_318, %sign3A_325 : i32
      %rem3A_327 = arith.remsi %sub3A_309, %jit3A_310 : i32
      %ne3A_328 = arith.constant 0 : i32
      %ne3A_329 = arith.cmpi ne, %rem3A_327, %ne3A_328 : i32
      %and3A_330 = arith.andi %ne3A_326, %ne3A_329 : i1
      %sub3A_331 = arith.constant 1 : i32
      %sub3A_332 = arith.subi %div3A_311, %sub3A_331 : i32
      %select_n3A_333 = arith.select %and3A_330, %sub3A_332, %div3A_311 : i32
      %while3A_334 = arith.constant 0 : i32
      %while3A_335 = arith.constant 0 : i32
      %while3A_336 = arith.subi %select_n3A_333, %while3A_334 : i32
      %while3A_337 = arith.addi %while3A_334, %while3A_336 : i32
      %while3A_338 = arith.constant 1 : i32
      %while3A_339 = arith.divsi %while3A_336, %while3A_338 : i32
      %while3A_340 = arith.muli %while3A_339, %while3A_338 : i32
      %while3A_341 = arith.addi %while3A_334, %while3A_340 : i32
      %while3A_342 = arith.constant 1 : i32
      %while3A_343 = scf.for %while3A_347 = %while3A_334 to %while3A_341 step %while3A_342 iter_args(%while3A_348 = %while3A_335) -> (i32)  : i32 {
        %mul3A_349 = arith.constant 2 : i32
        %mul3A_350 = arith.muli %mul3A_349, %while3A_347 : i32
        %add3A_351 = arith.addi %select_n3A_308, %mul3A_350 : i32
        %mul3A_352 = arith.constant 16 : i32
        %mul3A_353 = arith.muli %add3A_351, %mul3A_352 : i32
        %add3A_354 = arith.constant 16 : i32
        %add3A_355 = arith.addi %mul3A_353, %add3A_354 : i32
        %get3A = arith.index_cast %mul3A_353 : i32 to index
        %get3A_356 = tpu.vector_load %arg8[%get3A] {strides = array<i32>} : memref<320xi32, #tpu.memory_space<vmem>>, vector<16xi32>,
        %get3A_357 = arith.index_cast %mul3A_353 : i32 to index
        %get3A_358 = tpu.vector_load %arg9[%get3A_357] {strides = array<i32>} : memref<320xi32, #tpu.memory_space<vmem>>, vector<16xi32>,
        %get3A_359 = arith.index_cast %add3A_355 : i32 to index
        %get3A_360 = tpu.vector_load %arg8[%get3A_359] {strides = array<i32>} : memref<320xi32, #tpu.memory_space<vmem>>, vector<16xi32>,
        %rev3A = arith.constant 15 : i32
        %rev3A_361 = vector.broadcast %rev3A : i32 to vector<16xi32>
        %rev3A_362 = tpu.iota {dimensions = array<i32: 0>} : vector<16xi32>
        %rev3A_363 = arith.subi %rev3A_361, %rev3A_362 : vector<16xi32>
        %rev3A_364 = tpu.dynamic_gather %get3A_360[%rev3A_363] in [0] : vector<16xi32>, vector<16xi32> -> vector<16xi32>
        %get3A_365 = arith.index_cast %add3A_355 : i32 to index
        %get3A_366 = tpu.vector_load %arg9[%get3A_365] {strides = array<i32>} : memref<320xi32, #tpu.memory_space<vmem>>, vector<16xi32>,
        %rev3A_367 = arith.constant 15 : i32
        %rev3A_368 = vector.broadcast %rev3A_367 : i32 to vector<16xi32>
        %rev3A_369 = tpu.iota {dimensions = array<i32: 0>} : vector<16xi32>
        %rev3A_370 = arith.subi %rev3A_368, %rev3A_369 : vector<16xi32>
        %rev3A_371 = tpu.dynamic_gather %get3A_366[%rev3A_370] in [0] : vector<16xi32>, vector<16xi32> -> vector<16xi32>
        %ge3A = arith.cmpi sge, %get3A_356, %rev3A_364 : vector<16xi32>
        %select_n3A_372 = arith.select %ge3A, %get3A_356, %rev3A_364 : vector<16xi1>, vector<16xi32>
        %select_n3A_373 = arith.select %ge3A, %get3A_358, %rev3A_371 : vector<16xi1>, vector<16xi32>
        %select_n3A_374 = arith.select %ge3A, %rev3A_364, %get3A_356 : vector<16xi1>, vector<16xi32>
        %select_n3A_375 = arith.select %ge3A, %rev3A_371, %get3A_358 : vector<16xi1>, vector<16xi32>
        %masked_sort3A = arith.constant dense<true> : vector<16xi1>
        %masked_sort3A_376 = arith.constant -2147483648 : i32
        %masked_sort3A_377 = vector.broadcast %masked_sort3A_376 : i32 to vector<16xi32>
        %masked_sort3A_378 = arith.xori %select_n3A_372, %masked_sort3A_377 : vector<16xi32>
        %masked_sort3A_379, %masked_sort3A_380, %masked_sort3A_381 = tpu.sort %masked_sort3A_378, %select_n3A_373 masked %masked_sort3A {descending = true} : (vector<16xi32>, vector<16xi32>, vector<16xi1>) -> (vector<16xi1>, vector<16xi32>, vector<16xi32>)
        %masked_sort3A_382 = arith.xori %masked_sort3A_380, %masked_sort3A_377 : vector<16xi32>
        %masked_sort3A_383 = arith.constant dense<true> : vector<16xi1>
        %masked_sort3A_384 = arith.constant -2147483648 : i32
        %masked_sort3A_385 = vector.broadcast %masked_sort3A_384 : i32 to vector<16xi32>
        %masked_sort3A_386 = arith.xori %select_n3A_374, %masked_sort3A_385 : vector<16xi32>
        %masked_sort3A_387, %masked_sort3A_388, %masked_sort3A_389 = tpu.sort %masked_sort3A_386, %select_n3A_375 masked %masked_sort3A_383 {descending = true} : (vector<16xi32>, vector<16xi32>, vector<16xi1>) -> (vector<16xi1>, vector<16xi32>, vector<16xi32>)
        %masked_sort3A_390 = arith.xori %masked_sort3A_388, %masked_sort3A_385 : vector<16xi32>
        %swap3A = arith.index_cast %mul3A_353 : i32 to index
        %swap3A_391 = tpu.vector_load %arg8[%swap3A] {strides = array<i32>} : memref<320xi32, #tpu.memory_space<vmem>>, vector<16xi32>,
        tpu.vector_store %arg8[%swap3A], %masked_sort3A_382 {strides = array<i32>} : memref<320xi32, #tpu.memory_space<vmem>>, vector<16xi32>,
        %swap3A_392 = arith.index_cast %mul3A_353 : i32 to index
        %swap3A_393 = tpu.vector_load %arg9[%swap3A_392] {strides = array<i32>} : memref<320xi32, #tpu.memory_space<vmem>>, vector<16xi32>,
        tpu.vector_store %arg9[%swap3A_392], %masked_sort3A_381 {strides = array<i32>} : memref<320xi32, #tpu.memory_space<vmem>>, vector<16xi32>,
        %swap3A_394 = arith.index_cast %add3A_355 : i32 to index
        %swap3A_395 = tpu.vector_load %arg8[%swap3A_394] {strides = array<i32>} : memref<320xi32, #tpu.memory_space<vmem>>, vector<16xi32>,
        tpu.vector_store %arg8[%swap3A_394], %masked_sort3A_390 {strides = array<i32>} : memref<320xi32, #tpu.memory_space<vmem>>, vector<16xi32>,
        %swap3A_396 = arith.index_cast %add3A_355 : i32 to index
        %swap3A_397 = tpu.vector_load %arg9[%swap3A_396] {strides = array<i32>} : memref<320xi32, #tpu.memory_space<vmem>>, vector<16xi32>,
        tpu.vector_store %arg9[%swap3A_396], %masked_sort3A_389 {strides = array<i32>} : memref<320xi32, #tpu.memory_space<vmem>>, vector<16xi32>,
        %while3A_398 = arith.constant 0 : i32
        scf.yield %while3A_398 : i32
      }
      %while3A_344 = arith.constant 1 : i32
      %while3A_345 = scf.for %while3A_347 = %while3A_341 to %while3A_337 step %while3A_344 iter_args(%while3A_348 = %while3A_343) -> (i32)  : i32 {
        %mul3A_349 = arith.constant 2 : i32
        %mul3A_350 = arith.muli %mul3A_349, %while3A_347 : i32
        %add3A_351 = arith.addi %select_n3A_308, %mul3A_350 : i32
        %mul3A_352 = arith.constant 16 : i32
        %mul3A_353 = arith.muli %add3A_351, %mul3A_352 : i32
        %add3A_354 = arith.constant 16 : i32
        %add3A_355 = arith.addi %mul3A_353, %add3A_354 : i32
        %get3A = arith.index_cast %mul3A_353 : i32 to index
        %get3A_356 = tpu.vector_load %arg8[%get3A] {strides = array<i32>} : memref<320xi32, #tpu.memory_space<vmem>>, vector<16xi32>,
        %get3A_357 = arith.index_cast %mul3A_353 : i32 to index
        %get3A_358 = tpu.vector_load %arg9[%get3A_357] {strides = array<i32>} : memref<320xi32, #tpu.memory_space<vmem>>, vector<16xi32>,
        %get3A_359 = arith.index_cast %add3A_355 : i32 to index
        %get3A_360 = tpu.vector_load %arg8[%get3A_359] {strides = array<i32>} : memref<320xi32, #tpu.memory_space<vmem>>, vector<16xi32>,
        %rev3A = arith.constant 15 : i32
        %rev3A_361 = vector.broadcast %rev3A : i32 to vector<16xi32>
        %rev3A_362 = tpu.iota {dimensions = array<i32: 0>} : vector<16xi32>
        %rev3A_363 = arith.subi %rev3A_361, %rev3A_362 : vector<16xi32>
        %rev3A_364 = tpu.dynamic_gather %get3A_360[%rev3A_363] in [0] : vector<16xi32>, vector<16xi32> -> vector<16xi32>
        %get3A_365 = arith.index_cast %add3A_355 : i32 to index
        %get3A_366 = tpu.vector_load %arg9[%get3A_365] {strides = array<i32>} : memref<320xi32, #tpu.memory_space<vmem>>, vector<16xi32>,
        %rev3A_367 = arith.constant 15 : i32
        %rev3A_368 = vector.broadcast %rev3A_367 : i32 to vector<16xi32>
        %rev3A_369 = tpu.iota {dimensions = array<i32: 0>} : vector<16xi32>
        %rev3A_370 = arith.subi %rev3A_368, %rev3A_369 : vector<16xi32>
        %rev3A_371 = tpu.dynamic_gather %get3A_366[%rev3A_370] in [0] : vector<16xi32>, vector<16xi32> -> vector<16xi32>
        %ge3A = arith.cmpi sge, %get3A_356, %rev3A_364 : vector<16xi32>
        %select_n3A_372 = arith.select %ge3A, %get3A_356, %rev3A_364 : vector<16xi1>, vector<16xi32>
        %select_n3A_373 = arith.select %ge3A, %get3A_358, %rev3A_371 : vector<16xi1>, vector<16xi32>
        %select_n3A_374 = arith.select %ge3A, %rev3A_364, %get3A_356 : vector<16xi1>, vector<16xi32>
        %select_n3A_375 = arith.select %ge3A, %rev3A_371, %get3A_358 : vector<16xi1>, vector<16xi32>
        %masked_sort3A = arith.constant dense<true> : vector<16xi1>
        %masked_sort3A_376 = arith.constant -2147483648 : i32
        %masked_sort3A_377 = vector.broadcast %masked_sort3A_376 : i32 to vector<16xi32>
        %masked_sort3A_378 = arith.xori %select_n3A_372, %masked_sort3A_377 : vector<16xi32>
        %masked_sort3A_379, %masked_sort3A_380, %masked_sort3A_381 = tpu.sort %masked_sort3A_378, %select_n3A_373 masked %masked_sort3A {descending = true} : (vector<16xi32>, vector<16xi32>, vector<16xi1>) -> (vector<16xi1>, vector<16xi32>, vector<16xi32>)
        %masked_sort3A_382 = arith.xori %masked_sort3A_380, %masked_sort3A_377 : vector<16xi32>
        %masked_sort3A_383 = arith.constant dense<true> : vector<16xi1>
        %masked_sort3A_384 = arith.constant -2147483648 : i32
        %masked_sort3A_385 = vector.broadcast %masked_sort3A_384 : i32 to vector<16xi32>
        %masked_sort3A_386 = arith.xori %select_n3A_374, %masked_sort3A_385 : vector<16xi32>
        %masked_sort3A_387, %masked_sort3A_388, %masked_sort3A_389 = tpu.sort %masked_sort3A_386, %select_n3A_375 masked %masked_sort3A_383 {descending = true} : (vector<16xi32>, vector<16xi32>, vector<16xi1>) -> (vector<16xi1>, vector<16xi32>, vector<16xi32>)
        %masked_sort3A_390 = arith.xori %masked_sort3A_388, %masked_sort3A_385 : vector<16xi32>
        %swap3A = arith.index_cast %mul3A_353 : i32 to index
        %swap3A_391 = tpu.vector_load %arg8[%swap3A] {strides = array<i32>} : memref<320xi32, #tpu.memory_space<vmem>>, vector<16xi32>,
        tpu.vector_store %arg8[%swap3A], %masked_sort3A_382 {strides = array<i32>} : memref<320xi32, #tpu.memory_space<vmem>>, vector<16xi32>,
        %swap3A_392 = arith.index_cast %mul3A_353 : i32 to index
        %swap3A_393 = tpu.vector_load %arg9[%swap3A_392] {strides = array<i32>} : memref<320xi32, #tpu.memory_space<vmem>>, vector<16xi32>,
        tpu.vector_store %arg9[%swap3A_392], %masked_sort3A_381 {strides = array<i32>} : memref<320xi32, #tpu.memory_space<vmem>>, vector<16xi32>,
        %swap3A_394 = arith.index_cast %add3A_355 : i32 to index
        %swap3A_395 = tpu.vector_load %arg8[%swap3A_394] {strides = array<i32>} : memref<320xi32, #tpu.memory_space<vmem>>, vector<16xi32>,
        tpu.vector_store %arg8[%swap3A_394], %masked_sort3A_390 {strides = array<i32>} : memref<320xi32, #tpu.memory_space<vmem>>, vector<16xi32>,
        %swap3A_396 = arith.index_cast %add3A_355 : i32 to index
        %swap3A_397 = tpu.vector_load %arg9[%swap3A_396] {strides = array<i32>} : memref<320xi32, #tpu.memory_space<vmem>>, vector<16xi32>,
        tpu.vector_store %arg9[%swap3A_396], %masked_sort3A_389 {strides = array<i32>} : memref<320xi32, #tpu.memory_space<vmem>>, vector<16xi32>,
        %while3A_398 = arith.constant 0 : i32
        scf.yield %while3A_398 : i32
      }
      %while3A_346 = arith.constant 0 : i32
      scf.yield %while3A_346 : i32
    }
    %mul3A_276 = arith.constant 2 : i32
    %mul3A_277 = vector.broadcast %mul3A_276 : i32 to vector<16xi32>
    %mul3A_278 = arith.muli %iota3A, %mul3A_277 : vector<16xi32>
    %scan3A_279 = arith.constant 0 : i32
    %scan3A_280 = arith.constant 0 : i32
    %scan3A_281 = arith.constant 6 : i32
    %scan3A_282 = arith.addi %scan3A_280, %scan3A_281 : i32
    %scan3A_283 = arith.constant 1 : i32
    %scan3A_284 = scf.for %scan3A_293 = %scan3A_280 to %scan3A_282 step %scan3A_283 iter_args(%scan3A_294 = %scan3A_279) -> (i32)  : i32 {
      %jit3A_295 = arith.constant 2 : i32
      %eq3A = arith.constant 0 : i32
      %eq3A_296 = arith.cmpi eq, %jit3A_295, %eq3A : i32
      %jit3A_297 = arith.constant 1 : i32
      %select_n3A_298 = arith.select %eq3A_296, %jit3A_297, %jit3A_295 : i32
      %rem3A_299 = arith.remsi %scan3A_293, %select_n3A_298 : i32
      %ne3A_300 = arith.constant 0 : i32
      %ne3A_301 = arith.cmpi ne, %rem3A_299, %ne3A_300 : i32
      %lt3A = arith.constant 0 : i32
      %lt3A_302 = arith.cmpi slt, %rem3A_299, %lt3A : i32
      %lt3A_303 = arith.constant 0 : i32
      %lt3A_304 = arith.cmpi slt, %select_n3A_298, %lt3A_303 : i32
      %ne3A_305 = arith.xori %lt3A_302, %lt3A_304 : i1
      %and3A_306 = arith.andi %ne3A_305, %ne3A_301 : i1
      %add3A_307 = arith.addi %rem3A_299, %select_n3A_298 : i32
      %select_n3A_308 = arith.select %and3A_306, %add3A_307, %rem3A_299 : i32
      %scan3A_309 = arith.constant 0 : i32
      %scan3A_310 = arith.constant 0 : i32
      %scan3A_311 = arith.constant 5 : i32
      %scan3A_312 = arith.addi %scan3A_310, %scan3A_311 : i32
      %scan3A_313 = arith.constant 1 : i32
      %scan3A_314 = scf.for %scan3A_317 = %scan3A_310 to %scan3A_312 step %scan3A_313 iter_args(%scan3A_318 = %scan3A_309) -> (i32)  : i32 {
        %mul3A_319 = arith.constant 2 : i32
        %mul3A_320 = arith.muli %scan3A_317, %mul3A_319 : i32
        %add3A_321 = arith.constant 0 : i32
        %add3A_322 = arith.addi %mul3A_320, %add3A_321 : i32
        %mul3A_323 = arith.constant 32 : i32
        %mul3A_324 = arith.muli %add3A_322, %mul3A_323 : i32
        %add3A_325 = arith.addi %select_n3A_308, %mul3A_324 : i32
        %add3A_326 = vector.broadcast %add3A_325 : i32 to vector<16xi32>
        %add3A_327 = arith.addi %add3A_326, %mul3A_278 : vector<16xi32>
        %add3A_328 = arith.constant 1 : i32
        %add3A_329 = vector.broadcast %add3A_328 : i32 to vector<16xi32>
        %add3A_330 = arith.addi %add3A_327, %add3A_329 : vector<16xi32>
        %lt3A_331 = arith.constant 320 : i32
        %lt3A_332 = vector.broadcast %lt3A_331 : i32 to vector<16xi32>
        %lt3A_333 = arith.cmpi slt, %add3A_330, %lt3A_332 : vector<16xi32>
        %gather3A = tpu.vector_load_idx %arg8[%add3A_327] masked %lt3A_333 : memref<320xi32, #tpu.memory_space<vmem>>[vector<16xi32>], vector<16xi32>, vector<16xi1>
        %gather3A_334 = tpu.vector_load_idx %arg8[%add3A_330] masked %lt3A_333 : memref<320xi32, #tpu.memory_space<vmem>>[vector<16xi32>], vector<16xi32>, vector<16xi1>
        %gather3A_335 = tpu.vector_load_idx %arg9[%add3A_327] masked %lt3A_333 : memref<320xi32, #tpu.memory_space<vmem>>[vector<16xi32>], vector<16xi32>, vector<16xi1>
        %gather3A_336 = tpu.vector_load_idx %arg9[%add3A_330] masked %lt3A_333 : memref<320xi32, #tpu.memory_space<vmem>>[vector<16xi32>], vector<16xi32>, vector<16xi1>
        %eq3A_337 = arith.cmpi eq, %gather3A, %gather3A_334 : vector<16xi32>
        %and3A_338 = arith.andi %lt3A_333, %eq3A_337 : vector<16xi1>
        %gt3A = arith.cmpi sgt, %gather3A_335, %gather3A_336 : vector<16xi32>
        %and3A_339 = arith.andi %and3A_338, %gt3A : vector<16xi1>
        tpu.vector_store_idx %arg9[%add3A_327], %gather3A_336 masked %and3A_339 : memref<320xi32, #tpu.memory_space<vmem>>[vector<16xi32>], vector<16xi32>, vector<16xi1>
        tpu.vector_store_idx %arg9[%add3A_330], %gather3A_335 masked %and3A_339 : memref<320xi32, #tpu.memory_space<vmem>>[vector<16xi32>], vector<16xi32>, vector<16xi1>
        %mul3A_340 = arith.constant 2 : i32
        %mul3A_341 = arith.muli %scan3A_317, %mul3A_340 : i32
        %add3A_342 = arith.constant 1 : i32
        %add3A_343 = arith.addi %mul3A_341, %add3A_342 : i32
        %mul3A_344 = arith.constant 32 : i32
        %mul3A_345 = arith.muli %add3A_343, %mul3A_344 : i32
        %add3A_346 = arith.addi %select_n3A_308, %mul3A_345 : i32
        %add3A_347 = vector.broadcast %add3A_346 : i32 to vector<16xi32>
        %add3A_348 = arith.addi %add3A_347, %mul3A_278 : vector<16xi32>
        %add3A_349 = arith.constant 1 : i32
        %add3A_350 = vector.broadcast %add3A_349 : i32 to vector<16xi32>
        %add3A_351 = arith.addi %add3A_348, %add3A_350 : vector<16xi32>
        %lt3A_352 = arith.constant 320 : i32
        %lt3A_353 = vector.broadcast %lt3A_352 : i32 to vector<16xi32>
        %lt3A_354 = arith.cmpi slt, %add3A_351, %lt3A_353 : vector<16xi32>
        %gather3A_355 = tpu.vector_load_idx %arg8[%add3A_348] masked %lt3A_354 : memref<320xi32, #tpu.memory_space<vmem>>[vector<16xi32>], vector<16xi32>, vector<16xi1>
        %gather3A_356 = tpu.vector_load_idx %arg8[%add3A_351] masked %lt3A_354 : memref<320xi32, #tpu.memory_space<vmem>>[vector<16xi32>], vector<16xi32>, vector<16xi1>
        %gather3A_357 = tpu.vector_load_idx %arg9[%add3A_348] masked %lt3A_354 : memref<320xi32, #tpu.memory_space<vmem>>[vector<16xi32>], vector<16xi32>, vector<16xi1>
        %gather3A_358 = tpu.vector_load_idx %arg9[%add3A_351] masked %lt3A_354 : memref<320xi32, #tpu.memory_space<vmem>>[vector<16xi32>], vector<16xi32>, vector<16xi1>
        %eq3A_359 = arith.cmpi eq, %gather3A_355, %gather3A_356 : vector<16xi32>
        %and3A_360 = arith.andi %lt3A_354, %eq3A_359 : vector<16xi1>
        %gt3A_361 = arith.cmpi sgt, %gather3A_357, %gather3A_358 : vector<16xi32>
        %and3A_362 = arith.andi %and3A_360, %gt3A_361 : vector<16xi1>
        tpu.vector_store_idx %arg9[%add3A_348], %gather3A_358 masked %and3A_362 : memref<320xi32, #tpu.memory_space<vmem>>[vector<16xi32>], vector<16xi32>, vector<16xi1>
        tpu.vector_store_idx %arg9[%add3A_351], %gather3A_357 masked %and3A_362 : memref<320xi32, #tpu.memory_space<vmem>>[vector<16xi32>], vector<16xi32>, vector<16xi1>
        %scan3A_363 = arith.constant 0 : i32
        scf.yield %scan3A_363 : i32
      }
      %scan3A_315 = arith.constant 5 : i32
      %scan3A_316 = arith.constant 0 : i32
      scf.yield %scan3A_316 : i32
    }
    %scan3A_285 = arith.constant 6 : i32
    %scan3A_286 = arith.constant 0 : i32
    %scan3A_287 = arith.constant 0 : i32
    %scan3A_288 = arith.constant 4 : i32
    %scan3A_289 = arith.addi %scan3A_287, %scan3A_288 : i32
    %scan3A_290 = arith.constant 1 : i32
    %scan3A_291 = scf.for %scan3A_293 = %scan3A_287 to %scan3A_289 step %scan3A_290 iter_args(%scan3A_294 = %scan3A_286) -> (i32)  : i32 {
      %mul3A_295 = arith.constant 4 : i32
      %mul3A_296 = arith.muli %scan3A_293, %mul3A_295 : i32
      %add3A_297 = arith.constant 0 : i32
      %add3A_298 = arith.addi %mul3A_296, %add3A_297 : i32
      %mul3A_299 = arith.constant 16 : i32
      %mul3A_300 = arith.muli %add3A_298, %mul3A_299 : i32
      %get3A = arith.index_cast %mul3A_300 : i32 to index
      %get3A_301 = tpu.vector_load %arg8[%get3A] {strides = array<i32>} : memref<320xi32, #tpu.memory_space<vmem>>, vector<16xi32>,
      %gt3A = arith.constant -1060205081 : i32
      %gt3A_302 = vector.broadcast %gt3A : i32 to vector<16xi32>
      %gt3A_303 = arith.cmpi sgt, %get3A_301, %gt3A_302 : vector<16xi32>
      %jit3A_304 = arith.constant 1.000000e+00 : f32
      %jit3A_305 = arith.constant 0.000000e+00 : f32
      %broadcast_in_dim3A_306 = vector.broadcast %jit3A_304 : f32 to vector<16xf32>
      %broadcast_in_dim3A_307 = vector.broadcast %jit3A_305 : f32 to vector<16xf32>
      %select_n3A_308 = arith.select %gt3A_303, %broadcast_in_dim3A_306, %broadcast_in_dim3A_307 : vector<16xi1>, vector<16xf32>
      %mul3A_309 = arith.constant 4 : i32
      %mul3A_310 = arith.muli %scan3A_293, %mul3A_309 : i32
      %add3A_311 = arith.constant 0 : i32
      %add3A_312 = arith.addi %mul3A_310, %add3A_311 : i32
      %mul3A_313 = arith.constant 16 : i32
      %mul3A_314 = arith.muli %add3A_312, %mul3A_313 : i32
      %swap3A = arith.index_cast %mul3A_314 : i32 to index
      %swap3A_315 = tpu.vector_load %arg10[%swap3A] {strides = array<i32>} : memref<256xf32, #tpu.memory_space<vmem>>, vector<16xf32>,
      tpu.vector_store %arg10[%swap3A], %select_n3A_308 {strides = array<i32>} : memref<256xf32, #tpu.memory_space<vmem>>, vector<16xf32>,
      %mul3A_316 = arith.constant 4 : i32
      %mul3A_317 = arith.muli %scan3A_293, %mul3A_316 : i32
      %add3A_318 = arith.constant 1 : i32
      %add3A_319 = arith.addi %mul3A_317, %add3A_318 : i32
      %mul3A_320 = arith.constant 16 : i32
      %mul3A_321 = arith.muli %add3A_319, %mul3A_320 : i32
      %get3A_322 = arith.index_cast %mul3A_321 : i32 to index
      %get3A_323 = tpu.vector_load %arg8[%get3A_322] {strides = array<i32>} : memref<320xi32, #tpu.memory_space<vmem>>, vector<16xi32>,
      %gt3A_324 = arith.constant -1060205081 : i32
      %gt3A_325 = vector.broadcast %gt3A_324 : i32 to vector<16xi32>
      %gt3A_326 = arith.cmpi sgt, %get3A_323, %gt3A_325 : vector<16xi32>
      %jit3A_327 = arith.constant 1.000000e+00 : f32
      %jit3A_328 = arith.constant 0.000000e+00 : f32
      %broadcast_in_dim3A_329 = vector.broadcast %jit3A_327 : f32 to vector<16xf32>
      %broadcast_in_dim3A_330 = vector.broadcast %jit3A_328 : f32 to vector<16xf32>
      %select_n3A_331 = arith.select %gt3A_326, %broadcast_in_dim3A_329, %broadcast_in_dim3A_330 : vector<16xi1>, vector<16xf32>
      %mul3A_332 = arith.constant 4 : i32
      %mul3A_333 = arith.muli %scan3A_293, %mul3A_332 : i32
      %add3A_334 = arith.constant 1 : i32
      %add3A_335 = arith.addi %mul3A_333, %add3A_334 : i32
      %mul3A_336 = arith.constant 16 : i32
      %mul3A_337 = arith.muli %add3A_335, %mul3A_336 : i32
      %swap3A_338 = arith.index_cast %mul3A_337 : i32 to index
      %swap3A_339 = tpu.vector_load %arg10[%swap3A_338] {strides = array<i32>} : memref<256xf32, #tpu.memory_space<vmem>>, vector<16xf32>,
      tpu.vector_store %arg10[%swap3A_338], %select_n3A_331 {strides = array<i32>} : memref<256xf32, #tpu.memory_space<vmem>>, vector<16xf32>,
      %mul3A_340 = arith.constant 4 : i32
      %mul3A_341 = arith.muli %scan3A_293, %mul3A_340 : i32
      %add3A_342 = arith.constant 2 : i32
      %add3A_343 = arith.addi %mul3A_341, %add3A_342 : i32
      %mul3A_344 = arith.constant 16 : i32
      %mul3A_345 = arith.muli %add3A_343, %mul3A_344 : i32
      %get3A_346 = arith.index_cast %mul3A_345 : i32 to index
      %get3A_347 = tpu.vector_load %arg8[%get3A_346] {strides = array<i32>} : memref<320xi32, #tpu.memory_space<vmem>>, vector<16xi32>,
      %gt3A_348 = arith.constant -1060205081 : i32
      %gt3A_349 = vector.broadcast %gt3A_348 : i32 to vector<16xi32>
      %gt3A_350 = arith.cmpi sgt, %get3A_347, %gt3A_349 : vector<16xi32>
      %jit3A_351 = arith.constant 1.000000e+00 : f32
      %jit3A_352 = arith.constant 0.000000e+00 : f32
      %broadcast_in_dim3A_353 = vector.broadcast %jit3A_351 : f32 to vector<16xf32>
      %broadcast_in_dim3A_354 = vector.broadcast %jit3A_352 : f32 to vector<16xf32>
      %select_n3A_355 = arith.select %gt3A_350, %broadcast_in_dim3A_353, %broadcast_in_dim3A_354 : vector<16xi1>, vector<16xf32>
      %mul3A_356 = arith.constant 4 : i32
      %mul3A_357 = arith.muli %scan3A_293, %mul3A_356 : i32
      %add3A_358 = arith.constant 2 : i32
      %add3A_359 = arith.addi %mul3A_357, %add3A_358 : i32
      %mul3A_360 = arith.constant 16 : i32
      %mul3A_361 = arith.muli %add3A_359, %mul3A_360 : i32
      %swap3A_362 = arith.index_cast %mul3A_361 : i32 to index
      %swap3A_363 = tpu.vector_load %arg10[%swap3A_362] {strides = array<i32>} : memref<256xf32, #tpu.memory_space<vmem>>, vector<16xf32>,
      tpu.vector_store %arg10[%swap3A_362], %select_n3A_355 {strides = array<i32>} : memref<256xf32, #tpu.memory_space<vmem>>, vector<16xf32>,
      %mul3A_364 = arith.constant 4 : i32
      %mul3A_365 = arith.muli %scan3A_293, %mul3A_364 : i32
      %add3A_366 = arith.constant 3 : i32
      %add3A_367 = arith.addi %mul3A_365, %add3A_366 : i32
      %mul3A_368 = arith.constant 16 : i32
      %mul3A_369 = arith.muli %add3A_367, %mul3A_368 : i32
      %get3A_370 = arith.index_cast %mul3A_369 : i32 to index
      %get3A_371 = tpu.vector_load %arg8[%get3A_370] {strides = array<i32>} : memref<320xi32, #tpu.memory_space<vmem>>, vector<16xi32>,
      %gt3A_372 = arith.constant -1060205081 : i32
      %gt3A_373 = vector.broadcast %gt3A_372 : i32 to vector<16xi32>
      %gt3A_374 = arith.cmpi sgt, %get3A_371, %gt3A_373 : vector<16xi32>
      %jit3A_375 = arith.constant 1.000000e+00 : f32
      %jit3A_376 = arith.constant 0.000000e+00 : f32
      %broadcast_in_dim3A_377 = vector.broadcast %jit3A_375 : f32 to vector<16xf32>
      %broadcast_in_dim3A_378 = vector.broadcast %jit3A_376 : f32 to vector<16xf32>
      %select_n3A_379 = arith.select %gt3A_374, %broadcast_in_dim3A_377, %broadcast_in_dim3A_378 : vector<16xi1>, vector<16xf32>
      %mul3A_380 = arith.constant 4 : i32
      %mul3A_381 = arith.muli %scan3A_293, %mul3A_380 : i32
      %add3A_382 = arith.constant 3 : i32
      %add3A_383 = arith.addi %mul3A_381, %add3A_382 : i32
      %mul3A_384 = arith.constant 16 : i32
      %mul3A_385 = arith.muli %add3A_383, %mul3A_384 : i32
      %swap3A_386 = arith.index_cast %mul3A_385 : i32 to index
      %swap3A_387 = tpu.vector_load %arg10[%swap3A_386] {strides = array<i32>} : memref<256xf32, #tpu.memory_space<vmem>>, vector<16xf32>,
      tpu.vector_store %arg10[%swap3A_386], %select_n3A_379 {strides = array<i32>} : memref<256xf32, #tpu.memory_space<vmem>>, vector<16xf32>,
      %scan3A_388 = arith.constant 0 : i32
      scf.yield %scan3A_388 : i32
    }
    %scan3A_292 = arith.constant 4 : i32
    "tpu.region"() ({
      %run_scoped3A = tpu.sem_alloc : memref<!tpu.dma_semaphore, #tpu.memory_space<semaphore_mem>>
      %dma_start3A = arith.constant 0 : i32
      %dma_start3A_293 = tpu.memref_slice %arg9[%dma_start3A] : memref<320xi32, #tpu.memory_space<vmem>> -> memref<256xi32, #tpu.memory_space<vmem>>
      %dma_start3A_294 = arith.constant 0 : i32
      %dma_start3A_295 = tpu.memref_slice %arg3[%add3A_145, %dma_start3A_294] : memref<64x256xi32, #tpu.memory_space<hbm>> -> memref<1x256xi32, #tpu.memory_space<hbm>>
      %dma_start3A_296 = tpu.memref_squeeze %dma_start3A_295 : memref<1x256xi32, #tpu.memory_space<hbm>> -> memref<256xi32, #tpu.memory_space<hbm>>
      %dma_start3A_297 = arith.constant 0 : i32
      %dma_start3A_298 = tpu.memref_slice %arg3[%add3A_145, %dma_start3A_297] : memref<64x256xi32, #tpu.memory_space<hbm>> -> memref<1x256xi32, #tpu.memory_space<hbm>>
      %dma_start3A_299 = tpu.memref_squeeze %dma_start3A_298 : memref<1x256xi32, #tpu.memory_space<hbm>> -> memref<256xi32, #tpu.memory_space<hbm>>
      %dma_start3A_300 = arith.constant 0 : i32
      %dma_start3A_301 = tpu.memref_slice %arg9[%dma_start3A_300] : memref<320xi32, #tpu.memory_space<vmem>> -> memref<256xi32, #tpu.memory_space<vmem>>
      tpu.enqueue_dma source(%dma_start3A_301 : memref<256xi32, #tpu.memory_space<vmem>>) target(%dma_start3A_299 : memref<256xi32, #tpu.memory_space<hbm>>) target_semaphore(%run_scoped3A : memref<!tpu.dma_semaphore, #tpu.memory_space<semaphore_mem>>)
      %dma_wait3A = arith.constant 0 : i32
      %dma_wait3A_302 = tpu.memref_slice %arg9[%dma_wait3A] : memref<320xi32, #tpu.memory_space<vmem>> -> memref<256xi32, #tpu.memory_space<vmem>>
      %dma_wait3A_303 = arith.constant 0 : i32
      %dma_wait3A_304 = tpu.memref_slice %arg3[%add3A_145, %dma_wait3A_303] : memref<64x256xi32, #tpu.memory_space<hbm>> -> memref<1x256xi32, #tpu.memory_space<hbm>>
      %dma_wait3A_305 = tpu.memref_squeeze %dma_wait3A_304 : memref<1x256xi32, #tpu.memory_space<hbm>> -> memref<256xi32, #tpu.memory_space<hbm>>
      %dma_wait3A_306 = arith.constant 0 : i32
      %dma_wait3A_307 = tpu.memref_slice %arg3[%add3A_145, %dma_wait3A_306] : memref<64x256xi32, #tpu.memory_space<hbm>> -> memref<1x256xi32, #tpu.memory_space<hbm>>
      %dma_wait3A_308 = tpu.memref_squeeze %dma_wait3A_307 : memref<1x256xi32, #tpu.memory_space<hbm>> -> memref<256xi32, #tpu.memory_space<hbm>>
      %dma_wait3A_309 = arith.constant 0 : i32
      %dma_wait3A_310 = tpu.memref_slice %arg9[%dma_wait3A_309] : memref<320xi32, #tpu.memory_space<vmem>> -> memref<256xi32, #tpu.memory_space<vmem>>
      tpu.wait_dma2 semaphore(%run_scoped3A : memref<!tpu.dma_semaphore, #tpu.memory_space<semaphore_mem>>) src(%dma_wait3A_310 : memref<256xi32, #tpu.memory_space<vmem>>) dst(%dma_wait3A_308 : memref<256xi32, #tpu.memory_space<hbm>>)
      tpu.yield
    }) : () -> ()
    "tpu.region"() ({
      %run_scoped3A = tpu.sem_alloc : memref<!tpu.dma_semaphore, #tpu.memory_space<semaphore_mem>>
      %dma_start3A = arith.constant 0 : i32
      %dma_start3A_293 = tpu.memref_slice %arg4[%add3A_145, %dma_start3A] : memref<64x256xf32, #tpu.memory_space<hbm>> -> memref<1x256xf32, #tpu.memory_space<hbm>>
      %dma_start3A_294 = tpu.memref_squeeze %dma_start3A_293 : memref<1x256xf32, #tpu.memory_space<hbm>> -> memref<256xf32, #tpu.memory_space<hbm>>
      %dma_start3A_295 = arith.constant 0 : i32
      %dma_start3A_296 = tpu.memref_slice %arg4[%add3A_145, %dma_start3A_295] : memref<64x256xf32, #tpu.memory_space<hbm>> -> memref<1x256xf32, #tpu.memory_space<hbm>>
      %dma_start3A_297 = tpu.memref_squeeze %dma_start3A_296 : memref<1x256xf32, #tpu.memory_space<hbm>> -> memref<256xf32, #tpu.memory_space<hbm>>
      tpu.enqueue_dma source(%arg10 : memref<256xf32, #tpu.memory_space<vmem>>) target(%dma_start3A_297 : memref<256xf32, #tpu.memory_space<hbm>>) target_semaphore(%run_scoped3A : memref<!tpu.dma_semaphore, #tpu.memory_space<semaphore_mem>>)
      %dma_wait3A = arith.constant 0 : i32
      %dma_wait3A_298 = tpu.memref_slice %arg4[%add3A_145, %dma_wait3A] : memref<64x256xf32, #tpu.memory_space<hbm>> -> memref<1x256xf32, #tpu.memory_space<hbm>>
      %dma_wait3A_299 = tpu.memref_squeeze %dma_wait3A_298 : memref<1x256xf32, #tpu.memory_space<hbm>> -> memref<256xf32, #tpu.memory_space<hbm>>
      %dma_wait3A_300 = arith.constant 0 : i32
      %dma_wait3A_301 = tpu.memref_slice %arg4[%add3A_145, %dma_wait3A_300] : memref<64x256xf32, #tpu.memory_space<hbm>> -> memref<1x256xf32, #tpu.memory_space<hbm>>
      %dma_wait3A_302 = tpu.memref_squeeze %dma_wait3A_301 : memref<1x256xf32, #tpu.memory_space<hbm>> -> memref<256xf32, #tpu.memory_space<hbm>>
      tpu.wait_dma2 semaphore(%run_scoped3A : memref<!tpu.dma_semaphore, #tpu.memory_space<semaphore_mem>>) src(%arg10 : memref<256xf32, #tpu.memory_space<vmem>>) dst(%dma_wait3A_302 : memref<256xf32, #tpu.memory_space<hbm>>)
      tpu.yield
    }) : () -> ()
    return
  }
}

module attributes {stable_mosaic.version = 14 : i64} {
  func.func @_gates_kernel(%arg0: i32, %arg1: i32, %arg2: memref<1x4096x256xf32, #tpu.memory_space<vmem>>, %arg3: memref<1x256x16xf32, #tpu.memory_space<vmem>>, %arg4: memref<1x16x4096xf32, #tpu.memory_space<vmem>>, %arg5: memref<4096x16xf32, #tpu.memory_space<vmem>>) attributes {dimension_semantics = [#tpu.dimension_semantics<arbitrary>, #tpu.dimension_semantics<arbitrary>], iteration_bounds = array<i64: 4, 8>, scalar_prefetch = 0 : i64, scratch_operands = 1 : i64, tpu.core_type = #tpu.core_type<tc>, window_params = [{transform_indices = @transform_0, window_bounds = array<i64: 1, 4096, 256>}, {transform_indices = @transform_1, window_bounds = array<i64: 1, 256, 16>}, {transform_indices = @transform_2, window_bounds = array<i64: 1, 16, 4096>}]} {
    %get3A = arith.constant 0 : index
    %get3A_0 = arith.constant 0 : index
    %get3A_1 = arith.constant 0 : index
    %get3A_2 = vector.load %arg2[%get3A, %get3A_0, %get3A_1] : memref<1x4096x256xf32, #tpu.memory_space<vmem>>, vector<1x4096x256xf32>
    %get3A_3 = vector.shape_cast %get3A_2 : vector<1x4096x256xf32> to vector<4096x256xf32>
    %get3A_4 = arith.constant 0 : index
    %get3A_5 = arith.constant 0 : index
    %get3A_6 = arith.constant 0 : index
    %get3A_7 = vector.load %arg3[%get3A_4, %get3A_5, %get3A_6] : memref<1x256x16xf32, #tpu.memory_space<vmem>>, vector<1x256x16xf32>
    %get3A_8 = vector.shape_cast %get3A_7 : vector<1x256x16xf32> to vector<256x16xf32>
    %dot_general3A = arith.constant dense<0.000000e+00> : vector<4096x16xf32>
    %dot_general3A_9 = tpu.matmul %get3A_3, %get3A_8, %dot_general3A {dimension_numbers = #tpu.dot_dimension_numbers<[1], [0], [0], [1], [0, 0, 1, 1], [], []>, transpose_lhs_hint = false} : vector<4096x256xf32>, vector<256x16xf32>, vector<4096x16xf32> -> vector<4096x16xf32>
    %eq3A = arith.constant 0 : i32
    %eq3A_10 = arith.cmpi eq, %arg1, %eq3A : i32
    %convert_element_type3A = arith.extui %eq3A_10 : i1 to i32
    %cond3A = arith.constant 0 : i32
    %cond3A_11 = arith.cmpi ne, %convert_element_type3A, %cond3A : i32
    scf.if %cond3A_11 {
      %swap3A = arith.constant 0 : index
      %swap3A_21 = arith.constant 0 : index
      %swap3A_22 = vector.load %arg5[%swap3A, %swap3A_21] : memref<4096x16xf32, #tpu.memory_space<vmem>>, vector<4096x16xf32>
      tpu.vector_store %arg5[%swap3A, %swap3A_21], %dot_general3A_9 {strides = array<i32>} : memref<4096x16xf32, #tpu.memory_space<vmem>>, vector<4096x16xf32>,
    } else {
    }
    %gt3A = arith.constant 0 : i32
    %gt3A_12 = arith.cmpi sgt, %arg1, %gt3A : i32
    %convert_element_type3A_13 = arith.extui %gt3A_12 : i1 to i32
    %cond3A_14 = arith.constant 0 : i32
    %cond3A_15 = arith.cmpi ne, %convert_element_type3A_13, %cond3A_14 : i32
    scf.if %cond3A_15 {
      %get3A_21 = arith.constant 0 : index
      %get3A_22 = arith.constant 0 : index
      %get3A_23 = vector.load %arg5[%get3A_21, %get3A_22] : memref<4096x16xf32, #tpu.memory_space<vmem>>, vector<4096x16xf32>
      %add3A = arith.addf %get3A_23, %dot_general3A_9 : vector<4096x16xf32>
      %swap3A = arith.constant 0 : index
      %swap3A_24 = arith.constant 0 : index
      %swap3A_25 = vector.load %arg5[%swap3A, %swap3A_24] : memref<4096x16xf32, #tpu.memory_space<vmem>>, vector<4096x16xf32>
      tpu.vector_store %arg5[%swap3A, %swap3A_24], %add3A {strides = array<i32>} : memref<4096x16xf32, #tpu.memory_space<vmem>>, vector<4096x16xf32>,
    } else {
    }
    %eq3A_16 = arith.constant 7 : i32
    %eq3A_17 = arith.cmpi eq, %arg1, %eq3A_16 : i32
    %convert_element_type3A_18 = arith.extui %eq3A_17 : i1 to i32
    %cond3A_19 = arith.constant 0 : i32
    %cond3A_20 = arith.cmpi ne, %convert_element_type3A_18, %cond3A_19 : i32
    scf.if %cond3A_20 {
      %get3A_21 = arith.constant 0 : index
      %get3A_22 = arith.constant 0 : index
      %get3A_23 = vector.load %arg5[%get3A_21, %get3A_22] : memref<4096x16xf32, #tpu.memory_space<vmem>>, vector<4096x16xf32>
      %transpose3A = tpu.transpose %get3A_23, [1, 0] : vector<4096x16xf32> -> vector<16x4096xf32>
      %jit3A = arith.constant 9.99999997E-7 : f32
      %max3A = vector.broadcast %jit3A : f32 to vector<16x4096xf32>
      %max3A_24 = arith.maximumf %max3A, %transpose3A : vector<16x4096xf32>
      %log3A = math.log %max3A_24 : vector<16x4096xf32>
      %reduce_max3A = arith.constant dense<0xFF800000> : vector<16xf32>
      %reduce_max3A_25 = vector.multi_reduction <maximumf>, %log3A, %reduce_max3A [1] : vector<16x4096xf32> to vector<16xf32>
      %broadcast_in_dim3A = vector.shape_cast %reduce_max3A_25 : vector<16xf32> to vector<16x1xf32>
      %sub3A = vector.broadcast %broadcast_in_dim3A : vector<16x1xf32> to vector<16x4096xf32>
      %sub3A_26 = arith.subf %log3A, %sub3A : vector<16x4096xf32>
      %exp3A = math.exp %sub3A_26 : vector<16x4096xf32>
      %reduce_sum3A = arith.constant dense<0.000000e+00> : vector<16xf32>
      %reduce_sum3A_27 = vector.multi_reduction <add>, %exp3A, %reduce_sum3A [1] : vector<16x4096xf32> to vector<16xf32>
      %broadcast_in_dim3A_28 = vector.shape_cast %reduce_sum3A_27 : vector<16xf32> to vector<16x1xf32>
      %log3A_29 = math.log %broadcast_in_dim3A_28 : vector<16x1xf32>
      %add3A = arith.addf %broadcast_in_dim3A, %log3A_29 : vector<16x1xf32>
      %sub3A_30 = vector.broadcast %add3A : vector<16x1xf32> to vector<16x4096xf32>
      %sub3A_31 = arith.subf %log3A, %sub3A_30 : vector<16x4096xf32>
      %reduce_max3A_32 = arith.constant dense<0xFF800000> : vector<4096xf32>
      %reduce_max3A_33 = vector.multi_reduction <maximumf>, %sub3A_31, %reduce_max3A_32 [0] : vector<16x4096xf32> to vector<4096xf32>
      %broadcast_in_dim3A_34 = vector.shape_cast %reduce_max3A_33 : vector<4096xf32> to vector<1x4096xf32>
      %sub3A_35 = vector.broadcast %broadcast_in_dim3A_34 : vector<1x4096xf32> to vector<16x4096xf32>
      %sub3A_36 = arith.subf %sub3A_31, %sub3A_35 : vector<16x4096xf32>
      %exp3A_37 = math.exp %sub3A_36 : vector<16x4096xf32>
      %reduce_sum3A_38 = arith.constant dense<0.000000e+00> : vector<4096xf32>
      %reduce_sum3A_39 = vector.multi_reduction <add>, %exp3A_37, %reduce_sum3A_38 [0] : vector<16x4096xf32> to vector<4096xf32>
      %broadcast_in_dim3A_40 = vector.shape_cast %reduce_sum3A_39 : vector<4096xf32> to vector<1x4096xf32>
      %log3A_41 = math.log %broadcast_in_dim3A_40 : vector<1x4096xf32>
      %add3A_42 = arith.addf %broadcast_in_dim3A_34, %log3A_41 : vector<1x4096xf32>
      %sub3A_43 = vector.broadcast %add3A_42 : vector<1x4096xf32> to vector<16x4096xf32>
      %sub3A_44 = arith.subf %sub3A_31, %sub3A_43 : vector<16x4096xf32>
      %reduce_max3A_45 = arith.constant dense<0xFF800000> : vector<16xf32>
      %reduce_max3A_46 = vector.multi_reduction <maximumf>, %sub3A_44, %reduce_max3A_45 [1] : vector<16x4096xf32> to vector<16xf32>
      %broadcast_in_dim3A_47 = vector.shape_cast %reduce_max3A_46 : vector<16xf32> to vector<16x1xf32>
      %sub3A_48 = vector.broadcast %broadcast_in_dim3A_47 : vector<16x1xf32> to vector<16x4096xf32>
      %sub3A_49 = arith.subf %sub3A_44, %sub3A_48 : vector<16x4096xf32>
      %exp3A_50 = math.exp %sub3A_49 : vector<16x4096xf32>
      %reduce_sum3A_51 = arith.constant dense<0.000000e+00> : vector<16xf32>
      %reduce_sum3A_52 = vector.multi_reduction <add>, %exp3A_50, %reduce_sum3A_51 [1] : vector<16x4096xf32> to vector<16xf32>
      %broadcast_in_dim3A_53 = vector.shape_cast %reduce_sum3A_52 : vector<16xf32> to vector<16x1xf32>
      %log3A_54 = math.log %broadcast_in_dim3A_53 : vector<16x1xf32>
      %add3A_55 = arith.addf %broadcast_in_dim3A_47, %log3A_54 : vector<16x1xf32>
      %sub3A_56 = vector.broadcast %add3A_55 : vector<16x1xf32> to vector<16x4096xf32>
      %sub3A_57 = arith.subf %sub3A_44, %sub3A_56 : vector<16x4096xf32>
      %reduce_max3A_58 = arith.constant dense<0xFF800000> : vector<4096xf32>
      %reduce_max3A_59 = vector.multi_reduction <maximumf>, %sub3A_57, %reduce_max3A_58 [0] : vector<16x4096xf32> to vector<4096xf32>
      %broadcast_in_dim3A_60 = vector.shape_cast %reduce_max3A_59 : vector<4096xf32> to vector<1x4096xf32>
      %sub3A_61 = vector.broadcast %broadcast_in_dim3A_60 : vector<1x4096xf32> to vector<16x4096xf32>
      %sub3A_62 = arith.subf %sub3A_57, %sub3A_61 : vector<16x4096xf32>
      %exp3A_63 = math.exp %sub3A_62 : vector<16x4096xf32>
      %reduce_sum3A_64 = arith.constant dense<0.000000e+00> : vector<4096xf32>
      %reduce_sum3A_65 = vector.multi_reduction <add>, %exp3A_63, %reduce_sum3A_64 [0] : vector<16x4096xf32> to vector<4096xf32>
      %broadcast_in_dim3A_66 = vector.shape_cast %reduce_sum3A_65 : vector<4096xf32> to vector<1x4096xf32>
      %log3A_67 = math.log %broadcast_in_dim3A_66 : vector<1x4096xf32>
      %add3A_68 = arith.addf %broadcast_in_dim3A_60, %log3A_67 : vector<1x4096xf32>
      %sub3A_69 = vector.broadcast %add3A_68 : vector<1x4096xf32> to vector<16x4096xf32>
      %sub3A_70 = arith.subf %sub3A_57, %sub3A_69 : vector<16x4096xf32>
      %reduce_max3A_71 = arith.constant dense<0xFF800000> : vector<16xf32>
      %reduce_max3A_72 = vector.multi_reduction <maximumf>, %sub3A_70, %reduce_max3A_71 [1] : vector<16x4096xf32> to vector<16xf32>
      %broadcast_in_dim3A_73 = vector.shape_cast %reduce_max3A_72 : vector<16xf32> to vector<16x1xf32>
      %sub3A_74 = vector.broadcast %broadcast_in_dim3A_73 : vector<16x1xf32> to vector<16x4096xf32>
      %sub3A_75 = arith.subf %sub3A_70, %sub3A_74 : vector<16x4096xf32>
      %exp3A_76 = math.exp %sub3A_75 : vector<16x4096xf32>
      %reduce_sum3A_77 = arith.constant dense<0.000000e+00> : vector<16xf32>
      %reduce_sum3A_78 = vector.multi_reduction <add>, %exp3A_76, %reduce_sum3A_77 [1] : vector<16x4096xf32> to vector<16xf32>
      %broadcast_in_dim3A_79 = vector.shape_cast %reduce_sum3A_78 : vector<16xf32> to vector<16x1xf32>
      %log3A_80 = math.log %broadcast_in_dim3A_79 : vector<16x1xf32>
      %add3A_81 = arith.addf %broadcast_in_dim3A_73, %log3A_80 : vector<16x1xf32>
      %sub3A_82 = vector.broadcast %add3A_81 : vector<16x1xf32> to vector<16x4096xf32>
      %sub3A_83 = arith.subf %sub3A_70, %sub3A_82 : vector<16x4096xf32>
      %reduce_max3A_84 = arith.constant dense<0xFF800000> : vector<4096xf32>
      %reduce_max3A_85 = vector.multi_reduction <maximumf>, %sub3A_83, %reduce_max3A_84 [0] : vector<16x4096xf32> to vector<4096xf32>
      %broadcast_in_dim3A_86 = vector.shape_cast %reduce_max3A_85 : vector<4096xf32> to vector<1x4096xf32>
      %sub3A_87 = vector.broadcast %broadcast_in_dim3A_86 : vector<1x4096xf32> to vector<16x4096xf32>
      %sub3A_88 = arith.subf %sub3A_83, %sub3A_87 : vector<16x4096xf32>
      %exp3A_89 = math.exp %sub3A_88 : vector<16x4096xf32>
      %reduce_sum3A_90 = arith.constant dense<0.000000e+00> : vector<4096xf32>
      %reduce_sum3A_91 = vector.multi_reduction <add>, %exp3A_89, %reduce_sum3A_90 [0] : vector<16x4096xf32> to vector<4096xf32>
      %broadcast_in_dim3A_92 = vector.shape_cast %reduce_sum3A_91 : vector<4096xf32> to vector<1x4096xf32>
      %log3A_93 = math.log %broadcast_in_dim3A_92 : vector<1x4096xf32>
      %add3A_94 = arith.addf %broadcast_in_dim3A_86, %log3A_93 : vector<1x4096xf32>
      %sub3A_95 = vector.broadcast %add3A_94 : vector<1x4096xf32> to vector<16x4096xf32>
      %sub3A_96 = arith.subf %sub3A_83, %sub3A_95 : vector<16x4096xf32>
      %reduce_max3A_97 = arith.constant dense<0xFF800000> : vector<16xf32>
      %reduce_max3A_98 = vector.multi_reduction <maximumf>, %sub3A_96, %reduce_max3A_97 [1] : vector<16x4096xf32> to vector<16xf32>
      %broadcast_in_dim3A_99 = vector.shape_cast %reduce_max3A_98 : vector<16xf32> to vector<16x1xf32>
      %sub3A_100 = vector.broadcast %broadcast_in_dim3A_99 : vector<16x1xf32> to vector<16x4096xf32>
      %sub3A_101 = arith.subf %sub3A_96, %sub3A_100 : vector<16x4096xf32>
      %exp3A_102 = math.exp %sub3A_101 : vector<16x4096xf32>
      %reduce_sum3A_103 = arith.constant dense<0.000000e+00> : vector<16xf32>
      %reduce_sum3A_104 = vector.multi_reduction <add>, %exp3A_102, %reduce_sum3A_103 [1] : vector<16x4096xf32> to vector<16xf32>
      %broadcast_in_dim3A_105 = vector.shape_cast %reduce_sum3A_104 : vector<16xf32> to vector<16x1xf32>
      %log3A_106 = math.log %broadcast_in_dim3A_105 : vector<16x1xf32>
      %add3A_107 = arith.addf %broadcast_in_dim3A_99, %log3A_106 : vector<16x1xf32>
      %sub3A_108 = vector.broadcast %add3A_107 : vector<16x1xf32> to vector<16x4096xf32>
      %sub3A_109 = arith.subf %sub3A_96, %sub3A_108 : vector<16x4096xf32>
      %reduce_max3A_110 = arith.constant dense<0xFF800000> : vector<4096xf32>
      %reduce_max3A_111 = vector.multi_reduction <maximumf>, %sub3A_109, %reduce_max3A_110 [0] : vector<16x4096xf32> to vector<4096xf32>
      %broadcast_in_dim3A_112 = vector.shape_cast %reduce_max3A_111 : vector<4096xf32> to vector<1x4096xf32>
      %sub3A_113 = vector.broadcast %broadcast_in_dim3A_112 : vector<1x4096xf32> to vector<16x4096xf32>
      %sub3A_114 = arith.subf %sub3A_109, %sub3A_113 : vector<16x4096xf32>
      %exp3A_115 = math.exp %sub3A_114 : vector<16x4096xf32>
      %reduce_sum3A_116 = arith.constant dense<0.000000e+00> : vector<4096xf32>
      %reduce_sum3A_117 = vector.multi_reduction <add>, %exp3A_115, %reduce_sum3A_116 [0] : vector<16x4096xf32> to vector<4096xf32>
      %broadcast_in_dim3A_118 = vector.shape_cast %reduce_sum3A_117 : vector<4096xf32> to vector<1x4096xf32>
      %log3A_119 = math.log %broadcast_in_dim3A_118 : vector<1x4096xf32>
      %add3A_120 = arith.addf %broadcast_in_dim3A_112, %log3A_119 : vector<1x4096xf32>
      %sub3A_121 = vector.broadcast %add3A_120 : vector<1x4096xf32> to vector<16x4096xf32>
      %sub3A_122 = arith.subf %sub3A_109, %sub3A_121 : vector<16x4096xf32>
      %reduce_max3A_123 = arith.constant dense<0xFF800000> : vector<16xf32>
      %reduce_max3A_124 = vector.multi_reduction <maximumf>, %sub3A_122, %reduce_max3A_123 [1] : vector<16x4096xf32> to vector<16xf32>
      %broadcast_in_dim3A_125 = vector.shape_cast %reduce_max3A_124 : vector<16xf32> to vector<16x1xf32>
      %sub3A_126 = vector.broadcast %broadcast_in_dim3A_125 : vector<16x1xf32> to vector<16x4096xf32>
      %sub3A_127 = arith.subf %sub3A_122, %sub3A_126 : vector<16x4096xf32>
      %exp3A_128 = math.exp %sub3A_127 : vector<16x4096xf32>
      %reduce_sum3A_129 = arith.constant dense<0.000000e+00> : vector<16xf32>
      %reduce_sum3A_130 = vector.multi_reduction <add>, %exp3A_128, %reduce_sum3A_129 [1] : vector<16x4096xf32> to vector<16xf32>
      %broadcast_in_dim3A_131 = vector.shape_cast %reduce_sum3A_130 : vector<16xf32> to vector<16x1xf32>
      %log3A_132 = math.log %broadcast_in_dim3A_131 : vector<16x1xf32>
      %add3A_133 = arith.addf %broadcast_in_dim3A_125, %log3A_132 : vector<16x1xf32>
      %sub3A_134 = vector.broadcast %add3A_133 : vector<16x1xf32> to vector<16x4096xf32>
      %sub3A_135 = arith.subf %sub3A_122, %sub3A_134 : vector<16x4096xf32>
      %reduce_max3A_136 = arith.constant dense<0xFF800000> : vector<4096xf32>
      %reduce_max3A_137 = vector.multi_reduction <maximumf>, %sub3A_135, %reduce_max3A_136 [0] : vector<16x4096xf32> to vector<4096xf32>
      %broadcast_in_dim3A_138 = vector.shape_cast %reduce_max3A_137 : vector<4096xf32> to vector<1x4096xf32>
      %sub3A_139 = vector.broadcast %broadcast_in_dim3A_138 : vector<1x4096xf32> to vector<16x4096xf32>
      %sub3A_140 = arith.subf %sub3A_135, %sub3A_139 : vector<16x4096xf32>
      %exp3A_141 = math.exp %sub3A_140 : vector<16x4096xf32>
      %reduce_sum3A_142 = arith.constant dense<0.000000e+00> : vector<4096xf32>
      %reduce_sum3A_143 = vector.multi_reduction <add>, %exp3A_141, %reduce_sum3A_142 [0] : vector<16x4096xf32> to vector<4096xf32>
      %broadcast_in_dim3A_144 = vector.shape_cast %reduce_sum3A_143 : vector<4096xf32> to vector<1x4096xf32>
      %log3A_145 = math.log %broadcast_in_dim3A_144 : vector<1x4096xf32>
      %add3A_146 = arith.addf %broadcast_in_dim3A_138, %log3A_145 : vector<1x4096xf32>
      %sub3A_147 = vector.broadcast %add3A_146 : vector<1x4096xf32> to vector<16x4096xf32>
      %sub3A_148 = arith.subf %sub3A_135, %sub3A_147 : vector<16x4096xf32>
      %reduce_max3A_149 = arith.constant dense<0xFF800000> : vector<16xf32>
      %reduce_max3A_150 = vector.multi_reduction <maximumf>, %sub3A_148, %reduce_max3A_149 [1] : vector<16x4096xf32> to vector<16xf32>
      %broadcast_in_dim3A_151 = vector.shape_cast %reduce_max3A_150 : vector<16xf32> to vector<16x1xf32>
      %sub3A_152 = vector.broadcast %broadcast_in_dim3A_151 : vector<16x1xf32> to vector<16x4096xf32>
      %sub3A_153 = arith.subf %sub3A_148, %sub3A_152 : vector<16x4096xf32>
      %exp3A_154 = math.exp %sub3A_153 : vector<16x4096xf32>
      %reduce_sum3A_155 = arith.constant dense<0.000000e+00> : vector<16xf32>
      %reduce_sum3A_156 = vector.multi_reduction <add>, %exp3A_154, %reduce_sum3A_155 [1] : vector<16x4096xf32> to vector<16xf32>
      %broadcast_in_dim3A_157 = vector.shape_cast %reduce_sum3A_156 : vector<16xf32> to vector<16x1xf32>
      %log3A_158 = math.log %broadcast_in_dim3A_157 : vector<16x1xf32>
      %add3A_159 = arith.addf %broadcast_in_dim3A_151, %log3A_158 : vector<16x1xf32>
      %sub3A_160 = vector.broadcast %add3A_159 : vector<16x1xf32> to vector<16x4096xf32>
      %sub3A_161 = arith.subf %sub3A_148, %sub3A_160 : vector<16x4096xf32>
      %reduce_max3A_162 = arith.constant dense<0xFF800000> : vector<4096xf32>
      %reduce_max3A_163 = vector.multi_reduction <maximumf>, %sub3A_161, %reduce_max3A_162 [0] : vector<16x4096xf32> to vector<4096xf32>
      %broadcast_in_dim3A_164 = vector.shape_cast %reduce_max3A_163 : vector<4096xf32> to vector<1x4096xf32>
      %sub3A_165 = vector.broadcast %broadcast_in_dim3A_164 : vector<1x4096xf32> to vector<16x4096xf32>
      %sub3A_166 = arith.subf %sub3A_161, %sub3A_165 : vector<16x4096xf32>
      %exp3A_167 = math.exp %sub3A_166 : vector<16x4096xf32>
      %reduce_sum3A_168 = arith.constant dense<0.000000e+00> : vector<4096xf32>
      %reduce_sum3A_169 = vector.multi_reduction <add>, %exp3A_167, %reduce_sum3A_168 [0] : vector<16x4096xf32> to vector<4096xf32>
      %broadcast_in_dim3A_170 = vector.shape_cast %reduce_sum3A_169 : vector<4096xf32> to vector<1x4096xf32>
      %log3A_171 = math.log %broadcast_in_dim3A_170 : vector<1x4096xf32>
      %add3A_172 = arith.addf %broadcast_in_dim3A_164, %log3A_171 : vector<1x4096xf32>
      %sub3A_173 = vector.broadcast %add3A_172 : vector<1x4096xf32> to vector<16x4096xf32>
      %sub3A_174 = arith.subf %sub3A_161, %sub3A_173 : vector<16x4096xf32>
      %reduce_max3A_175 = arith.constant dense<0xFF800000> : vector<16xf32>
      %reduce_max3A_176 = vector.multi_reduction <maximumf>, %sub3A_174, %reduce_max3A_175 [1] : vector<16x4096xf32> to vector<16xf32>
      %broadcast_in_dim3A_177 = vector.shape_cast %reduce_max3A_176 : vector<16xf32> to vector<16x1xf32>
      %sub3A_178 = vector.broadcast %broadcast_in_dim3A_177 : vector<16x1xf32> to vector<16x4096xf32>
      %sub3A_179 = arith.subf %sub3A_174, %sub3A_178 : vector<16x4096xf32>
      %exp3A_180 = math.exp %sub3A_179 : vector<16x4096xf32>
      %reduce_sum3A_181 = arith.constant dense<0.000000e+00> : vector<16xf32>
      %reduce_sum3A_182 = vector.multi_reduction <add>, %exp3A_180, %reduce_sum3A_181 [1] : vector<16x4096xf32> to vector<16xf32>
      %broadcast_in_dim3A_183 = vector.shape_cast %reduce_sum3A_182 : vector<16xf32> to vector<16x1xf32>
      %log3A_184 = math.log %broadcast_in_dim3A_183 : vector<16x1xf32>
      %add3A_185 = arith.addf %broadcast_in_dim3A_177, %log3A_184 : vector<16x1xf32>
      %sub3A_186 = vector.broadcast %add3A_185 : vector<16x1xf32> to vector<16x4096xf32>
      %sub3A_187 = arith.subf %sub3A_174, %sub3A_186 : vector<16x4096xf32>
      %reduce_max3A_188 = arith.constant dense<0xFF800000> : vector<4096xf32>
      %reduce_max3A_189 = vector.multi_reduction <maximumf>, %sub3A_187, %reduce_max3A_188 [0] : vector<16x4096xf32> to vector<4096xf32>
      %broadcast_in_dim3A_190 = vector.shape_cast %reduce_max3A_189 : vector<4096xf32> to vector<1x4096xf32>
      %sub3A_191 = vector.broadcast %broadcast_in_dim3A_190 : vector<1x4096xf32> to vector<16x4096xf32>
      %sub3A_192 = arith.subf %sub3A_187, %sub3A_191 : vector<16x4096xf32>
      %exp3A_193 = math.exp %sub3A_192 : vector<16x4096xf32>
      %reduce_sum3A_194 = arith.constant dense<0.000000e+00> : vector<4096xf32>
      %reduce_sum3A_195 = vector.multi_reduction <add>, %exp3A_193, %reduce_sum3A_194 [0] : vector<16x4096xf32> to vector<4096xf32>
      %broadcast_in_dim3A_196 = vector.shape_cast %reduce_sum3A_195 : vector<4096xf32> to vector<1x4096xf32>
      %log3A_197 = math.log %broadcast_in_dim3A_196 : vector<1x4096xf32>
      %add3A_198 = arith.addf %broadcast_in_dim3A_190, %log3A_197 : vector<1x4096xf32>
      %sub3A_199 = vector.broadcast %add3A_198 : vector<1x4096xf32> to vector<16x4096xf32>
      %sub3A_200 = arith.subf %sub3A_187, %sub3A_199 : vector<16x4096xf32>
      %reduce_max3A_201 = arith.constant dense<0xFF800000> : vector<16xf32>
      %reduce_max3A_202 = vector.multi_reduction <maximumf>, %sub3A_200, %reduce_max3A_201 [1] : vector<16x4096xf32> to vector<16xf32>
      %broadcast_in_dim3A_203 = vector.shape_cast %reduce_max3A_202 : vector<16xf32> to vector<16x1xf32>
      %sub3A_204 = vector.broadcast %broadcast_in_dim3A_203 : vector<16x1xf32> to vector<16x4096xf32>
      %sub3A_205 = arith.subf %sub3A_200, %sub3A_204 : vector<16x4096xf32>
      %exp3A_206 = math.exp %sub3A_205 : vector<16x4096xf32>
      %reduce_sum3A_207 = arith.constant dense<0.000000e+00> : vector<16xf32>
      %reduce_sum3A_208 = vector.multi_reduction <add>, %exp3A_206, %reduce_sum3A_207 [1] : vector<16x4096xf32> to vector<16xf32>
      %broadcast_in_dim3A_209 = vector.shape_cast %reduce_sum3A_208 : vector<16xf32> to vector<16x1xf32>
      %log3A_210 = math.log %broadcast_in_dim3A_209 : vector<16x1xf32>
      %add3A_211 = arith.addf %broadcast_in_dim3A_203, %log3A_210 : vector<16x1xf32>
      %sub3A_212 = vector.broadcast %add3A_211 : vector<16x1xf32> to vector<16x4096xf32>
      %sub3A_213 = arith.subf %sub3A_200, %sub3A_212 : vector<16x4096xf32>
      %reduce_max3A_214 = arith.constant dense<0xFF800000> : vector<4096xf32>
      %reduce_max3A_215 = vector.multi_reduction <maximumf>, %sub3A_213, %reduce_max3A_214 [0] : vector<16x4096xf32> to vector<4096xf32>
      %broadcast_in_dim3A_216 = vector.shape_cast %reduce_max3A_215 : vector<4096xf32> to vector<1x4096xf32>
      %sub3A_217 = vector.broadcast %broadcast_in_dim3A_216 : vector<1x4096xf32> to vector<16x4096xf32>
      %sub3A_218 = arith.subf %sub3A_213, %sub3A_217 : vector<16x4096xf32>
      %exp3A_219 = math.exp %sub3A_218 : vector<16x4096xf32>
      %reduce_sum3A_220 = arith.constant dense<0.000000e+00> : vector<4096xf32>
      %reduce_sum3A_221 = vector.multi_reduction <add>, %exp3A_219, %reduce_sum3A_220 [0] : vector<16x4096xf32> to vector<4096xf32>
      %broadcast_in_dim3A_222 = vector.shape_cast %reduce_sum3A_221 : vector<4096xf32> to vector<1x4096xf32>
      %log3A_223 = math.log %broadcast_in_dim3A_222 : vector<1x4096xf32>
      %add3A_224 = arith.addf %broadcast_in_dim3A_216, %log3A_223 : vector<1x4096xf32>
      %sub3A_225 = vector.broadcast %add3A_224 : vector<1x4096xf32> to vector<16x4096xf32>
      %sub3A_226 = arith.subf %sub3A_213, %sub3A_225 : vector<16x4096xf32>
      %swap3A = arith.constant 0 : index
      %swap3A_227 = arith.constant 0 : index
      %swap3A_228 = arith.constant 0 : index
      %swap3A_229 = vector.load %arg4[%swap3A, %swap3A_227, %swap3A_228] : memref<1x16x4096xf32, #tpu.memory_space<vmem>>, vector<1x16x4096xf32>
      %swap3A_230 = vector.shape_cast %swap3A_229 : vector<1x16x4096xf32> to vector<16x4096xf32>
      %swap3A_231 = vector.shape_cast %sub3A_226 : vector<16x4096xf32> to vector<1x16x4096xf32>
      tpu.vector_store %arg4[%swap3A, %swap3A_227, %swap3A_228], %swap3A_231 {strides = array<i32>} : memref<1x16x4096xf32, #tpu.memory_space<vmem>>, vector<1x16x4096xf32>,
    } else {
    }
    return
  }
  func.func @transform_0(%arg0: i32, %arg1: i32) -> (i32, i32, i32) {
    %c0_i32 = arith.constant 0 : i32
    %c0_i32_0 = arith.constant 0 : i32
    return %arg0, %c0_i32, %arg1 : i32, i32, i32
  }
  func.func @transform_1(%arg0: i32, %arg1: i32) -> (i32, i32, i32) {
    %c0_i32 = arith.constant 0 : i32
    %c0_i32_0 = arith.constant 0 : i32
    %c0_i32_1 = arith.constant 0 : i32
    return %c0_i32, %arg1, %c0_i32_0 : i32, i32, i32
  }
  func.func @transform_2(%arg0: i32, %arg1: i32) -> (i32, i32, i32) {
    %c0_i32 = arith.constant 0 : i32
    %c0_i32_0 = arith.constant 0 : i32
    %c0_i32_1 = arith.constant 0 : i32
    return %arg0, %c0_i32, %c0_i32_0 : i32, i32, i32
  }
}

</mosaic_0001>

<sc_bundles>
// kernel: kernel.4.cloned.1.call-start
scs
__scs_entry_jumppad:
0x0: {  	(pc) =	sbr.rel $0x88, $3  }
0x1: {  	(tag) =	ssettag $0x0;
	lr =	simm.s32 $0x1  }
0x2: {  	[smem:$0x3F9F] =	sst lr;
	_ =	strace $0xD0000000  }
0x3: {  	_ = 	snop  }
0x4: {  	_ = 	snop  }
0x5: {  	_ = 	snop  }
0x6: {  	_ = 	snop  }
0x7: {  	_ = 	snop  }
__scs_overlays_trampoline_lowered:
0x8: {  	[smem:$0x3FAE] =	sst s0  }
0x9: {  	[smem:$0x3FAF] =	sst s1  }
0xa: {  	[smem:$0x3FB0] =	sst s2  }
0xb: {  	[smem:$0x3FB1] =	sst s3  }
0xc: {  	[smem:$0x3FB2] =	sst s4  }
0xd: {  	[smem:$0x3FB3] =	sst s5  }
0xe: {  	[smem:$0x3FB4] =	sst s6  }
0xf: {  	[smem:$0x3FB5] =	sst s7  }
0x10: {  	[smem:$0x3FB6] =	sst s8  }
0x11: {  	[smem:$0x3FB7] =	sst s9;
	s0 =	simm.s32 @!p0 $0x0  }
0x12: {  	s1 =	sld [smem:$0x3F9D];
	s0 =	simm.s32 @p0 $0x1  }
0x13: {  	[smem:$0x3FB8] =	sst s0;
	s0 =	simm.s32 @!p1 $0x0  }
0x14: {  	s2 =	sld [smem:$0x3F9C];
	s0 =	simm.s32 @p1 $0x1  }
0x15: {  	[smem:$0x3FB9] =	sst s0;
	s0 =	simm.s32 @!p2 $0x0  }
0x16: {  	s3 =	sld [smem:$0x3FDB];
	s0 =	simm.s32 @p2 $0x1  }
0x17: {  	s4 =	simm.s32 $0x1BF5;
	[smem:$0x3FBB] =	sst s0  }
0x18: {  	s0 =	sld [smem:$0x3F9E];
	_ =	swait.ge [sflag:s4], $0x0  }
0x19: {  	s7 =	sld [smem:$0x3F9F]  }
0x1a: {  	s8 =	sadd.s32 $0xFFFFE003, lr  }
0x1b: {  	s9 =	sadd.s32 $0xFFFFFEF7, lr;
	s5 =	simm.s32 $0xFFFFFFFF;
	p2 =	slt.u32 s8, $0xFFFFF086  }
0x1c: {  	p1 =	slt.u32 s9, $0xF7A;
	s5 =	simm.s32 @!p2 $0x0  }
0x1d: {  	s5 =	simm.s32 @p1 $0x1;
	p0 =	seq.s32 s7, s2  }
0x1e: {  	s7 =	smul.u32 @!p0 $0xF7A, s2;
	p2 =	seq.s32 @!p0 s5, $0x0  }
0x1f: {  	s9 =	smul.u32 $0xF7A, s1;
	s8 =	simm.s32 @!p0 $0x1BF5;
	p2 =	por !p2, p0  }
0x20: {  	[sflag:s8] =	ssyncset.s32 @!p0 $0xFFFFF086;
	s6 =	sadd.s32 @!p0 s3, s7;
	s7 =	simm.s32 @!p0 $0x108  }
0x21: {  	s3 =	sadd.s32 s3, s9;
	s6 =	sadd.s32 @!p0 $0x88, s6;
	s7 =	simm.s32 @p2 $0x1082  }
0x22: {  	[simem:s7], [sflag:s8] =	dma.local @!p0 [hbm:s6], $0xF7A  }
0x23: {  	s9 =	sor.u32 $0xD0000000, s2;
	s6 =	simm.s32 $0x108;
	_ =	swait.ge @!p0 [sflag:s8], $0x0  }
0x24: {  	s3 =	sadd.s32 $0x88, s3;
	s6 =	simm.s32 @!p1 $0x1082;
	[sflag:s4] =	ssyncset.s32 $0xFFFFF086  }
0x25: {  	[simem:s6], [sflag:s4] =	dma.local [hbm:s3], $0xF7A  }
0x26: {  	[smem:$0x3F9F] =	sst s1;
	(tag) =	ssettag s2;
	_ =	strace s9  }
0x27: {  	s1 =	sld [smem:$0x3FAF]  }
0x28: {  	s2 =	sld [smem:$0x3FB0]  }
0x29: {  	s4 =	sld [smem:$0x3FB2]  }
0x2a: {  	p0 =	seq.s32 s5, $0x0;
	s5 =	sld [smem:$0x3FB3]  }
0x2b: {  	s6 =	sld [smem:$0x3FB4]  }
0x2c: {  	s7 =	sld [smem:$0x3FB5]  }
0x2d: {  	s3 =	simm.s32 $0x108;
	s8 =	sld [smem:$0x3FB6]  }
0x2e: {  	s3 =	simm.s32 @!p0 $0x1082;
	s9 =	sld [smem:$0x3FB7]  }
0x2f: {  	lr =	sadd.s32 s0, s3;
	s0 =	sld [smem:$0x3FAE]  }
0x30: {  	s3 =	sld [smem:$0x3FB1]  }
0x31: {  	[smem:$0x3FBA] =	sst s10  }
0x32: {  	s10 =	sld [smem:$0x3FB8];
	_ =	sdelay $0x3  }
0x33: {  	p0 =	seq.s32 s10, $0x1;
	s10 =	sld [smem:$0x3FBA];
	_ =	sdelay $0x3  }
0x34: {  	[smem:$0x3FBA] =	sst s10  }
0x35: {  	s10 =	sld [smem:$0x3FB9];
	_ =	sdelay $0x3  }
0x36: {  	p1 =	seq.s32 s10, $0x1;
	s10 =	sld [smem:$0x3FBA];
	_ =	sdelay $0x3  }
0x37: {  	[smem:$0x3FBA] =	sst s10  }
0x38: {  	s10 =	sld [smem:$0x3FBB]  }
0x39: {  	_ = 	snop;
	(pc) =	sbr.ind lr, $3  }
0x3a: {  	_ = 	snop  }
0x3b: {  	_ = 	snop  }
0x3c: {  	p2 =	seq.s32 s10, $0x1;
	s10 =	sld [smem:$0x3FBA]  }
0x3d: {  	_ =	shalt  }
0x3e: {  	_ =	shalt  }
0x3f: {  	_ =	shalt  }
0x40: {  	_ =	shalt  }
0x41: {  	_ =	shalt  }
0x42: {  	_ =	shalt  }
0x43: {  	_ =	shalt  }
0x44: {  	_ =	shalt  }
0x45: {  	_ =	shalt  }
0x46: {  	_ =	shalt  }
0x47: {  	_ =	shalt  }
0x48: {  	_ =	shalt  }
0x49: {  	_ =	shalt  }
0x4a: {  	_ =	shalt  }
0x4b: {  	_ =	shalt  }
0x4c: {  	_ =	shalt  }
0x4d: {  	_ =	shalt  }
0x4e: {  	_ =	shalt  }
0x4f: {  	_ =	shalt  }
0x50: {  	_ =	shalt  }
0x51: {  	_ =	shalt  }
0x52: {  	_ =	shalt  }
0x53: {  	_ =	shalt  }
0x54: {  	_ =	shalt  }
0x55: {  	_ =	shalt  }
0x56: {  	_ =	shalt  }
0x57: {  	_ =	shalt  }
0x58: {  	_ =	shalt  }
0x59: {  	_ =	shalt  }
0x5a: {  	_ =	shalt  }
0x5b: {  	_ =	shalt  }
0x5c: {  	_ =	shalt  }
0x5d: {  	_ =	shalt  }
0x5e: {  	_ =	shalt  }
0x5f: {  	_ =	shalt  }
0x60: {  	_ =	shalt  }
0x61: {  	_ =	shalt  }
0x62: {  	_ =	shalt  }
0x63: {  	_ =	shalt  }
0x64: {  	_ =	shalt  }
0x65: {  	_ =	shalt  }
0x66: {  	_ =	shalt  }
0x67: {  	_ =	shalt  }
0x68: {  	_ =	shalt  }
0x69: {  	_ =	shalt  }
0x6a: {  	_ =	shalt  }
0x6b: {  	_ =	shalt  }
0x6c: {  	_ =	shalt  }
0x6d: {  	_ =	shalt  }
0x6e: {  	_ =	shalt  }
0x6f: {  	_ =	shalt  }
0x70: {  	_ =	shalt  }
0x71: {  	_ =	shalt  }
0x72: {  	_ =	shalt  }
0x73: {  	_ =	shalt  }
0x74: {  	_ =	shalt  }
0x75: {  	_ =	shalt  }
0x76: {  	_ =	shalt  }
0x77: {  	_ =	shalt  }
0x78: {  	_ =	shalt  }
0x79: {  	_ =	shalt  }
0x7a: {  	_ =	shalt  }
0x7b: {  	_ =	shalt  }
0x7c: {  	_ =	shalt  }
0x7d: {  	_ =	shalt  }
0x7e: {  	_ =	shalt  }
0x7f: {  	_ =	shalt  }
0x80: {  	_ =	shalt  }
0x81: {  	_ =	shalt  }
0x82: {  	_ =	shalt  }
0x83: {  	_ =	shalt  }
0x84: {  	_ =	shalt  }
0x85: {  	_ =	shalt  }
0x86: {  	_ =	shalt  }
0x87: {  	_ =	shalt  }
.Lfunc_end0:
.L_simem_size_0:
called_computation_lowered:
.L_overlay_start_0:
0x88: {  	s2 =	sld [smem:$0x3FD9]  }
0x89: {  	s3 =	sld [smem:$0x3FFE];
	_ =	sdelay $0x1  }
0x8a: {  	s1 =	srdreg.scid  }
0x8b: {  	s0 =	sand.u32 $0x1, s1  }
0x8c: {  	s14 =	sshll.u32 s0, $0xA;
	s2 =	sadd.s32 s3, s2  }
0x8d: {  	s2 =	sadd.s32 s2, s14  }
0x8e: {  	[smem:$0x3FC6] =	sst s2  }
0x8f: {  	_ = 	snop  }
0x90: {  	s2 =	sld [smem:$0x3FD0];
	_ =	sdelay $0x2  }
0x91: {  	s15 =	simm.s32 $0xA;
	s4 =	simm.s32 $0x10  }
0x92: {  	[smem:s4], [sflag:s15] =	dma.local [hbm:s2], $0x1  }
0x93: {  	_ =	swait.eq [sflag:s15], $0x1  }
0x94: {  	[sflag:s15] =	ssyncset.done $0x0  }
0x95: {  	s16 =	sld [smem:$0x10];
	[sflag:s15] =	ssyncadd.s32 $0xFFFFFFFF  }
0x96: {  	s17 =	sld [smem:$0x11];
	(tm) =	ssettm $0x1  }
0x97: {  	s18 =	sld [smem:$0x3FFB];
	_ =	sdelay $0x3  }
0x98: {  	_ =	strace s18  }
0x99: {  	s4 =	sld [smem:$0x3FFC];
	_ =	sdelay $0x3  }
0x9a: {  	_ =	strace s4  }
0x9b: {  	s4 =	sld [smem:$0x3FFD];
	_ =	sdelay $0x3  }
0x9c: {  	_ =	strace s4  }
0x9d: {  	_ =	strace $0x8FFFFFFF  }
0x9e: {  	s19 =	sld [smem:$0x3FDB];
	_ =	sdelay $0x1  }
0x9f: {  	s5 =	simm.s32 $_scs_section_size  }
0xa0: {  	s6 =	simm.s32 $_size__tile_overlayer_lowered;
	s7 =	simm.s32 $_tile_overlayer_lowered  }
0xa1: {  	s22 =	simm.s32 $0x1BFF;
	s21 =	sshll.u32 s7, $0x1;
	s4 =	sadd.s32 s5, s19  }
0xa2: {  	s8 =	simm.s32 $0x0;
	s20 =	sshll.u32 s6, $0x1;
	s6 =	sadd.s32 s21, s4  }
0xa3: {  	[timem:s8], [sflag:s22] =	dma.local [hbm:s6], s20  }
0xa4: {  	_ =	swait.ge [sflag:s22], s20  }
0xa5: {  	s5 =	ssub.s32 $0x0, s20;
	[sflag:s22] =	ssyncset.done $0x0  }
0xa6: {  	[sflag:s22] =	ssyncadd.s32 s5;
	_ =	sdelay $0x1  }
0xa7: {  	s23 =	simm.s32 $0x1B8B  }
0xa8: {  	_ =	swait.ge [sflag:s23], $0x1  }
0xa9: {  	[sflag:s23] =	ssyncset.done $0x0  }
0xaa: {  	s25 =	simm.s32 $0x1B8E;
	s24 =	sld [smem:$0x3FFE];
	[sflag:s23] =	ssyncadd.s32 $0xFFFFFFFF  }
0xab: {  	s26 =	simm.s32 $execute0_lowered;
	[smem:$0x3FD2] =	sst s25  }
0xac: {  	s6 =	sshll.u32 s26, $0x1;
	_ =	strace $0x80000046;
	[dreg:$0x1] =	wrdreg $0xFFFFFFFF  }
0xad: {  	s28 =	simm.s32 $_size_execute0_lowered;
	s4 =	sadd.s32 s4, s6;
	[dreg:$0x0] =	wrdreg $0x0  }
0xae: {  	s6 =	sshll.u32 s28, $0x1;
	[dreg:$0x2] =	wrdreg s4  }
0xaf: {  	[dreg:$0x3] =	wrdreg s6  }
0xb0: {  	[dreg:$0x4] =	wrdreg $0xC0  }
0xb1: {  	_ =	task [dreg:s8], $0x5FFFF  }
0xb2: {  	[dreg:$0x1] =	wrdreg $0xFFFFFFFF  }
0xb3: {  	[dreg:$0x0] =	wrdreg $0x60  }
0xb4: {  	[dreg:$0x2] =	wrdreg s24  }
0xb5: {  	[dreg:$0x3] =	wrdreg s16  }
0xb6: {  	[dreg:$0x4] =	wrdreg s17  }
0xb7: {  	[dreg:$0x5] =	wrdreg $0x9  }
0xb8: {  	_ =	task.clear_ibuf [dreg:s8], $0x6FFFF;
	_ =	strace $0x90000046  }
0xb9: {  	s29 =	simm.s32 $0x9;
	_ =	strace $0x80000048  }
0xba: {  	_ =	swait.ge [sflag:s29], $0x1  }
0xbb: {  	[sflag:s29] =	ssyncadd.s32 $0xFFFFFFFF  }
0xbc: {  	_ =	strace $0x90000048  }
0xbd: {  	_ =	sfence  }
0xbe: {  	s30 =	sld [smem:$0x0];
	_ =	sdelay $0x2  }
0xbf: {  	s31 =	sshll.u32 s1, $0xD;
	s1 =	sshrl.u32 s1, $0x2  }
0xc0: {  	s3 =	sand.u32 $0x4000, s31;
	s1 =	sadd.s32 s1, s30  }
0xc1: {  	s0 =	sor.u32 s3, s0;
	s1 =	sshll.u32 s1, $0x11  }
0xc2: {  	s0 =	sor.u32 s1, s0  }
0xc3: {  	s0 =	sadd.s32 $0x8F2B, s0  }
0xc4: {  	[sflag:s0] =	ssyncadd.remote.s32 $0x1  }
0xc5: {  	_ =	sfence.sel $0xFFFF  }
0xc6: {  	[dreg:$0x0] =	wrdreg $0xFFFFFFFF;
	(pc) =	sbr.abs _section_cstart, $3  }
0xc7: {  	[dreg:$0x1] =	wrdreg $0xFFFFFFFF  }
0xc8: {  	_ =	task.clear_ibuf [dreg:s8], $0x2FFFF;
	_ =	strace $0x9FFFFFFF  }
0xc9: {  	(tm) =	ssettm $0x7FFFFFFF  }
tec
execute0_lowered:
.L_overlay_start_1:
0x0: {  	(tag) =	ssettag $0x1  }
0x1: {  	s3 =	rddreg [dreg:$0x0]  }
0x2: {  	s7 =	rddreg [dreg:$0x1]  }
0x3: {  	s8 =	rddreg [dreg:$0x2]  }
0x4: {  	s0 =	rddreg [dreg:$0x3];
	s2 =	simm.s32 $0x0;
	s4 =	srdreg.scid  }
0x5: {  	s1 =	stileid.u32;
	s14 =	simm.s32 $0x2800;
	s15 =	simm.s32 $0x2980  }
0x6: {  	s16 =	simm.s32 $0x2B00;
	s17 =	simm.s32 $0x0;
	[smem:$0x7FF] =	sst s2  }
0x7: {  	s6 =	sadd.s32 $0xA00, s3;
	s25 =	sand.u32 $0x1, s4;
	s26 =	sshll.u32 s1, $0x9  }
0x8: {  	s9 =	sshrl.u32 s1, $0x1;
	_ =	strace $0x80000047;
	s5 =	sshll.u32 s25, $0x8  }
0x9: {  	s4 =	sand.u32 $0x200, s26;
	s3 =	ssub.s32 $0x2, s25;
	s28 =	sshll.u32 s9, $0xF  }
0xa: {  	s9 =	sshll.u32 s9, $0xB;
	s4 =	sor.u32 s5, s4;
	s10 =	sshrl.u32 s3, $0x1  }
0xb: {  	s11 =	sor.u32 s28, s4;
	s10 =	ssub.s32 s3, s10;
	s30 =	sor.u32 s9, s4  }
0xc: {  	s12 =	sor.u32 $0x80, s4;
	s29 =	sshrl.u32 s11, $0x3;
	s11 =	sshrl.u32 s30, $0x3  }
0xd: {  	s13 =	sor.u32 s28, s12;
	s9 =	sor.u32 s9, s12;
	s12 =	simm.s32 $0x1  }
0xe: {  	v0 =	vlaneseq.u32;
	v1 =	vimm.s32 $0x0;
	s3 =	sadd.s32 s6, s29;
	s4 =	sadd.s32 s7, s11;
	s5 =	sadd.s32 s8, s11  }
0xf: {  	v2 =	vimm.s32 $0x1;
	v4 =	vmul.u32 $0xFFFFFFFF, v0;
	v3 =	vmul.u32 $0x2, v0;
	s31 =	sshrl.u32 s13, $0x3;
	s9 =	sshrl.u32 s9, $0x3;
	s11 =	simm.s32 $0x400  }
0x10: {  	vm0 =	vmxor vm0, vm0;
	v6 =	vimm.s32 $0x80000000;
	v8 =	vimm.f32 $0.0e+00;
	s13 =	simm.s32 $0x2000;
	s6 =	sadd.s32 s6, s31;
	s7 =	sadd.s32 s7, s9  }
0x11: {  	v5 =	vmul.u32 $0xFFFFFE00, v0;
	v4 =	vadd.s32 $0xF, v4;
	v7 =	vor.u32 $0x1, v3;
	s8 =	sadd.s32 s8, s9;
	s9 =	smax.u32 s10, $0x1;
	s10 =	simm.s32 $0x80  }
.LBB2_1:
0x12: {  	[tilespmem:s2], [sflag:$0x1] =	stream.strided.gather [hbm4b:s3+s10], $0x1000, s11, s10, $0x38;
	[tilespmem:$0x2C00] =	vst v63  }
0x13: {  	_ =	swait.ge [sflag:s12], $0x1000  }
0x14: {  	[sflag:s12] =	ssyncset.done $0x0  }
0x15: {  	s19 =	simm.s32 $0x100;
	s18 =	simm.s32 $0x0;
	[sflag:s12] =	ssyncadd.s32 $0xFFFFF000  }
.LBB2_2:
0x16: {  	p0 =	sne.s32 s19, $0x1F00;
	[tilespmem:s18+$0x2030] =	vst v1;
	s20 =	smov.u32 s19;
	s19 =	sadd.s32 $0x100, s19  }
.Ltmp0:
0x17: {  	[tilespmem:s18+$0x2020] =	vst v1;
	(pc) =	sbr.rel @p0 .LBB2_2-.Ltmp0, $3  }
0x18: {  	[tilespmem:s18+$0x2000] =	vst v1  }
0x19: {  	[tilespmem:s18+$0x2010] =	vst v1;
	_ =	sdelay $0x1  }
0x1a: {  	s18 =	sshra.s32 s20, $0x2  }
0x1b: {  	[tilespmem:s18+$0x2030] =	vst v1  }
0x1c: {  	[tilespmem:s18+$0x2020] =	vst v1  }
0x1d: {  	[tilespmem:s18+$0x2000] =	vst v1  }
0x1e: {  	s19 =	simm.s32 $0x0;
	[tilespmem:s18+$0x2010] =	vst v1;
	s18 =	simm.s32 $0x0  }
.LBB2_4:
0x1f: {  	s20 =	sshra.s32 s18, $0x2  }
0x20: {  	v9 =	vld [tilespmem:s20+$0x0];
	_ =	sdelay $0x4  }
0x21: {  	v10 =	vshra.s32 v9, $0x1F  }
0x22: {  	v10 =	vand.u32 $0x7FFFFFFF, v10  }
0x23: {  	v9 =	vxor.u32 v9, v10  }
0x24: {  	v10 =	vshrl.u32 v9, $0x15  }
0x25: {  	p0 =	sne.s32 s18, $0x3FC0;
	v10 =	vxor.u32 $0x400, v10  }
.Ltmp1:
0x26: {  	_ = 	snop;
	(pc) =	sbr.rel @p0 .LBB2_4-.Ltmp1, $3  }
0x27: {  	_ =	sdelay $0x1  }
0x28: {  	[tilespmem:s20+$0x1000] =	vst v9  }
0x29: {  	s18 =	sadd.s32 $0x40, s18;
	[tilespmem:v10+s13+$0x0] =	vst.idx.add.s32.msk $0xffff, v2  }
0x2a: {  	s18 =	simm.s32 $0x27F0  }
0x2b: {  	v9 =	vld [tilespmem:s18+$0xFFFFFFF0]  }
0x2c: {  	v10 =	vld [tilespmem:s18+$0x0]  }
0x2d: {  	p5 =	por $0x0, $0x0  }
.Ltmp2:
0x2e: {  	s31 =	simm.s32 $0x7EF;
	(pc) =	sbr.rel @p5 .LBB2_6-.Ltmp2, $4  }
0x2f: {  	s21 =	simm.s32 $0x7FF;
	v11 =	vmov s31  }
0x30: {  	s20 =	simm.s32 $0x7CF;
	p0 =	por $0x0, $0x0;
	v12 =	vmov s21;
	v11 =	vshll.u32 v11, $0x9;
	v22 =	vperm.xlane v9, v4  }
0x31: {  	p1 =	por $0x0, $0x0;
	p2 =	por $0x0, $0x0;
	p3 =	por $0x0, $0x0;
	v12 =	vshll.u32 v12, $0x9;
	v11 =	vadd.s32 v5, v11;
	(xrf0) =	vadd.scan.msk.s32 $0xffff, v10  }
0x32: {  	p6 =	por $0x0, $0x0;
	s18 =	simm.s32 $0xFFFFFFFF;
	s21 =	simm.s32 $0x27D0;
	v20 =	vadd.s32 v5, v12;
	v21 =	vperm.xlane v10, v4;
	(xrf0) =	vadd.scan.msk.s32 $0xffff, v9;
	v16 =	vsub.s32 v11, v22  }
0x33: {  	v9 =	vld [tilespmem:s21+$0xFFFFFFF0]  }
0x34: {  	v10 =	vld [tilespmem:s21+$0x0];
	v11 =	vmov s20  }
0x35: {  	p5 =	por $0x0, $0x0  }
.Ltmp3:
0x36: {  	_ = 	snop;
	(pc) =	sbr.rel @p5 .LBB2_8-.Ltmp3, $4  }
0x37: {  	s31 =	simm.s32 $0x7DF;
	v12 =	vshll.u32 v11, $0x9;
	v11, _, _ =	vpop (xrf0)  }
0x38: {  	(xrf0) =	vadd.scan.msk.s32 $0xffff, v21;
	v14 =	vmov s31;
	(v2sf) =	vpush v11, $0xF;
	v13, _, _ =	vpop (xrf0);
	v11 =	vperm.xlane v9, v4  }
0x39: {  	(xrf0) =	vadd.scan.msk.s32 $0xffff, v10;
	(v2sf) =	vpush v13, $0xF;
	v13 =	vshll.u32 v14, $0x9;
	v14 =	vadd.s32 v5, v12  }
0x3a: {  	s20 =	simm.s32 $0x7AF;
	s21 =	simm.s32 $0x27B0;
	p0 =	por $0x1, $0x1;
	v10 =	vperm.xlane v10, v4;
	(xrf0) =	vadd.scan.msk.s32 $0xffff, v9;
	v12 =	vadd.s32 v5, v13;
	v9 =	vsub.s32 v14, v11  }
0x3b: {  	_ =	sdelay $0x4  }
0x3c: {  	v13 =	vld [tilespmem:s21+$0x0]  }
0x3d: {  	v14 =	vmov s20;
	v17 =	vld [tilespmem:s21+$0xFFFFFFF0]  }
0x3e: {  	(xrf0) =	vadd.scan.msk.s32 $0xffff, v22  }
0x3f: {  	v18 =	vsub.s32 v20, v21;
	p1 =	por $0x1, $0x1;
	vm1 =	vmmov vm0;
	v15, _, _ =	vpop (xrf0)  }
0x40: {  	p5 =	por $0x0, $0x0;
	v19 =	vshll.u32 v14, $0x9;
	vm1 =	vmneg @p1 vm1;
	v14, _, _ =	vpop (xrf0);
	v15 =	vadd.s32 s19, v15  }
.Ltmp4:
0x41: {  	(v2sf) =	vpush v14, $0xF;
	v14, _, _ =	vpop (xrf0);
	vm2 =	vgt.s32 v15, $0xFF;
	v15 =	vadd.s32 v15, v18;
	(pc) =	sbr.rel @p5 .LBB2_10-.Ltmp4, $4  }
0x42: {  	s30 =	simm.s32 $0x7BF;
	(xrf0) =	vadd.scan.msk.s32 $0xffff, v10;
	v18 =	vperm.xlane v17, v4;
	(v2sf) =	vpush v14, $0xF;
	v14 =	vperm.xlane v13, v4  }
0x43: {  	(xrf0) =	vadd.scan.msk.s32 $0xffff, v13;
	vm1 =	vmand vm1, vm2;
	v13 =	vxor.u32 $0x80000000, v15;
	v15 =	vmov s30;
	s31 =	spop (v2sf)  }
0x44: {  	s20 =	simm.s32 $0x78F;
	(xrf0) =	vadd.scan.msk.s32 $0xffff, v17;
	v17 =	vadd.s32 v5, v19;
	v20, _, _ =	vpop (xrf0);
	v13 =	vnsel vm1, $0x7FFFFFFF, v13;
	v15 =	vshll.u32 v15, $0x9;
	s22 =	sadd.s32 $0x0, s31  }
0x45: {  	s21 =	simm.s32 $0x2790;
	p1 =	por $0x1, $0x1;
	(xrf0) =	vmax.scan.msk.u32 $0xffff, v13;
	v19 =	vadd.s32 v5, v15;
	v13 =	vsub.s32 v17, v18;
	s25 =	spop (v2sf);
	v17 =	vadd.s32 s22, v20  }
0x46: {  	_ =	sdelay $0x2  }
0x47: {  	v22 =	vmov s20;
	p2 =	slt.s32 s22, $0x100;
	vm1 =	vmmov vm0  }
0x48: {  	v21 =	vld [tilespmem:s21+$0x0];
	v16 =	vadd.s32 v17, v16;
	vm2 =	vgt.s32 v17, $0xFF;
	vm1 =	vmneg @p2 vm1  }
0x49: {  	s29 =	sadd.s32 s22, s25;
	(xrf0) =	vadd.scan.msk.s32 $0xffff, v11;
	v63 =	vld [tilespmem:s21+$0xFFFFFFF0];
	v10 =	vsub.s32 v12, v10;
	v16 =	vxor.u32 $0x80000000, v16;
	v15, _, _ =	vpop (xrf0);
	vm1 =	vmand vm1, vm2  }
0x4a: {  	v20, _, _ =	vpop (xrf0);
	v11 =	vadd.s32 s29, v15;
	v12 =	vnsel vm1, $0x7FFFFFFF, v16;
	vm1 =	vmmov vm0  }
0x4b: {  	p5 =	por $0x0, $0x0;
	p2 =	slt.s32 s29, $0x100;
	(v2sf) =	vpush v20, $0xF;
	v20 =	vshll.u32 v22, $0x9;
	v15, _, _ =	vpop (xrf0);
	vm2 =	vgt.s32 v11, $0xFF  }
.Ltmp5:
0x4c: {  	(xrf0) =	vadd.scan.msk.s32 $0xffff, v14;
	vm1 =	vmneg @p2 vm1;
	v11 =	vadd.s32 v11, v10;
	(v2sf) =	vpush v15, $0xF;
	v15, _, _ =	vpop (xrf0);
	(pc) =	sbr.rel @p5 .LBB2_12-.Ltmp5, $4  }
0x4d: {  	s30 =	simm.s32 $0x79F;
	(xrf0) =	vadd.scan.msk.s32 $0xffff, v21;
	v10 =	vperm.xlane v21, v4;
	vm1 =	vmand vm1, vm2;
	(v2sf) =	vpush v15, $0xF  }
0x4e: {  	v15 =	vxor.u32 $0x80000000, v11;
	(xrf0) =	vmax.scan.msk.u32 $0xffff, v12;
	v12 =	vmov s30;
	v11 =	vperm.xlane v63, v4;
	s31 =	spop (v2sf)  }
0x4f: {  	s21 =	simm.s32 $0x76F;
	v16 =	vadd.s32 v5, v20;
	v17, _, _ =	vpop (xrf0);
	(xrf0) =	vadd.scan.msk.s32 $0xffff, v63;
	v15 =	vnsel vm1, $0x7FFFFFFF, v15;
	v12 =	vshll.u32 v12, $0x9;
	s22 =	sadd.s32 s29, s31  }
0x50: {  	s20 =	simm.s32 $0x2770;
	p2 =	por $0x1, $0x1;
	(xrf0) =	vmax.scan.msk.u32 $0xffff, v15;
	v12 =	vadd.s32 v5, v12;
	v15 =	vsub.s32 v16, v11;
	s25 =	spop (v2sf);
	v17 =	vadd.s32 s22, v17  }
0x51: {  	_ = 	snop  }
0x52: {  	v20, _, _ =	vpop (xrf0)  }
0x53: {  	v22, _, _ =	vpop (xrf0)  }
0x54: {  	v9 =	vadd.s32 v17, v9;
	vm2 =	vgt.s32 v17, $0xFF;
	(v2sf) =	vpush v22, $0xF;
	v17, _, _ =	vpop (xrf0)  }
0x55: {  	(xrf0) =	vadd.scan.msk.s32 $0xffff, v18;
	v18, _, _ =	vpop (xrf0);
	(v2sf) =	vpush v17, $0xF  }
0x56: {  	(v2sf) =	vpush v18, $0xF;
	v17, _, _ =	vpop (xrf0)  }
0x57: {  	(v2sf) =	vpush v17, $0xF;
	_ =	sdelay $0x5  }
0x58: {  	v21 =	vld [tilespmem:s20+$0x0]  }
0x59: {  	v16 =	vmov s21;
	p3 =	slt.s32 s22, $0x100;
	vm1 =	vmmov vm0;
	v14 =	vsub.s32 v19, v14;
	v22 =	vld [tilespmem:s20+$0xFFFFFFF0]  }
0x5a: {  	s29 =	sadd.s32 s22, s25;
	v16 =	vshll.u32 v16, $0x9;
	vm1 =	vmneg @p3 vm1;
	v9 =	vxor.u32 $0x80000000, v9  }
0x5b: {  	p5 =	por $0x0, $0x0;
	v20 =	vadd.s32 s29, v20;
	vm1 =	vmand vm1, vm2;
	v16 =	vadd.s32 v5, v16  }
.Ltmp6:
0x5c: {  	p3 =	slt.s32 s29, $0x100;
	(xrf0) =	vadd.scan.msk.s32 $0xffff, v10;
	v9 =	vnsel vm1, $0x7FFFFFFF, v9;
	vm1 =	vmmov vm0;
	v14 =	vadd.s32 v20, v14;
	(pc) =	sbr.rel @p5 .LBB2_14-.Ltmp6, $4  }
0x5d: {  	s30 =	simm.s32 $0x77F;
	vm2 =	vgt.s32 v20, $0xFF;
	vm1 =	vmneg @p3 vm1;
	v14 =	vxor.u32 $0x80000000, v14;
	(xrf0) =	vadd.scan.msk.s32 $0xffff, v21  }
0x5e: {  	vm1 =	vmand vm1, vm2;
	(xrf0) =	vmax.scan.msk.u32 $0xffff, v9;
	v9 =	vmov s30;
	v19 =	vperm.xlane v22, v4;
	s31 =	spop (v2sf)  }
0x5f: {  	s23 =	simm.s32 $0x74F;
	v18 =	vperm.xlane v21, v4;
	v14 =	vnsel vm1, $0x7FFFFFFF, v14;
	v17, _, _ =	vpop (xrf0);
	v9 =	vshll.u32 v9, $0x9;
	(xrf0) =	vadd.scan.msk.s32 $0xffff, v22;
	s20 =	sadd.s32 s29, s31  }
0x60: {  	s22 =	simm.s32 $0x2750;
	p3 =	por $0x1, $0x1;
	v23 =	vadd.s32 v5, v9;
	(xrf0) =	vmax.scan.msk.u32 $0xffff, v14;
	v9 =	vsub.s32 v16, v19;
	s21 =	spop (v2sf);
	v14 =	vadd.s32 s20, v17  }
0x61: {  	_ = 	snop  }
0x62: {  	v16 =	vmov s23;
	v21 =	vadd.s32 v14, v13;
	vm1 =	vmmov vm0;
	v17, _, _ =	vpop (xrf0)  }
0x63: {  	v20 =	vld [tilespmem:s22+$0x0];
	p4 =	slt.s32 s20, $0x100;
	vm2 =	vgt.s32 v14, $0xFF;
	v10 =	vsub.s32 v12, v10;
	v16 =	vshll.u32 v16, $0x9;
	v22, _, _ =	vpop (xrf0)  }
0x64: {  	s24 =	sadd.s32 s20, s21;
	(xrf0) =	vadd.scan.msk.s32 $0xffff, v11;
	vm1 =	vmneg @p4 vm1;
	v21 =	vxor.u32 $0x80000000, v21;
	(v2sf) =	vpush v22, $0xF;
	v22 =	vld [tilespmem:s22+$0xFFFFFFF0];
	v11, _, _ =	vpop (xrf0)  }
0x65: {  	v17 =	vadd.s32 s24, v17;
	vm1 =	vmand vm1, vm2;
	(v2sf) =	vpush v11, $0xF;
	v11, _, _ =	vpop (xrf0)  }
0x66: {  	p5 =	por $0x0, $0x0;
	(xrf0) =	vadd.scan.msk.s32 $0xffff, v18;
	vm2 =	vgt.s32 v17, $0xFF;
	v17 =	vadd.s32 v17, v10;
	(v2sf) =	vpush v11, $0xF;
	v12, _, _ =	vpop (xrf0)  }
.Ltmp7:
0x67: {  	p4 =	slt.s32 s24, $0x100;
	v11 =	vnsel vm1, $0x7FFFFFFF, v21;
	vm1 =	vmmov vm0;
	(v2sf) =	vpush v12, $0xF;
	(pc) =	sbr.rel @p5 .LBB2_16-.Ltmp7, $4  }
0x68: {  	s29 =	spop (v2sf);
	s30 =	simm.s32 $0x75F;
	s26 =	simm.s32 $0x72F;
	v16 =	vadd.s32 v5, v16;
	(xrf0) =	vadd.scan.msk.s32 $0xffff, v20;
	vm1 =	vmneg @p4 vm1;
	v12 =	vxor.u32 $0x80000000, v17  }
0x69: {  	s28 =	simm.s32 $0x2730;
	s23 =	sxor.u32 $0x80000000, s29;
	s25 =	spop (v2sf);
	(xrf0) =	vmax.scan.msk.u32 $0xffff, v11;
	v17 =	vmov s30;
	vm1 =	vmand vm1, vm2;
	v11 =	vperm.xlane v22, v4  }
0x6a: {  	s31 =	spop (v2sf);
	s22 =	sadd.s32 s24, s25;
	v10 =	vperm.xlane v20, v4;
	p4 =	slt.s32 s23, $0xFFFFFFFF;
	v21, _, _ =	vpop (xrf0);
	v17 =	vshll.u32 v17, $0x9;
	(xrf0) =	vadd.scan.msk.s32 $0xffff, v22;
	v12 =	vnsel vm1, $0x7FFFFFFF, v12  }
0x6b: {  	s25 =	spop (v2sf);
	s24 =	sxor.u32 $0x80000000, s31;
	s23 =	smov.u32 @p4 s18;
	(xrf0) =	vmax.scan.msk.u32 $0xffff, v12;
	v12 =	vadd.s32 v5, v17;
	v17 =	vadd.s32 s22, v21;
	v20 =	vsub.s32 v16, v11  }
.LBB2_17:
0x6c: {  	v25 =	vmov s26;
	v22, _, _ =	vpop (xrf0);
	v24 =	vadd.s32 v17, v15;
	s25 =	sadd.s32 s22, s25;
	s29 =	spop (v2sf)  }
0x6d: {  	v16 =	vld [tilespmem:s28+$0x0];
	p5 =	sgt.s32 s23, s24;
	v15 =	vmovc v9;
	v9 =	vmovc v20;
	s30 =	smov.u32 s26;
	v18 =	vsub.s32 v23, v18;
	p6 =	slt.s32 s22, $0x100;
	vm1 =	vgt.s32 v17, $0xFF;
	vm2 =	vmmov vm0  }
0x6e: {  	v20 =	vshll.u32 v25, $0x9;
	v21, _, _ =	vpop (xrf0);
	v22 =	vadd.s32 s25, v22;
	s29 =	sxor.u32 $0x80000000, s29;
	s24 =	smov.u32 @p5 s23;
	vm2 =	vmneg @p6 vm2  }
0x6f: {  	p5 =	seq.s32 s26, $0xF;
	s26 =	sadd.s32 $0xFFFFFFE0, s26;
	v23 =	vld [tilespmem:s28+$0xFFFFFFF0];
	(v2sf) =	vpush v21, $0xF;
	(xrf0) =	vadd.scan.msk.s32 $0xffff, v19;
	v17, _, _ =	vpop (xrf0);
	p6 =	sgt.s32 s24, s29;
	vm1 =	vmand vm2, vm1  }
0x70: {  	v21 =	vxor.u32 $0x80000000, v24;
	vm2 =	vgt.s32 v22, $0xFF;
	v19, _, _ =	vpop (xrf0);
	(v2sf) =	vpush v17, $0xF  }
0x71: {  	p4 =	slt.s32 s25, $0x100;
	v17 =	vnsel vm1, $0x7FFFFFFF, v21;
	vm1 =	vmmov vm0;
	(xrf0) =	vadd.scan.msk.s32 $0xffff, v10;
	(v2sf) =	vpush v19, $0xF;
	v19, _, _ =	vpop (xrf0)  }
.Ltmp8:
0x72: {  	v21 =	vadd.s32 v22, v18;
	v18 =	vmovc v10;
	vm1 =	vmneg @p4 vm1;
	(xrf0) =	vadd.scan.msk.s32 $0xffff, v16;
	(v2sf) =	vpush v19, $0xF;
	(pc) =	sbr.rel @!p5 .LBB2_17-.Ltmp8, $4  }
0x73: {  	s22 =	sadd.s32 $0x10, s30;
	v22 =	vxor.u32 $0x80000000, v21;
	v10 =	vperm.xlane v16, v4;
	vm1 =	vmand vm1, vm2;
	v19 =	vmovc v11;
	(xrf0) =	vmax.scan.msk.u32 $0xffff, v17  }
0x74: {  	s23 =	smov.u32 s29;
	v17 =	vmov s22;
	v21 =	vnsel vm1, $0x7FFFFFFF, v22;
	v11 =	vperm.xlane v23, v4;
	(xrf0) =	vadd.scan.msk.s32 $0xffff, v23;
	s22 =	spop (v2sf);
	v23 =	vmovc v12  }
0x75: {  	s23 =	smov.u32 @p6 s24;
	v12 =	vshll.u32 v17, $0x9;
	v17 =	vadd.s32 v5, v20;
	s22 =	sadd.s32 s25, s22;
	(xrf0) =	vmax.scan.msk.u32 $0xffff, v21;
	v16, _, _ =	vpop (xrf0);
	s24 =	spop (v2sf)  }
0x76: {  	s28 =	sadd.s32 $0xFFFFFFE0, s28;
	v12 =	vadd.s32 v5, v12;
	v20 =	vsub.s32 v17, v11;
	v17 =	vadd.s32 s22, v16;
	s25 =	spop (v2sf);
	s24 =	sxor.u32 $0x80000000, s24  }
0x77: {  	v16 =	vmov v9  }
0x78: {  	v24 =	vmovc v15;
	v9 =	vmovc v20;
	v20 =	vmov v23;
	v21 =	vmov v18;
	v22 =	vmov v19;
	p6 =	por $0x1, $0x1  }
.LBB2_19:
0x79: {  	v15, _, _ =	vpop @p0 (xrf0)  }
0x7a: {  	p4 =	slt.s32 @p1 s22, $0x100;
	v18, _, _ =	vpop (xrf0)  }
0x7b: {  	vm1 =	vmmov vm0;
	p4 =	por !p4, !p1;
	(v2sf) =	vpush v18, $0xF  }
0x7c: {  	s22 =	sadd.s32 @p1 s22, s25;
	s25 =	simm.s32 $0x0;
	(xrf0) =	vadd.scan.msk.s32 @p0 $0xffff, v22;
	vm2 =	vgt.s32 @p1 v17, $0xFF;
	v18 =	vadd.s32 @p1 v17, v24;
	vm1 =	vmneg @!p4 vm1  }
0x7d: {  	s25 =	smov.u32 @p1 s22;
	v17, _, _ =	vpop @p2 (xrf0);
	vm1 =	vmand @p1 vm1, vm2;
	v18 =	vxor.u32 @p1 $0x80000000, v18  }
0x7e: {  	s22 =	spop @p3 (v2sf);
	p4 =	slt.s32 @p0 s25, $0x100;
	(v2sf) =	vpush @p2 v17, $0xF;
	v17 =	vnsel @p1 vm1, $0x7FFFFFFF, v18  }
0x7f: {  	v19 =	vsub.s32 @p0 v20, v21;
	v15 =	vadd.s32 @p0 s25, v15;
	p4 =	por !p4, !p0;
	vm1 =	vmmov vm0  }
0x80: {  	p5 =	sgt.s32 @p6 s23, s24;
	(xrf0) =	vadd.scan.msk.s32 $0xffff, v10;
	v63, _, _ =	vpop (xrf0);
	vm2 =	vgt.s32 @p0 v15, $0xFF;
	v15 =	vadd.s32 @p0 v15, v19;
	vm1 =	vmneg @!p4 vm1  }
0x81: {  	v15 =	vxor.u32 @p0 $0x80000000, v15;
	(xrf0) =	vmax.scan.msk.u32 @p1 $0xffff, v17;
	s26 =	spop @p0 (v2sf);
	p4 =	por !p5, !p6;
	vm1 =	vmand @p0 vm1, vm2;
	v17, _, _ =	vpop @p1 (xrf0)  }
0x82: {  	s25 =	sadd.s32 @p0 s25, s26;
	s23 =	smov.u32 @p4 s24;
	s24 =	simm.s32 $0xFFFFFFFF;
	v15 =	vnsel @p0 vm1, $0x7FFFFFFF, v15;
	v19, _, _ =	vpop @p0 (xrf0)  }
0x83: {  	s20 =	smov.u32 @p0 s25;
	s24 =	smov.u32 @p6 s23;
	s23 =	spop @p3 (v2sf);
	(xrf0) =	vmax.scan.msk.u32 @p0 $0xffff, v15;
	v15 =	vadd.s32 @p0 s25, v19  }
0x84: {  	s22 =	sxor.u32 @p3 $0x80000000, s22;
	(v2sf) =	vpush v63, $0xF;
	p4 =	slt.s32 @p0 s20, $0x100;
	s25 =	spop @p0 (v2sf);
	v14 =	vpsel p0, v15, v14  }
0x85: {  	v13 =	vpsel p0, v16, v13;
	vm1 =	vmmov vm0;
	p5 =	sgt.s32 @p3 s24, s22;
	(v2sf) =	vpush @p1 v17, $0xF;
	(xrf0) =	vadd.scan.msk.s32 $0xffff, v11;
	p4 =	por !p4, !p0;
	s21 =	smov.u32 @p0 s25  }
0x86: {  	p5 =	por !p5, !p3;
	v11, _, _ =	vpop (xrf0);
	vm1 =	vmneg @!p4 vm1;
	v13 =	vadd.s32 @p0 v14, v13;
	vm2 =	vgt.s32 @p0 v14, $0xFF;
	s20 =	sadd.s32 @p0 s20, s21  }
0x87: {  	s24 =	smov.u32 @p5 s22;
	vm1 =	vmand @p0 vm1, vm2;
	v13 =	vxor.u32 @p0 $0x80000000, v13;
	s19 =	smov.u32 @p0 s20;
	v14, _, _ =	vpop @p1 (xrf0)  }
0x88: {  	s21 =	sxor.u32 @p3 $0x80000000, s23;
	s22 =	smov.u32 @p3 s24;
	v13 =	vnsel @p0 vm1, $0x7FFFFFFF, v13;
	v11 =	vadd.s32 s19, v11;
	(v2sf) =	vpush @p1 v14, $0xF  }
0x89: {  	v10 =	vsub.s32 v12, v10;
	s20 =	smov.u32 @p3 s21;
	s21 =	spop @p2 (v2sf);
	p4 =	slt.s32 s19, $0x100;
	vm1 =	vmmov vm0;
	(xrf0) =	vmax.scan.msk.u32 @p0 $0xffff, v13  }
0x8a: {  	p5 =	sgt.s32 @p3 s22, s20;
	vm2 =	vgt.s32 v11, $0xFF;
	v12, _, _ =	vpop @p0 (xrf0);
	vm1 =	vmneg @p4 vm1;
	v10 =	vadd.s32 v11, v10;
	s28 =	spop (v2sf)  }
0x8b: {  	p4 =	por !p5, !p3;
	vm1 =	vmand vm1, vm2;
	v10 =	vxor.u32 $0x80000000, v10;
	(v2sf) =	vpush @p0 v12, $0xF;
	v11, _, _ =	vpop (xrf0);
	s19 =	sadd.s32 s19, s28  }
0x8c: {  	s22 =	smov.u32 @p4 s20;
	s20 =	simm.s32 $0xFFFFFFFF;
	v10 =	vnsel vm1, $0x7FFFFFFF, v10;
	vm1 =	vmmov vm0;
	v11 =	vadd.s32 s19, v11;
	p4 =	slt.s32 s19, $0x100  }
0x8d: {  	s20 =	smov.u32 @p3 s22;
	s19 =	sxor.u32 @p2 $0x80000000, s21;
	v9 =	vadd.s32 v11, v9;
	vm2 =	vgt.s32 v11, $0xFF;
	vm1 =	vmneg @p4 vm1  }
0x8e: {  	(xrf0) =	vmax.scan.msk.u32 $0xffff, v10;
	p3 =	sgt.s32 @p2 s20, s19;
	vm1 =	vmand vm1, vm2;
	v9 =	vxor.u32 $0x80000000, v9  }
0x8f: {  	s21 =	spop @p2 (v2sf);
	v10, _, _ =	vpop @p0 (xrf0);
	p3 =	por !p3, !p2;
	v9 =	vnsel vm1, $0x7FFFFFFF, v9  }
0x90: {  	(v2sf) =	vpush @p0 v10, $0xF;
	s20 =	smov.u32 @p3 s19;
	s19 =	sxor.u32 @p2 $0x80000000, s21;
	(xrf0) =	vmax.scan.msk.u32 $0xffff, v9  }
0x91: {  	s20 =	smov.u32 @p2 s20;
	s19 =	smov.u32 @p2 s19  }
0x92: {  	p3 =	sgt.s32 @p2 s20, s19  }
0x93: {  	s29 =	spop (v2sf);
	p3 =	por !p3, !p2  }
0x94: {  	s21 =	spop @p1 (v2sf);
	v9, _, _ =	vpop (xrf0);
	s20 =	smov.u32 @p3 s19;
	s19 =	simm.s32 $0xFFFFFFFF  }
0x95: {  	s21 =	sxor.u32 @p1 $0x80000000, s21;
	(v2sf) =	vpush v9, $0xF;
	s19 =	smov.u32 @p2 s20  }
0x96: {  	p2 =	sgt.s32 @p1 s19, s21;
	v9, _, _ =	vpop (xrf0)  }
0x97: {  	p2 =	por !p2, !p1;
	s20 =	spop @p1 (v2sf);
	(v2sf) =	vpush v9, $0xF  }
0x98: {  	s19 =	smov.u32 @p2 s21;
	s20 =	sxor.u32 @p1 $0x80000000, s20  }
0x99: {  	s19 =	smov.u32 @p1 s19;
	s20 =	smov.u32 @p1 s20  }
0x9a: {  	p2 =	sgt.s32 @p1 s19, s20  }
0x9b: {  	p2 =	por !p2, !p1  }
0x9c: {  	s21 =	spop @p0 (v2sf);
	s19 =	smov.u32 @p2 s20;
	s20 =	simm.s32 $0xFFFFFFFF  }
0x9d: {  	s21 =	sxor.u32 @p0 $0x80000000, s21;
	s20 =	smov.u32 @p1 s19  }
0x9e: {  	p1 =	sgt.s32 @p0 s20, s21  }
0x9f: {  	s19 =	spop @p0 (v2sf);
	p1 =	por !p1, !p0  }
0xa0: {  	s19 =	sxor.u32 @p0 $0x80000000, s19;
	s20 =	smov.u32 @p1 s21  }
0xa1: {  	s19 =	smov.u32 @p0 s19;
	s20 =	smov.u32 @p0 s20  }
0xa2: {  	p1 =	sgt.s32 @p0 s20, s19  }
0xa3: {  	p1 =	por !p1, !p0  }
0xa4: {  	s30 =	spop (v2sf);
	s20 =	smov.u32 @p1 s19  }
0xa5: {  	s21 =	sxor.u32 $0x80000000, s30;
	s18 =	smov.u32 @p0 s20  }
0xa6: {  	p0 =	sgt.s32 s18, s21;
	s31 =	spop (v2sf)  }
0xa7: {  	s21 =	smov.u32 @p0 s18;
	s19 =	sxor.u32 $0x80000000, s31  }
0xa8: {  	p0 =	sgt.s32 s21, s19  }
0xa9: {  	s20 =	simm.s32 $0x100;
	s18 =	simm.s32 $0x0;
	s19 =	smov.u32 @p0 s21  }
.LBB2_20:
0xaa: {  	p0 =	seq.s32 s20, $0x1F00;
	[tilespmem:s18+$0x2030] =	vst v1;
	s21 =	smov.u32 s20;
	s20 =	sadd.s32 $0x100, s20  }
.Ltmp9:
0xab: {  	[tilespmem:s18+$0x2020] =	vst v1;
	(pc) =	sbr.rel @!p0 .LBB2_20-.Ltmp9, $3  }
0xac: {  	[tilespmem:s18+$0x2000] =	vst v1  }
0xad: {  	[tilespmem:s18+$0x2010] =	vst v1;
	_ =	sdelay $0x1  }
0xae: {  	s18 =	sshra.s32 s21, $0x2  }
0xaf: {  	[tilespmem:s18+$0x2030] =	vst v1  }
0xb0: {  	[tilespmem:s18+$0x2020] =	vst v1  }
0xb1: {  	[tilespmem:s18+$0x2000] =	vst v1  }
0xb2: {  	[tilespmem:s18+$0x2010] =	vst v1;
	s18 =	sshra.s32 s19, $0x9  }
0xb3: {  	s21 =	simm.s32 $0x0;
	s20 =	simm.s32 $0x40;
	v9 =	vmov s18  }
.LBB2_22:
0xb4: {  	p0 =	sne.s32 s20, $0x3FC0;
	v10 =	vld [tilespmem:s21+$0x1000];
	_ =	sdelay $0x4  }
0xb5: {  	v11 =	vshrl.u32 v10, $0x15  }
0xb6: {  	v11 =	vxor.u32 v9, v11  }
0xb7: {  	v10 =	vshrl.u32 v10, $0xA;
	vm1 =	veq.s32 v11, $0x400  }
0xb8: {  	v10 =	vand.u32 $0x7FF, v10  }
.Ltmp10:
0xb9: {  	(pc) =	sbr.rel @p0 .LBB2_22-.Ltmp10, $2  }
0xba: {  	_ =	sdelay $0x2  }
0xbb: {  	s21 =	sshra.s32 s20, $0x2;
	s20 =	sadd.s32 $0x40, s20;
	[tilespmem:v10+s13+$0x0] =	vst.idx.add.s32.msk vm1, v2  }
0xbc: {  	v10 =	vld [tilespmem:s21+$0x1000];
	_ =	sdelay $0x4  }
0xbd: {  	v11 =	vshrl.u32 v10, $0x15  }
0xbe: {  	v9 =	vxor.u32 v9, v11  }
0xbf: {  	vm1 =	veq.s32 v9, $0x400;
	v9 =	vshrl.u32 v10, $0xA  }
0xc0: {  	v9 =	vand.u32 $0x7FF, v9;
	_ =	sdelay $0x4  }
0xc1: {  	s20 =	simm.s32 $0x27F0;
	[tilespmem:v9+s13+$0x0] =	vst.idx.add.s32.msk vm1, v2  }
0xc2: {  	v9 =	vld [tilespmem:s20+$0x0];
	_ =	sdelay $0x2  }
0xc3: {  	v10 =	vld [tilespmem:s20+$0xFFFFFFF0];
	_ =	sdelay $0x1  }
0xc4: {  	(xrf0) =	vadd.scan.msk.s32 $0xffff, v9;
	_ =	sdelay $0x2  }
0xc5: {  	(xrf0) =	vadd.scan.msk.s32 $0xffff, v10;
	_ =	sdelay $0x1  }
0xc6: {  	s23 =	simm.s32 $0x27D0  }
0xc7: {  	v11 =	vld [tilespmem:s23+$0x0];
	v12 =	vperm.xlane v9, v4;
	v9, _, _ =	vpop (xrf0)  }
0xc8: {  	(v2sf) =	vpush v9, $0xF  }
0xc9: {  	v13 =	vld [tilespmem:s23+$0xFFFFFFF0]  }
0xca: {  	v9, _, _ =	vpop (xrf0)  }
0xcb: {  	s26 =	simm.s32 $0x27B0;
	(xrf0) =	vadd.scan.msk.s32 $0xffff, v12;
	(v2sf) =	vpush v9, $0xF  }
0xcc: {  	s25 =	simm.s32 $0x7FF;
	s28 =	simm.s32 $0x7CF;
	v16 =	vld [tilespmem:s26+$0x0];
	(xrf0) =	vadd.scan.msk.s32 $0xffff, v11  }
0xcd: {  	s19 =	sand.u32 $0x1FF, s19;
	s29 =	simm.s32 $0x7DF;
	vm2 =	vmmov vm0;
	v15 =	vmov s25;
	v18 =	vmov s28  }
0xce: {  	s19 =	ssub.s32 $0x100, s19;
	v21 =	vmov s29;
	v15 =	vshll.u32 v15, $0x9;
	v10 =	vperm.xlane v10, v4;
	(xrf0) =	vadd.scan.msk.s32 $0xffff, v13  }
0xcf: {  	v18 =	vshll.u32 v18, $0x9;
	p0 =	sgt.s32 s19, $0x0;
	v15 =	vadd.s32 v5, v15;
	v11 =	vperm.xlane v11, v4  }
0xd0: {  	s24 =	simm.s32 $0x7EF;
	v18 =	vadd.s32 v5, v18;
	vm2 =	vmneg @p0 vm2;
	v20 =	vld [tilespmem:s26+$0xFFFFFFF0];
	v13 =	vperm.xlane v13, v4;
	(xrf0) =	vadd.scan.msk.s32 $0xffff, v10  }
0xd1: {  	s22 =	simm.s32 $0x7BF;
	v12 =	vsub.s32 v15, v12;
	v15 =	vperm.xlane v16, v4;
	(xrf0) =	vadd.scan.msk.s32 $0xffff, v11;
	v9 =	vmov s24;
	v17, _, _ =	vpop (xrf0)  }
0xd2: {  	v18 =	vsub.s32 v18, v13;
	(xrf0) =	vadd.scan.msk.s32 $0xffff, v16;
	v16 =	vmov s22;
	v14 =	vshll.u32 v9, $0x9;
	v19, _, _ =	vpop (xrf0)  }
0xd3: {  	s30 =	simm.s32 $0x0;
	v9 =	vmov s19;
	v14 =	vadd.s32 v5, v14;
	(v2sf) =	vpush v19, $0xF  }
0xd4: {  	v17 =	vadd.s32 s30, v17;
	v16 =	vshll.u32 v16, $0x9;
	v14 =	vsub.s32 v14, v10;
	v10, _, _ =	vpop (xrf0)  }
0xd5: {  	v19 =	vshll.u32 v21, $0x9;
	vm1 =	vge.s32 v17, v9;
	(xrf0) =	vadd.scan.msk.s32 $0xffff, v20;
	(v2sf) =	vpush v10, $0xF  }
0xd6: {  	s31 =	simm.s32 $0x7AF;
	v12 =	vadd.s32 v17, v12;
	v17 =	vperm.xlane v20, v4;
	v19 =	vadd.s32 v5, v19  }
0xd7: {  	vm1 =	vmand vm2, vm1;
	v12 =	vxor.u32 $0x80000000, v12;
	v10 =	vmov s31;
	s23 =	spop (v2sf)  }
0xd8: {  	v12 =	vnsel vm1, $0x7FFFFFFF, v12;
	v20, _, _ =	vpop (xrf0);
	vm1 =	vmmov vm0;
	v11 =	vsub.s32 v19, v11;
	s20 =	sadd.s32 $0x0, s23  }
0xd9: {  	s24 =	simm.s32 $0x2790;
	v10 =	vshll.u32 v10, $0x9;
	(xrf0) =	vmax.scan.msk.u32 $0xffff, v12;
	v12 =	vadd.s32 v5, v16;
	v16 =	vadd.s32 s20, v20;
	v20, _, _ =	vpop (xrf0);
	p0 =	slt.s32 s20, s19  }
0xda: {  	v56 =	vld [tilespmem:s24+$0x0];
	v10 =	vadd.s32 v5, v10;
	s25 =	spop (v2sf);
	v23, _, _ =	vpop (xrf0);
	vm2 =	vge.s32 v16, v9;
	vm1 =	vmneg @p0 vm1  }
0xdb: {  	(xrf0) =	vadd.scan.msk.s32 $0xffff, v13;
	s20 =	sadd.s32 s20, s25;
	v14 =	vadd.s32 v16, v14;
	(v2sf) =	vpush v23, $0xF;
	v13, _, _ =	vpop (xrf0);
	vm1 =	vmand vm1, vm2  }
0xdc: {  	v24 =	vld [tilespmem:s24+$0xFFFFFFF0];
	v14 =	vxor.u32 $0x80000000, v14;
	(v2sf) =	vpush v13, $0xF;
	v13 =	vadd.s32 s20, v20  }
0xdd: {  	v22 =	vsub.s32 v10, v17;
	p0 =	slt.s32 s20, s19;
	v14 =	vnsel vm1, $0x7FFFFFFF, v14;
	vm1 =	vmmov vm0  }
0xde: {  	s22 =	simm.s32 $0x78F;
	(xrf0) =	vadd.scan.msk.s32 $0xffff, v15;
	vm2 =	vge.s32 v13, v9;
	vm1 =	vmneg @p0 vm1;
	v11 =	vadd.s32 v13, v11  }
0xdf: {  	s26 =	simm.s32 $0x79F;
	v10 =	vmov s22;
	(xrf0) =	vadd.scan.msk.s32 $0xffff, v56;
	vm1 =	vmand vm1, vm2;
	v11 =	vxor.u32 $0x80000000, v11;
	v13, _, _ =	vpop (xrf0)  }
0xe0: {  	(xrf0) =	vmax.scan.msk.u32 $0xffff, v14;
	v11 =	vnsel vm1, $0x7FFFFFFF, v11;
	(v2sf) =	vpush v13, $0xF;
	v13 =	vmov s26  }
0xe1: {  	s30 =	simm.s32 $0x76F;
	v10 =	vshll.u32 v10, $0x9;
	v16 =	vperm.xlane v24, v4;
	(xrf0) =	vadd.scan.msk.s32 $0xffff, v24;
	v13 =	vshll.u32 v13, $0x9  }
0xe2: {  	v57 =	vmov s30;
	v10 =	vadd.s32 v5, v10;
	s28 =	spop (v2sf);
	(xrf0) =	vmax.scan.msk.u32 $0xffff, v11  }
0xe3: {  	s29 =	simm.s32 $0x2770;
	v21 =	vshll.u32 v57, $0x9;
	s20 =	sadd.s32 s20, s28;
	v10 =	vsub.s32 v10, v16;
	v14 =	vperm.xlane v56, v4;
	v11, _, _ =	vpop (xrf0)  }
0xe4: {  	s23 =	spop (v2sf);
	v20 =	vld [tilespmem:s29+$0x0];
	p0 =	slt.s32 s20, s19;
	vm1 =	vmmov vm0;
	v19 =	vadd.s32 v5, v13;
	v11 =	vadd.s32 s20, v11;
	v13, _, _ =	vpop (xrf0)  }
0xe5: {  	s31 =	sadd.s32 s20, s23;
	vm1 =	vmneg @p0 vm1;
	v18 =	vadd.s32 v11, v18;
	vm2 =	vge.s32 v11, v9;
	v58, _, _ =	vpop (xrf0)  }
0xe6: {  	v59 =	vld [tilespmem:s29+$0xFFFFFFF0];
	(xrf0) =	vadd.scan.msk.s32 $0xffff, v17;
	v13 =	vadd.s32 s31, v13;
	vm1 =	vmand vm1, vm2;
	(v2sf) =	vpush v58, $0xF;
	v60, _, _ =	vpop (xrf0)  }
0xe7: {  	v17 =	vxor.u32 $0x80000000, v18;
	v18 =	vadd.s32 v5, v21;
	(v2sf) =	vpush v60, $0xF;
	v11, _, _ =	vpop (xrf0)  }
0xe8: {  	vm2 =	vge.s32 v13, v9;
	(xrf0) =	vadd.scan.msk.s32 $0xffff, v14;
	(v2sf) =	vpush v11, $0xF;
	v11 =	vsub.s32 v12, v15;
	v15, _, _ =	vpop (xrf0)  }
0xe9: {  	s21 =	simm.s32 $0x77F;
	p0 =	slt.s32 s31, s19;
	v12 =	vnsel vm1, $0x7FFFFFFF, v17;
	(xrf0) =	vadd.scan.msk.s32 $0xffff, v20;
	vm1 =	vmmov vm0;
	(v2sf) =	vpush v15, $0xF  }
0xea: {  	vm1 =	vmneg @p0 vm1;
	v11 =	vadd.s32 v13, v11;
	(xrf0) =	vmax.scan.msk.u32 $0xffff, v12;
	v12 =	vmov s21  }
0xeb: {  	v13 =	vperm.xlane v59, v4;
	vm1 =	vmand vm1, vm2;
	v11 =	vxor.u32 $0x80000000, v11;
	s23 =	spop (v2sf)  }
0xec: {  	v15 =	vperm.xlane v20, v4;
	v20, _, _ =	vpop (xrf0);
	(xrf0) =	vadd.scan.msk.s32 $0xffff, v59;
	v12 =	vshll.u32 v12, $0x9;
	v11 =	vnsel vm1, $0x7FFFFFFF, v11;
	s20 =	sadd.s32 s31, s23  }
0xed: {  	s24 =	simm.s32 $0x74F;
	s26 =	simm.s32 $0x2750;
	v17 =	vadd.s32 v5, v12;
	vm1 =	vmmov vm0;
	(xrf0) =	vmax.scan.msk.u32 $0xffff, v11;
	v12 =	vadd.s32 s20, v20  }
0xee: {  	v61 =	vld [tilespmem:s26+$0x0];
	s25 =	spop (v2sf);
	v11 =	vsub.s32 v18, v13;
	v18 =	vmov s24;
	p0 =	slt.s32 s20, s19;
	v20, _, _ =	vpop (xrf0);
	v22 =	vadd.s32 v12, v22  }
0xef: {  	s24 =	sadd.s32 s20, s25;
	v18 =	vshll.u32 v18, $0x9;
	vm2 =	vge.s32 v12, v9;
	vm1 =	vmneg @p0 vm1;
	v62, _, _ =	vpop (xrf0)  }
0xf0: {  	v63 =	vld [tilespmem:s26+$0xFFFFFFF0];
	(xrf0) =	vadd.scan.msk.s32 $0xffff, v16;
	v20 =	vadd.s32 s24, v20;
	vm1 =	vmand vm1, vm2;
	(v2sf) =	vpush v62, $0xF;
	v12, _, _ =	vpop (xrf0)  }
0xf1: {  	v22 =	vxor.u32 $0x80000000, v22;
	v18 =	vadd.s32 v5, v18;
	(v2sf) =	vpush v12, $0xF  }
0xf2: {  	p0 =	slt.s32 s24, s19;
	(xrf0) =	vadd.scan.msk.s32 $0xffff, v15;
	v16, _, _ =	vpop (xrf0);
	v12 =	vsub.s32 v19, v14;
	v14 =	vnsel vm1, $0x7FFFFFFF, v22;
	vm1 =	vmmov vm0  }
0xf3: {  	s29 =	simm.s32 $0x75F;
	s28 =	spop (v2sf);
	vm2 =	vge.s32 v20, v9;
	(xrf0) =	vadd.scan.msk.s32 $0xffff, v61;
	(v2sf) =	vpush v16, $0xF;
	vm1 =	vmneg @p0 vm1;
	v16, _, _ =	vpop (xrf0)  }
0xf4: {  	s22 =	simm.s32 $0x72F;
	s21 =	sxor.u32 $0x80000000, s28;
	v19 =	vadd.s32 v20, v12;
	(xrf0) =	vmax.scan.msk.u32 $0xffff, v14;
	v14 =	vmov s29;
	(v2sf) =	vpush v16, $0xF  }
0xf5: {  	s23 =	simm.s32 $0xFFFFFFFF;
	p0 =	slt.s32 s21, $0xFFFFFFFF;
	vm1 =	vmand vm1, vm2;
	v19 =	vxor.u32 $0x80000000, v19;
	v16 =	vperm.xlane v63, v4;
	s30 =	spop (v2sf)  }
0xf6: {  	v12 =	vperm.xlane v61, v4;
	(xrf0) =	vadd.scan.msk.s32 $0xffff, v63;
	v14 =	vshll.u32 v14, $0x9;
	s21 =	smov.u32 @p0 s23;
	v19 =	vnsel vm1, $0x7FFFFFFF, v19;
	v20, _, _ =	vpop (xrf0);
	s24 =	sadd.s32 s24, s30;
	s31 =	spop (v2sf)  }
0xf7: {  	s23 =	simm.s32 $0x2730;
	v14 =	vadd.s32 v5, v14;
	(xrf0) =	vmax.scan.msk.u32 $0xffff, v19;
	v18 =	vsub.s32 v18, v16;
	v19 =	vadd.s32 s24, v20;
	s25 =	spop (v2sf);
	s20 =	sxor.u32 $0x80000000, s31  }
.LBB2_24:
0xf8: {  	v24 =	vmov s22;
	v22, _, _ =	vpop (xrf0);
	v23 =	vadd.s32 v19, v10;
	s25 =	sadd.s32 s24, s25;
	s26 =	spop (v2sf)  }
0xf9: {  	v20 =	vld [tilespmem:s23+$0x0];
	p0 =	sgt.s32 s21, s20;
	v10 =	vmovc v11;
	v11 =	vmovc v18;
	s28 =	smov.u32 s22;
	v15 =	vsub.s32 v17, v15;
	p1 =	slt.s32 s24, s19;
	vm1 =	vge.s32 v19, v9;
	vm2 =	vmmov vm0  }
0xfa: {  	v18 =	vshll.u32 v24, $0x9;
	v21, _, _ =	vpop (xrf0);
	v22 =	vadd.s32 s25, v22;
	s26 =	sxor.u32 $0x80000000, s26;
	s20 =	smov.u32 @p0 s21;
	vm2 =	vmneg @p1 vm2  }
0xfb: {  	p0 =	sne.s32 s22, $0xF;
	s22 =	sadd.s32 $0xFFFFFFE0, s22;
	v17 =	vld [tilespmem:s23+$0xFFFFFFF0];
	(v2sf) =	vpush v21, $0xF;
	(xrf0) =	vadd.scan.msk.s32 $0xffff, v13;
	v13, _, _ =	vpop (xrf0);
	p1 =	sgt.s32 s20, s26;
	vm1 =	vmand vm2, vm1  }
0xfc: {  	v21 =	vxor.u32 $0x80000000, v23;
	vm2 =	vge.s32 v22, v9;
	v19, _, _ =	vpop (xrf0);
	(v2sf) =	vpush v13, $0xF  }
0xfd: {  	p2 =	slt.s32 s25, s19;
	v23 =	vnsel vm1, $0x7FFFFFFF, v21;
	vm1 =	vmmov vm0;
	(xrf0) =	vadd.scan.msk.s32 $0xffff, v12;
	(v2sf) =	vpush v19, $0xF;
	v19, _, _ =	vpop (xrf0)  }
0xfe: {  	v21 =	vadd.s32 v22, v15;
	v15 =	vmovc v12;
	vm1 =	vmneg @p2 vm1;
	(xrf0) =	vadd.scan.msk.s32 $0xffff, v20;
	(v2sf) =	vpush v19, $0xF  }
.Ltmp11:
0xff: {  	s21 =	sadd.s32 $0x10, s28;
	v13 =	vmovc v16;
	v22 =	vxor.u32 $0x80000000, v21;
	v12 =	vperm.xlane v20, v4;
	vm1 =	vmand vm1, vm2;
	(xrf0) =	vmax.scan.msk.u32 $0xffff, v23;
	(pc) =	sbr.rel @p0 .LBB2_24-.Ltmp11, $4  }
0x100: {  	v20 =	vmov s21;
	s21 =	spop (v2sf)  }
0x101: {  	v21 =	vnsel vm1, $0x7FFFFFFF, v22;
	v16 =	vperm.xlane v17, v4;
	(xrf0) =	vadd.scan.msk.s32 $0xffff, v17;
	v17 =	vmov v14;
	s24 =	sadd.s32 s25, s21;
	s21 =	smov.u32 s26  }
0x102: {  	v18 =	vadd.s32 v5, v18;
	v14 =	vshll.u32 v20, $0x9;
	(xrf0) =	vmax.scan.msk.u32 $0xffff, v21;
	v19, _, _ =	vpop (xrf0);
	s21 =	smov.u32 @p1 s20;
	s20 =	spop (v2sf)  }
0x103: {  	s23 =	sadd.s32 $0xFFFFFFE0, s23;
	v14 =	vadd.s32 v5, v14;
	v18 =	vsub.s32 v18, v16;
	v19 =	vadd.s32 s24, v19;
	s25 =	spop (v2sf);
	s20 =	sxor.u32 $0x80000000, s20  }
0x104: {  	v20, _, _ =	vpop (xrf0)  }
0x105: {  	v21, _, _ =	vpop (xrf0)  }
0x106: {  	p0 =	slt.s32 s24, s19;
	vm1 =	vmmov vm0;
	(v2sf) =	vpush v21, $0xF  }
0x107: {  	v10 =	vadd.s32 v19, v10;
	vm2 =	vge.s32 v19, v9;
	vm1 =	vmneg @p0 vm1  }
0x108: {  	s23 =	sadd.s32 s24, s25;
	v15 =	vsub.s32 v17, v15;
	v10 =	vxor.u32 $0x80000000, v10;
	vm1 =	vmand vm1, vm2  }
0x109: {  	(xrf0) =	vadd.scan.msk.s32 $0xffff, v13;
	v56 =	vadd.s32 s23, v20;
	p0 =	slt.s32 s23, s19;
	v10 =	vnsel vm1, $0x7FFFFFFF, v10;
	vm1 =	vmmov vm0  }
0x10a: {  	vm2 =	vge.s32 v56, v9;
	v13 =	vadd.s32 v56, v15;
	vm1 =	vmneg @p0 vm1  }
0x10b: {  	(xrf0) =	vadd.scan.msk.s32 $0xffff, v12;
	v57, _, _ =	vpop (xrf0);
	v13 =	vxor.u32 $0x80000000, v13;
	vm1 =	vmand vm1, vm2  }
0x10c: {  	[tilespmem:$0x2800] =	vst v6;
	v58, _, _ =	vpop (xrf0);
	(xrf0) =	vmax.scan.msk.u32 $0xffff, v10;
	v10 =	vnsel vm1, $0x7FFFFFFF, v13  }
0x10d: {  	s22 =	spop (v2sf);
	[tilespmem:$0x2980] =	vst v1  }
0x10e: {  	[tilespmem:$0x2810] =	vst v6;
	v59, _, _ =	vpop (xrf0);
	s28 =	spop (v2sf)  }
0x10f: {  	[tilespmem:$0x2990] =	vst v1;
	(xrf0) =	vmax.scan.msk.u32 $0xffff, v10;
	s24 =	sadd.s32 s23, s28;
	v10, _, _ =	vpop (xrf0)  }
0x110: {  	[tilespmem:$0x2820] =	vst v6;
	(xrf0) =	vadd.scan.msk.s32 $0xffff, v16;
	v10 =	vadd.s32 s24, v10  }
0x111: {  	[tilespmem:$0x29A0] =	vst v1;
	v60 =	vsub.s32 v14, v12;
	(v2sf) =	vpush v57, $0xF;
	vm1 =	vmmov vm0;
	s29 =	spop (v2sf);
	p0 =	slt.s32 s24, s19  }
0x112: {  	[tilespmem:$0x2830] =	vst v6;
	s30 =	spop (v2sf);
	vm1 =	vmneg @p0 vm1;
	v11 =	vadd.s32 v10, v11;
	vm2 =	vge.s32 v10, v9  }
0x113: {  	[tilespmem:$0x29B0] =	vst v1;
	(v2sf) =	vpush v58, $0xF;
	s24 =	sadd.s32 s24, s30;
	vm1 =	vmand vm1, vm2;
	v11 =	vxor.u32 $0x80000000, v11;
	v10, _, _ =	vpop (xrf0)  }
0x114: {  	[tilespmem:$0x2840] =	vst v6;
	s31 =	spop (v2sf);
	p0 =	slt.s32 s24, s19;
	v11 =	vnsel vm1, $0x7FFFFFFF, v11;
	vm1 =	vmmov vm0;
	v10 =	vadd.s32 s24, v10;
	v61, _, _ =	vpop (xrf0)  }
0x115: {  	[tilespmem:$0x29C0] =	vst v1;
	vm1 =	vmneg @p0 vm1;
	vm2 =	vge.s32 v10, v9;
	v62, _, _ =	vpop (xrf0);
	v10 =	vadd.s32 v10, v60;
	s26 =	spop (v2sf)  }
0x116: {  	[tilespmem:$0x2850] =	vst v6;
	(v2sf) =	vpush v59, $0xF;
	vm1 =	vmand vm1, vm2;
	v10 =	vxor.u32 $0x80000000, v10;
	v63, _, _ =	vpop (xrf0);
	s24 =	sadd.s32 s24, s26  }
0x117: {  	(xrf0) =	vmax.scan.msk.u32 $0xffff, v11;
	v10 =	vnsel vm1, $0x7FFFFFFF, v10;
	vm1 =	vmmov vm0;
	p0 =	slt.s32 s24, s19;
	v11 =	vadd.s32 s24, v63  }
0x118: {  	[tilespmem:$0x29D0] =	vst v1;
	v12 =	vadd.s32 v11, v18;
	vm2 =	vge.s32 v11, v9;
	vm1 =	vmneg @p0 vm1  }
0x119: {  	[tilespmem:$0x2860] =	vst v6;
	(xrf0) =	vmax.scan.msk.u32 $0xffff, v10;
	vm1 =	vmand vm1, vm2;
	v9 =	vxor.u32 $0x80000000, v12  }
0x11a: {  	[tilespmem:$0x29E0] =	vst v1;
	(v2sf) =	vpush v61, $0xF;
	v9 =	vnsel vm1, $0x7FFFFFFF, v9  }
0x11b: {  	[tilespmem:$0x2870] =	vst v6;
	(xrf0) =	vmax.scan.msk.u32 $0xffff, v9  }
0x11c: {  	[tilespmem:$0x29F0] =	vst v1;
	(v2sf) =	vpush v62, $0xF  }
0x11d: {  	[tilespmem:$0x2880] =	vst v6;
	v9, _, _ =	vpop (xrf0)  }
0x11e: {  	[tilespmem:$0x2A00] =	vst v1;
	(v2sf) =	vpush v9, $0xF  }
0x11f: {  	[tilespmem:$0x2890] =	vst v6;
	p0 =	sgt.s32 s21, s20;
	v9, _, _ =	vpop (xrf0)  }
0x120: {  	[tilespmem:$0x2A10] =	vst v1;
	s19 =	sxor.u32 $0x80000000, s22;
	s20 =	smov.u32 @p0 s21;
	(v2sf) =	vpush v9, $0xF  }
0x121: {  	[tilespmem:$0x28A0] =	vst v6;
	p0 =	sgt.s32 s20, s19;
	v9, _, _ =	vpop (xrf0)  }
0x122: {  	[tilespmem:$0x2A20] =	vst v1;
	s19 =	smov.u32 @p0 s20;
	s20 =	sxor.u32 $0x80000000, s29;
	(v2sf) =	vpush v9, $0xF  }
0x123: {  	[tilespmem:$0x28B0] =	vst v6;
	p0 =	sgt.s32 s19, s20  }
0x124: {  	[tilespmem:$0x2A30] =	vst v1;
	s21 =	sxor.u32 $0x80000000, s31;
	s20 =	smov.u32 @p0 s19  }
0x125: {  	[tilespmem:$0x28C0] =	vst v6;
	s28 =	spop (v2sf);
	p0 =	sgt.s32 s20, s21  }
0x126: {  	[tilespmem:$0x2A40] =	vst v1;
	s29 =	spop (v2sf);
	s19 =	sxor.u32 $0x80000000, s28;
	s21 =	smov.u32 @p0 s20  }
0x127: {  	[tilespmem:$0x28D0] =	vst v6;
	s20 =	spop (v2sf);
	p0 =	sgt.s32 s21, s19  }
0x128: {  	[tilespmem:$0x2A50] =	vst v1;
	s20 =	sxor.u32 $0x80000000, s20;
	s19 =	smov.u32 @p0 s21  }
0x129: {  	[tilespmem:$0x28E0] =	vst v6;
	p0 =	sgt.s32 s19, s20;
	s30 =	spop (v2sf)  }
0x12a: {  	[tilespmem:$0x2A60] =	vst v1;
	s20 =	smov.u32 @p0 s19;
	s19 =	sxor.u32 $0x80000000, s30  }
0x12b: {  	[tilespmem:$0x28F0] =	vst v6;
	s31 =	spop (v2sf);
	p0 =	sgt.s32 s20, s19  }
0x12c: {  	[tilespmem:$0x2A70] =	vst v1;
	s21 =	sxor.u32 $0x80000000, s31;
	s19 =	smov.u32 @p0 s20  }
0x12d: {  	[tilespmem:$0x2900] =	vst v6;
	p0 =	sgt.s32 s19, s21;
	s22 =	spop (v2sf)  }
0x12e: {  	[tilespmem:$0x2A80] =	vst v1;
	s21 =	smov.u32 @p0 s19;
	s19 =	sxor.u32 $0x80000000, s22  }
0x12f: {  	[tilespmem:$0x2910] =	vst v6;
	s23 =	spop (v2sf);
	p0 =	sgt.s32 s21, s19  }
0x130: {  	[tilespmem:$0x2A90] =	vst v1;
	s20 =	sxor.u32 $0x80000000, s23;
	s19 =	smov.u32 @p0 s21  }
0x131: {  	[tilespmem:$0x2920] =	vst v6;
	p0 =	sgt.s32 s19, s20;
	s24 =	spop (v2sf)  }
0x132: {  	[tilespmem:$0x2AA0] =	vst v1;
	s20 =	smov.u32 @p0 s19;
	s19 =	sxor.u32 $0x80000000, s24  }
0x133: {  	[tilespmem:$0x2930] =	vst v6;
	p0 =	sgt.s32 s20, s19  }
0x134: {  	[tilespmem:$0x2AB0] =	vst v1;
	s25 =	simm.s32 $0x1010;
	s19 =	smov.u32 @p0 s20  }
0x135: {  	v10 =	vld [tilespmem:s25+$0xFFFFFFF0];
	s19 =	sshll.u32 s19, $0x1  }
0x136: {  	s18 =	sshll.u32 s18, $0x15;
	s19 =	sand.u32 $0xFFFFFC00, s19  }
0x137: {  	s18 =	sor.u32 s18, s19  }
0x138: {  	s18 =	sxor.u32 $0x80000000, s18  }
0x139: {  	v9 =	vmov s18  }
0x13a: {  	s26 =	simm.s32 $0x0;
	vm1 =	vge.s32 v10, v9  }
0x13b: {  	v11 =	vor.u32 s26, v0;
	[tilespmem:s26+$0x2800] =	vst.msk vm1, v10  }
0x13c: {  	[tilespmem:s26+$0x2980] =	vst.msk vm1, v11  }
0x13d: {  	v10 =	vld [tilespmem:s25+$0x0];
	_ =	sdelay $0x1  }
0x13e: {  	v11 =	vmpcnt.ones.xlane vm1;
	_ =	sdelay $0x1  }
0x13f: {  	v11 =	vxor.u32 $0x80000000, v11  }
0x140: {  	(xrf0) =	vmax.scan.msk.u32 $0xffff, v11;
	vm1 =	vge.s32 v10, v9  }
0x141: {  	v11 =	vmpcnt.ones.xlane vm1;
	_ =	sdelay $0x1  }
0x142: {  	v11 =	vxor.u32 $0x80000000, v11;
	_ =	sdelay $0x1  }
0x143: {  	(xrf0) =	vmax.scan.msk.u32 $0xffff, v11  }
0x144: {  	v11, _, _ =	vpop (xrf0)  }
0x145: {  	(v2sf) =	vpush v11, $0xF;
	_ =	sdelay $0x3  }
0x146: {  	v11, _, _ =	vpop (xrf0)  }
0x147: {  	(v2sf) =	vpush v11, $0xF;
	_ =	sdelay $0x9  }
0x148: {  	s28 =	spop (v2sf)  }
0x149: {  	s18 =	sadd.s32 $0x0, s28  }
0x14a: {  	s18 =	sadd.s32 $0x80000000, s18  }
0x14b: {  	p0 =	slt.s32 s18, $0x130  }
0x14c: {  	s29 =	simm.s32 $0x10;
	s18 =	simm.s32 @!p0 $0x130  }
0x14d: {  	v11 =	vor.u32 s29, v0;
	s30 =	spop (v2sf);
	[tilespmem:s18+$0x2800] =	vst.msk vm1, v10  }
0x14e: {  	s31 =	sadd.s32 s30, s18;
	[tilespmem:s18+$0x2980] =	vst.msk vm1, v11;
	s18 =	simm.s32 $0x1030  }
0x14f: {  	v10 =	vld [tilespmem:s18+$0xFFFFFFF0];
	_ =	sdelay $0x1  }
0x150: {  	s21 =	sadd.s32 $0x80000000, s31  }
0x151: {  	s20 =	simm.s32 $0x40;
	s19 =	simm.s32 $0x20;
	p1 =	slt.s32 s21, $0x130  }
.LBB2_26:
0x152: {  	p0 =	sne.s32 s20, $0xFE0  }
0x153: {  	vm1 =	vge.s32 v10, v9;
	s21 =	simm.s32 @!p1 $0x130;
	s22 =	smov.u32 s20;
	s20 =	sadd.s32 $0x20, s20  }
0x154: {  	v11 =	vor.u32 s19, v0;
	[tilespmem:s21+$0x2800] =	vst.msk vm1, v10;
	v10 =	vmpcnt.ones.xlane vm1  }
0x155: {  	[tilespmem:s21+$0x2980] =	vst.msk vm1, v11  }
0x156: {  	v10 =	vxor.u32 $0x80000000, v10;
	v11 =	vld [tilespmem:s18+$0x0]  }
0x157: {  	(xrf0) =	vmax.scan.msk.u32 $0xffff, v10;
	_ =	sdelay $0x3  }
0x158: {  	vm1 =	vge.s32 v11, v9  }
0x159: {  	v10 =	vmpcnt.ones.xlane vm1  }
0x15a: {  	v12, _, _ =	vpop (xrf0)  }
0x15b: {  	v10 =	vxor.u32 $0x80000000, v10;
	(v2sf) =	vpush v12, $0xF  }
0x15c: {  	(xrf0) =	vmax.scan.msk.u32 $0xffff, v10;
	_ =	sdelay $0x5  }
0x15d: {  	v10, _, _ =	vpop (xrf0)  }
0x15e: {  	(v2sf) =	vpush v10, $0xF;
	_ =	sdelay $0x6  }
0x15f: {  	s23 =	spop (v2sf)  }
0x160: {  	s21 =	sadd.s32 s23, s21  }
0x161: {  	s21 =	sadd.s32 $0x80000000, s21  }
0x162: {  	p1 =	slt.s32 s21, $0x130  }
0x163: {  	s23 =	sadd.s32 $0x10, s19;
	s19 =	smov.u32 s22;
	s21 =	simm.s32 @!p1 $0x130  }
0x164: {  	v10 =	vor.u32 s23, v0;
	[tilespmem:s21+$0x2800] =	vst.msk vm1, v11  }
0x165: {  	s18 =	sadd.s32 $0x20, s18;
	[tilespmem:s21+$0x2980] =	vst.msk vm1, v10  }
.Ltmp12:
0x166: {  	v10 =	vld [tilespmem:s18+$0xFFFFFFF0];
	(pc) =	sbr.rel @p0 .LBB2_26-.Ltmp12, $4  }
0x167: {  	s22 =	spop (v2sf)  }
0x168: {  	s21 =	sadd.s32 s22, s21  }
0x169: {  	s21 =	sadd.s32 $0x80000000, s21  }
0x16a: {  	p1 =	slt.s32 s21, $0x130  }
0x16b: {  	vm1 =	vge.s32 v10, v9;
	s21 =	simm.s32 @!p1 $0x130  }
0x16c: {  	v11 =	vor.u32 s19, v0;
	[tilespmem:s21+$0x2800] =	vst.msk vm1, v10  }
0x16d: {  	[tilespmem:s21+$0x2980] =	vst.msk vm1, v11  }
0x16e: {  	v10 =	vld [tilespmem:s18+$0x0];
	_ =	sdelay $0x1  }
0x16f: {  	v11 =	vmpcnt.ones.xlane vm1;
	_ =	sdelay $0x1  }
0x170: {  	v11 =	vxor.u32 $0x80000000, v11  }
0x171: {  	(xrf0) =	vmax.scan.msk.u32 $0xffff, v11;
	vm1 =	vge.s32 v10, v9  }
0x172: {  	v9 =	vmpcnt.ones.xlane vm1;
	_ =	sdelay $0x1  }
0x173: {  	v9 =	vxor.u32 $0x80000000, v9  }
0x174: {  	(xrf0) =	vmax.scan.msk.u32 $0xffff, v9;
	_ =	sdelay $0x1  }
0x175: {  	v9, _, _ =	vpop (xrf0)  }
0x176: {  	(v2sf) =	vpush v9, $0xF;
	_ =	sdelay $0x2  }
0x177: {  	v9, _, _ =	vpop (xrf0)  }
0x178: {  	(v2sf) =	vpush v9, $0xF;
	_ =	sdelay $0xa  }
0x179: {  	s26 =	spop (v2sf)  }
0x17a: {  	s18 =	sadd.s32 s26, s21  }
0x17b: {  	s20 =	sadd.s32 $0x80000000, s18  }
0x17c: {  	p0 =	slt.s32 s20, $0x130  }
0x17d: {  	s20 =	simm.s32 @!p0 $0x130;
	s28 =	spop (v2sf)  }
0x17e: {  	s18 =	sadd.s32 s28, s20  }
0x17f: {  	s18 =	sadd.s32 $0x80000000, s18  }
0x180: {  	p0 =	slt.s32 s18, $0x130  }
0x181: {  	p5 =	slt.s32 s18, $0xFFFFFFF2;
	s18 =	simm.s32 @!p0 $0x130  }
0x182: {  	s18 =	sadd.s32 $0xF, s18  }
0x183: {  	s29 =	sand.u32 $0xF, s18  }
0x184: {  	s30 =	sshra.s32 s18, $0x1F;
	p6 =	sne.s32 s29, $0x0  }
0x185: {  	s21 =	sshrl.u32 s30, $0x1C;
	p0 =	por !p5, !p6  }
0x186: {  	s18 =	sadd.s32 s21, s18;
	s21 =	simm.s32 $0x1;
	p0 =	por !p0, !p0  }
0x187: {  	s18 =	sshra.s32 s18, $0x4;
	s21 =	simm.s32 @!p0 $0x0  }
0x188: {  	s18 =	ssub.s32 s18, s21  }
0x189: {  	p0 =	slt.s32 s18, $0x1  }
.Ltmp13:
0x18a: {  	_ = 	snop;
	(pc) =	sbr.rel @p0 .LBB2_35-.Ltmp13, $4  }
0x18b: {  	_ = 	snop  }
0x18c: {  	s31 =	sadd.s32 $0x10, s19  }
0x18d: {  	v9 =	vor.u32 s31, v0;
	[tilespmem:s20+$0x2800] =	vst.msk vm1, v10  }
0x18e: {  	[tilespmem:s20+$0x2980] =	vst.msk vm1, v9  }
0x18f: {  	p0 =	sne.s32 s18, $0x1  }
.Ltmp14:
0x190: {  	_ = 	snop;
	(pc) =	sbr.rel @!p0 .LBB2_30-.Ltmp14, $4  }
0x191: {  	_ = 	snop  }
0x192: {  	s19 =	simm.s32 $0x2800  }
0x193: {  	s20 =	simm.s32 $0x2980;
	v9 =	vld [tilespmem:s19+$0x0]  }
0x194: {  	s21 =	sadd.s32 $0xFFFFFFFF, s18;
	v10 =	vld [tilespmem:s20+$0x0]  }
.LBB2_29:
0x195: {  	p0 =	sne.s32 s21, $0x1;
	_ =	sdelay $0x2  }
0x196: {  	v9 =	vxor.u32 $0x80000000, v9  }
0x197: {  	(xrf1) =	vsort.dscd.msk.u32 $0xffff, v9, v10;
	_ =	sdelay $0xd  }
0x198: {  	v9, v10, _ =	vpop (xrf1)  }
.Ltmp15:
0x199: {  	v9 =	vxor.u32 $0x80000000, v9;
	(pc) =	sbr.rel @p0 .LBB2_29-.Ltmp15, $4  }
0x19a: {  	[tilespmem:s19+$0x0] =	vst v9  }
0x19b: {  	s19 =	sadd.s32 $0x10, s19;
	[tilespmem:s20+$0x0] =	vst v10  }
0x19c: {  	s20 =	sadd.s32 $0x10, s20;
	v9 =	vld [tilespmem:s19+$0x0]  }
0x19d: {  	s21 =	sadd.s32 $0xFFFFFFFF, s21;
	v10 =	vld [tilespmem:s20+$0x0]  }
.LBB2_30:
0x19e: {  	_ =	sdelay $0x2  }
0x19f: {  	v9 =	vxor.u32 $0x80000000, v9  }
0x1a0: {  	(xrf1) =	vsort.dscd.msk.u32 $0xffff, v9, v10;
	_ =	sdelay $0xc  }
.Ltmp16:
0x1a1: {  	_ = 	snop;
	(pc) =	sbr.rel .LBB2_31-.Ltmp16, $4  }
0x1a2: {  	v9, v10, _ =	vpop (xrf1)  }
0x1a3: {  	v9 =	vxor.u32 $0x80000000, v9  }
0x1a4: {  	[tilespmem:s19+$0x0] =	vst v9  }
0x1a5: {  	p0 =	por $0x0, $0x0;
	s19 =	simm.s32 $0x0;
	[tilespmem:s20+$0x0] =	vst v10  }
.LBB2_34:
0x1a6: {  	s19 =	sadd.s32 $0x1, s19  }
0x1a7: {  	p1 =	sne.s32 s19, s18  }
.Ltmp17:
0x1a8: {  	_ = 	snop;
	(pc) =	sbr.rel @!p1 .LBB2_35-.Ltmp17, $2  }
0x1a9: {  	_ =	sdelay $0x2  }
0x1aa: {  	p0 =	por !p0, !p0  }
.LBB2_31:
0x1ab: {  	s20 =	sand.u32 $0x1, s19  }
0x1ac: {  	s21 =	ssub.s32 s18, s20;
	p1 =	sne.s32 s18, s20;
	s20 =	simm.s32 $0x1  }
0x1ad: {  	s22 =	sshra.s32 s21, $0x1F;
	s20 =	simm.s32 @!p1 $0x0  }
0x1ae: {  	s30 =	sand.u32 $0x1, s21;
	s20 =	sor.u32 s20, s22  }
0x1af: {  	p2 =	seq.s32 s30, $0x1;
	p6 =	sne.s32 s20, $0x1  }
0x1b0: {  	s31 =	sshrl.u32 s21, $0x1F;
	p1 =	por !p6, !p2  }
0x1b1: {  	s20 =	sadd.s32 s31, s21;
	s21 =	simm.s32 $0x1;
	p1 =	por !p1, !p1  }
0x1b2: {  	s20 =	sshra.s32 s20, $0x1;
	s21 =	simm.s32 @!p1 $0x0  }
0x1b3: {  	s20 =	ssub.s32 s20, s21  }
0x1b4: {  	p1 =	slt.s32 s20, $0x1  }
.Ltmp18:
0x1b5: {  	_ = 	snop;
	(pc) =	sbr.rel @p1 .LBB2_34-.Ltmp18, $1  }
0x1b6: {  	_ =	sdelay $0x3  }
0x1b7: {  	s21 =	simm.s32 $0x1  }
0x1b8: {  	s21 =	simm.s32 @!p0 $0x0  }
0x1b9: {  	s21 =	sshll.u32 s21, $0x4  }
0x1ba: {  	s23 =	sadd.s32 $0x2810, s21  }
0x1bb: {  	s21 =	sadd.s32 $0x2990, s21;
	v9 =	vld [tilespmem:s23+$0x0]  }
0x1bc: {  	v10 =	vld [tilespmem:s21+$0x0]  }
0x1bd: {  	v11 =	vld [tilespmem:s23+$0xFFFFFFF0];
	_ =	sdelay $0x1  }
0x1be: {  	v12 =	vld [tilespmem:s21+$0xFFFFFFF0]  }
0x1bf: {  	v9 =	vperm.xlane v9, v4;
	_ =	sdelay $0x1  }
0x1c0: {  	v10 =	vperm.xlane v10, v4;
	vm1 =	vlt.s32 v11, v9  }
0x1c1: {  	v13 =	vsel vm1, v9, v11  }
0x1c2: {  	v14 =	vsel vm1, v10, v12;
	v13 =	vxor.u32 $0x80000000, v13  }
0x1c3: {  	(xrf1) =	vsort.dscd.msk.u32 $0xffff, v13, v14;
	_ =	sdelay $0x1  }
0x1c4: {  	v9 =	vsel vm1, v11, v9  }
0x1c5: {  	v10 =	vsel vm1, v12, v10;
	v9 =	vxor.u32 $0x80000000, v9  }
0x1c6: {  	(xrf1) =	vsort.dscd.msk.u32 $0xffff, v9, v10;
	_ =	sdelay $0x9  }
0x1c7: {  	v9, v10, _ =	vpop (xrf1)  }
0x1c8: {  	v9 =	vxor.u32 $0x80000000, v9  }
0x1c9: {  	p1 =	sgt.s32 s20, $0x1  }
.Ltmp19:
0x1ca: {  	_ = 	snop;
	(pc) =	sbr.rel @!p1 .LBB2_34-.Ltmp19, $4  }
0x1cb: {  	[tilespmem:s23+$0xFFFFFFF0] =	vst v9;
	v9, v11, _ =	vpop (xrf1)  }
0x1cc: {  	[tilespmem:s21+$0xFFFFFFF0] =	vst v10;
	v9 =	vxor.u32 $0x80000000, v9  }
0x1cd: {  	[tilespmem:s23+$0x0] =	vst v9  }
0x1ce: {  	s22 =	simm.s32 $0x1;
	s23 =	sadd.s32 $0x20, s23;
	[tilespmem:s21+$0x0] =	vst v11  }
.LBB2_33:
0x1cf: {  	v9 =	vld [tilespmem:s23+$0x0];
	s21 =	sadd.s32 $0x20, s21  }
0x1d0: {  	v10 =	vld [tilespmem:s21+$0x0]  }
0x1d1: {  	v11 =	vld [tilespmem:s23+$0xFFFFFFF0]  }
0x1d2: {  	s22 =	sadd.s32 $0x1, s22  }
0x1d3: {  	p1 =	slt.s32 s22, s20;
	v12 =	vld [tilespmem:s21+$0xFFFFFFF0]  }
0x1d4: {  	v9 =	vperm.xlane v9, v4;
	_ =	sdelay $0x1  }
0x1d5: {  	v10 =	vperm.xlane v10, v4;
	vm1 =	vlt.s32 v11, v9  }
0x1d6: {  	v13 =	vsel vm1, v9, v11  }
0x1d7: {  	v14 =	vsel vm1, v10, v12;
	v13 =	vxor.u32 $0x80000000, v13  }
0x1d8: {  	v9 =	vsel vm1, v11, v9;
	(xrf1) =	vsort.dscd.msk.u32 $0xffff, v13, v14  }
0x1d9: {  	v10 =	vsel vm1, v12, v10;
	v9 =	vxor.u32 $0x80000000, v9  }
0x1da: {  	(xrf1) =	vsort.dscd.msk.u32 $0xffff, v9, v10;
	_ =	sdelay $0xb  }
0x1db: {  	v9, v10, _ =	vpop (xrf1)  }
.Ltmp20:
0x1dc: {  	v12 =	vxor.u32 $0x80000000, v9;
	(pc) =	sbr.rel @p1 .LBB2_33-.Ltmp20, $4  }
0x1dd: {  	[tilespmem:s23+$0xFFFFFFF0] =	vst v12;
	v9, v11, _ =	vpop (xrf1)  }
0x1de: {  	v9 =	vxor.u32 $0x80000000, v9;
	[tilespmem:s21+$0xFFFFFFF0] =	vst v10  }
0x1df: {  	[tilespmem:s23+$0x0] =	vst v9  }
0x1e0: {  	s23 =	sadd.s32 $0x20, s23;
	[tilespmem:s21+$0x0] =	vst v11  }
.Ltmp21:
0x1e1: {  	_ = 	snop;
	(pc) =	sbr.rel .LBB2_34-.Ltmp21, $1  }
0x1e2: {  	_ =	sdelay $0x3  }
.LBB2_35:
0x1e3: {  	s18 =	simm.s32 $0x0;
	p0 =	por $0x0, $0x0  }
.LBB2_36:
0x1e4: {  	s19 =	simm.s32 $0x1  }
0x1e5: {  	s20 =	simm.s32 $0x0;
	s19 =	simm.s32 @!p0 $0x0  }
.LBB2_37:
0x1e6: {  	s21 =	sadd.s32 s20, s19  }
0x1e7: {  	v9 =	vadd.s32 s21, v7  }
0x1e8: {  	vm1 =	vlt.u32 v9, $0x140  }
0x1e9: {  	v10 =	vor.u32 s21, v3;
	_ =	sdelay $0x4  }
0x1ea: {  	v11 =	vld.idx.msk [tilespmem:v10+s14+$0x0], vm1  }
0x1eb: {  	v12 =	vld.idx.msk [tilespmem:v9+s14+$0x0], vm1  }
0x1ec: {  	v13 =	vld.idx.msk [tilespmem:v10+s15+$0x0], vm1  }
0x1ed: {  	v14 =	vld.idx.msk [tilespmem:v9+s15+$0x0], vm1;
	_ =	sdelay $0x4  }
0x1ee: {  	vm2 =	veq.s32 v11, v12;
	vm3 =	vgt.s32 v13, v14  }
0x1ef: {  	vm2 =	vmand vm2, vm3  }
0x1f0: {  	s21 =	sadd.s32 $0x20, s21;
	vm1 =	vmand vm1, vm2  }
0x1f1: {  	v11 =	vadd.s32 s21, v7  }
0x1f2: {  	vm2 =	vlt.u32 v11, $0x140  }
0x1f3: {  	v63 =	vor.u32 s21, v3;
	_ =	sdelay $0x2  }
0x1f4: {  	[tilespmem:v10+s15+$0x0] =	vst.idx.msk vm1, v14  }
0x1f5: {  	[tilespmem:v9+s15+$0x0] =	vst.idx.msk vm1, v13  }
0x1f6: {  	v9 =	vld.idx.msk [tilespmem:v63+s14+$0x0], vm2  }
0x1f7: {  	v10 =	vld.idx.msk [tilespmem:v11+s14+$0x0], vm2  }
0x1f8: {  	v13 =	vld.idx.msk [tilespmem:v63+s15+$0x0], vm2  }
0x1f9: {  	v14 =	vld.idx.msk [tilespmem:v11+s15+$0x0], vm2;
	_ =	sdelay $0x4  }
0x1fa: {  	vm1 =	veq.s32 v9, v10;
	vm3 =	vgt.s32 v13, v14  }
0x1fb: {  	vm1 =	vmand vm1, vm3  }
0x1fc: {  	vm1 =	vmand vm2, vm1;
	_ =	sdelay $0x1  }
0x1fd: {  	p1 =	sne.s32 s20, $0x100  }
.Ltmp22:
0x1fe: {  	_ = 	snop;
	(pc) =	sbr.rel @p1 .LBB2_37-.Ltmp22, $3  }
0x1ff: {  	_ =	sdelay $0x1  }
0x200: {  	[tilespmem:v63+s15+$0x0] =	vst.idx.msk vm1, v14  }
0x201: {  	s20 =	sadd.s32 $0x40, s20;
	[tilespmem:v11+s15+$0x0] =	vst.idx.msk vm1, v13  }
0x202: {  	s18 =	sadd.s32 $0x1, s18  }
0x203: {  	p1 =	sne.s32 s18, $0x6  }
.Ltmp23:
0x204: {  	_ = 	snop;
	(pc) =	sbr.rel @p1 .LBB2_36-.Ltmp23, $2  }
0x205: {  	_ =	sdelay $0x2  }
0x206: {  	p0 =	por !p0, !p0  }
0x207: {  	v9 =	vld [tilespmem:$0x2800]  }
0x208: {  	v10 =	vld [tilespmem:$0x2810]  }
0x209: {  	v11 =	vld [tilespmem:$0x2820]  }
0x20a: {  	v12 =	vld [tilespmem:$0x2830]  }
0x20b: {  	v13 =	vld [tilespmem:$0x2840]  }
0x20c: {  	vm1 =	vgt.s32 v9, $0xC0CE8DE7;
	v9 =	vld [tilespmem:$0x2850]  }
0x20d: {  	v14 =	vsel vm1, $0x3F800000, v8;
	vm1 =	vgt.s32 v10, $0xC0CE8DE7;
	v10 =	vld [tilespmem:$0x2860]  }
0x20e: {  	[tilespmem:$0x2B00] =	vst v14;
	v50 =	vsel vm1, $0x3F800000, v8;
	vm1 =	vgt.s32 v11, $0xC0CE8DE7;
	v11 =	vld [tilespmem:$0x2870]  }
0x20f: {  	v52 =	vld [tilespmem:$0x2880];
	[tilespmem:$0x2B10] =	vst v50;
	v51 =	vsel vm1, $0x3F800000, v8;
	vm1 =	vgt.s32 v12, $0xC0CE8DE7  }
0x210: {  	v54 =	vld [tilespmem:$0x2890];
	[tilespmem:$0x2B20] =	vst v51;
	v53 =	vsel vm1, $0x3F800000, v8;
	vm1 =	vgt.s32 v13, $0xC0CE8DE7  }
0x211: {  	[tilespmem:$0x2B30] =	vst v53;
	v55 =	vsel vm1, $0x3F800000, v8;
	vm1 =	vgt.s32 v9, $0xC0CE8DE7;
	v9 =	vld [tilespmem:$0x28A0]  }
0x212: {  	[tilespmem:$0x2B40] =	vst v55;
	v56 =	vsel vm1, $0x3F800000, v8;
	vm1 =	vgt.s32 v10, $0xC0CE8DE7;
	v10 =	vld [tilespmem:$0x28B0]  }
0x213: {  	[tilespmem:$0x2B50] =	vst v56;
	v57 =	vsel vm1, $0x3F800000, v8;
	vm1 =	vgt.s32 v11, $0xC0CE8DE7;
	v11 =	vld [tilespmem:$0x28C0]  }
0x214: {  	v59 =	vld [tilespmem:$0x28D0];
	[tilespmem:$0x2B60] =	vst v57;
	v58 =	vsel vm1, $0x3F800000, v8;
	vm1 =	vgt.s32 v52, $0xC0CE8DE7  }
0x215: {  	v61 =	vld [tilespmem:$0x28E0];
	[tilespmem:$0x2B70] =	vst v58;
	v60 =	vsel vm1, $0x3F800000, v8;
	vm1 =	vgt.s32 v54, $0xC0CE8DE7  }
0x216: {  	[tilespmem:$0x2B80] =	vst v60;
	v62 =	vsel vm1, $0x3F800000, v8;
	vm1 =	vgt.s32 v9, $0xC0CE8DE7;
	v9 =	vld [tilespmem:$0x28F0]  }
0x217: {  	[tilespmem:$0x2B90] =	vst v62;
	v63 =	vsel vm1, $0x3F800000, v8;
	vm1 =	vgt.s32 v10, $0xC0CE8DE7  }
0x218: {  	[tilespmem:$0x2BA0] =	vst v63;
	v10 =	vsel vm1, $0x3F800000, v8;
	vm1 =	vgt.s32 v11, $0xC0CE8DE7  }
0x219: {  	[tilespmem:$0x2BB0] =	vst v10;
	v10 =	vsel vm1, $0x3F800000, v8;
	vm1 =	vgt.s32 v59, $0xC0CE8DE7  }
0x21a: {  	[tilespmem:$0x2BC0] =	vst v10;
	v10 =	vsel vm1, $0x3F800000, v8;
	vm1 =	vgt.s32 v61, $0xC0CE8DE7  }
0x21b: {  	[tilespmem:$0x2BD0] =	vst v10;
	v10 =	vsel vm1, $0x3F800000, v8;
	vm1 =	vgt.s32 v9, $0xC0CE8DE7  }
0x21c: {  	[tilespmem:$0x2BE0] =	vst v10;
	v9 =	vsel vm1, $0x3F800000, v8  }
0x21d: {  	[tilespmem:$0x2BF0] =	vst v9  }
0x21e: {  	[hbm4b:s4+s10] =	stream.strided.scatter [tilespmem:s15], [sflag:$0x1], $0x100, s11, s10, $0x38;
	[tilespmem:$0x2C00] =	vst v63  }
0x21f: {  	_ =	swait.ge [sflag:s12], $0x100  }
0x220: {  	[sflag:s12] =	ssyncset.done $0x0  }
0x221: {  	[sflag:s12] =	ssyncadd.s32 $0xFFFFFF00  }
0x222: {  	[hbm4b:s5+s10] =	stream.strided.scatter [tilespmem:s16], [sflag:$0x1], $0x100, s11, s10, $0x38;
	[tilespmem:$0x2C00] =	vst v63  }
0x223: {  	_ =	swait.ge [sflag:s12], $0x100  }
0x224: {  	[sflag:s12] =	ssyncset.done $0x0  }
0x225: {  	s18 =	simm.s32 $0x0;
	[sflag:s12] =	ssyncadd.s32 $0xFFFFFF00  }
0x226: {  	[tilespmem:s18], [sflag:$0x1] =	stream.strided.gather [hbm4b:s6+s10], $0x1000, s11, s10, $0x38;
	[tilespmem:$0x2C00] =	vst v63  }
0x227: {  	_ =	swait.ge [sflag:s12], $0x1000  }
0x228: {  	[sflag:s12] =	ssyncset.done $0x0  }
0x229: {  	s20 =	simm.s32 $0x100;
	s19 =	simm.s32 $0x0;
	[sflag:s12] =	ssyncadd.s32 $0xFFFFF000  }
.LBB2_40:
0x22a: {  	p0 =	sne.s32 s20, $0x1F00;
	[tilespmem:s19+$0x2030] =	vst v1;
	s21 =	smov.u32 s20;
	s20 =	sadd.s32 $0x100, s20  }
.Ltmp24:
0x22b: {  	[tilespmem:s19+$0x2020] =	vst v1;
	(pc) =	sbr.rel @p0 .LBB2_40-.Ltmp24, $3  }
0x22c: {  	[tilespmem:s19+$0x2000] =	vst v1  }
0x22d: {  	[tilespmem:s19+$0x2010] =	vst v1;
	_ =	sdelay $0x1  }
0x22e: {  	s19 =	sshra.s32 s21, $0x2  }
0x22f: {  	[tilespmem:s19+$0x2030] =	vst v1  }
0x230: {  	[tilespmem:s19+$0x2020] =	vst v1  }
0x231: {  	[tilespmem:s19+$0x2000] =	vst v1  }
0x232: {  	[tilespmem:s19+$0x2010] =	vst v1  }
.LBB2_42:
0x233: {  	s19 =	sshra.s32 s18, $0x2  }
0x234: {  	v9 =	vld [tilespmem:s19+$0x0];
	_ =	sdelay $0x4  }
0x235: {  	v10 =	vshra.s32 v9, $0x1F  }
0x236: {  	v10 =	vand.u32 $0x7FFFFFFF, v10  }
0x237: {  	v9 =	vxor.u32 v9, v10  }
0x238: {  	v10 =	vshrl.u32 v9, $0x15  }
0x239: {  	p0 =	sne.s32 s18, $0x3FC0;
	v10 =	vxor.u32 $0x400, v10  }
.Ltmp25:
0x23a: {  	_ = 	snop;
	(pc) =	sbr.rel @p0 .LBB2_42-.Ltmp25, $3  }
0x23b: {  	_ =	sdelay $0x1  }
0x23c: {  	[tilespmem:s19+$0x1000] =	vst v9  }
0x23d: {  	s18 =	sadd.s32 $0x40, s18;
	[tilespmem:v10+s13+$0x0] =	vst.idx.add.s32.msk $0xffff, v2  }
0x23e: {  	s18 =	simm.s32 $0x27F0  }
0x23f: {  	v9 =	vld [tilespmem:s18+$0x0];
	_ =	sdelay $0x3  }
0x240: {  	v10 =	vld [tilespmem:s18+$0xFFFFFFF0]  }
0x241: {  	(xrf0) =	vadd.scan.msk.s32 $0xffff, v9;
	_ =	sdelay $0x3  }
0x242: {  	s28 =	simm.s32 $0x27D0;
	(xrf0) =	vadd.scan.msk.s32 $0xffff, v10  }
0x243: {  	v11 =	vld [tilespmem:s28+$0x0]  }
0x244: {  	v12, _, _ =	vpop (xrf0)  }
0x245: {  	v9 =	vperm.xlane v9, v4;
	(v2sf) =	vpush v12, $0xF  }
0x246: {  	v13 =	vld [tilespmem:s28+$0xFFFFFFF0]  }
0x247: {  	(xrf0) =	vadd.scan.msk.s32 $0xffff, v9  }
0x248: {  	(xrf0) =	vadd.scan.msk.s32 $0xffff, v11;
	v12, _, _ =	vpop (xrf0)  }
0x249: {  	(v2sf) =	vpush v12, $0xF  }
0x24a: {  	s30 =	simm.s32 $0x7FF;
	s31 =	simm.s32 $0x27B0  }
0x24b: {  	s19 =	simm.s32 $0x7CF;
	s20 =	simm.s32 $0x7DF;
	p0 =	por $0x1, $0x1;
	vm2 =	vmmov vm0;
	v14 =	vmov s30;
	(xrf0) =	vadd.scan.msk.s32 $0xffff, v13  }
0x24c: {  	v15 =	vld [tilespmem:s31+$0x0];
	v17 =	vmov s19;
	v20 =	vmov s20;
	vm2 =	vmneg @p0 vm2  }
0x24d: {  	s29 =	simm.s32 $0x7EF;
	s20 =	simm.s32 $0x78F;
	v14 =	vshll.u32 v14, $0x9;
	v17 =	vshll.u32 v17, $0x9;
	v10 =	vperm.xlane v10, v4;
	v16, _, _ =	vpop (xrf0)  }
0x24e: {  	v19 =	vld [tilespmem:s31+$0xFFFFFFF0];
	v21 =	vmov s20;
	v14 =	vadd.s32 v5, v14;
	v12 =	vmov s29;
	v18, _, _ =	vpop (xrf0)  }
0x24f: {  	v11 =	vperm.xlane v11, v4;
	(xrf0) =	vadd.scan.msk.s32 $0xffff, v10;
	v12 =	vshll.u32 v12, $0x9;
	(v2sf) =	vpush v18, $0xF  }
0x250: {  	v17 =	vadd.s32 v5, v17;
	v9 =	vsub.s32 v14, v9;
	v12 =	vadd.s32 v5, v12  }
0x251: {  	s21 =	simm.s32 $0x0;
	s23 =	simm.s32 $0x7BF;
	v14 =	vperm.xlane v15, v4;
	v13 =	vperm.xlane v13, v4;
	(xrf0) =	vadd.scan.msk.s32 $0xffff, v11;
	v12 =	vsub.s32 v12, v10;
	v10, _, _ =	vpop (xrf0)  }
0x252: {  	(xrf0) =	vadd.scan.msk.s32 $0xffff, v15;
	v15 =	vmov s23;
	v16 =	vadd.s32 s21, v16;
	(v2sf) =	vpush v10, $0xF  }
0x253: {  	v15 =	vshll.u32 v15, $0x9;
	vm1 =	vgt.s32 v16, $0xFF;
	v9 =	vadd.s32 v16, v9;
	(xrf0) =	vadd.scan.msk.s32 $0xffff, v19  }
0x254: {  	v18 =	vshll.u32 v20, $0x9;
	vm1 =	vmand vm2, vm1;
	v9 =	vxor.u32 $0x80000000, v9;
	s24 =	spop (v2sf)  }
0x255: {  	v16 =	vperm.xlane v19, v4;
	v18 =	vadd.s32 v5, v18;
	v9 =	vnsel vm1, $0x7FFFFFFF, v9;
	v19, _, _ =	vpop (xrf0);
	s18 =	sadd.s32 $0x0, s24  }
0x256: {  	v10 =	vsub.s32 v17, v13;
	vm1 =	vmmov vm0;
	(xrf0) =	vmax.scan.msk.u32 $0xffff, v9;
	v9 =	vadd.s32 s18, v19;
	p0 =	slt.s32 s18, $0x100  }
0x257: {  	s22 =	simm.s32 $0x7AF;
	s25 =	simm.s32 $0x2790;
	v19, _, _ =	vpop (xrf0);
	v12 =	vadd.s32 v9, v12;
	vm2 =	vgt.s32 v9, $0xFF;
	vm1 =	vmneg @p0 vm1  }
0x258: {  	v20 =	vld [tilespmem:s25+$0x0];
	v17 =	vmov s22;
	s26 =	spop (v2sf);
	v22, _, _ =	vpop (xrf0);
	vm1 =	vmand vm1, vm2;
	v12 =	vxor.u32 $0x80000000, v12  }
0x259: {  	v23 =	vld [tilespmem:s25+$0xFFFFFFF0];
	v11 =	vsub.s32 v18, v11;
	s18 =	sadd.s32 s18, s26;
	(v2sf) =	vpush v22, $0xF;
	v9, _, _ =	vpop (xrf0);
	v12 =	vnsel vm1, $0x7FFFFFFF, v12  }
0x25a: {  	(xrf0) =	vadd.scan.msk.s32 $0xffff, v13;
	p0 =	slt.s32 s18, $0x100;
	vm1 =	vmmov vm0;
	(v2sf) =	vpush v9, $0xF;
	v9 =	vadd.s32 s18, v19  }
0x25b: {  	vm1 =	vmneg @p0 vm1;
	vm2 =	vgt.s32 v9, $0xFF;
	v9 =	vadd.s32 v9, v11  }
0x25c: {  	v17 =	vshll.u32 v17, $0x9;
	(xrf0) =	vadd.scan.msk.s32 $0xffff, v14;
	vm1 =	vmand vm1, vm2;
	v9 =	vxor.u32 $0x80000000, v9  }
0x25d: {  	v15 =	vadd.s32 v5, v15;
	v17 =	vadd.s32 v5, v17;
	(xrf0) =	vadd.scan.msk.s32 $0xffff, v20;
	v9 =	vnsel vm1, $0x7FFFFFFF, v9  }
0x25e: {  	s28 =	simm.s32 $0x79F;
	v17 =	vsub.s32 v17, v16;
	v18 =	vperm.xlane v20, v4;
	s29 =	spop (v2sf);
	(xrf0) =	vmax.scan.msk.u32 $0xffff, v12;
	v19 =	vperm.xlane v23, v4;
	v12, _, _ =	vpop (xrf0)  }
0x25f: {  	s18 =	sadd.s32 s18, s29;
	v11 =	vshll.u32 v21, $0x9;
	(xrf0) =	vadd.scan.msk.s32 $0xffff, v23;
	(v2sf) =	vpush v12, $0xF;
	v12 =	vmov s28  }
0x260: {  	p0 =	slt.s32 s18, $0x100;
	v11 =	vadd.s32 v5, v11;
	vm1 =	vmmov vm0;
	v12 =	vshll.u32 v12, $0x9;
	(xrf0) =	vmax.scan.msk.u32 $0xffff, v9;
	v9, _, _ =	vpop (xrf0)  }
0x261: {  	s30 =	simm.s32 $0x2770;
	s31 =	simm.s32 $0x76F;
	s21 =	spop (v2sf);
	vm1 =	vmneg @p0 vm1;
	v20 =	vadd.s32 v5, v12;
	v12 =	vadd.s32 s18, v9  }
0x262: {  	v13 =	vld [tilespmem:s30+$0x0];
	s21 =	sadd.s32 s18, s21;
	v57, _, _ =	vpop (xrf0);
	v9 =	vsub.s32 v11, v19;
	v11 =	vmov s31;
	v10 =	vadd.s32 v12, v10  }
0x263: {  	v58, _, _ =	vpop (xrf0);
	v11 =	vshll.u32 v11, $0x9;
	v21 =	vadd.s32 s21, v57;
	vm2 =	vgt.s32 v12, $0xFF  }
0x264: {  	v59 =	vld [tilespmem:s30+$0xFFFFFFF0];
	(xrf0) =	vadd.scan.msk.s32 $0xffff, v16;
	(v2sf) =	vpush v58, $0xF;
	v60, _, _ =	vpop (xrf0);
	vm1 =	vmand vm1, vm2;
	v10 =	vxor.u32 $0x80000000, v10  }
0x265: {  	vm2 =	vgt.s32 v21, $0xFF;
	(v2sf) =	vpush v60, $0xF;
	v12, _, _ =	vpop (xrf0);
	v10 =	vnsel vm1, $0x7FFFFFFF, v10  }
0x266: {  	p0 =	slt.s32 s21, $0x100;
	(xrf0) =	vadd.scan.msk.s32 $0xffff, v18;
	vm1 =	vmmov vm0;
	(v2sf) =	vpush v12, $0xF;
	v12 =	vsub.s32 v15, v14;
	v14, _, _ =	vpop (xrf0)  }
0x267: {  	s22 =	simm.s32 $0x77F;
	v11 =	vadd.s32 v5, v11;
	(xrf0) =	vadd.scan.msk.s32 $0xffff, v13;
	vm1 =	vmneg @p0 vm1;
	(v2sf) =	vpush v14, $0xF  }
0x268: {  	v12 =	vadd.s32 v21, v12;
	(xrf0) =	vmax.scan.msk.u32 $0xffff, v10;
	vm1 =	vmand vm1, vm2;
	v14 =	vmov s22  }
0x269: {  	s24 =	simm.s32 $0x74F;
	v10 =	vxor.u32 $0x80000000, v12;
	(xrf0) =	vadd.scan.msk.s32 $0xffff, v59;
	v12 =	vperm.xlane v59, v4;
	s23 =	spop (v2sf);
	v14 =	vshll.u32 v14, $0x9  }
0x26a: {  	v15, _, _ =	vpop (xrf0);
	v10 =	vnsel vm1, $0x7FFFFFFF, v10;
	s18 =	sadd.s32 s21, s23;
	v16 =	vadd.s32 v5, v14;
	v14 =	vmov s24  }
0x26b: {  	(xrf0) =	vmax.scan.msk.u32 $0xffff, v10;
	v10 =	vsub.s32 v11, v12;
	v11 =	vadd.s32 s18, v15  }
0x26c: {  	s26 =	simm.s32 $0x2750;
	v13 =	vperm.xlane v13, v4;
	vm1 =	vmmov vm0;
	s25 =	spop (v2sf);
	v62 =	vshll.u32 v14, $0x9;
	p0 =	slt.s32 s18, $0x100;
	v15, _, _ =	vpop (xrf0)  }
0x26d: {  	v61 =	vld [tilespmem:s26+$0x0];
	s22 =	sadd.s32 s18, s25;
	v17 =	vadd.s32 v11, v17;
	vm2 =	vgt.s32 v11, $0xFF;
	vm1 =	vmneg @p0 vm1;
	v14, _, _ =	vpop (xrf0)  }
0x26e: {  	v63 =	vld [tilespmem:s26+$0xFFFFFFF0];
	(xrf0) =	vadd.scan.msk.s32 $0xffff, v19;
	v15 =	vadd.s32 s22, v15;
	v17 =	vxor.u32 $0x80000000, v17;
	(v2sf) =	vpush v14, $0xF;
	v11, _, _ =	vpop (xrf0)  }
0x26f: {  	vm1 =	vmand vm1, vm2;
	vm2 =	vgt.s32 v15, $0xFF;
	v14, _, _ =	vpop (xrf0);
	(v2sf) =	vpush v11, $0xF  }
0x270: {  	(xrf0) =	vadd.scan.msk.s32 $0xffff, v13;
	v11 =	vsub.s32 v20, v18;
	v18 =	vadd.s32 v5, v62;
	(v2sf) =	vpush v14, $0xF  }
0x271: {  	p0 =	slt.s32 s22, $0x100;
	s28 =	spop (v2sf);
	v14 =	vnsel vm1, $0x7FFFFFFF, v17;
	vm1 =	vmmov vm0;
	v15 =	vadd.s32 v15, v11;
	v17, _, _ =	vpop (xrf0)  }
0x272: {  	s20 =	simm.s32 $0x72F;
	s29 =	simm.s32 $0x75F;
	(xrf0) =	vadd.scan.msk.s32 $0xffff, v61;
	s19 =	sxor.u32 $0x80000000, s28;
	vm1 =	vmneg @p0 vm1;
	v15 =	vxor.u32 $0x80000000, v15;
	(v2sf) =	vpush v17, $0xF  }
0x273: {  	s21 =	simm.s32 $0xFFFFFFFF;
	p0 =	slt.s32 s19, $0xFFFFFFFF;
	(xrf0) =	vmax.scan.msk.u32 $0xffff, v14;
	v14 =	vperm.xlane v63, v4;
	vm1 =	vmand vm1, vm2;
	v17 =	vmov s29;
	s30 =	spop (v2sf)  }
0x274: {  	v11 =	vperm.xlane v61, v4;
	(xrf0) =	vadd.scan.msk.s32 $0xffff, v63;
	v19, _, _ =	vpop (xrf0);
	s19 =	smov.u32 @p0 s21;
	v15 =	vnsel vm1, $0x7FFFFFFF, v15;
	v17 =	vshll.u32 v17, $0x9;
	s22 =	sadd.s32 s22, s30;
	s31 =	spop (v2sf)  }
0x275: {  	s21 =	simm.s32 $0x2730;
	(xrf0) =	vmax.scan.msk.u32 $0xffff, v15;
	v15 =	vadd.s32 v5, v17;
	v17 =	vsub.s32 v18, v14;
	v18 =	vadd.s32 s22, v19;
	s23 =	spop (v2sf);
	s18 =	sxor.u32 $0x80000000, s31  }
.LBB2_44:
0x276: {  	v23 =	vmov s20;
	v21, _, _ =	vpop (xrf0);
	v22 =	vadd.s32 v18, v9;
	s23 =	sadd.s32 s22, s23;
	s24 =	spop (v2sf)  }
0x277: {  	v19 =	vld [tilespmem:s21+$0x0];
	p0 =	sgt.s32 s19, s18;
	v9 =	vmovc v10;
	v10 =	vmovc v17;
	s25 =	smov.u32 s20;
	v13 =	vsub.s32 v16, v13;
	p1 =	slt.s32 s22, $0x100;
	vm1 =	vgt.s32 v18, $0xFF;
	vm2 =	vmmov vm0  }
0x278: {  	v17 =	vshll.u32 v23, $0x9;
	v20, _, _ =	vpop (xrf0);
	v21 =	vadd.s32 s23, v21;
	s24 =	sxor.u32 $0x80000000, s24;
	s18 =	smov.u32 @p0 s19;
	vm2 =	vmneg @p1 vm2  }
0x279: {  	p0 =	seq.s32 s20, $0xF;
	s20 =	sadd.s32 $0xFFFFFFE0, s20;
	v16 =	vld [tilespmem:s21+$0xFFFFFFF0];
	(v2sf) =	vpush v20, $0xF;
	(xrf0) =	vadd.scan.msk.s32 $0xffff, v12;
	v12, _, _ =	vpop (xrf0);
	p1 =	sgt.s32 s18, s24;
	vm1 =	vmand vm2, vm1  }
0x27a: {  	v20 =	vxor.u32 $0x80000000, v22;
	vm2 =	vgt.s32 v21, $0xFF;
	v18, _, _ =	vpop (xrf0);
	(v2sf) =	vpush v12, $0xF  }
0x27b: {  	p2 =	slt.s32 s23, $0x100;
	v22 =	vnsel vm1, $0x7FFFFFFF, v20;
	vm1 =	vmmov vm0;
	(xrf0) =	vadd.scan.msk.s32 $0xffff, v11;
	(v2sf) =	vpush v18, $0xF;
	v18, _, _ =	vpop (xrf0)  }
0x27c: {  	v20 =	vadd.s32 v21, v13;
	v13 =	vmovc v11;
	vm1 =	vmneg @p2 vm1;
	(xrf0) =	vadd.scan.msk.s32 $0xffff, v19;
	(v2sf) =	vpush v18, $0xF  }
.Ltmp26:
0x27d: {  	s19 =	sadd.s32 $0x10, s25;
	v12 =	vmovc v14;
	v21 =	vxor.u32 $0x80000000, v20;
	v11 =	vperm.xlane v19, v4;
	vm1 =	vmand vm1, vm2;
	(xrf0) =	vmax.scan.msk.u32 $0xffff, v22;
	(pc) =	sbr.rel @!p0 .LBB2_44-.Ltmp26, $4  }
0x27e: {  	v19 =	vmov s19;
	s19 =	spop (v2sf)  }
0x27f: {  	v20 =	vnsel vm1, $0x7FFFFFFF, v21;
	v14 =	vperm.xlane v16, v4;
	(xrf0) =	vadd.scan.msk.s32 $0xffff, v16;
	v16 =	vmov v15;
	s22 =	sadd.s32 s23, s19;
	s19 =	smov.u32 s24  }
0x280: {  	v17 =	vadd.s32 v5, v17;
	v15 =	vshll.u32 v19, $0x9;
	(xrf0) =	vmax.scan.msk.u32 $0xffff, v20;
	v18, _, _ =	vpop (xrf0);
	s19 =	smov.u32 @p1 s18;
	s18 =	spop (v2sf)  }
0x281: {  	s21 =	sadd.s32 $0xFFFFFFE0, s21;
	v15 =	vadd.s32 v5, v15;
	v17 =	vsub.s32 v17, v14;
	v18 =	vadd.s32 s22, v18;
	s23 =	spop (v2sf);
	s18 =	sxor.u32 $0x80000000, s18  }
0x282: {  	v19, _, _ =	vpop (xrf0)  }
0x283: {  	v20, _, _ =	vpop (xrf0)  }
0x284: {  	(v2sf) =	vpush v20, $0xF  }
0x285: {  	v9 =	vadd.s32 v18, v9;
	s20 =	sadd.s32 s22, s23;
	p0 =	slt.s32 s22, $0x100;
	vm1 =	vmmov vm0;
	vm2 =	vgt.s32 v18, $0xFF  }
0x286: {  	v58 =	vsub.s32 v16, v13;
	v19 =	vadd.s32 s20, v19;
	vm1 =	vmneg @p0 vm1  }
0x287: {  	(xrf0) =	vadd.scan.msk.s32 $0xffff, v12;
	v9 =	vxor.u32 $0x80000000, v9;
	p0 =	slt.s32 s20, $0x100;
	vm1 =	vmand vm1, vm2;
	vm2 =	vmmov vm0  }
0x288: {  	vm3 =	vgt.s32 v19, $0xFF;
	v12 =	vadd.s32 v19, v58;
	vm2 =	vmneg @p0 vm2  }
0x289: {  	v59, _, _ =	vpop (xrf0);
	(xrf0) =	vadd.scan.msk.s32 $0xffff, v11;
	v9 =	vnsel vm1, $0x7FFFFFFF, v9;
	v12 =	vxor.u32 $0x80000000, v12;
	vm1 =	vmand vm2, vm3  }
0x28a: {  	v60, _, _ =	vpop (xrf0);
	(xrf0) =	vmax.scan.msk.u32 $0xffff, v9;
	v9 =	vnsel vm1, $0x7FFFFFFF, v12  }
0x28b: {  	s21 =	spop (v2sf)  }
0x28c: {  	v61, _, _ =	vpop (xrf0);
	s28 =	spop (v2sf)  }
0x28d: {  	(xrf0) =	vmax.scan.msk.u32 $0xffff, v9;
	s20 =	sadd.s32 s20, s28;
	v9, _, _ =	vpop (xrf0)  }
0x28e: {  	(xrf0) =	vadd.scan.msk.s32 $0xffff, v14;
	v9 =	vadd.s32 s20, v9  }
0x28f: {  	v11 =	vsub.s32 v15, v11;
	(v2sf) =	vpush v59, $0xF;
	vm1 =	vmmov vm0;
	s29 =	spop (v2sf);
	p0 =	slt.s32 s20, $0x100  }
0x290: {  	s30 =	spop (v2sf);
	vm1 =	vmneg @p0 vm1;
	v10 =	vadd.s32 v9, v10;
	vm2 =	vgt.s32 v9, $0xFF  }
0x291: {  	(v2sf) =	vpush v60, $0xF;
	s20 =	sadd.s32 s20, s30;
	vm1 =	vmand vm1, vm2;
	v10 =	vxor.u32 $0x80000000, v10;
	v9, _, _ =	vpop (xrf0)  }
0x292: {  	s31 =	spop (v2sf);
	p0 =	slt.s32 s20, $0x100;
	v10 =	vnsel vm1, $0x7FFFFFFF, v10;
	vm1 =	vmmov vm0;
	v9 =	vadd.s32 s20, v9;
	v62, _, _ =	vpop (xrf0)  }
0x293: {  	vm1 =	vmneg @p0 vm1;
	vm2 =	vgt.s32 v9, $0xFF;
	v63, _, _ =	vpop (xrf0);
	v9 =	vadd.s32 v9, v11;
	s24 =	spop (v2sf)  }
0x294: {  	(v2sf) =	vpush v61, $0xF;
	vm1 =	vmand vm1, vm2;
	v9 =	vxor.u32 $0x80000000, v9;
	v11, _, _ =	vpop (xrf0);
	s20 =	sadd.s32 s20, s24  }
0x295: {  	(xrf0) =	vmax.scan.msk.u32 $0xffff, v10;
	v9 =	vnsel vm1, $0x7FFFFFFF, v9;
	vm1 =	vmmov vm0;
	v11 =	vadd.s32 s20, v11;
	p0 =	slt.s32 s20, $0x100  }
0x296: {  	v10 =	vadd.s32 v11, v17;
	vm2 =	vgt.s32 v11, $0xFF;
	vm1 =	vmneg @p0 vm1  }
0x297: {  	(xrf0) =	vmax.scan.msk.u32 $0xffff, v9;
	vm1 =	vmand vm1, vm2;
	v9 =	vxor.u32 $0x80000000, v10  }
0x298: {  	(v2sf) =	vpush v62, $0xF;
	v9 =	vnsel vm1, $0x7FFFFFFF, v9  }
0x299: {  	(xrf0) =	vmax.scan.msk.u32 $0xffff, v9  }
0x29a: {  	(v2sf) =	vpush v63, $0xF  }
0x29b: {  	v9, _, _ =	vpop (xrf0)  }
0x29c: {  	(v2sf) =	vpush v9, $0xF  }
0x29d: {  	p0 =	sgt.s32 s19, s18;
	v9, _, _ =	vpop (xrf0)  }
0x29e: {  	s20 =	sxor.u32 $0x80000000, s21;
	s18 =	smov.u32 @p0 s19;
	(v2sf) =	vpush v9, $0xF  }
0x29f: {  	p0 =	sgt.s32 s18, s20;
	v9, _, _ =	vpop (xrf0)  }
0x2a0: {  	s20 =	smov.u32 @p0 s18;
	s18 =	sxor.u32 $0x80000000, s29;
	(v2sf) =	vpush v9, $0xF  }
0x2a1: {  	p0 =	sgt.s32 s20, s18  }
0x2a2: {  	s19 =	sxor.u32 $0x80000000, s31;
	s18 =	smov.u32 @p0 s20  }
0x2a3: {  	s23 =	spop (v2sf);
	p0 =	sgt.s32 s18, s19  }
0x2a4: {  	s24 =	spop (v2sf);
	s19 =	smov.u32 @p0 s18;
	s18 =	sxor.u32 $0x80000000, s23  }
0x2a5: {  	s25 =	spop (v2sf);
	p0 =	sgt.s32 s19, s18  }
0x2a6: {  	s20 =	sxor.u32 $0x80000000, s25;
	s18 =	smov.u32 @p0 s19  }
0x2a7: {  	s26 =	spop (v2sf);
	p0 =	sgt.s32 s18, s20  }
0x2a8: {  	s20 =	smov.u32 @p0 s18;
	s18 =	sxor.u32 $0x80000000, s26  }
0x2a9: {  	s28 =	spop (v2sf);
	p0 =	sgt.s32 s20, s18  }
0x2aa: {  	s19 =	sxor.u32 $0x80000000, s28;
	s18 =	smov.u32 @p0 s20  }
0x2ab: {  	p0 =	sgt.s32 s18, s19;
	s29 =	spop (v2sf)  }
0x2ac: {  	s19 =	smov.u32 @p0 s18;
	s18 =	sxor.u32 $0x80000000, s29  }
0x2ad: {  	s30 =	spop (v2sf);
	p0 =	sgt.s32 s19, s18  }
0x2ae: {  	s20 =	sxor.u32 $0x80000000, s30;
	s18 =	smov.u32 @p0 s19  }
0x2af: {  	p0 =	sgt.s32 s18, s20;
	s31 =	spop (v2sf)  }
0x2b0: {  	s20 =	smov.u32 @p0 s18;
	s19 =	sxor.u32 $0x80000000, s31  }
0x2b1: {  	p0 =	sgt.s32 s20, s19  }
0x2b2: {  	s18 =	simm.s32 $0x0;
	s19 =	smov.u32 @p0 s20;
	s20 =	simm.s32 $0x100  }
.LBB2_46:
0x2b3: {  	p0 =	seq.s32 s20, $0x1F00;
	[tilespmem:s18+$0x2030] =	vst v1;
	s21 =	smov.u32 s20;
	s20 =	sadd.s32 $0x100, s20  }
.Ltmp27:
0x2b4: {  	[tilespmem:s18+$0x2020] =	vst v1;
	(pc) =	sbr.rel @!p0 .LBB2_46-.Ltmp27, $3  }
0x2b5: {  	[tilespmem:s18+$0x2000] =	vst v1  }
0x2b6: {  	[tilespmem:s18+$0x2010] =	vst v1;
	_ =	sdelay $0x1  }
0x2b7: {  	s18 =	sshra.s32 s21, $0x2  }
0x2b8: {  	[tilespmem:s18+$0x2030] =	vst v1  }
0x2b9: {  	[tilespmem:s18+$0x2020] =	vst v1  }
0x2ba: {  	[tilespmem:s18+$0x2000] =	vst v1  }
0x2bb: {  	[tilespmem:s18+$0x2010] =	vst v1;
	s18 =	sshra.s32 s19, $0x9  }
0x2bc: {  	s21 =	simm.s32 $0x0;
	s20 =	simm.s32 $0x40;
	v9 =	vmov s18  }
.LBB2_48:
0x2bd: {  	p0 =	sne.s32 s20, $0x3FC0;
	v10 =	vld [tilespmem:s21+$0x1000];
	_ =	sdelay $0x4  }
0x2be: {  	v11 =	vshrl.u32 v10, $0x15  }
0x2bf: {  	v11 =	vxor.u32 v9, v11  }
0x2c0: {  	v10 =	vshrl.u32 v10, $0xA;
	vm1 =	veq.s32 v11, $0x400  }
0x2c1: {  	v10 =	vand.u32 $0x7FF, v10  }
.Ltmp28:
0x2c2: {  	(pc) =	sbr.rel @p0 .LBB2_48-.Ltmp28, $2  }
0x2c3: {  	_ =	sdelay $0x2  }
0x2c4: {  	s21 =	sshra.s32 s20, $0x2;
	s20 =	sadd.s32 $0x40, s20;
	[tilespmem:v10+s13+$0x0] =	vst.idx.add.s32.msk vm1, v2  }
0x2c5: {  	v10 =	vld [tilespmem:s21+$0x1000];
	_ =	sdelay $0x4  }
0x2c6: {  	v11 =	vshrl.u32 v10, $0x15  }
0x2c7: {  	v9 =	vxor.u32 v9, v11  }
0x2c8: {  	vm1 =	veq.s32 v9, $0x400;
	v9 =	vshrl.u32 v10, $0xA  }
0x2c9: {  	v9 =	vand.u32 $0x7FF, v9;
	_ =	sdelay $0x4  }
0x2ca: {  	s20 =	simm.s32 $0x27F0;
	[tilespmem:v9+s13+$0x0] =	vst.idx.add.s32.msk vm1, v2  }
0x2cb: {  	v9 =	vld [tilespmem:s20+$0x0];
	_ =	sdelay $0x2  }
0x2cc: {  	v10 =	vld [tilespmem:s20+$0xFFFFFFF0];
	_ =	sdelay $0x1  }
0x2cd: {  	(xrf0) =	vadd.scan.msk.s32 $0xffff, v9;
	_ =	sdelay $0x2  }
0x2ce: {  	(xrf0) =	vadd.scan.msk.s32 $0xffff, v10;
	_ =	sdelay $0x1  }
0x2cf: {  	s23 =	simm.s32 $0x27D0  }
0x2d0: {  	v11 =	vld [tilespmem:s23+$0x0];
	v12 =	vperm.xlane v9, v4;
	v9, _, _ =	vpop (xrf0)  }
0x2d1: {  	(v2sf) =	vpush v9, $0xF  }
0x2d2: {  	v13 =	vld [tilespmem:s23+$0xFFFFFFF0]  }
0x2d3: {  	v9, _, _ =	vpop (xrf0)  }
0x2d4: {  	s26 =	simm.s32 $0x27B0;
	(xrf0) =	vadd.scan.msk.s32 $0xffff, v12;
	(v2sf) =	vpush v9, $0xF  }
0x2d5: {  	s25 =	simm.s32 $0x7FF;
	s28 =	simm.s32 $0x7CF;
	v16 =	vld [tilespmem:s26+$0x0];
	(xrf0) =	vadd.scan.msk.s32 $0xffff, v11  }
0x2d6: {  	s19 =	sand.u32 $0x1FF, s19;
	s29 =	simm.s32 $0x7DF;
	vm2 =	vmmov vm0;
	v15 =	vmov s25;
	v18 =	vmov s28  }
0x2d7: {  	s19 =	ssub.s32 $0x100, s19;
	v21 =	vmov s29;
	v15 =	vshll.u32 v15, $0x9;
	v10 =	vperm.xlane v10, v4;
	(xrf0) =	vadd.scan.msk.s32 $0xffff, v13  }
0x2d8: {  	v18 =	vshll.u32 v18, $0x9;
	p0 =	sgt.s32 s19, $0x0;
	v15 =	vadd.s32 v5, v15;
	v11 =	vperm.xlane v11, v4  }
0x2d9: {  	s24 =	simm.s32 $0x7EF;
	v18 =	vadd.s32 v5, v18;
	vm2 =	vmneg @p0 vm2;
	v20 =	vld [tilespmem:s26+$0xFFFFFFF0];
	v13 =	vperm.xlane v13, v4;
	(xrf0) =	vadd.scan.msk.s32 $0xffff, v10  }
0x2da: {  	s22 =	simm.s32 $0x7BF;
	v12 =	vsub.s32 v15, v12;
	v15 =	vperm.xlane v16, v4;
	(xrf0) =	vadd.scan.msk.s32 $0xffff, v11;
	v9 =	vmov s24;
	v17, _, _ =	vpop (xrf0)  }
0x2db: {  	v18 =	vsub.s32 v18, v13;
	(xrf0) =	vadd.scan.msk.s32 $0xffff, v16;
	v16 =	vmov s22;
	v14 =	vshll.u32 v9, $0x9;
	v19, _, _ =	vpop (xrf0)  }
0x2dc: {  	s30 =	simm.s32 $0x0;
	v9 =	vmov s19;
	v14 =	vadd.s32 v5, v14;
	(v2sf) =	vpush v19, $0xF  }
0x2dd: {  	v17 =	vadd.s32 s30, v17;
	v16 =	vshll.u32 v16, $0x9;
	v14 =	vsub.s32 v14, v10;
	v10, _, _ =	vpop (xrf0)  }
0x2de: {  	v19 =	vshll.u32 v21, $0x9;
	vm1 =	vge.s32 v17, v9;
	(xrf0) =	vadd.scan.msk.s32 $0xffff, v20;
	(v2sf) =	vpush v10, $0xF  }
0x2df: {  	s31 =	simm.s32 $0x7AF;
	v12 =	vadd.s32 v17, v12;
	v17 =	vperm.xlane v20, v4;
	v19 =	vadd.s32 v5, v19  }
0x2e0: {  	vm1 =	vmand vm2, vm1;
	v12 =	vxor.u32 $0x80000000, v12;
	v10 =	vmov s31;
	s23 =	spop (v2sf)  }
0x2e1: {  	v12 =	vnsel vm1, $0x7FFFFFFF, v12;
	v20, _, _ =	vpop (xrf0);
	vm1 =	vmmov vm0;
	v11 =	vsub.s32 v19, v11;
	s20 =	sadd.s32 $0x0, s23  }
0x2e2: {  	s24 =	simm.s32 $0x2790;
	v10 =	vshll.u32 v10, $0x9;
	(xrf0) =	vmax.scan.msk.u32 $0xffff, v12;
	v12 =	vadd.s32 v5, v16;
	v16 =	vadd.s32 s20, v20;
	v20, _, _ =	vpop (xrf0);
	p0 =	slt.s32 s20, s19  }
0x2e3: {  	v56 =	vld [tilespmem:s24+$0x0];
	v10 =	vadd.s32 v5, v10;
	s25 =	spop (v2sf);
	v23, _, _ =	vpop (xrf0);
	vm2 =	vge.s32 v16, v9;
	vm1 =	vmneg @p0 vm1  }
0x2e4: {  	(xrf0) =	vadd.scan.msk.s32 $0xffff, v13;
	s20 =	sadd.s32 s20, s25;
	v14 =	vadd.s32 v16, v14;
	(v2sf) =	vpush v23, $0xF;
	v13, _, _ =	vpop (xrf0);
	vm1 =	vmand vm1, vm2  }
0x2e5: {  	v24 =	vld [tilespmem:s24+$0xFFFFFFF0];
	v14 =	vxor.u32 $0x80000000, v14;
	(v2sf) =	vpush v13, $0xF;
	v13 =	vadd.s32 s20, v20  }
0x2e6: {  	v22 =	vsub.s32 v10, v17;
	p0 =	slt.s32 s20, s19;
	v14 =	vnsel vm1, $0x7FFFFFFF, v14;
	vm1 =	vmmov vm0  }
0x2e7: {  	s22 =	simm.s32 $0x78F;
	(xrf0) =	vadd.scan.msk.s32 $0xffff, v15;
	vm2 =	vge.s32 v13, v9;
	vm1 =	vmneg @p0 vm1;
	v11 =	vadd.s32 v13, v11  }
0x2e8: {  	s26 =	simm.s32 $0x79F;
	v10 =	vmov s22;
	(xrf0) =	vadd.scan.msk.s32 $0xffff, v56;
	vm1 =	vmand vm1, vm2;
	v11 =	vxor.u32 $0x80000000, v11;
	v13, _, _ =	vpop (xrf0)  }
0x2e9: {  	(xrf0) =	vmax.scan.msk.u32 $0xffff, v14;
	v11 =	vnsel vm1, $0x7FFFFFFF, v11;
	(v2sf) =	vpush v13, $0xF;
	v13 =	vmov s26  }
0x2ea: {  	s30 =	simm.s32 $0x76F;
	v10 =	vshll.u32 v10, $0x9;
	v16 =	vperm.xlane v24, v4;
	(xrf0) =	vadd.scan.msk.s32 $0xffff, v24;
	v13 =	vshll.u32 v13, $0x9  }
0x2eb: {  	v57 =	vmov s30;
	v10 =	vadd.s32 v5, v10;
	s28 =	spop (v2sf);
	(xrf0) =	vmax.scan.msk.u32 $0xffff, v11  }
0x2ec: {  	s29 =	simm.s32 $0x2770;
	v21 =	vshll.u32 v57, $0x9;
	s20 =	sadd.s32 s20, s28;
	v10 =	vsub.s32 v10, v16;
	v14 =	vperm.xlane v56, v4;
	v11, _, _ =	vpop (xrf0)  }
0x2ed: {  	s23 =	spop (v2sf);
	v20 =	vld [tilespmem:s29+$0x0];
	p0 =	slt.s32 s20, s19;
	vm1 =	vmmov vm0;
	v19 =	vadd.s32 v5, v13;
	v11 =	vadd.s32 s20, v11;
	v13, _, _ =	vpop (xrf0)  }
0x2ee: {  	s31 =	sadd.s32 s20, s23;
	vm1 =	vmneg @p0 vm1;
	v18 =	vadd.s32 v11, v18;
	vm2 =	vge.s32 v11, v9;
	v58, _, _ =	vpop (xrf0)  }
0x2ef: {  	v59 =	vld [tilespmem:s29+$0xFFFFFFF0];
	(xrf0) =	vadd.scan.msk.s32 $0xffff, v17;
	v13 =	vadd.s32 s31, v13;
	vm1 =	vmand vm1, vm2;
	(v2sf) =	vpush v58, $0xF;
	v60, _, _ =	vpop (xrf0)  }
0x2f0: {  	v17 =	vxor.u32 $0x80000000, v18;
	v18 =	vadd.s32 v5, v21;
	(v2sf) =	vpush v60, $0xF;
	v11, _, _ =	vpop (xrf0)  }
0x2f1: {  	vm2 =	vge.s32 v13, v9;
	(xrf0) =	vadd.scan.msk.s32 $0xffff, v14;
	(v2sf) =	vpush v11, $0xF;
	v11 =	vsub.s32 v12, v15;
	v15, _, _ =	vpop (xrf0)  }
0x2f2: {  	s21 =	simm.s32 $0x77F;
	p0 =	slt.s32 s31, s19;
	v12 =	vnsel vm1, $0x7FFFFFFF, v17;
	(xrf0) =	vadd.scan.msk.s32 $0xffff, v20;
	vm1 =	vmmov vm0;
	(v2sf) =	vpush v15, $0xF  }
0x2f3: {  	vm1 =	vmneg @p0 vm1;
	v11 =	vadd.s32 v13, v11;
	(xrf0) =	vmax.scan.msk.u32 $0xffff, v12;
	v12 =	vmov s21  }
0x2f4: {  	v13 =	vperm.xlane v59, v4;
	vm1 =	vmand vm1, vm2;
	v11 =	vxor.u32 $0x80000000, v11;
	s23 =	spop (v2sf)  }
0x2f5: {  	v15 =	vperm.xlane v20, v4;
	v20, _, _ =	vpop (xrf0);
	(xrf0) =	vadd.scan.msk.s32 $0xffff, v59;
	v12 =	vshll.u32 v12, $0x9;
	v11 =	vnsel vm1, $0x7FFFFFFF, v11;
	s20 =	sadd.s32 s31, s23  }
0x2f6: {  	s24 =	simm.s32 $0x74F;
	s26 =	simm.s32 $0x2750;
	v17 =	vadd.s32 v5, v12;
	vm1 =	vmmov vm0;
	(xrf0) =	vmax.scan.msk.u32 $0xffff, v11;
	v12 =	vadd.s32 s20, v20  }
0x2f7: {  	v61 =	vld [tilespmem:s26+$0x0];
	s25 =	spop (v2sf);
	v11 =	vsub.s32 v18, v13;
	v18 =	vmov s24;
	p0 =	slt.s32 s20, s19;
	v20, _, _ =	vpop (xrf0);
	v22 =	vadd.s32 v12, v22  }
0x2f8: {  	s24 =	sadd.s32 s20, s25;
	v18 =	vshll.u32 v18, $0x9;
	vm2 =	vge.s32 v12, v9;
	vm1 =	vmneg @p0 vm1;
	v62, _, _ =	vpop (xrf0)  }
0x2f9: {  	v63 =	vld [tilespmem:s26+$0xFFFFFFF0];
	(xrf0) =	vadd.scan.msk.s32 $0xffff, v16;
	v20 =	vadd.s32 s24, v20;
	vm1 =	vmand vm1, vm2;
	(v2sf) =	vpush v62, $0xF;
	v12, _, _ =	vpop (xrf0)  }
0x2fa: {  	v22 =	vxor.u32 $0x80000000, v22;
	v18 =	vadd.s32 v5, v18;
	(v2sf) =	vpush v12, $0xF  }
0x2fb: {  	p0 =	slt.s32 s24, s19;
	(xrf0) =	vadd.scan.msk.s32 $0xffff, v15;
	v16, _, _ =	vpop (xrf0);
	v12 =	vsub.s32 v19, v14;
	v14 =	vnsel vm1, $0x7FFFFFFF, v22;
	vm1 =	vmmov vm0  }
0x2fc: {  	s29 =	simm.s32 $0x75F;
	s28 =	spop (v2sf);
	vm2 =	vge.s32 v20, v9;
	(xrf0) =	vadd.scan.msk.s32 $0xffff, v61;
	(v2sf) =	vpush v16, $0xF;
	vm1 =	vmneg @p0 vm1;
	v16, _, _ =	vpop (xrf0)  }
0x2fd: {  	s22 =	simm.s32 $0x72F;
	s21 =	sxor.u32 $0x80000000, s28;
	v19 =	vadd.s32 v20, v12;
	(xrf0) =	vmax.scan.msk.u32 $0xffff, v14;
	v14 =	vmov s29;
	(v2sf) =	vpush v16, $0xF  }
0x2fe: {  	s23 =	simm.s32 $0xFFFFFFFF;
	p0 =	slt.s32 s21, $0xFFFFFFFF;
	vm1 =	vmand vm1, vm2;
	v19 =	vxor.u32 $0x80000000, v19;
	v16 =	vperm.xlane v63, v4;
	s30 =	spop (v2sf)  }
0x2ff: {  	v12 =	vperm.xlane v61, v4;
	(xrf0) =	vadd.scan.msk.s32 $0xffff, v63;
	v14 =	vshll.u32 v14, $0x9;
	s21 =	smov.u32 @p0 s23;
	v19 =	vnsel vm1, $0x7FFFFFFF, v19;
	v20, _, _ =	vpop (xrf0);
	s24 =	sadd.s32 s24, s30;
	s31 =	spop (v2sf)  }
0x300: {  	s23 =	simm.s32 $0x2730;
	v14 =	vadd.s32 v5, v14;
	(xrf0) =	vmax.scan.msk.u32 $0xffff, v19;
	v18 =	vsub.s32 v18, v16;
	v19 =	vadd.s32 s24, v20;
	s25 =	spop (v2sf);
	s20 =	sxor.u32 $0x80000000, s31  }
.LBB2_50:
0x301: {  	v24 =	vmov s22;
	v22, _, _ =	vpop (xrf0);
	v23 =	vadd.s32 v19, v10;
	s25 =	sadd.s32 s24, s25;
	s26 =	spop (v2sf)  }
0x302: {  	v20 =	vld [tilespmem:s23+$0x0];
	p0 =	sgt.s32 s21, s20;
	v10 =	vmovc v11;
	v11 =	vmovc v18;
	s28 =	smov.u32 s22;
	v15 =	vsub.s32 v17, v15;
	p1 =	slt.s32 s24, s19;
	vm1 =	vge.s32 v19, v9;
	vm2 =	vmmov vm0  }
0x303: {  	v18 =	vshll.u32 v24, $0x9;
	v21, _, _ =	vpop (xrf0);
	v22 =	vadd.s32 s25, v22;
	s26 =	sxor.u32 $0x80000000, s26;
	s20 =	smov.u32 @p0 s21;
	vm2 =	vmneg @p1 vm2  }
0x304: {  	p0 =	sne.s32 s22, $0xF;
	s22 =	sadd.s32 $0xFFFFFFE0, s22;
	v17 =	vld [tilespmem:s23+$0xFFFFFFF0];
	(v2sf) =	vpush v21, $0xF;
	(xrf0) =	vadd.scan.msk.s32 $0xffff, v13;
	v13, _, _ =	vpop (xrf0);
	p1 =	sgt.s32 s20, s26;
	vm1 =	vmand vm2, vm1  }
0x305: {  	v21 =	vxor.u32 $0x80000000, v23;
	vm2 =	vge.s32 v22, v9;
	v19, _, _ =	vpop (xrf0);
	(v2sf) =	vpush v13, $0xF  }
0x306: {  	p2 =	slt.s32 s25, s19;
	v23 =	vnsel vm1, $0x7FFFFFFF, v21;
	vm1 =	vmmov vm0;
	(xrf0) =	vadd.scan.msk.s32 $0xffff, v12;
	(v2sf) =	vpush v19, $0xF;
	v19, _, _ =	vpop (xrf0)  }
0x307: {  	v21 =	vadd.s32 v22, v15;
	v15 =	vmovc v12;
	vm1 =	vmneg @p2 vm1;
	(xrf0) =	vadd.scan.msk.s32 $0xffff, v20;
	(v2sf) =	vpush v19, $0xF  }
.Ltmp29:
0x308: {  	s21 =	sadd.s32 $0x10, s28;
	v13 =	vmovc v16;
	v22 =	vxor.u32 $0x80000000, v21;
	v12 =	vperm.xlane v20, v4;
	vm1 =	vmand vm1, vm2;
	(xrf0) =	vmax.scan.msk.u32 $0xffff, v23;
	(pc) =	sbr.rel @p0 .LBB2_50-.Ltmp29, $4  }
0x309: {  	v20 =	vmov s21;
	s21 =	spop (v2sf)  }
0x30a: {  	v21 =	vnsel vm1, $0x7FFFFFFF, v22;
	v16 =	vperm.xlane v17, v4;
	(xrf0) =	vadd.scan.msk.s32 $0xffff, v17;
	v17 =	vmov v14;
	s24 =	sadd.s32 s25, s21;
	s21 =	smov.u32 s26  }
0x30b: {  	v18 =	vadd.s32 v5, v18;
	v14 =	vshll.u32 v20, $0x9;
	(xrf0) =	vmax.scan.msk.u32 $0xffff, v21;
	v19, _, _ =	vpop (xrf0);
	s21 =	smov.u32 @p1 s20;
	s20 =	spop (v2sf)  }
0x30c: {  	s23 =	sadd.s32 $0xFFFFFFE0, s23;
	v14 =	vadd.s32 v5, v14;
	v18 =	vsub.s32 v18, v16;
	v19 =	vadd.s32 s24, v19;
	s25 =	spop (v2sf);
	s20 =	sxor.u32 $0x80000000, s20  }
0x30d: {  	v20, _, _ =	vpop (xrf0)  }
0x30e: {  	v21, _, _ =	vpop (xrf0)  }
0x30f: {  	p0 =	slt.s32 s24, s19;
	vm1 =	vmmov vm0;
	(v2sf) =	vpush v21, $0xF  }
0x310: {  	v10 =	vadd.s32 v19, v10;
	vm2 =	vge.s32 v19, v9;
	vm1 =	vmneg @p0 vm1  }
0x311: {  	s23 =	sadd.s32 s24, s25;
	v15 =	vsub.s32 v17, v15;
	v10 =	vxor.u32 $0x80000000, v10;
	vm1 =	vmand vm1, vm2  }
0x312: {  	(xrf0) =	vadd.scan.msk.s32 $0xffff, v13;
	v56 =	vadd.s32 s23, v20;
	p0 =	slt.s32 s23, s19;
	v10 =	vnsel vm1, $0x7FFFFFFF, v10;
	vm1 =	vmmov vm0  }
0x313: {  	vm2 =	vge.s32 v56, v9;
	v13 =	vadd.s32 v56, v15;
	vm1 =	vmneg @p0 vm1  }
0x314: {  	(xrf0) =	vadd.scan.msk.s32 $0xffff, v12;
	v57, _, _ =	vpop (xrf0);
	v13 =	vxor.u32 $0x80000000, v13;
	vm1 =	vmand vm1, vm2  }
0x315: {  	[tilespmem:$0x2800] =	vst v6;
	v58, _, _ =	vpop (xrf0);
	(xrf0) =	vmax.scan.msk.u32 $0xffff, v10;
	v10 =	vnsel vm1, $0x7FFFFFFF, v13  }
0x316: {  	s22 =	spop (v2sf);
	[tilespmem:$0x2980] =	vst v1  }
0x317: {  	[tilespmem:$0x2810] =	vst v6;
	v59, _, _ =	vpop (xrf0);
	s28 =	spop (v2sf)  }
0x318: {  	[tilespmem:$0x2990] =	vst v1;
	(xrf0) =	vmax.scan.msk.u32 $0xffff, v10;
	s24 =	sadd.s32 s23, s28;
	v10, _, _ =	vpop (xrf0)  }
0x319: {  	[tilespmem:$0x2820] =	vst v6;
	(xrf0) =	vadd.scan.msk.s32 $0xffff, v16;
	v10 =	vadd.s32 s24, v10  }
0x31a: {  	[tilespmem:$0x29A0] =	vst v1;
	v60 =	vsub.s32 v14, v12;
	(v2sf) =	vpush v57, $0xF;
	vm1 =	vmmov vm0;
	s29 =	spop (v2sf);
	p0 =	slt.s32 s24, s19  }
0x31b: {  	[tilespmem:$0x2830] =	vst v6;
	s30 =	spop (v2sf);
	vm1 =	vmneg @p0 vm1;
	v11 =	vadd.s32 v10, v11;
	vm2 =	vge.s32 v10, v9  }
0x31c: {  	[tilespmem:$0x29B0] =	vst v1;
	(v2sf) =	vpush v58, $0xF;
	s24 =	sadd.s32 s24, s30;
	vm1 =	vmand vm1, vm2;
	v11 =	vxor.u32 $0x80000000, v11;
	v10, _, _ =	vpop (xrf0)  }
0x31d: {  	[tilespmem:$0x2840] =	vst v6;
	s31 =	spop (v2sf);
	p0 =	slt.s32 s24, s19;
	v11 =	vnsel vm1, $0x7FFFFFFF, v11;
	vm1 =	vmmov vm0;
	v10 =	vadd.s32 s24, v10;
	v61, _, _ =	vpop (xrf0)  }
0x31e: {  	[tilespmem:$0x29C0] =	vst v1;
	vm1 =	vmneg @p0 vm1;
	vm2 =	vge.s32 v10, v9;
	v62, _, _ =	vpop (xrf0);
	v10 =	vadd.s32 v10, v60;
	s26 =	spop (v2sf)  }
0x31f: {  	[tilespmem:$0x2850] =	vst v6;
	(v2sf) =	vpush v59, $0xF;
	vm1 =	vmand vm1, vm2;
	v10 =	vxor.u32 $0x80000000, v10;
	v63, _, _ =	vpop (xrf0);
	s24 =	sadd.s32 s24, s26  }
0x320: {  	(xrf0) =	vmax.scan.msk.u32 $0xffff, v11;
	v10 =	vnsel vm1, $0x7FFFFFFF, v10;
	vm1 =	vmmov vm0;
	p0 =	slt.s32 s24, s19;
	v11 =	vadd.s32 s24, v63  }
0x321: {  	[tilespmem:$0x29D0] =	vst v1;
	v12 =	vadd.s32 v11, v18;
	vm2 =	vge.s32 v11, v9;
	vm1 =	vmneg @p0 vm1  }
0x322: {  	[tilespmem:$0x2860] =	vst v6;
	(xrf0) =	vmax.scan.msk.u32 $0xffff, v10;
	vm1 =	vmand vm1, vm2;
	v9 =	vxor.u32 $0x80000000, v12  }
0x323: {  	[tilespmem:$0x29E0] =	vst v1;
	(v2sf) =	vpush v61, $0xF;
	v9 =	vnsel vm1, $0x7FFFFFFF, v9  }
0x324: {  	[tilespmem:$0x2870] =	vst v6;
	(xrf0) =	vmax.scan.msk.u32 $0xffff, v9  }
0x325: {  	[tilespmem:$0x29F0] =	vst v1;
	(v2sf) =	vpush v62, $0xF  }
0x326: {  	[tilespmem:$0x2880] =	vst v6;
	v9, _, _ =	vpop (xrf0)  }
0x327: {  	[tilespmem:$0x2A00] =	vst v1;
	(v2sf) =	vpush v9, $0xF  }
0x328: {  	[tilespmem:$0x2890] =	vst v6;
	p0 =	sgt.s32 s21, s20;
	v9, _, _ =	vpop (xrf0)  }
0x329: {  	[tilespmem:$0x2A10] =	vst v1;
	s19 =	sxor.u32 $0x80000000, s22;
	s20 =	smov.u32 @p0 s21;
	(v2sf) =	vpush v9, $0xF  }
0x32a: {  	[tilespmem:$0x28A0] =	vst v6;
	p0 =	sgt.s32 s20, s19;
	v9, _, _ =	vpop (xrf0)  }
0x32b: {  	[tilespmem:$0x2A20] =	vst v1;
	s19 =	smov.u32 @p0 s20;
	s20 =	sxor.u32 $0x80000000, s29;
	(v2sf) =	vpush v9, $0xF  }
0x32c: {  	[tilespmem:$0x28B0] =	vst v6;
	p0 =	sgt.s32 s19, s20  }
0x32d: {  	[tilespmem:$0x2A30] =	vst v1;
	s21 =	sxor.u32 $0x80000000, s31;
	s20 =	smov.u32 @p0 s19  }
0x32e: {  	[tilespmem:$0x28C0] =	vst v6;
	s28 =	spop (v2sf);
	p0 =	sgt.s32 s20, s21  }
0x32f: {  	[tilespmem:$0x2A40] =	vst v1;
	s29 =	spop (v2sf);
	s19 =	sxor.u32 $0x80000000, s28;
	s21 =	smov.u32 @p0 s20  }
0x330: {  	[tilespmem:$0x28D0] =	vst v6;
	s20 =	spop (v2sf);
	p0 =	sgt.s32 s21, s19  }
0x331: {  	[tilespmem:$0x2A50] =	vst v1;
	s20 =	sxor.u32 $0x80000000, s20;
	s19 =	smov.u32 @p0 s21  }
0x332: {  	[tilespmem:$0x28E0] =	vst v6;
	p0 =	sgt.s32 s19, s20;
	s30 =	spop (v2sf)  }
0x333: {  	[tilespmem:$0x2A60] =	vst v1;
	s20 =	smov.u32 @p0 s19;
	s19 =	sxor.u32 $0x80000000, s30  }
0x334: {  	[tilespmem:$0x28F0] =	vst v6;
	s31 =	spop (v2sf);
	p0 =	sgt.s32 s20, s19  }
0x335: {  	[tilespmem:$0x2A70] =	vst v1;
	s21 =	sxor.u32 $0x80000000, s31;
	s19 =	smov.u32 @p0 s20  }
0x336: {  	[tilespmem:$0x2900] =	vst v6;
	p0 =	sgt.s32 s19, s21;
	s22 =	spop (v2sf)  }
0x337: {  	[tilespmem:$0x2A80] =	vst v1;
	s21 =	smov.u32 @p0 s19;
	s19 =	sxor.u32 $0x80000000, s22  }
0x338: {  	[tilespmem:$0x2910] =	vst v6;
	s23 =	spop (v2sf);
	p0 =	sgt.s32 s21, s19  }
0x339: {  	[tilespmem:$0x2A90] =	vst v1;
	s20 =	sxor.u32 $0x80000000, s23;
	s19 =	smov.u32 @p0 s21  }
0x33a: {  	[tilespmem:$0x2920] =	vst v6;
	p0 =	sgt.s32 s19, s20;
	s24 =	spop (v2sf)  }
0x33b: {  	[tilespmem:$0x2AA0] =	vst v1;
	s20 =	smov.u32 @p0 s19;
	s19 =	sxor.u32 $0x80000000, s24  }
0x33c: {  	[tilespmem:$0x2930] =	vst v6;
	p0 =	sgt.s32 s20, s19  }
0x33d: {  	[tilespmem:$0x2AB0] =	vst v1;
	s25 =	simm.s32 $0x1010;
	s19 =	smov.u32 @p0 s20  }
0x33e: {  	v10 =	vld [tilespmem:s25+$0xFFFFFFF0];
	s19 =	sshll.u32 s19, $0x1  }
0x33f: {  	s18 =	sshll.u32 s18, $0x15;
	s19 =	sand.u32 $0xFFFFFC00, s19  }
0x340: {  	s18 =	sor.u32 s18, s19  }
0x341: {  	s18 =	sxor.u32 $0x80000000, s18  }
0x342: {  	v9 =	vmov s18  }
0x343: {  	s26 =	simm.s32 $0x0;
	vm1 =	vge.s32 v10, v9  }
0x344: {  	v11 =	vor.u32 s26, v0;
	[tilespmem:s26+$0x2800] =	vst.msk vm1, v10  }
0x345: {  	[tilespmem:s26+$0x2980] =	vst.msk vm1, v11  }
0x346: {  	v10 =	vld [tilespmem:s25+$0x0];
	_ =	sdelay $0x1  }
0x347: {  	v11 =	vmpcnt.ones.xlane vm1;
	_ =	sdelay $0x1  }
0x348: {  	v11 =	vxor.u32 $0x80000000, v11  }
0x349: {  	(xrf0) =	vmax.scan.msk.u32 $0xffff, v11;
	vm1 =	vge.s32 v10, v9  }
0x34a: {  	v11 =	vmpcnt.ones.xlane vm1;
	_ =	sdelay $0x1  }
0x34b: {  	v11 =	vxor.u32 $0x80000000, v11;
	_ =	sdelay $0x1  }
0x34c: {  	(xrf0) =	vmax.scan.msk.u32 $0xffff, v11  }
0x34d: {  	v11, _, _ =	vpop (xrf0)  }
0x34e: {  	(v2sf) =	vpush v11, $0xF;
	_ =	sdelay $0x3  }
0x34f: {  	v11, _, _ =	vpop (xrf0)  }
0x350: {  	(v2sf) =	vpush v11, $0xF;
	_ =	sdelay $0x9  }
0x351: {  	s28 =	spop (v2sf)  }
0x352: {  	s18 =	sadd.s32 $0x0, s28  }
0x353: {  	s18 =	sadd.s32 $0x80000000, s18  }
0x354: {  	p0 =	slt.s32 s18, $0x130  }
0x355: {  	s29 =	simm.s32 $0x10;
	s18 =	simm.s32 @!p0 $0x130  }
0x356: {  	v11 =	vor.u32 s29, v0;
	s30 =	spop (v2sf);
	[tilespmem:s18+$0x2800] =	vst.msk vm1, v10  }
0x357: {  	s31 =	sadd.s32 s30, s18;
	[tilespmem:s18+$0x2980] =	vst.msk vm1, v11;
	s18 =	simm.s32 $0x1030  }
0x358: {  	v10 =	vld [tilespmem:s18+$0xFFFFFFF0];
	_ =	sdelay $0x1  }
0x359: {  	s21 =	sadd.s32 $0x80000000, s31  }
0x35a: {  	s20 =	simm.s32 $0x40;
	s19 =	simm.s32 $0x20;
	p1 =	slt.s32 s21, $0x130  }
.LBB2_52:
0x35b: {  	p0 =	sne.s32 s20, $0xFE0  }
0x35c: {  	vm1 =	vge.s32 v10, v9;
	s21 =	simm.s32 @!p1 $0x130;
	s22 =	smov.u32 s20;
	s20 =	sadd.s32 $0x20, s20  }
0x35d: {  	v11 =	vor.u32 s19, v0;
	[tilespmem:s21+$0x2800] =	vst.msk vm1, v10;
	v10 =	vmpcnt.ones.xlane vm1  }
0x35e: {  	[tilespmem:s21+$0x2980] =	vst.msk vm1, v11  }
0x35f: {  	v10 =	vxor.u32 $0x80000000, v10;
	v11 =	vld [tilespmem:s18+$0x0]  }
0x360: {  	(xrf0) =	vmax.scan.msk.u32 $0xffff, v10;
	_ =	sdelay $0x3  }
0x361: {  	vm1 =	vge.s32 v11, v9  }
0x362: {  	v10 =	vmpcnt.ones.xlane vm1  }
0x363: {  	v12, _, _ =	vpop (xrf0)  }
0x364: {  	v10 =	vxor.u32 $0x80000000, v10;
	(v2sf) =	vpush v12, $0xF  }
0x365: {  	(xrf0) =	vmax.scan.msk.u32 $0xffff, v10;
	_ =	sdelay $0x5  }
0x366: {  	v10, _, _ =	vpop (xrf0)  }
0x367: {  	(v2sf) =	vpush v10, $0xF;
	_ =	sdelay $0x6  }
0x368: {  	s23 =	spop (v2sf)  }
0x369: {  	s21 =	sadd.s32 s23, s21  }
0x36a: {  	s21 =	sadd.s32 $0x80000000, s21  }
0x36b: {  	p1 =	slt.s32 s21, $0x130  }
0x36c: {  	s23 =	sadd.s32 $0x10, s19;
	s19 =	smov.u32 s22;
	s21 =	simm.s32 @!p1 $0x130  }
0x36d: {  	v10 =	vor.u32 s23, v0;
	[tilespmem:s21+$0x2800] =	vst.msk vm1, v11  }
0x36e: {  	s18 =	sadd.s32 $0x20, s18;
	[tilespmem:s21+$0x2980] =	vst.msk vm1, v10  }
.Ltmp30:
0x36f: {  	v10 =	vld [tilespmem:s18+$0xFFFFFFF0];
	(pc) =	sbr.rel @p0 .LBB2_52-.Ltmp30, $4  }
0x370: {  	s22 =	spop (v2sf)  }
0x371: {  	s21 =	sadd.s32 s22, s21  }
0x372: {  	s21 =	sadd.s32 $0x80000000, s21  }
0x373: {  	p1 =	slt.s32 s21, $0x130  }
0x374: {  	vm1 =	vge.s32 v10, v9;
	s21 =	simm.s32 @!p1 $0x130  }
0x375: {  	v11 =	vor.u32 s19, v0;
	[tilespmem:s21+$0x2800] =	vst.msk vm1, v10  }
0x376: {  	[tilespmem:s21+$0x2980] =	vst.msk vm1, v11  }
0x377: {  	v10 =	vld [tilespmem:s18+$0x0];
	_ =	sdelay $0x1  }
0x378: {  	v11 =	vmpcnt.ones.xlane vm1;
	_ =	sdelay $0x1  }
0x379: {  	v11 =	vxor.u32 $0x80000000, v11  }
0x37a: {  	(xrf0) =	vmax.scan.msk.u32 $0xffff, v11;
	vm1 =	vge.s32 v10, v9  }
0x37b: {  	v9 =	vmpcnt.ones.xlane vm1;
	_ =	sdelay $0x1  }
0x37c: {  	v9 =	vxor.u32 $0x80000000, v9  }
0x37d: {  	(xrf0) =	vmax.scan.msk.u32 $0xffff, v9;
	_ =	sdelay $0x1  }
0x37e: {  	v9, _, _ =	vpop (xrf0)  }
0x37f: {  	(v2sf) =	vpush v9, $0xF;
	_ =	sdelay $0x2  }
0x380: {  	v9, _, _ =	vpop (xrf0)  }
0x381: {  	(v2sf) =	vpush v9, $0xF;
	_ =	sdelay $0xa  }
0x382: {  	s26 =	spop (v2sf)  }
0x383: {  	s18 =	sadd.s32 s26, s21  }
0x384: {  	s20 =	sadd.s32 $0x80000000, s18  }
0x385: {  	p0 =	slt.s32 s20, $0x130  }
0x386: {  	s20 =	simm.s32 @!p0 $0x130;
	s28 =	spop (v2sf)  }
0x387: {  	s18 =	sadd.s32 s28, s20  }
0x388: {  	s18 =	sadd.s32 $0x80000000, s18  }
0x389: {  	p0 =	slt.s32 s18, $0x130  }
0x38a: {  	p5 =	slt.s32 s18, $0xFFFFFFF2;
	s18 =	simm.s32 @!p0 $0x130  }
0x38b: {  	s18 =	sadd.s32 $0xF, s18  }
0x38c: {  	s29 =	sand.u32 $0xF, s18  }
0x38d: {  	s30 =	sshra.s32 s18, $0x1F;
	p6 =	sne.s32 s29, $0x0  }
0x38e: {  	s21 =	sshrl.u32 s30, $0x1C;
	p0 =	por !p5, !p6  }
0x38f: {  	s18 =	sadd.s32 s21, s18;
	s21 =	simm.s32 $0x1;
	p0 =	por !p0, !p0  }
0x390: {  	s18 =	sshra.s32 s18, $0x4;
	s21 =	simm.s32 @!p0 $0x0  }
0x391: {  	s18 =	ssub.s32 s18, s21  }
0x392: {  	p0 =	slt.s32 s18, $0x1  }
.Ltmp31:
0x393: {  	_ = 	snop;
	(pc) =	sbr.rel @p0 .LBB2_61-.Ltmp31, $4  }
0x394: {  	_ = 	snop  }
0x395: {  	s31 =	sadd.s32 $0x10, s19  }
0x396: {  	v9 =	vor.u32 s31, v0;
	[tilespmem:s20+$0x2800] =	vst.msk vm1, v10  }
0x397: {  	[tilespmem:s20+$0x2980] =	vst.msk vm1, v9  }
0x398: {  	p0 =	sne.s32 s18, $0x1  }
.Ltmp32:
0x399: {  	_ = 	snop;
	(pc) =	sbr.rel @!p0 .LBB2_56-.Ltmp32, $4  }
0x39a: {  	_ = 	snop  }
0x39b: {  	s19 =	simm.s32 $0x2800  }
0x39c: {  	s20 =	simm.s32 $0x2980;
	v9 =	vld [tilespmem:s19+$0x0]  }
0x39d: {  	s21 =	sadd.s32 $0xFFFFFFFF, s18;
	v10 =	vld [tilespmem:s20+$0x0]  }
.LBB2_55:
0x39e: {  	p0 =	sne.s32 s21, $0x1;
	_ =	sdelay $0x2  }
0x39f: {  	v9 =	vxor.u32 $0x80000000, v9  }
0x3a0: {  	(xrf1) =	vsort.dscd.msk.u32 $0xffff, v9, v10;
	_ =	sdelay $0xd  }
0x3a1: {  	v9, v10, _ =	vpop (xrf1)  }
.Ltmp33:
0x3a2: {  	v9 =	vxor.u32 $0x80000000, v9;
	(pc) =	sbr.rel @p0 .LBB2_55-.Ltmp33, $4  }
0x3a3: {  	[tilespmem:s19+$0x0] =	vst v9  }
0x3a4: {  	s19 =	sadd.s32 $0x10, s19;
	[tilespmem:s20+$0x0] =	vst v10  }
0x3a5: {  	s20 =	sadd.s32 $0x10, s20;
	v9 =	vld [tilespmem:s19+$0x0]  }
0x3a6: {  	s21 =	sadd.s32 $0xFFFFFFFF, s21;
	v10 =	vld [tilespmem:s20+$0x0]  }
.LBB2_56:
0x3a7: {  	_ =	sdelay $0x2  }
0x3a8: {  	v9 =	vxor.u32 $0x80000000, v9  }
0x3a9: {  	(xrf1) =	vsort.dscd.msk.u32 $0xffff, v9, v10;
	_ =	sdelay $0xc  }
.Ltmp34:
0x3aa: {  	_ = 	snop;
	(pc) =	sbr.rel .LBB2_57-.Ltmp34, $4  }
0x3ab: {  	v9, v10, _ =	vpop (xrf1)  }
0x3ac: {  	v9 =	vxor.u32 $0x80000000, v9  }
0x3ad: {  	[tilespmem:s19+$0x0] =	vst v9  }
0x3ae: {  	p0 =	por $0x0, $0x0;
	s19 =	simm.s32 $0x0;
	[tilespmem:s20+$0x0] =	vst v10  }
.LBB2_60:
0x3af: {  	s19 =	sadd.s32 $0x1, s19  }
0x3b0: {  	p1 =	sne.s32 s19, s18  }
.Ltmp35:
0x3b1: {  	_ = 	snop;
	(pc) =	sbr.rel @!p1 .LBB2_61-.Ltmp35, $2  }
0x3b2: {  	_ =	sdelay $0x2  }
0x3b3: {  	p0 =	por !p0, !p0  }
.LBB2_57:
0x3b4: {  	s20 =	sand.u32 $0x1, s19  }
0x3b5: {  	s21 =	ssub.s32 s18, s20;
	p1 =	sne.s32 s18, s20;
	s20 =	simm.s32 $0x1  }
0x3b6: {  	s22 =	sshra.s32 s21, $0x1F;
	s20 =	simm.s32 @!p1 $0x0  }
0x3b7: {  	s30 =	sand.u32 $0x1, s21;
	s20 =	sor.u32 s20, s22  }
0x3b8: {  	p2 =	seq.s32 s30, $0x1;
	p6 =	sne.s32 s20, $0x1  }
0x3b9: {  	s31 =	sshrl.u32 s21, $0x1F;
	p1 =	por !p6, !p2  }
0x3ba: {  	s20 =	sadd.s32 s31, s21;
	s21 =	simm.s32 $0x1;
	p1 =	por !p1, !p1  }
0x3bb: {  	s20 =	sshra.s32 s20, $0x1;
	s21 =	simm.s32 @!p1 $0x0  }
0x3bc: {  	s20 =	ssub.s32 s20, s21  }
0x3bd: {  	p1 =	slt.s32 s20, $0x1  }
.Ltmp36:
0x3be: {  	_ = 	snop;
	(pc) =	sbr.rel @p1 .LBB2_60-.Ltmp36, $1  }
0x3bf: {  	_ =	sdelay $0x3  }
0x3c0: {  	s21 =	simm.s32 $0x1  }
0x3c1: {  	s21 =	simm.s32 @!p0 $0x0  }
0x3c2: {  	s21 =	sshll.u32 s21, $0x4  }
0x3c3: {  	s23 =	sadd.s32 $0x2810, s21  }
0x3c4: {  	s21 =	sadd.s32 $0x2990, s21;
	v9 =	vld [tilespmem:s23+$0x0]  }
0x3c5: {  	v10 =	vld [tilespmem:s21+$0x0]  }
0x3c6: {  	v11 =	vld [tilespmem:s23+$0xFFFFFFF0];
	_ =	sdelay $0x1  }
0x3c7: {  	v12 =	vld [tilespmem:s21+$0xFFFFFFF0]  }
0x3c8: {  	v9 =	vperm.xlane v9, v4;
	_ =	sdelay $0x1  }
0x3c9: {  	v10 =	vperm.xlane v10, v4;
	vm1 =	vlt.s32 v11, v9  }
0x3ca: {  	v13 =	vsel vm1, v9, v11  }
0x3cb: {  	v14 =	vsel vm1, v10, v12;
	v13 =	vxor.u32 $0x80000000, v13  }
0x3cc: {  	(xrf1) =	vsort.dscd.msk.u32 $0xffff, v13, v14;
	_ =	sdelay $0x1  }
0x3cd: {  	v9 =	vsel vm1, v11, v9  }
0x3ce: {  	v10 =	vsel vm1, v12, v10;
	v9 =	vxor.u32 $0x80000000, v9  }
0x3cf: {  	(xrf1) =	vsort.dscd.msk.u32 $0xffff, v9, v10;
	_ =	sdelay $0x9  }
0x3d0: {  	v9, v10, _ =	vpop (xrf1)  }
0x3d1: {  	v9 =	vxor.u32 $0x80000000, v9  }
0x3d2: {  	p1 =	sgt.s32 s20, $0x1  }
.Ltmp37:
0x3d3: {  	_ = 	snop;
	(pc) =	sbr.rel @!p1 .LBB2_60-.Ltmp37, $4  }
0x3d4: {  	[tilespmem:s23+$0xFFFFFFF0] =	vst v9;
	v9, v11, _ =	vpop (xrf1)  }
0x3d5: {  	[tilespmem:s21+$0xFFFFFFF0] =	vst v10;
	v9 =	vxor.u32 $0x80000000, v9  }
0x3d6: {  	[tilespmem:s23+$0x0] =	vst v9  }
0x3d7: {  	s22 =	simm.s32 $0x1;
	s23 =	sadd.s32 $0x20, s23;
	[tilespmem:s21+$0x0] =	vst v11  }
.LBB2_59:
0x3d8: {  	v9 =	vld [tilespmem:s23+$0x0];
	s21 =	sadd.s32 $0x20, s21  }
0x3d9: {  	v10 =	vld [tilespmem:s21+$0x0]  }
0x3da: {  	v11 =	vld [tilespmem:s23+$0xFFFFFFF0]  }
0x3db: {  	s22 =	sadd.s32 $0x1, s22  }
0x3dc: {  	p1 =	slt.s32 s22, s20;
	v12 =	vld [tilespmem:s21+$0xFFFFFFF0]  }
0x3dd: {  	v9 =	vperm.xlane v9, v4;
	_ =	sdelay $0x1  }
0x3de: {  	v10 =	vperm.xlane v10, v4;
	vm1 =	vlt.s32 v11, v9  }
0x3df: {  	v13 =	vsel vm1, v9, v11  }
0x3e0: {  	v14 =	vsel vm1, v10, v12;
	v13 =	vxor.u32 $0x80000000, v13  }
0x3e1: {  	v9 =	vsel vm1, v11, v9;
	(xrf1) =	vsort.dscd.msk.u32 $0xffff, v13, v14  }
0x3e2: {  	v10 =	vsel vm1, v12, v10;
	v9 =	vxor.u32 $0x80000000, v9  }
0x3e3: {  	(xrf1) =	vsort.dscd.msk.u32 $0xffff, v9, v10;
	_ =	sdelay $0xb  }
0x3e4: {  	v9, v10, _ =	vpop (xrf1)  }
.Ltmp38:
0x3e5: {  	v12 =	vxor.u32 $0x80000000, v9;
	(pc) =	sbr.rel @p1 .LBB2_59-.Ltmp38, $4  }
0x3e6: {  	[tilespmem:s23+$0xFFFFFFF0] =	vst v12;
	v9, v11, _ =	vpop (xrf1)  }
0x3e7: {  	v9 =	vxor.u32 $0x80000000, v9;
	[tilespmem:s21+$0xFFFFFFF0] =	vst v10  }
0x3e8: {  	[tilespmem:s23+$0x0] =	vst v9  }
0x3e9: {  	s23 =	sadd.s32 $0x20, s23;
	[tilespmem:s21+$0x0] =	vst v11  }
.Ltmp39:
0x3ea: {  	_ = 	snop;
	(pc) =	sbr.rel .LBB2_60-.Ltmp39, $1  }
0x3eb: {  	_ =	sdelay $0x3  }
.LBB2_61:
0x3ec: {  	s18 =	simm.s32 $0x0;
	p0 =	por $0x0, $0x0  }
.LBB2_62:
0x3ed: {  	s19 =	simm.s32 $0x1  }
0x3ee: {  	s20 =	simm.s32 $0x0;
	s19 =	simm.s32 @!p0 $0x0  }
.LBB2_63:
0x3ef: {  	s21 =	sadd.s32 s20, s19  }
0x3f0: {  	v9 =	vadd.s32 s21, v7  }
0x3f1: {  	vm1 =	vlt.u32 v9, $0x140  }
0x3f2: {  	v10 =	vor.u32 s21, v3;
	_ =	sdelay $0x4  }
0x3f3: {  	v11 =	vld.idx.msk [tilespmem:v10+s14+$0x0], vm1  }
0x3f4: {  	v12 =	vld.idx.msk [tilespmem:v9+s14+$0x0], vm1  }
0x3f5: {  	v13 =	vld.idx.msk [tilespmem:v10+s15+$0x0], vm1  }
0x3f6: {  	v14 =	vld.idx.msk [tilespmem:v9+s15+$0x0], vm1;
	_ =	sdelay $0x4  }
0x3f7: {  	vm2 =	veq.s32 v11, v12;
	vm3 =	vgt.s32 v13, v14  }
0x3f8: {  	vm2 =	vmand vm2, vm3  }
0x3f9: {  	s21 =	sadd.s32 $0x20, s21;
	vm1 =	vmand vm1, vm2  }
0x3fa: {  	v11 =	vadd.s32 s21, v7  }
0x3fb: {  	vm2 =	vlt.u32 v11, $0x140  }
0x3fc: {  	v63 =	vor.u32 s21, v3;
	_ =	sdelay $0x2  }
0x3fd: {  	[tilespmem:v10+s15+$0x0] =	vst.idx.msk vm1, v14  }
0x3fe: {  	[tilespmem:v9+s15+$0x0] =	vst.idx.msk vm1, v13  }
0x3ff: {  	v9 =	vld.idx.msk [tilespmem:v63+s14+$0x0], vm2  }
0x400: {  	v10 =	vld.idx.msk [tilespmem:v11+s14+$0x0], vm2  }
0x401: {  	v13 =	vld.idx.msk [tilespmem:v63+s15+$0x0], vm2  }
0x402: {  	v14 =	vld.idx.msk [tilespmem:v11+s15+$0x0], vm2;
	_ =	sdelay $0x4  }
0x403: {  	vm1 =	veq.s32 v9, v10;
	vm3 =	vgt.s32 v13, v14  }
0x404: {  	vm1 =	vmand vm1, vm3  }
0x405: {  	vm1 =	vmand vm2, vm1;
	_ =	sdelay $0x1  }
0x406: {  	p1 =	sne.s32 s20, $0x100  }
.Ltmp40:
0x407: {  	_ = 	snop;
	(pc) =	sbr.rel @p1 .LBB2_63-.Ltmp40, $3  }
0x408: {  	_ =	sdelay $0x1  }
0x409: {  	[tilespmem:v63+s15+$0x0] =	vst.idx.msk vm1, v14  }
0x40a: {  	s20 =	sadd.s32 $0x40, s20;
	[tilespmem:v11+s15+$0x0] =	vst.idx.msk vm1, v13  }
0x40b: {  	s18 =	sadd.s32 $0x1, s18  }
0x40c: {  	p1 =	sne.s32 s18, $0x6  }
.Ltmp41:
0x40d: {  	_ = 	snop;
	(pc) =	sbr.rel @p1 .LBB2_62-.Ltmp41, $2  }
0x40e: {  	_ =	sdelay $0x2  }
0x40f: {  	p0 =	por !p0, !p0  }
0x410: {  	v9 =	vld [tilespmem:$0x2800]  }
0x411: {  	v10 =	vld [tilespmem:$0x2810]  }
0x412: {  	v11 =	vld [tilespmem:$0x2820]  }
0x413: {  	v12 =	vld [tilespmem:$0x2830]  }
0x414: {  	v13 =	vld [tilespmem:$0x2840]  }
0x415: {  	vm1 =	vgt.s32 v9, $0xC0CE8DE7;
	v9 =	vld [tilespmem:$0x2850]  }
0x416: {  	v14 =	vsel vm1, $0x3F800000, v8;
	vm1 =	vgt.s32 v10, $0xC0CE8DE7;
	v10 =	vld [tilespmem:$0x2860]  }
0x417: {  	[tilespmem:$0x2B00] =	vst v14;
	v50 =	vsel vm1, $0x3F800000, v8;
	vm1 =	vgt.s32 v11, $0xC0CE8DE7;
	v11 =	vld [tilespmem:$0x2870]  }
0x418: {  	v52 =	vld [tilespmem:$0x2880];
	[tilespmem:$0x2B10] =	vst v50;
	v51 =	vsel vm1, $0x3F800000, v8;
	vm1 =	vgt.s32 v12, $0xC0CE8DE7  }
0x419: {  	v54 =	vld [tilespmem:$0x2890];
	[tilespmem:$0x2B20] =	vst v51;
	v53 =	vsel vm1, $0x3F800000, v8;
	vm1 =	vgt.s32 v13, $0xC0CE8DE7  }
0x41a: {  	[tilespmem:$0x2B30] =	vst v53;
	v55 =	vsel vm1, $0x3F800000, v8;
	vm1 =	vgt.s32 v9, $0xC0CE8DE7;
	v9 =	vld [tilespmem:$0x28A0]  }
0x41b: {  	[tilespmem:$0x2B40] =	vst v55;
	v56 =	vsel vm1, $0x3F800000, v8;
	vm1 =	vgt.s32 v10, $0xC0CE8DE7;
	v10 =	vld [tilespmem:$0x28B0]  }
0x41c: {  	[tilespmem:$0x2B50] =	vst v56;
	v57 =	vsel vm1, $0x3F800000, v8;
	vm1 =	vgt.s32 v11, $0xC0CE8DE7;
	v11 =	vld [tilespmem:$0x28C0]  }
0x41d: {  	v59 =	vld [tilespmem:$0x28D0];
	[tilespmem:$0x2B60] =	vst v57;
	v58 =	vsel vm1, $0x3F800000, v8;
	vm1 =	vgt.s32 v52, $0xC0CE8DE7  }
0x41e: {  	v61 =	vld [tilespmem:$0x28E0];
	[tilespmem:$0x2B70] =	vst v58;
	v60 =	vsel vm1, $0x3F800000, v8;
	vm1 =	vgt.s32 v54, $0xC0CE8DE7  }
0x41f: {  	[tilespmem:$0x2B80] =	vst v60;
	v62 =	vsel vm1, $0x3F800000, v8;
	vm1 =	vgt.s32 v9, $0xC0CE8DE7;
	v9 =	vld [tilespmem:$0x28F0]  }
0x420: {  	[tilespmem:$0x2B90] =	vst v62;
	v63 =	vsel vm1, $0x3F800000, v8;
	vm1 =	vgt.s32 v10, $0xC0CE8DE7  }
0x421: {  	[tilespmem:$0x2BA0] =	vst v63;
	v10 =	vsel vm1, $0x3F800000, v8;
	vm1 =	vgt.s32 v11, $0xC0CE8DE7  }
0x422: {  	[tilespmem:$0x2BB0] =	vst v10;
	v10 =	vsel vm1, $0x3F800000, v8;
	vm1 =	vgt.s32 v59, $0xC0CE8DE7  }
0x423: {  	[tilespmem:$0x2BC0] =	vst v10;
	v10 =	vsel vm1, $0x3F800000, v8;
	vm1 =	vgt.s32 v61, $0xC0CE8DE7  }
0x424: {  	[tilespmem:$0x2BD0] =	vst v10;
	v10 =	vsel vm1, $0x3F800000, v8;
	vm1 =	vgt.s32 v9, $0xC0CE8DE7  }
0x425: {  	[tilespmem:$0x2BE0] =	vst v10;
	v9 =	vsel vm1, $0x3F800000, v8  }
0x426: {  	[tilespmem:$0x2BF0] =	vst v9  }
0x427: {  	[hbm4b:s7+s10] =	stream.strided.scatter [tilespmem:s15], [sflag:$0x1], $0x100, s11, s10, $0x38;
	[tilespmem:$0x2C00] =	vst v63  }
0x428: {  	_ =	swait.ge [sflag:s12], $0x100  }
0x429: {  	s17 =	sadd.s32 $0x1, s17;
	[sflag:s12] =	ssyncset.done $0x0  }
0x42a: {  	p0 =	sne.s32 s17, s9;
	[sflag:s12] =	ssyncadd.s32 $0xFFFFFF00  }
0x42b: {  	[hbm4b:s8+s10] =	stream.strided.scatter [tilespmem:s16], [sflag:$0x1], $0x100, s11, s10, $0x38;
	[tilespmem:$0x2C00] =	vst v63  }
.Ltmp42:
0x42c: {  	_ = 	snop;
	(pc) =	sbr.rel @p0 .LBB2_1-.Ltmp42, $4  }
.Ltmp43:
0x42d: {  	_ = 	snop;
	(pc) =	sbr.rel @!p0 .LBB2_66-.Ltmp43, $4  }
0x42e: {  	_ =	swait.ge [sflag:s12], $0x100  }
0x42f: {  	[sflag:s12] =	ssyncset.done $0x0  }
0x430: {  	[sflag:s12] =	ssyncadd.s32 $0xFFFFFF00  }
0x431: {  	_ = 	snop  }
.LBB2_6:
.Ltmp44:
0x432: {  	(pc) =	sbr.rel .LBB2_19-.Ltmp44, $2  }
0x433: {  	_ =	sdelay $0x2  }
0x434: {  	v9 =	vmovc v16;
	v11 =	vmov v22;
	v12 =	vmov v20;
	v10 =	vmov v21  }
.LBB2_8:
.Ltmp45:
0x435: {  	(pc) =	sbr.rel .LBB2_19-.Ltmp45, $2  }
0x436: {  	_ =	sdelay $0x2  }
0x437: {  	_ = 	snop  }
.LBB2_10:
.Ltmp46:
0x438: {  	(pc) =	sbr.rel .LBB2_19-.Ltmp46, $3  }
0x439: {  	_ =	sdelay $0x1  }
0x43a: {  	v24 =	vmovc v16;
	v16 =	vmov v9;
	v9 =	vmov v13;
	v20 =	vmov v12  }
0x43b: {  	v21 =	vmovc v10;
	v22 =	vmovc v11;
	v10 =	vmov v14;
	v11 =	vmov v18;
	v12 =	vmov v19  }
.LBB2_12:
.Ltmp47:
0x43c: {  	(pc) =	sbr.rel .LBB2_19-.Ltmp47, $3  }
0x43d: {  	_ =	sdelay $0x1  }
0x43e: {  	v24 =	vmov v9  }
0x43f: {  	v16 =	vmovc v13;
	v9 =	vmovc v15;
	v20 =	vmov v19;
	v21 =	vmov v14;
	v22 =	vmov v18  }
.LBB2_14:
.Ltmp48:
0x440: {  	(pc) =	sbr.rel .LBB2_19-.Ltmp48, $3  }
0x441: {  	_ =	sdelay $0x1  }
0x442: {  	v20 =	vmovc v12;
	v21 =	vmov v10;
	v22 =	vmov v11;
	v24 =	vmov v13  }
0x443: {  	v17 =	vmovc v14;
	s25 =	smov.u32 s21;
	s22 =	smov.u32 s20;
	v16 =	vmovc v15;
	v10 =	vmov v18;
	v11 =	vmov v19;
	v12 =	vmov v23  }
.LBB2_16:
.Ltmp49:
0x444: {  	(pc) =	sbr.rel .LBB2_19-.Ltmp49, $3  }
0x445: {  	_ =	sdelay $0x1  }
0x446: {  	v16 =	vmov v9  }
0x447: {  	v24 =	vmovc v15;
	v9 =	vmovc v20;
	v20 =	vmov v23;
	v21 =	vmov v18;
	v22 =	vmov v19;
	p6 =	por $0x1, $0x1  }
.LBB2_66:
0x448: {  	_ =	sfence.sel $0x180000  }
0x449: {  	[bflag:$0x0] =	sbarrier.arrive $0xFFFF  }
0x44a: {  	p0 =	sne.s32 s1, $0x0;
	_ =	strace $0x90000047  }
0x44b: {  	s0 =	sadd.s32 @!p0 $0x100000, s0;
	[bflag:$0x2] =	sbarrier.arrive $0xFFFF  }
0x44c: {  	[sflag:s0] =	ssyncadd.tile.s32 @!p0 $0x1;
	_ =	shalt  }
.Lfunc_end2:
_tile_overlayer_lowered:
.L_overlay_start_2:
0x44d: {  	(tag) =	ssettag $0x2  }
0x44e: {  	s0 =	rddreg [dreg:$0x0];
	s2 =	stileid.u32  }
0x44f: {  	s1 =	rddreg [dreg:$0x1];
	p0 =	sne.s32 s2, $0x0  }
0x450: {  	s3 =	rddreg [dreg:$0x2];
	[bflag:$0x3] =	sbarrier.arrive $0xFFFF;
	s2 =	simm.s32 @!p0 $0x1C01  }
0x451: {  	[timem:s3], [sflag:s2] =	dma.local @!p0 [hbm:s0], s1  }
0x452: {  	s0 =	simm.s32 @!p0 $0x1  }
0x453: {  	_ =	swait.ge @!p0 [sflag:s0], s1  }
0x454: {  	s1 =	ssub.s32 @!p0 $0x0, s1;
	[sflag:s0] =	ssyncset.done @!p0 $0x0  }
0x455: {  	[sflag:s0] =	ssyncadd.s32 @!p0 s1  }
0x456: {  	[bflag:$0x3] =	sbarrier.arrive $0xFFFF  }
0x457: {  	_ =	shalt  }

</sc_bundles>
